<compile_context>
chip_gen: v7x
topology: tpu7x:2x2x1
jax: 0.10.2.dev20260603
libtpu: 0.0.44.dev20260713+nightly
codegen_flags: <defaults>
</compile_context>

<pallas_src>
import functools

import jax
import jax.numpy as jnp
from jax import lax
from jax.experimental import pallas as pl
from jax.experimental.pallas import tpu as pltpu
from jax.experimental.pallas import tpu_sc as plsc

N = 10000
E = 320000
D = 128

NC = 2
NS = 16
NW = NC * NS
LANES = 16
BF = jnp.bfloat16

HALF = D // NC
CH = 128
NBUF = 4

N_PAD = 10240
ROWS_PT = N_PAD // NS

NCH = 160
EPT = NCH * CH
E_PAD = NS * EPT

R_BLK = 1280

_mesh = plsc.VectorSubcoreMesh(
    core_axis_name="c", subcore_axis_name="s", num_cores=NC, num_subcores=NS
)


def _agg_impl(with_deg, hwq_hbm, srcq_hbm, dstq_hbm, out_hbm, degp_hbm,
              rid_src, rid_dst, src_v, dst_v, rid_tab, zbuf, bufs, deg_v,
              tab_s, agg_s, sems):
    gsems = sems[:NBUF]
    ssems = sems[NBUF:2 * NBUF]
    isem = sems[2 * NBUF]
    c = lax.axis_index("c")
    s = lax.axis_index("s")
    base = s * ROWS_PT
    bsrc = s * NCH
    bdst = s * NCH

    iota16 = lax.iota(jnp.int32, LANES)
    for k in range(NCH // LANES):
        rid_src[pl.ds(k * LANES, LANES)] = iota16 + (bsrc + k * LANES)
        rid_dst[pl.ds(k * LANES, LANES)] = iota16 + (bdst + k * LANES)

    pltpu.async_copy(srcq_hbm.at[rid_src.at[pl.ds(0, 128)]],
                     src_v.at[pl.ds(0, 128)], isem)
    pltpu.async_copy(srcq_hbm.at[rid_src.at[pl.ds(128, NCH - 128)]],
                     src_v.at[pl.ds(128, NCH - 128)], isem)
    pltpu.async_copy(dstq_hbm.at[rid_dst.at[pl.ds(0, 128)]],
                     dst_v.at[pl.ds(0, 128)], isem)
    pltpu.async_copy(dstq_hbm.at[rid_dst.at[pl.ds(128, NCH - 128)]],
                     dst_v.at[pl.ds(128, NCH - 128)], isem)

    NST = ROWS_PT // CH
    for t in range(NST):
        for k in range(CH // LANES):
            rid_tab[t, pl.ds(k * LANES, LANES)] = iota16 + (
                c * N_PAD + base + t * CH + k * LANES)
    for t in range(2):
        pltpu.async_copy(hwq_hbm.at[rid_tab.at[t]], bufs.at[t], gsems[t])
    for t in range(NST):
        pltpu.make_async_copy(hwq_hbm.at[rid_tab.at[t]], bufs.at[t % 2],
                              gsems[t % 2]).wait()
        pltpu.sync_copy(bufs.at[t % 2], tab_s.at[pl.ds(base + t * CH, CH)])
        if t + 2 < NST:
            pltpu.async_copy(hwq_hbm.at[rid_tab.at[t + 2]],
                             bufs.at[t % 2], gsems[t % 2])

    zero32 = jnp.zeros((2 * LANES,), BF)

    @pl.loop(0, CH)
    def _(r):
        for k in range(HALF // (2 * LANES)):
            zbuf[r, pl.ds(k * 2 * LANES, 2 * LANES)] = zero32

    @pl.loop(0, ROWS_PT // CH)
    def _(t):
        pltpu.sync_copy(zbuf, agg_s.at[pl.ds(base + t * CH, CH)])

    @pl.when(s == 0)
    def _():
        pltpu.sync_copy(zbuf.at[pl.ds(0, 16)],
                        agg_s.at[pl.ds(N_PAD, 16)])

    if with_deg:
        zero16 = jnp.zeros((LANES,), jnp.float32)

        @pl.loop(0, (N_PAD + 16) // LANES)
        def _(i):
            deg_v[pl.ds(i * LANES, LANES)] = zero16

    pltpu.make_async_copy(srcq_hbm.at[rid_src.at[pl.ds(0, 128)]],
                          src_v.at[pl.ds(0, 128)], isem).wait()
    pltpu.make_async_copy(srcq_hbm.at[rid_src.at[pl.ds(128, NCH - 128)]],
                          src_v.at[pl.ds(128, NCH - 128)], isem).wait()
    pltpu.make_async_copy(dstq_hbm.at[rid_dst.at[pl.ds(0, 128)]],
                          dst_v.at[pl.ds(0, 128)], isem).wait()
    pltpu.make_async_copy(dstq_hbm.at[rid_dst.at[pl.ds(128, NCH - 128)]],
                          dst_v.at[pl.ds(128, NCH - 128)], isem).wait()

    plsc.subcore_barrier()

    ones16 = jnp.ones((LANES,), jnp.float32)

    for b in range(NBUF):
        pltpu.async_copy(tab_s.at[src_v.at[b]], bufs.at[b], gsems[b])

    @pl.loop(0, NCH // NBUF)
    def _(g):
        for b in range(NBUF):
            j = g * NBUF + b
            pltpu.make_async_copy(tab_s.at[src_v.at[j]], bufs.at[b],
                                  gsems[b]).wait()
            pltpu.async_copy(bufs.at[b], agg_s.at[dst_v.at[j]], ssems[b],
                             add=True)
            if with_deg:
                @pl.when(c == 0)
                def _():
                    for k in range(CH // LANES):
                        idx = dst_v[j, pl.ds(k * LANES, LANES)]
                        plsc.addupdate_scatter(deg_v, [idx], ones16)
            jn = j + NBUF

            @pl.when(jn < NCH)
            def _():
                pltpu.make_async_copy(bufs.at[b], agg_s.at[dst_v.at[j]],
                                      ssems[b]).wait()
                pltpu.async_copy(tab_s.at[src_v.at[jn]], bufs.at[b],
                                 gsems[b])

    for b in range(NBUF):
        pltpu.make_async_copy(bufs.at[b], agg_s.at[dst_v.at[0]],
                              ssems[b]).wait()

    plsc.subcore_barrier()

    pltpu.sync_copy(agg_s.at[pl.ds(base, ROWS_PT)],
                    out_hbm.at[c].at[pl.ds(base, ROWS_PT)])
    if with_deg:
        @pl.when(c == 0)
        def _():
            pltpu.sync_copy(deg_v.at[pl.ds(0, N_PAD)], degp_hbm.at[s])


def _make_agg(with_deg):
    outs = [jax.ShapeDtypeStruct((NC, N_PAD, HALF), BF)]
    if with_deg:
        outs.append(jax.ShapeDtypeStruct((NS, N_PAD), jnp.float32))

    @functools.partial(
        pl.kernel,
        out_type=tuple(outs),
        mesh=_mesh,
        compiler_params=pltpu.CompilerParams(use_tc_tiling_on_sc=False,
                                             needs_layout_passes=False),
        scratch_types=[
            pltpu.VMEM((NCH,), jnp.int32),
            pltpu.VMEM((NCH,), jnp.int32),
            pltpu.VMEM((NCH, CH), jnp.int32),
            pltpu.VMEM((NCH, CH), jnp.int32),
            pltpu.VMEM((ROWS_PT // CH, CH), jnp.int32),
            pltpu.VMEM((CH, HALF), BF),
            pltpu.VMEM((NBUF, CH, HALF), BF),
            pltpu.VMEM((N_PAD + 16,), jnp.float32),
            pltpu.VMEM_SHARED((N_PAD, HALF), BF),
            pltpu.VMEM_SHARED((N_PAD + 16, HALF), BF),
        ] + [pltpu.SemaphoreType.DMA] * (2 * NBUF + 1),
    )
    def _k(hwq_hbm, srcq_hbm, dstq_hbm, *rest):
        if with_deg:
            out_hbm, degp_hbm = rest[0], rest[1]
            scr = rest[2:]
        else:
            out_hbm, degp_hbm = rest[0], None
            scr = rest[1:]
        (rid_src, rid_dst, src_v, dst_v, rid_tab, zbuf, bufs, deg_v,
         tab_s, agg_s) = scr[:10]
        sems = scr[10:]
        _agg_impl(with_deg, hwq_hbm, srcq_hbm, dstq_hbm, out_hbm, degp_hbm,
                  rid_src, rid_dst, src_v, dst_v, rid_tab, zbuf, bufs, deg_v,
                  tab_s, agg_s, sems)

    return _k


_agg_deg_sc = _make_agg(True)
_agg_sc = _make_agg(False)


def _cast_body(h_ref, o_ref):
    for c in range(NC):
        o_ref[c] = h_ref[:, c * HALF:(c + 1) * HALF].astype(BF)


def _cast_tc(h):
    nb = N_PAD // R_BLK
    return pl.pallas_call(
        _cast_body,
        grid=(nb,),
        in_specs=[pl.BlockSpec((R_BLK, D), lambda i: (i, 0))],
        out_specs=pl.BlockSpec((NC, R_BLK, HALF), lambda i: (0, i, 0)),
        out_shape=jax.ShapeDtypeStruct((NC, N_PAD, HALF), BF),
    )(h)


def _epi_body(a_ref, d_ref, b_ref, h_ref, w_ref, o_ref, p_ref, *, final):
    agg = jnp.concatenate([a_ref[0], a_ref[1]], axis=1).astype(jnp.float32)
    deg = jnp.sum(d_ref[...], axis=0)
    inv = 1.0 / jnp.maximum(deg, 1.0)
    mean = agg * inv[:, None]
    z = jnp.dot(mean, w_ref[...], preferred_element_type=jnp.float32)
    out = h_ref[...] + jnp.maximum(z + b_ref[0:1, :], 0.0)
    if final:
        nrm = jnp.sqrt(jnp.sum(out * out, axis=1, keepdims=True))
        out = out / jnp.maximum(nrm, 1e-12)
    o_ref[...] = out
    if p_ref is not None:
        for c in range(NC):
            p_ref[c] = out[:, c * HALF:(c + 1) * HALF].astype(BF)


def _epi_tc(aggp, degp, b8, h, W, final):
    nb = N_PAD // R_BLK
    in_specs = [
        pl.BlockSpec((NC, R_BLK, HALF), lambda i: (0, i, 0)),
        pl.BlockSpec((NS, R_BLK), lambda i: (0, i)),
        pl.BlockSpec((8, D), lambda i: (0, 0)),
        pl.BlockSpec((R_BLK, D), lambda i: (i, 0)),
        pl.BlockSpec((D, D), lambda i: (0, 0)),
    ]
    if final:
        return pl.pallas_call(
            functools.partial(
                lambda a, d, b, hh, w, o: _epi_body(
                    a, d, b, hh, w, o, None, final=True)),
            grid=(nb,),
            in_specs=in_specs,
            out_specs=pl.BlockSpec((R_BLK, D), lambda i: (i, 0)),
            out_shape=jax.ShapeDtypeStruct((N, D), jnp.float32),
        )(aggp, degp, b8, h, W)
    return pl.pallas_call(
        lambda a, d, b, hh, w, o, p: _epi_body(
            a, d, b, hh, w, o, p, final=False),
        grid=(nb,),
        in_specs=in_specs,
        out_specs=[
            pl.BlockSpec((R_BLK, D), lambda i: (i, 0)),
            pl.BlockSpec((NC, R_BLK, HALF), lambda i: (0, i, 0)),
        ],
        out_shape=[
            jax.ShapeDtypeStruct((N_PAD, D), jnp.float32),
            jax.ShapeDtypeStruct((NC, N_PAD, HALF), BF),
        ],
    )(aggp, degp, b8, h, W)


def kernel(x, edge_index, W0, b0, W1, b1):
    src = edge_index[0]
    dst = edge_index[1]

    pad_e = E_PAD - E
    src_p = jnp.concatenate([src, jnp.zeros((pad_e,), jnp.int32)])
    dst_p = jnp.concatenate([dst, jnp.full((pad_e,), N_PAD, jnp.int32)])
    srcq = src_p.reshape(NS * NCH, CH)
    dstq = dst_p.reshape(NS * NCH, CH)

    h = jnp.pad(x, ((0, N_PAD - N), (0, 0)))
    b0_8 = jnp.broadcast_to(b0[None, :], (8, D))
    b1_8 = jnp.broadcast_to(b1[None, :], (8, D))

    planes0 = _cast_tc(h).reshape(NC * N_PAD, HALF)
    agg0, degp = _agg_deg_sc(planes0, srcq, dstq)
    h1, planes1 = _epi_tc(agg0, degp, b0_8, h, W0, final=False)

    agg1, = _agg_sc(planes1.reshape(NC * N_PAD, HALF), srcq, dstq)
    out = _epi_tc(agg1, degp, b1_8, h1, W1, final=True)

    return out

# --- scband reference (transcript-rebuilt; emitter-appended) ---
"""Pipeline reference for scband-gnnstack-stage-81123342287171 (READ-ONLY COPY).

The authoritative reference and input builder live on the scoring server;
editing this copy changes nothing except your own understanding.
"""

import jax, jax.numpy as jnp
import numpy as np

N = 10000
E = 320000
D = 128
NUM_LAYERS = 2


def setup_inputs(seed: int = 0) -> dict:
    key = jax.random.key(seed)
    ks = jax.random.split(key, 2 + 2 * NUM_LAYERS)
    x = jax.random.normal(ks[0], (N, D), dtype=jnp.float32)
    edge_index = jax.random.randint(ks[1], (2, E), 0, N, dtype=jnp.int32)
    inp = {"x": x, "edge_index": edge_index}
    for i in range(NUM_LAYERS):
        inp[f"W{i}"] = jax.random.normal(ks[2 + 2 * i], (D, D), dtype=jnp.float32) * (1.0 / np.sqrt(D))
        inp[f"b{i}"] = jnp.zeros((D,), dtype=jnp.float32)
    return inp


def reference(x, edge_index, W0, b0, W1, b1):
    # GNNStackStage with stage_type='dual_skipsum', l2norm=True.
    # Each GNNLayer: mean-aggregation message passing (gather src feats,
    # scatter-add to dst, degree-normalize), then linear + ReLU.
    # Residual skip-sum after each layer; L2-normalize node features at end.
    Ws = [W0, W1]
    bs = [b0, b1]
    src = edge_index[0]
    dst = edge_index[1]
    ones = jnp.ones((E,), dtype=jnp.float32)
    deg = jax.ops.segment_sum(ones, dst, num_segments=N)
    deg = jnp.clip(deg, 1.0)[:, None]
    h = x
    for i in range(NUM_LAYERS):
        msg = jnp.take(h, src, axis=0)                      # gather (SparseCore)
        agg = jax.ops.segment_sum(msg, dst, num_segments=N)  # scatter-add
        agg = agg / deg
        out = agg @ Ws[i] + bs[i]
        out = jax.nn.relu(out)
        h = h + out  # dual_skipsum residual
    norm = jnp.sqrt(jnp.sum(h * h, axis=-1, keepdims=True))
    h = h / jnp.maximum(norm, 1e-12)  # F.normalize(p=2, dim=-1)
    return h

if __name__ == "__main__":
    import jax
    _d = setup_inputs()
    print(jax.jit(kernel)(*tuple(_d.values())))

</pallas_src>

<mosaic_0001>
#map = affine_map<(d0, d1) -> (0, 0)>
#map1 = affine_map<(d0, d1) -> (0, 0, 0)>
module attributes {stable_mosaic.version = 14 : i64} {
  func.func @_k(%arg0: i32, %arg1: i32, %arg2: memref<20480x64xbf16, #tpu.memory_space<hbm>>, %arg3: memref<2560x128xi32, #tpu.memory_space<hbm>>, %arg4: memref<2560x128xi32, #tpu.memory_space<hbm>>, %arg5: memref<2x10240x64xbf16, #tpu.memory_space<hbm>>, %arg6: memref<160xi32, #tpu.memory_space<vmem>>, %arg7: memref<160xi32, #tpu.memory_space<vmem>>, %arg8: memref<160x128xi32, #tpu.memory_space<vmem>>, %arg9: memref<160x128xi32, #tpu.memory_space<vmem>>, %arg10: memref<5x128xi32, #tpu.memory_space<vmem>>, %arg11: memref<128x64xbf16, #tpu.memory_space<vmem>>, %arg12: memref<4x128x64xbf16, #tpu.memory_space<vmem>>, %arg13: memref<10256xf32, #tpu.memory_space<vmem>>, %arg14: memref<10240x64xbf16, #tpu.memory_space<vmem_shared>>, %arg15: memref<10256x64xbf16, #tpu.memory_space<vmem_shared>>, %arg16: memref<!tpu.dma_semaphore, #tpu.memory_space<semaphore_mem>>, %arg17: memref<!tpu.dma_semaphore, #tpu.memory_space<semaphore_mem>>, %arg18: memref<!tpu.dma_semaphore, #tpu.memory_space<semaphore_mem>>, %arg19: memref<!tpu.dma_semaphore, #tpu.memory_space<semaphore_mem>>, %arg20: memref<!tpu.dma_semaphore, #tpu.memory_space<semaphore_mem>>, %arg21: memref<!tpu.dma_semaphore, #tpu.memory_space<semaphore_mem>>, %arg22: memref<!tpu.dma_semaphore, #tpu.memory_space<semaphore_mem>>, %arg23: memref<!tpu.dma_semaphore, #tpu.memory_space<semaphore_mem>>, %arg24: memref<!tpu.dma_semaphore, #tpu.memory_space<semaphore_mem>>) attributes {dimension_semantics = [#tpu.dimension_semantics<core_parallel>, #tpu.dimension_semantics<subcore_parallel>], iteration_bounds = array<i64: 2, 16>, scalar_prefetch = 0 : i64, scratch_operands = 19 : i64, tpu.core_type = #tpu.core_type<sc_vector_subcore>, window_params = [{transform_indices = #map}, {transform_indices = #map}, {transform_indices = #map}, {transform_indices = #map1}]} {
    %mul3A = arith.constant 640 : i32
    %mul3A_0 = arith.muli %arg1, %mul3A : i32
    %mul3A_1 = arith.constant 160 : i32
    %mul3A_2 = arith.muli %arg1, %mul3A_1 : i32
    %mul3A_3 = arith.constant 160 : i32
    %mul3A_4 = arith.muli %arg1, %mul3A_3 : i32
    %iota3A = tpu.iota {dimensions = array<i32: 0>} : vector<16xi32>
    %add3A = arith.constant 0 : i32
    %add3A_5 = arith.addi %mul3A_2, %add3A : i32
    %add3A_6 = vector.broadcast %add3A_5 : i32 to vector<16xi32>
    %add3A_7 = arith.addi %iota3A, %add3A_6 : vector<16xi32>
    %swap3A = arith.constant 0 : index
    %swap3A_8 = tpu.vector_load %arg6[%swap3A] {strides = array<i32>} : memref<160xi32, #tpu.memory_space<vmem>>, vector<16xi32>,
    tpu.vector_store %arg6[%swap3A], %add3A_7 {strides = array<i32>} : memref<160xi32, #tpu.memory_space<vmem>>, vector<16xi32>,
    %add3A_9 = arith.constant 0 : i32
    %add3A_10 = arith.addi %mul3A_4, %add3A_9 : i32
    %add3A_11 = vector.broadcast %add3A_10 : i32 to vector<16xi32>
    %add3A_12 = arith.addi %iota3A, %add3A_11 : vector<16xi32>
    %swap3A_13 = arith.constant 0 : index
    %swap3A_14 = tpu.vector_load %arg7[%swap3A_13] {strides = array<i32>} : memref<160xi32, #tpu.memory_space<vmem>>, vector<16xi32>,
    tpu.vector_store %arg7[%swap3A_13], %add3A_12 {strides = array<i32>} : memref<160xi32, #tpu.memory_space<vmem>>, vector<16xi32>,
    %add3A_15 = arith.constant 16 : i32
    %add3A_16 = arith.addi %mul3A_2, %add3A_15 : i32
    %add3A_17 = vector.broadcast %add3A_16 : i32 to vector<16xi32>
    %add3A_18 = arith.addi %iota3A, %add3A_17 : vector<16xi32>
    %swap3A_19 = arith.constant 16 : index
    %swap3A_20 = tpu.vector_load %arg6[%swap3A_19] {strides = array<i32>} : memref<160xi32, #tpu.memory_space<vmem>>, vector<16xi32>,
    tpu.vector_store %arg6[%swap3A_19], %add3A_18 {strides = array<i32>} : memref<160xi32, #tpu.memory_space<vmem>>, vector<16xi32>,
    %add3A_21 = arith.constant 16 : i32
    %add3A_22 = arith.addi %mul3A_4, %add3A_21 : i32
    %add3A_23 = vector.broadcast %add3A_22 : i32 to vector<16xi32>
    %add3A_24 = arith.addi %iota3A, %add3A_23 : vector<16xi32>
    %swap3A_25 = arith.constant 16 : index
    %swap3A_26 = tpu.vector_load %arg7[%swap3A_25] {strides = array<i32>} : memref<160xi32, #tpu.memory_space<vmem>>, vector<16xi32>,
    tpu.vector_store %arg7[%swap3A_25], %add3A_24 {strides = array<i32>} : memref<160xi32, #tpu.memory_space<vmem>>, vector<16xi32>,
    %add3A_27 = arith.constant 32 : i32
    %add3A_28 = arith.addi %mul3A_2, %add3A_27 : i32
    %add3A_29 = vector.broadcast %add3A_28 : i32 to vector<16xi32>
    %add3A_30 = arith.addi %iota3A, %add3A_29 : vector<16xi32>
    %swap3A_31 = arith.constant 32 : index
    %swap3A_32 = tpu.vector_load %arg6[%swap3A_31] {strides = array<i32>} : memref<160xi32, #tpu.memory_space<vmem>>, vector<16xi32>,
    tpu.vector_store %arg6[%swap3A_31], %add3A_30 {strides = array<i32>} : memref<160xi32, #tpu.memory_space<vmem>>, vector<16xi32>,
    %add3A_33 = arith.constant 32 : i32
    %add3A_34 = arith.addi %mul3A_4, %add3A_33 : i32
    %add3A_35 = vector.broadcast %add3A_34 : i32 to vector<16xi32>
    %add3A_36 = arith.addi %iota3A, %add3A_35 : vector<16xi32>
    %swap3A_37 = arith.constant 32 : index
    %swap3A_38 = tpu.vector_load %arg7[%swap3A_37] {strides = array<i32>} : memref<160xi32, #tpu.memory_space<vmem>>, vector<16xi32>,
    tpu.vector_store %arg7[%swap3A_37], %add3A_36 {strides = array<i32>} : memref<160xi32, #tpu.memory_space<vmem>>, vector<16xi32>,
    %add3A_39 = arith.constant 48 : i32
    %add3A_40 = arith.addi %mul3A_2, %add3A_39 : i32
    %add3A_41 = vector.broadcast %add3A_40 : i32 to vector<16xi32>
    %add3A_42 = arith.addi %iota3A, %add3A_41 : vector<16xi32>
    %swap3A_43 = arith.constant 48 : index
    %swap3A_44 = tpu.vector_load %arg6[%swap3A_43] {strides = array<i32>} : memref<160xi32, #tpu.memory_space<vmem>>, vector<16xi32>,
    tpu.vector_store %arg6[%swap3A_43], %add3A_42 {strides = array<i32>} : memref<160xi32, #tpu.memory_space<vmem>>, vector<16xi32>,
    %add3A_45 = arith.constant 48 : i32
    %add3A_46 = arith.addi %mul3A_4, %add3A_45 : i32
    %add3A_47 = vector.broadcast %add3A_46 : i32 to vector<16xi32>
    %add3A_48 = arith.addi %iota3A, %add3A_47 : vector<16xi32>
    %swap3A_49 = arith.constant 48 : index
    %swap3A_50 = tpu.vector_load %arg7[%swap3A_49] {strides = array<i32>} : memref<160xi32, #tpu.memory_space<vmem>>, vector<16xi32>,
    tpu.vector_store %arg7[%swap3A_49], %add3A_48 {strides = array<i32>} : memref<160xi32, #tpu.memory_space<vmem>>, vector<16xi32>,
    %add3A_51 = arith.constant 64 : i32
    %add3A_52 = arith.addi %mul3A_2, %add3A_51 : i32
    %add3A_53 = vector.broadcast %add3A_52 : i32 to vector<16xi32>
    %add3A_54 = arith.addi %iota3A, %add3A_53 : vector<16xi32>
    %swap3A_55 = arith.constant 64 : index
    %swap3A_56 = tpu.vector_load %arg6[%swap3A_55] {strides = array<i32>} : memref<160xi32, #tpu.memory_space<vmem>>, vector<16xi32>,
    tpu.vector_store %arg6[%swap3A_55], %add3A_54 {strides = array<i32>} : memref<160xi32, #tpu.memory_space<vmem>>, vector<16xi32>,
    %add3A_57 = arith.constant 64 : i32
    %add3A_58 = arith.addi %mul3A_4, %add3A_57 : i32
    %add3A_59 = vector.broadcast %add3A_58 : i32 to vector<16xi32>
    %add3A_60 = arith.addi %iota3A, %add3A_59 : vector<16xi32>
    %swap3A_61 = arith.constant 64 : index
    %swap3A_62 = tpu.vector_load %arg7[%swap3A_61] {strides = array<i32>} : memref<160xi32, #tpu.memory_space<vmem>>, vector<16xi32>,
    tpu.vector_store %arg7[%swap3A_61], %add3A_60 {strides = array<i32>} : memref<160xi32, #tpu.memory_space<vmem>>, vector<16xi32>,
    %add3A_63 = arith.constant 80 : i32
    %add3A_64 = arith.addi %mul3A_2, %add3A_63 : i32
    %add3A_65 = vector.broadcast %add3A_64 : i32 to vector<16xi32>
    %add3A_66 = arith.addi %iota3A, %add3A_65 : vector<16xi32>
    %swap3A_67 = arith.constant 80 : index
    %swap3A_68 = tpu.vector_load %arg6[%swap3A_67] {strides = array<i32>} : memref<160xi32, #tpu.memory_space<vmem>>, vector<16xi32>,
    tpu.vector_store %arg6[%swap3A_67], %add3A_66 {strides = array<i32>} : memref<160xi32, #tpu.memory_space<vmem>>, vector<16xi32>,
    %add3A_69 = arith.constant 80 : i32
    %add3A_70 = arith.addi %mul3A_4, %add3A_69 : i32
    %add3A_71 = vector.broadcast %add3A_70 : i32 to vector<16xi32>
    %add3A_72 = arith.addi %iota3A, %add3A_71 : vector<16xi32>
    %swap3A_73 = arith.constant 80 : index
    %swap3A_74 = tpu.vector_load %arg7[%swap3A_73] {strides = array<i32>} : memref<160xi32, #tpu.memory_space<vmem>>, vector<16xi32>,
    tpu.vector_store %arg7[%swap3A_73], %add3A_72 {strides = array<i32>} : memref<160xi32, #tpu.memory_space<vmem>>, vector<16xi32>,
    %add3A_75 = arith.constant 96 : i32
    %add3A_76 = arith.addi %mul3A_2, %add3A_75 : i32
    %add3A_77 = vector.broadcast %add3A_76 : i32 to vector<16xi32>
    %add3A_78 = arith.addi %iota3A, %add3A_77 : vector<16xi32>
    %swap3A_79 = arith.constant 96 : index
    %swap3A_80 = tpu.vector_load %arg6[%swap3A_79] {strides = array<i32>} : memref<160xi32, #tpu.memory_space<vmem>>, vector<16xi32>,
    tpu.vector_store %arg6[%swap3A_79], %add3A_78 {strides = array<i32>} : memref<160xi32, #tpu.memory_space<vmem>>, vector<16xi32>,
    %add3A_81 = arith.constant 96 : i32
    %add3A_82 = arith.addi %mul3A_4, %add3A_81 : i32
    %add3A_83 = vector.broadcast %add3A_82 : i32 to vector<16xi32>
    %add3A_84 = arith.addi %iota3A, %add3A_83 : vector<16xi32>
    %swap3A_85 = arith.constant 96 : index
    %swap3A_86 = tpu.vector_load %arg7[%swap3A_85] {strides = array<i32>} : memref<160xi32, #tpu.memory_space<vmem>>, vector<16xi32>,
    tpu.vector_store %arg7[%swap3A_85], %add3A_84 {strides = array<i32>} : memref<160xi32, #tpu.memory_space<vmem>>, vector<16xi32>,
    %add3A_87 = arith.constant 112 : i32
    %add3A_88 = arith.addi %mul3A_2, %add3A_87 : i32
    %add3A_89 = vector.broadcast %add3A_88 : i32 to vector<16xi32>
    %add3A_90 = arith.addi %iota3A, %add3A_89 : vector<16xi32>
    %swap3A_91 = arith.constant 112 : index
    %swap3A_92 = tpu.vector_load %arg6[%swap3A_91] {strides = array<i32>} : memref<160xi32, #tpu.memory_space<vmem>>, vector<16xi32>,
    tpu.vector_store %arg6[%swap3A_91], %add3A_90 {strides = array<i32>} : memref<160xi32, #tpu.memory_space<vmem>>, vector<16xi32>,
    %add3A_93 = arith.constant 112 : i32
    %add3A_94 = arith.addi %mul3A_4, %add3A_93 : i32
    %add3A_95 = vector.broadcast %add3A_94 : i32 to vector<16xi32>
    %add3A_96 = arith.addi %iota3A, %add3A_95 : vector<16xi32>
    %swap3A_97 = arith.constant 112 : index
    %swap3A_98 = tpu.vector_load %arg7[%swap3A_97] {strides = array<i32>} : memref<160xi32, #tpu.memory_space<vmem>>, vector<16xi32>,
    tpu.vector_store %arg7[%swap3A_97], %add3A_96 {strides = array<i32>} : memref<160xi32, #tpu.memory_space<vmem>>, vector<16xi32>,
    %add3A_99 = arith.constant 128 : i32
    %add3A_100 = arith.addi %mul3A_2, %add3A_99 : i32
    %add3A_101 = vector.broadcast %add3A_100 : i32 to vector<16xi32>
    %add3A_102 = arith.addi %iota3A, %add3A_101 : vector<16xi32>
    %swap3A_103 = arith.constant 128 : index
    %swap3A_104 = tpu.vector_load %arg6[%swap3A_103] {strides = array<i32>} : memref<160xi32, #tpu.memory_space<vmem>>, vector<16xi32>,
    tpu.vector_store %arg6[%swap3A_103], %add3A_102 {strides = array<i32>} : memref<160xi32, #tpu.memory_space<vmem>>, vector<16xi32>,
    %add3A_105 = arith.constant 128 : i32
    %add3A_106 = arith.addi %mul3A_4, %add3A_105 : i32
    %add3A_107 = vector.broadcast %add3A_106 : i32 to vector<16xi32>
    %add3A_108 = arith.addi %iota3A, %add3A_107 : vector<16xi32>
    %swap3A_109 = arith.constant 128 : index
    %swap3A_110 = tpu.vector_load %arg7[%swap3A_109] {strides = array<i32>} : memref<160xi32, #tpu.memory_space<vmem>>, vector<16xi32>,
    tpu.vector_store %arg7[%swap3A_109], %add3A_108 {strides = array<i32>} : memref<160xi32, #tpu.memory_space<vmem>>, vector<16xi32>,
    %add3A_111 = arith.constant 144 : i32
    %add3A_112 = arith.addi %mul3A_2, %add3A_111 : i32
    %add3A_113 = vector.broadcast %add3A_112 : i32 to vector<16xi32>
    %add3A_114 = arith.addi %iota3A, %add3A_113 : vector<16xi32>
    %swap3A_115 = arith.constant 144 : index
    %swap3A_116 = tpu.vector_load %arg6[%swap3A_115] {strides = array<i32>} : memref<160xi32, #tpu.memory_space<vmem>>, vector<16xi32>,
    tpu.vector_store %arg6[%swap3A_115], %add3A_114 {strides = array<i32>} : memref<160xi32, #tpu.memory_space<vmem>>, vector<16xi32>,
    %add3A_117 = arith.constant 144 : i32
    %add3A_118 = arith.addi %mul3A_4, %add3A_117 : i32
    %add3A_119 = vector.broadcast %add3A_118 : i32 to vector<16xi32>
    %add3A_120 = arith.addi %iota3A, %add3A_119 : vector<16xi32>
    %swap3A_121 = arith.constant 144 : index
    %swap3A_122 = tpu.vector_load %arg7[%swap3A_121] {strides = array<i32>} : memref<160xi32, #tpu.memory_space<vmem>>, vector<16xi32>,
    tpu.vector_store %arg7[%swap3A_121], %add3A_120 {strides = array<i32>} : memref<160xi32, #tpu.memory_space<vmem>>, vector<16xi32>,
    %dma_start3A = arith.constant 0 : i32
    %dma_start3A_123 = arith.constant 0 : i32
    %dma_start3A_124 = tpu.memref_slice %arg8[%dma_start3A, %dma_start3A_123] : memref<160x128xi32, #tpu.memory_space<vmem>> -> memref<128x128xi32, #tpu.memory_space<vmem>>
    %dma_start3A_125 = arith.constant 0 : i32
    %dma_start3A_126 = tpu.memref_slice %arg6[%dma_start3A_125] : memref<160xi32, #tpu.memory_space<vmem>> -> memref<128xi32, #tpu.memory_space<vmem>>
    %dma_start3A_127 = arith.constant 0 : i32
    %dma_start3A_128 = arith.constant 0 : i32
    %dma_start3A_129 = tpu.memref_slice %arg3[%dma_start3A_127, %dma_start3A_128] : memref<2560x128xi32, #tpu.memory_space<hbm>> -> memref<2560x128xi32, #tpu.memory_space<hbm>>
    tpu.enqueue_indirect_dma source(%dma_start3A_129 : memref<2560x128xi32, #tpu.memory_space<hbm>>) target(%dma_start3A_124 : memref<128x128xi32, #tpu.memory_space<vmem>>) offsets(%dma_start3A_126 : memref<128xi32, #tpu.memory_space<vmem>>) semaphore(%arg24 : memref<!tpu.dma_semaphore, #tpu.memory_space<semaphore_mem>>)
    %dma_start3A_130 = arith.constant 128 : i32
    %dma_start3A_131 = arith.constant 0 : i32
    %dma_start3A_132 = tpu.memref_slice %arg8[%dma_start3A_130, %dma_start3A_131] : memref<160x128xi32, #tpu.memory_space<vmem>> -> memref<32x128xi32, #tpu.memory_space<vmem>>
    %dma_start3A_133 = arith.constant 128 : i32
    %dma_start3A_134 = tpu.memref_slice %arg6[%dma_start3A_133] : memref<160xi32, #tpu.memory_space<vmem>> -> memref<32xi32, #tpu.memory_space<vmem>>
    %dma_start3A_135 = arith.constant 0 : i32
    %dma_start3A_136 = arith.constant 0 : i32
    %dma_start3A_137 = tpu.memref_slice %arg3[%dma_start3A_135, %dma_start3A_136] : memref<2560x128xi32, #tpu.memory_space<hbm>> -> memref<2560x128xi32, #tpu.memory_space<hbm>>
    tpu.enqueue_indirect_dma source(%dma_start3A_137 : memref<2560x128xi32, #tpu.memory_space<hbm>>) target(%dma_start3A_132 : memref<32x128xi32, #tpu.memory_space<vmem>>) offsets(%dma_start3A_134 : memref<32xi32, #tpu.memory_space<vmem>>) semaphore(%arg24 : memref<!tpu.dma_semaphore, #tpu.memory_space<semaphore_mem>>)
    %dma_start3A_138 = arith.constant 0 : i32
    %dma_start3A_139 = arith.constant 0 : i32
    %dma_start3A_140 = tpu.memref_slice %arg9[%dma_start3A_138, %dma_start3A_139] : memref<160x128xi32, #tpu.memory_space<vmem>> -> memref<128x128xi32, #tpu.memory_space<vmem>>
    %dma_start3A_141 = arith.constant 0 : i32
    %dma_start3A_142 = tpu.memref_slice %arg7[%dma_start3A_141] : memref<160xi32, #tpu.memory_space<vmem>> -> memref<128xi32, #tpu.memory_space<vmem>>
    %dma_start3A_143 = arith.constant 0 : i32
    %dma_start3A_144 = arith.constant 0 : i32
    %dma_start3A_145 = tpu.memref_slice %arg4[%dma_start3A_143, %dma_start3A_144] : memref<2560x128xi32, #tpu.memory_space<hbm>> -> memref<2560x128xi32, #tpu.memory_space<hbm>>
    tpu.enqueue_indirect_dma source(%dma_start3A_145 : memref<2560x128xi32, #tpu.memory_space<hbm>>) target(%dma_start3A_140 : memref<128x128xi32, #tpu.memory_space<vmem>>) offsets(%dma_start3A_142 : memref<128xi32, #tpu.memory_space<vmem>>) semaphore(%arg24 : memref<!tpu.dma_semaphore, #tpu.memory_space<semaphore_mem>>)
    %dma_start3A_146 = arith.constant 128 : i32
    %dma_start3A_147 = arith.constant 0 : i32
    %dma_start3A_148 = tpu.memref_slice %arg9[%dma_start3A_146, %dma_start3A_147] : memref<160x128xi32, #tpu.memory_space<vmem>> -> memref<32x128xi32, #tpu.memory_space<vmem>>
    %dma_start3A_149 = arith.constant 128 : i32
    %dma_start3A_150 = tpu.memref_slice %arg7[%dma_start3A_149] : memref<160xi32, #tpu.memory_space<vmem>> -> memref<32xi32, #tpu.memory_space<vmem>>
    %dma_start3A_151 = arith.constant 0 : i32
    %dma_start3A_152 = arith.constant 0 : i32
    %dma_start3A_153 = tpu.memref_slice %arg4[%dma_start3A_151, %dma_start3A_152] : memref<2560x128xi32, #tpu.memory_space<hbm>> -> memref<2560x128xi32, #tpu.memory_space<hbm>>
    tpu.enqueue_indirect_dma source(%dma_start3A_153 : memref<2560x128xi32, #tpu.memory_space<hbm>>) target(%dma_start3A_148 : memref<32x128xi32, #tpu.memory_space<vmem>>) offsets(%dma_start3A_150 : memref<32xi32, #tpu.memory_space<vmem>>) semaphore(%arg24 : memref<!tpu.dma_semaphore, #tpu.memory_space<semaphore_mem>>)
    %mul3A_154 = arith.constant 10240 : i32
    %mul3A_155 = arith.muli %arg0, %mul3A_154 : i32
    %add3A_156 = arith.addi %mul3A_155, %mul3A_0 : i32
    %add3A_157 = arith.constant 0 : i32
    %add3A_158 = arith.addi %add3A_156, %add3A_157 : i32
    %add3A_159 = arith.constant 0 : i32
    %add3A_160 = arith.addi %add3A_158, %add3A_159 : i32
    %add3A_161 = vector.broadcast %add3A_160 : i32 to vector<16xi32>
    %add3A_162 = arith.addi %iota3A, %add3A_161 : vector<16xi32>
    %swap3A_163 = arith.constant 0 : i32
    %swap3A_164 = arith.index_cast %swap3A_163 : i32 to index
    %swap3A_165 = arith.constant 0 : index
    %swap3A_166 = tpu.vector_load %arg10[%swap3A_164, %swap3A_165] {strides = array<i32>} : memref<5x128xi32, #tpu.memory_space<vmem>>, vector<16xi32>,
    tpu.vector_store %arg10[%swap3A_164, %swap3A_165], %add3A_162 {strides = array<i32>} : memref<5x128xi32, #tpu.memory_space<vmem>>, vector<16xi32>,
    %mul3A_167 = arith.constant 10240 : i32
    %mul3A_168 = arith.muli %arg0, %mul3A_167 : i32
    %add3A_169 = arith.addi %mul3A_168, %mul3A_0 : i32
    %add3A_170 = arith.constant 0 : i32
    %add3A_171 = arith.addi %add3A_169, %add3A_170 : i32
    %add3A_172 = arith.constant 16 : i32
    %add3A_173 = arith.addi %add3A_171, %add3A_172 : i32
    %add3A_174 = vector.broadcast %add3A_173 : i32 to vector<16xi32>
    %add3A_175 = arith.addi %iota3A, %add3A_174 : vector<16xi32>
    %swap3A_176 = arith.constant 0 : i32
    %swap3A_177 = arith.index_cast %swap3A_176 : i32 to index
    %swap3A_178 = arith.constant 16 : index
    %swap3A_179 = tpu.vector_load %arg10[%swap3A_177, %swap3A_178] {strides = array<i32>} : memref<5x128xi32, #tpu.memory_space<vmem>>, vector<16xi32>,
    tpu.vector_store %arg10[%swap3A_177, %swap3A_178], %add3A_175 {strides = array<i32>} : memref<5x128xi32, #tpu.memory_space<vmem>>, vector<16xi32>,
    %mul3A_180 = arith.constant 10240 : i32
    %mul3A_181 = arith.muli %arg0, %mul3A_180 : i32
    %add3A_182 = arith.addi %mul3A_181, %mul3A_0 : i32
    %add3A_183 = arith.constant 0 : i32
    %add3A_184 = arith.addi %add3A_182, %add3A_183 : i32
    %add3A_185 = arith.constant 32 : i32
    %add3A_186 = arith.addi %add3A_184, %add3A_185 : i32
    %add3A_187 = vector.broadcast %add3A_186 : i32 to vector<16xi32>
    %add3A_188 = arith.addi %iota3A, %add3A_187 : vector<16xi32>
    %swap3A_189 = arith.constant 0 : i32
    %swap3A_190 = arith.index_cast %swap3A_189 : i32 to index
    %swap3A_191 = arith.constant 32 : index
    %swap3A_192 = tpu.vector_load %arg10[%swap3A_190, %swap3A_191] {strides = array<i32>} : memref<5x128xi32, #tpu.memory_space<vmem>>, vector<16xi32>,
    tpu.vector_store %arg10[%swap3A_190, %swap3A_191], %add3A_188 {strides = array<i32>} : memref<5x128xi32, #tpu.memory_space<vmem>>, vector<16xi32>,
    %mul3A_193 = arith.constant 10240 : i32
    %mul3A_194 = arith.muli %arg0, %mul3A_193 : i32
    %add3A_195 = arith.addi %mul3A_194, %mul3A_0 : i32
    %add3A_196 = arith.constant 0 : i32
    %add3A_197 = arith.addi %add3A_195, %add3A_196 : i32
    %add3A_198 = arith.constant 48 : i32
    %add3A_199 = arith.addi %add3A_197, %add3A_198 : i32
    %add3A_200 = vector.broadcast %add3A_199 : i32 to vector<16xi32>
    %add3A_201 = arith.addi %iota3A, %add3A_200 : vector<16xi32>
    %swap3A_202 = arith.constant 0 : i32
    %swap3A_203 = arith.index_cast %swap3A_202 : i32 to index
    %swap3A_204 = arith.constant 48 : index
    %swap3A_205 = tpu.vector_load %arg10[%swap3A_203, %swap3A_204] {strides = array<i32>} : memref<5x128xi32, #tpu.memory_space<vmem>>, vector<16xi32>,
    tpu.vector_store %arg10[%swap3A_203, %swap3A_204], %add3A_201 {strides = array<i32>} : memref<5x128xi32, #tpu.memory_space<vmem>>, vector<16xi32>,
    %mul3A_206 = arith.constant 10240 : i32
    %mul3A_207 = arith.muli %arg0, %mul3A_206 : i32
    %add3A_208 = arith.addi %mul3A_207, %mul3A_0 : i32
    %add3A_209 = arith.constant 0 : i32
    %add3A_210 = arith.addi %add3A_208, %add3A_209 : i32
    %add3A_211 = arith.constant 64 : i32
    %add3A_212 = arith.addi %add3A_210, %add3A_211 : i32
    %add3A_213 = vector.broadcast %add3A_212 : i32 to vector<16xi32>
    %add3A_214 = arith.addi %iota3A, %add3A_213 : vector<16xi32>
    %swap3A_215 = arith.constant 0 : i32
    %swap3A_216 = arith.index_cast %swap3A_215 : i32 to index
    %swap3A_217 = arith.constant 64 : index
    %swap3A_218 = tpu.vector_load %arg10[%swap3A_216, %swap3A_217] {strides = array<i32>} : memref<5x128xi32, #tpu.memory_space<vmem>>, vector<16xi32>,
    tpu.vector_store %arg10[%swap3A_216, %swap3A_217], %add3A_214 {strides = array<i32>} : memref<5x128xi32, #tpu.memory_space<vmem>>, vector<16xi32>,
    %mul3A_219 = arith.constant 10240 : i32
    %mul3A_220 = arith.muli %arg0, %mul3A_219 : i32
    %add3A_221 = arith.addi %mul3A_220, %mul3A_0 : i32
    %add3A_222 = arith.constant 0 : i32
    %add3A_223 = arith.addi %add3A_221, %add3A_222 : i32
    %add3A_224 = arith.constant 80 : i32
    %add3A_225 = arith.addi %add3A_223, %add3A_224 : i32
    %add3A_226 = vector.broadcast %add3A_225 : i32 to vector<16xi32>
    %add3A_227 = arith.addi %iota3A, %add3A_226 : vector<16xi32>
    %swap3A_228 = arith.constant 0 : i32
    %swap3A_229 = arith.index_cast %swap3A_228 : i32 to index
    %swap3A_230 = arith.constant 80 : index
    %swap3A_231 = tpu.vector_load %arg10[%swap3A_229, %swap3A_230] {strides = array<i32>} : memref<5x128xi32, #tpu.memory_space<vmem>>, vector<16xi32>,
    tpu.vector_store %arg10[%swap3A_229, %swap3A_230], %add3A_227 {strides = array<i32>} : memref<5x128xi32, #tpu.memory_space<vmem>>, vector<16xi32>,
    %mul3A_232 = arith.constant 10240 : i32
    %mul3A_233 = arith.muli %arg0, %mul3A_232 : i32
    %add3A_234 = arith.addi %mul3A_233, %mul3A_0 : i32
    %add3A_235 = arith.constant 0 : i32
    %add3A_236 = arith.addi %add3A_234, %add3A_235 : i32
    %add3A_237 = arith.constant 96 : i32
    %add3A_238 = arith.addi %add3A_236, %add3A_237 : i32
    %add3A_239 = vector.broadcast %add3A_238 : i32 to vector<16xi32>
    %add3A_240 = arith.addi %iota3A, %add3A_239 : vector<16xi32>
    %swap3A_241 = arith.constant 0 : i32
    %swap3A_242 = arith.index_cast %swap3A_241 : i32 to index
    %swap3A_243 = arith.constant 96 : index
    %swap3A_244 = tpu.vector_load %arg10[%swap3A_242, %swap3A_243] {strides = array<i32>} : memref<5x128xi32, #tpu.memory_space<vmem>>, vector<16xi32>,
    tpu.vector_store %arg10[%swap3A_242, %swap3A_243], %add3A_240 {strides = array<i32>} : memref<5x128xi32, #tpu.memory_space<vmem>>, vector<16xi32>,
    %mul3A_245 = arith.constant 10240 : i32
    %mul3A_246 = arith.muli %arg0, %mul3A_245 : i32
    %add3A_247 = arith.addi %mul3A_246, %mul3A_0 : i32
    %add3A_248 = arith.constant 0 : i32
    %add3A_249 = arith.addi %add3A_247, %add3A_248 : i32
    %add3A_250 = arith.constant 112 : i32
    %add3A_251 = arith.addi %add3A_249, %add3A_250 : i32
    %add3A_252 = vector.broadcast %add3A_251 : i32 to vector<16xi32>
    %add3A_253 = arith.addi %iota3A, %add3A_252 : vector<16xi32>
    %swap3A_254 = arith.constant 0 : i32
    %swap3A_255 = arith.index_cast %swap3A_254 : i32 to index
    %swap3A_256 = arith.constant 112 : index
    %swap3A_257 = tpu.vector_load %arg10[%swap3A_255, %swap3A_256] {strides = array<i32>} : memref<5x128xi32, #tpu.memory_space<vmem>>, vector<16xi32>,
    tpu.vector_store %arg10[%swap3A_255, %swap3A_256], %add3A_253 {strides = array<i32>} : memref<5x128xi32, #tpu.memory_space<vmem>>, vector<16xi32>,
    %mul3A_258 = arith.constant 10240 : i32
    %mul3A_259 = arith.muli %arg0, %mul3A_258 : i32
    %add3A_260 = arith.addi %mul3A_259, %mul3A_0 : i32
    %add3A_261 = arith.constant 128 : i32
    %add3A_262 = arith.addi %add3A_260, %add3A_261 : i32
    %add3A_263 = arith.constant 0 : i32
    %add3A_264 = arith.addi %add3A_262, %add3A_263 : i32
    %add3A_265 = vector.broadcast %add3A_264 : i32 to vector<16xi32>
    %add3A_266 = arith.addi %iota3A, %add3A_265 : vector<16xi32>
    %swap3A_267 = arith.constant 1 : i32
    %swap3A_268 = arith.index_cast %swap3A_267 : i32 to index
    %swap3A_269 = arith.constant 0 : index
    %swap3A_270 = tpu.vector_load %arg10[%swap3A_268, %swap3A_269] {strides = array<i32>} : memref<5x128xi32, #tpu.memory_space<vmem>>, vector<16xi32>,
    tpu.vector_store %arg10[%swap3A_268, %swap3A_269], %add3A_266 {strides = array<i32>} : memref<5x128xi32, #tpu.memory_space<vmem>>, vector<16xi32>,
    %mul3A_271 = arith.constant 10240 : i32
    %mul3A_272 = arith.muli %arg0, %mul3A_271 : i32
    %add3A_273 = arith.addi %mul3A_272, %mul3A_0 : i32
    %add3A_274 = arith.constant 128 : i32
    %add3A_275 = arith.addi %add3A_273, %add3A_274 : i32
    %add3A_276 = arith.constant 16 : i32
    %add3A_277 = arith.addi %add3A_275, %add3A_276 : i32
    %add3A_278 = vector.broadcast %add3A_277 : i32 to vector<16xi32>
    %add3A_279 = arith.addi %iota3A, %add3A_278 : vector<16xi32>
    %swap3A_280 = arith.constant 1 : i32
    %swap3A_281 = arith.index_cast %swap3A_280 : i32 to index
    %swap3A_282 = arith.constant 16 : index
    %swap3A_283 = tpu.vector_load %arg10[%swap3A_281, %swap3A_282] {strides = array<i32>} : memref<5x128xi32, #tpu.memory_space<vmem>>, vector<16xi32>,
    tpu.vector_store %arg10[%swap3A_281, %swap3A_282], %add3A_279 {strides = array<i32>} : memref<5x128xi32, #tpu.memory_space<vmem>>, vector<16xi32>,
    %mul3A_284 = arith.constant 10240 : i32
    %mul3A_285 = arith.muli %arg0, %mul3A_284 : i32
    %add3A_286 = arith.addi %mul3A_285, %mul3A_0 : i32
    %add3A_287 = arith.constant 128 : i32
    %add3A_288 = arith.addi %add3A_286, %add3A_287 : i32
    %add3A_289 = arith.constant 32 : i32
    %add3A_290 = arith.addi %add3A_288, %add3A_289 : i32
    %add3A_291 = vector.broadcast %add3A_290 : i32 to vector<16xi32>
    %add3A_292 = arith.addi %iota3A, %add3A_291 : vector<16xi32>
    %swap3A_293 = arith.constant 1 : i32
    %swap3A_294 = arith.index_cast %swap3A_293 : i32 to index
    %swap3A_295 = arith.constant 32 : index
    %swap3A_296 = tpu.vector_load %arg10[%swap3A_294, %swap3A_295] {strides = array<i32>} : memref<5x128xi32, #tpu.memory_space<vmem>>, vector<16xi32>,
    tpu.vector_store %arg10[%swap3A_294, %swap3A_295], %add3A_292 {strides = array<i32>} : memref<5x128xi32, #tpu.memory_space<vmem>>, vector<16xi32>,
    %mul3A_297 = arith.constant 10240 : i32
    %mul3A_298 = arith.muli %arg0, %mul3A_297 : i32
    %add3A_299 = arith.addi %mul3A_298, %mul3A_0 : i32
    %add3A_300 = arith.constant 128 : i32
    %add3A_301 = arith.addi %add3A_299, %add3A_300 : i32
    %add3A_302 = arith.constant 48 : i32
    %add3A_303 = arith.addi %add3A_301, %add3A_302 : i32
    %add3A_304 = vector.broadcast %add3A_303 : i32 to vector<16xi32>
    %add3A_305 = arith.addi %iota3A, %add3A_304 : vector<16xi32>
    %swap3A_306 = arith.constant 1 : i32
    %swap3A_307 = arith.index_cast %swap3A_306 : i32 to index
    %swap3A_308 = arith.constant 48 : index
    %swap3A_309 = tpu.vector_load %arg10[%swap3A_307, %swap3A_308] {strides = array<i32>} : memref<5x128xi32, #tpu.memory_space<vmem>>, vector<16xi32>,
    tpu.vector_store %arg10[%swap3A_307, %swap3A_308], %add3A_305 {strides = array<i32>} : memref<5x128xi32, #tpu.memory_space<vmem>>, vector<16xi32>,
    %mul3A_310 = arith.constant 10240 : i32
    %mul3A_311 = arith.muli %arg0, %mul3A_310 : i32
    %add3A_312 = arith.addi %mul3A_311, %mul3A_0 : i32
    %add3A_313 = arith.constant 128 : i32
    %add3A_314 = arith.addi %add3A_312, %add3A_313 : i32
    %add3A_315 = arith.constant 64 : i32
    %add3A_316 = arith.addi %add3A_314, %add3A_315 : i32
    %add3A_317 = vector.broadcast %add3A_316 : i32 to vector<16xi32>
    %add3A_318 = arith.addi %iota3A, %add3A_317 : vector<16xi32>
    %swap3A_319 = arith.constant 1 : i32
    %swap3A_320 = arith.index_cast %swap3A_319 : i32 to index
    %swap3A_321 = arith.constant 64 : index
    %swap3A_322 = tpu.vector_load %arg10[%swap3A_320, %swap3A_321] {strides = array<i32>} : memref<5x128xi32, #tpu.memory_space<vmem>>, vector<16xi32>,
    tpu.vector_store %arg10[%swap3A_320, %swap3A_321], %add3A_318 {strides = array<i32>} : memref<5x128xi32, #tpu.memory_space<vmem>>, vector<16xi32>,
    %mul3A_323 = arith.constant 10240 : i32
    %mul3A_324 = arith.muli %arg0, %mul3A_323 : i32
    %add3A_325 = arith.addi %mul3A_324, %mul3A_0 : i32
    %add3A_326 = arith.constant 128 : i32
    %add3A_327 = arith.addi %add3A_325, %add3A_326 : i32
    %add3A_328 = arith.constant 80 : i32
    %add3A_329 = arith.addi %add3A_327, %add3A_328 : i32
    %add3A_330 = vector.broadcast %add3A_329 : i32 to vector<16xi32>
    %add3A_331 = arith.addi %iota3A, %add3A_330 : vector<16xi32>
    %swap3A_332 = arith.constant 1 : i32
    %swap3A_333 = arith.index_cast %swap3A_332 : i32 to index
    %swap3A_334 = arith.constant 80 : index
    %swap3A_335 = tpu.vector_load %arg10[%swap3A_333, %swap3A_334] {strides = array<i32>} : memref<5x128xi32, #tpu.memory_space<vmem>>, vector<16xi32>,
    tpu.vector_store %arg10[%swap3A_333, %swap3A_334], %add3A_331 {strides = array<i32>} : memref<5x128xi32, #tpu.memory_space<vmem>>, vector<16xi32>,
    %mul3A_336 = arith.constant 10240 : i32
    %mul3A_337 = arith.muli %arg0, %mul3A_336 : i32
    %add3A_338 = arith.addi %mul3A_337, %mul3A_0 : i32
    %add3A_339 = arith.constant 128 : i32
    %add3A_340 = arith.addi %add3A_338, %add3A_339 : i32
    %add3A_341 = arith.constant 96 : i32
    %add3A_342 = arith.addi %add3A_340, %add3A_341 : i32
    %add3A_343 = vector.broadcast %add3A_342 : i32 to vector<16xi32>
    %add3A_344 = arith.addi %iota3A, %add3A_343 : vector<16xi32>
    %swap3A_345 = arith.constant 1 : i32
    %swap3A_346 = arith.index_cast %swap3A_345 : i32 to index
    %swap3A_347 = arith.constant 96 : index
    %swap3A_348 = tpu.vector_load %arg10[%swap3A_346, %swap3A_347] {strides = array<i32>} : memref<5x128xi32, #tpu.memory_space<vmem>>, vector<16xi32>,
    tpu.vector_store %arg10[%swap3A_346, %swap3A_347], %add3A_344 {strides = array<i32>} : memref<5x128xi32, #tpu.memory_space<vmem>>, vector<16xi32>,
    %mul3A_349 = arith.constant 10240 : i32
    %mul3A_350 = arith.muli %arg0, %mul3A_349 : i32
    %add3A_351 = arith.addi %mul3A_350, %mul3A_0 : i32
    %add3A_352 = arith.constant 128 : i32
    %add3A_353 = arith.addi %add3A_351, %add3A_352 : i32
    %add3A_354 = arith.constant 112 : i32
    %add3A_355 = arith.addi %add3A_353, %add3A_354 : i32
    %add3A_356 = vector.broadcast %add3A_355 : i32 to vector<16xi32>
    %add3A_357 = arith.addi %iota3A, %add3A_356 : vector<16xi32>
    %swap3A_358 = arith.constant 1 : i32
    %swap3A_359 = arith.index_cast %swap3A_358 : i32 to index
    %swap3A_360 = arith.constant 112 : index
    %swap3A_361 = tpu.vector_load %arg10[%swap3A_359, %swap3A_360] {strides = array<i32>} : memref<5x128xi32, #tpu.memory_space<vmem>>, vector<16xi32>,
    tpu.vector_store %arg10[%swap3A_359, %swap3A_360], %add3A_357 {strides = array<i32>} : memref<5x128xi32, #tpu.memory_space<vmem>>, vector<16xi32>,
    %mul3A_362 = arith.constant 10240 : i32
    %mul3A_363 = arith.muli %arg0, %mul3A_362 : i32
    %add3A_364 = arith.addi %mul3A_363, %mul3A_0 : i32
    %add3A_365 = arith.constant 256 : i32
    %add3A_366 = arith.addi %add3A_364, %add3A_365 : i32
    %add3A_367 = arith.constant 0 : i32
    %add3A_368 = arith.addi %add3A_366, %add3A_367 : i32
    %add3A_369 = vector.broadcast %add3A_368 : i32 to vector<16xi32>
    %add3A_370 = arith.addi %iota3A, %add3A_369 : vector<16xi32>
    %swap3A_371 = arith.constant 2 : i32
    %swap3A_372 = arith.index_cast %swap3A_371 : i32 to index
    %swap3A_373 = arith.constant 0 : index
    %swap3A_374 = tpu.vector_load %arg10[%swap3A_372, %swap3A_373] {strides = array<i32>} : memref<5x128xi32, #tpu.memory_space<vmem>>, vector<16xi32>,
    tpu.vector_store %arg10[%swap3A_372, %swap3A_373], %add3A_370 {strides = array<i32>} : memref<5x128xi32, #tpu.memory_space<vmem>>, vector<16xi32>,
    %mul3A_375 = arith.constant 10240 : i32
    %mul3A_376 = arith.muli %arg0, %mul3A_375 : i32
    %add3A_377 = arith.addi %mul3A_376, %mul3A_0 : i32
    %add3A_378 = arith.constant 256 : i32
    %add3A_379 = arith.addi %add3A_377, %add3A_378 : i32
    %add3A_380 = arith.constant 16 : i32
    %add3A_381 = arith.addi %add3A_379, %add3A_380 : i32
    %add3A_382 = vector.broadcast %add3A_381 : i32 to vector<16xi32>
    %add3A_383 = arith.addi %iota3A, %add3A_382 : vector<16xi32>
    %swap3A_384 = arith.constant 2 : i32
    %swap3A_385 = arith.index_cast %swap3A_384 : i32 to index
    %swap3A_386 = arith.constant 16 : index
    %swap3A_387 = tpu.vector_load %arg10[%swap3A_385, %swap3A_386] {strides = array<i32>} : memref<5x128xi32, #tpu.memory_space<vmem>>, vector<16xi32>,
    tpu.vector_store %arg10[%swap3A_385, %swap3A_386], %add3A_383 {strides = array<i32>} : memref<5x128xi32, #tpu.memory_space<vmem>>, vector<16xi32>,
    %mul3A_388 = arith.constant 10240 : i32
    %mul3A_389 = arith.muli %arg0, %mul3A_388 : i32
    %add3A_390 = arith.addi %mul3A_389, %mul3A_0 : i32
    %add3A_391 = arith.constant 256 : i32
    %add3A_392 = arith.addi %add3A_390, %add3A_391 : i32
    %add3A_393 = arith.constant 32 : i32
    %add3A_394 = arith.addi %add3A_392, %add3A_393 : i32
    %add3A_395 = vector.broadcast %add3A_394 : i32 to vector<16xi32>
    %add3A_396 = arith.addi %iota3A, %add3A_395 : vector<16xi32>
    %swap3A_397 = arith.constant 2 : i32
    %swap3A_398 = arith.index_cast %swap3A_397 : i32 to index
    %swap3A_399 = arith.constant 32 : index
    %swap3A_400 = tpu.vector_load %arg10[%swap3A_398, %swap3A_399] {strides = array<i32>} : memref<5x128xi32, #tpu.memory_space<vmem>>, vector<16xi32>,
    tpu.vector_store %arg10[%swap3A_398, %swap3A_399], %add3A_396 {strides = array<i32>} : memref<5x128xi32, #tpu.memory_space<vmem>>, vector<16xi32>,
    %mul3A_401 = arith.constant 10240 : i32
    %mul3A_402 = arith.muli %arg0, %mul3A_401 : i32
    %add3A_403 = arith.addi %mul3A_402, %mul3A_0 : i32
    %add3A_404 = arith.constant 256 : i32
    %add3A_405 = arith.addi %add3A_403, %add3A_404 : i32
    %add3A_406 = arith.constant 48 : i32
    %add3A_407 = arith.addi %add3A_405, %add3A_406 : i32
    %add3A_408 = vector.broadcast %add3A_407 : i32 to vector<16xi32>
    %add3A_409 = arith.addi %iota3A, %add3A_408 : vector<16xi32>
    %swap3A_410 = arith.constant 2 : i32
    %swap3A_411 = arith.index_cast %swap3A_410 : i32 to index
    %swap3A_412 = arith.constant 48 : index
    %swap3A_413 = tpu.vector_load %arg10[%swap3A_411, %swap3A_412] {strides = array<i32>} : memref<5x128xi32, #tpu.memory_space<vmem>>, vector<16xi32>,
    tpu.vector_store %arg10[%swap3A_411, %swap3A_412], %add3A_409 {strides = array<i32>} : memref<5x128xi32, #tpu.memory_space<vmem>>, vector<16xi32>,
    %mul3A_414 = arith.constant 10240 : i32
    %mul3A_415 = arith.muli %arg0, %mul3A_414 : i32
    %add3A_416 = arith.addi %mul3A_415, %mul3A_0 : i32
    %add3A_417 = arith.constant 256 : i32
    %add3A_418 = arith.addi %add3A_416, %add3A_417 : i32
    %add3A_419 = arith.constant 64 : i32
    %add3A_420 = arith.addi %add3A_418, %add3A_419 : i32
    %add3A_421 = vector.broadcast %add3A_420 : i32 to vector<16xi32>
    %add3A_422 = arith.addi %iota3A, %add3A_421 : vector<16xi32>
    %swap3A_423 = arith.constant 2 : i32
    %swap3A_424 = arith.index_cast %swap3A_423 : i32 to index
    %swap3A_425 = arith.constant 64 : index
    %swap3A_426 = tpu.vector_load %arg10[%swap3A_424, %swap3A_425] {strides = array<i32>} : memref<5x128xi32, #tpu.memory_space<vmem>>, vector<16xi32>,
    tpu.vector_store %arg10[%swap3A_424, %swap3A_425], %add3A_422 {strides = array<i32>} : memref<5x128xi32, #tpu.memory_space<vmem>>, vector<16xi32>,
    %mul3A_427 = arith.constant 10240 : i32
    %mul3A_428 = arith.muli %arg0, %mul3A_427 : i32
    %add3A_429 = arith.addi %mul3A_428, %mul3A_0 : i32
    %add3A_430 = arith.constant 256 : i32
    %add3A_431 = arith.addi %add3A_429, %add3A_430 : i32
    %add3A_432 = arith.constant 80 : i32
    %add3A_433 = arith.addi %add3A_431, %add3A_432 : i32
    %add3A_434 = vector.broadcast %add3A_433 : i32 to vector<16xi32>
    %add3A_435 = arith.addi %iota3A, %add3A_434 : vector<16xi32>
    %swap3A_436 = arith.constant 2 : i32
    %swap3A_437 = arith.index_cast %swap3A_436 : i32 to index
    %swap3A_438 = arith.constant 80 : index
    %swap3A_439 = tpu.vector_load %arg10[%swap3A_437, %swap3A_438] {strides = array<i32>} : memref<5x128xi32, #tpu.memory_space<vmem>>, vector<16xi32>,
    tpu.vector_store %arg10[%swap3A_437, %swap3A_438], %add3A_435 {strides = array<i32>} : memref<5x128xi32, #tpu.memory_space<vmem>>, vector<16xi32>,
    %mul3A_440 = arith.constant 10240 : i32
    %mul3A_441 = arith.muli %arg0, %mul3A_440 : i32
    %add3A_442 = arith.addi %mul3A_441, %mul3A_0 : i32
    %add3A_443 = arith.constant 256 : i32
    %add3A_444 = arith.addi %add3A_442, %add3A_443 : i32
    %add3A_445 = arith.constant 96 : i32
    %add3A_446 = arith.addi %add3A_444, %add3A_445 : i32
    %add3A_447 = vector.broadcast %add3A_446 : i32 to vector<16xi32>
    %add3A_448 = arith.addi %iota3A, %add3A_447 : vector<16xi32>
    %swap3A_449 = arith.constant 2 : i32
    %swap3A_450 = arith.index_cast %swap3A_449 : i32 to index
    %swap3A_451 = arith.constant 96 : index
    %swap3A_452 = tpu.vector_load %arg10[%swap3A_450, %swap3A_451] {strides = array<i32>} : memref<5x128xi32, #tpu.memory_space<vmem>>, vector<16xi32>,
    tpu.vector_store %arg10[%swap3A_450, %swap3A_451], %add3A_448 {strides = array<i32>} : memref<5x128xi32, #tpu.memory_space<vmem>>, vector<16xi32>,
    %mul3A_453 = arith.constant 10240 : i32
    %mul3A_454 = arith.muli %arg0, %mul3A_453 : i32
    %add3A_455 = arith.addi %mul3A_454, %mul3A_0 : i32
    %add3A_456 = arith.constant 256 : i32
    %add3A_457 = arith.addi %add3A_455, %add3A_456 : i32
    %add3A_458 = arith.constant 112 : i32
    %add3A_459 = arith.addi %add3A_457, %add3A_458 : i32
    %add3A_460 = vector.broadcast %add3A_459 : i32 to vector<16xi32>
    %add3A_461 = arith.addi %iota3A, %add3A_460 : vector<16xi32>
    %swap3A_462 = arith.constant 2 : i32
    %swap3A_463 = arith.index_cast %swap3A_462 : i32 to index
    %swap3A_464 = arith.constant 112 : index
    %swap3A_465 = tpu.vector_load %arg10[%swap3A_463, %swap3A_464] {strides = array<i32>} : memref<5x128xi32, #tpu.memory_space<vmem>>, vector<16xi32>,
    tpu.vector_store %arg10[%swap3A_463, %swap3A_464], %add3A_461 {strides = array<i32>} : memref<5x128xi32, #tpu.memory_space<vmem>>, vector<16xi32>,
    %mul3A_466 = arith.constant 10240 : i32
    %mul3A_467 = arith.muli %arg0, %mul3A_466 : i32
    %add3A_468 = arith.addi %mul3A_467, %mul3A_0 : i32
    %add3A_469 = arith.constant 384 : i32
    %add3A_470 = arith.addi %add3A_468, %add3A_469 : i32
    %add3A_471 = arith.constant 0 : i32
    %add3A_472 = arith.addi %add3A_470, %add3A_471 : i32
    %add3A_473 = vector.broadcast %add3A_472 : i32 to vector<16xi32>
    %add3A_474 = arith.addi %iota3A, %add3A_473 : vector<16xi32>
    %swap3A_475 = arith.constant 3 : i32
    %swap3A_476 = arith.index_cast %swap3A_475 : i32 to index
    %swap3A_477 = arith.constant 0 : index
    %swap3A_478 = tpu.vector_load %arg10[%swap3A_476, %swap3A_477] {strides = array<i32>} : memref<5x128xi32, #tpu.memory_space<vmem>>, vector<16xi32>,
    tpu.vector_store %arg10[%swap3A_476, %swap3A_477], %add3A_474 {strides = array<i32>} : memref<5x128xi32, #tpu.memory_space<vmem>>, vector<16xi32>,
    %mul3A_479 = arith.constant 10240 : i32
    %mul3A_480 = arith.muli %arg0, %mul3A_479 : i32
    %add3A_481 = arith.addi %mul3A_480, %mul3A_0 : i32
    %add3A_482 = arith.constant 384 : i32
    %add3A_483 = arith.addi %add3A_481, %add3A_482 : i32
    %add3A_484 = arith.constant 16 : i32
    %add3A_485 = arith.addi %add3A_483, %add3A_484 : i32
    %add3A_486 = vector.broadcast %add3A_485 : i32 to vector<16xi32>
    %add3A_487 = arith.addi %iota3A, %add3A_486 : vector<16xi32>
    %swap3A_488 = arith.constant 3 : i32
    %swap3A_489 = arith.index_cast %swap3A_488 : i32 to index
    %swap3A_490 = arith.constant 16 : index
    %swap3A_491 = tpu.vector_load %arg10[%swap3A_489, %swap3A_490] {strides = array<i32>} : memref<5x128xi32, #tpu.memory_space<vmem>>, vector<16xi32>,
    tpu.vector_store %arg10[%swap3A_489, %swap3A_490], %add3A_487 {strides = array<i32>} : memref<5x128xi32, #tpu.memory_space<vmem>>, vector<16xi32>,
    %mul3A_492 = arith.constant 10240 : i32
    %mul3A_493 = arith.muli %arg0, %mul3A_492 : i32
    %add3A_494 = arith.addi %mul3A_493, %mul3A_0 : i32
    %add3A_495 = arith.constant 384 : i32
    %add3A_496 = arith.addi %add3A_494, %add3A_495 : i32
    %add3A_497 = arith.constant 32 : i32
    %add3A_498 = arith.addi %add3A_496, %add3A_497 : i32
    %add3A_499 = vector.broadcast %add3A_498 : i32 to vector<16xi32>
    %add3A_500 = arith.addi %iota3A, %add3A_499 : vector<16xi32>
    %swap3A_501 = arith.constant 3 : i32
    %swap3A_502 = arith.index_cast %swap3A_501 : i32 to index
    %swap3A_503 = arith.constant 32 : index
    %swap3A_504 = tpu.vector_load %arg10[%swap3A_502, %swap3A_503] {strides = array<i32>} : memref<5x128xi32, #tpu.memory_space<vmem>>, vector<16xi32>,
    tpu.vector_store %arg10[%swap3A_502, %swap3A_503], %add3A_500 {strides = array<i32>} : memref<5x128xi32, #tpu.memory_space<vmem>>, vector<16xi32>,
    %mul3A_505 = arith.constant 10240 : i32
    %mul3A_506 = arith.muli %arg0, %mul3A_505 : i32
    %add3A_507 = arith.addi %mul3A_506, %mul3A_0 : i32
    %add3A_508 = arith.constant 384 : i32
    %add3A_509 = arith.addi %add3A_507, %add3A_508 : i32
    %add3A_510 = arith.constant 48 : i32
    %add3A_511 = arith.addi %add3A_509, %add3A_510 : i32
    %add3A_512 = vector.broadcast %add3A_511 : i32 to vector<16xi32>
    %add3A_513 = arith.addi %iota3A, %add3A_512 : vector<16xi32>
    %swap3A_514 = arith.constant 3 : i32
    %swap3A_515 = arith.index_cast %swap3A_514 : i32 to index
    %swap3A_516 = arith.constant 48 : index
    %swap3A_517 = tpu.vector_load %arg10[%swap3A_515, %swap3A_516] {strides = array<i32>} : memref<5x128xi32, #tpu.memory_space<vmem>>, vector<16xi32>,
    tpu.vector_store %arg10[%swap3A_515, %swap3A_516], %add3A_513 {strides = array<i32>} : memref<5x128xi32, #tpu.memory_space<vmem>>, vector<16xi32>,
    %mul3A_518 = arith.constant 10240 : i32
    %mul3A_519 = arith.muli %arg0, %mul3A_518 : i32
    %add3A_520 = arith.addi %mul3A_519, %mul3A_0 : i32
    %add3A_521 = arith.constant 384 : i32
    %add3A_522 = arith.addi %add3A_520, %add3A_521 : i32
    %add3A_523 = arith.constant 64 : i32
    %add3A_524 = arith.addi %add3A_522, %add3A_523 : i32
    %add3A_525 = vector.broadcast %add3A_524 : i32 to vector<16xi32>
    %add3A_526 = arith.addi %iota3A, %add3A_525 : vector<16xi32>
    %swap3A_527 = arith.constant 3 : i32
    %swap3A_528 = arith.index_cast %swap3A_527 : i32 to index
    %swap3A_529 = arith.constant 64 : index
    %swap3A_530 = tpu.vector_load %arg10[%swap3A_528, %swap3A_529] {strides = array<i32>} : memref<5x128xi32, #tpu.memory_space<vmem>>, vector<16xi32>,
    tpu.vector_store %arg10[%swap3A_528, %swap3A_529], %add3A_526 {strides = array<i32>} : memref<5x128xi32, #tpu.memory_space<vmem>>, vector<16xi32>,
    %mul3A_531 = arith.constant 10240 : i32
    %mul3A_532 = arith.muli %arg0, %mul3A_531 : i32
    %add3A_533 = arith.addi %mul3A_532, %mul3A_0 : i32
    %add3A_534 = arith.constant 384 : i32
    %add3A_535 = arith.addi %add3A_533, %add3A_534 : i32
    %add3A_536 = arith.constant 80 : i32
    %add3A_537 = arith.addi %add3A_535, %add3A_536 : i32
    %add3A_538 = vector.broadcast %add3A_537 : i32 to vector<16xi32>
    %add3A_539 = arith.addi %iota3A, %add3A_538 : vector<16xi32>
    %swap3A_540 = arith.constant 3 : i32
    %swap3A_541 = arith.index_cast %swap3A_540 : i32 to index
    %swap3A_542 = arith.constant 80 : index
    %swap3A_543 = tpu.vector_load %arg10[%swap3A_541, %swap3A_542] {strides = array<i32>} : memref<5x128xi32, #tpu.memory_space<vmem>>, vector<16xi32>,
    tpu.vector_store %arg10[%swap3A_541, %swap3A_542], %add3A_539 {strides = array<i32>} : memref<5x128xi32, #tpu.memory_space<vmem>>, vector<16xi32>,
    %mul3A_544 = arith.constant 10240 : i32
    %mul3A_545 = arith.muli %arg0, %mul3A_544 : i32
    %add3A_546 = arith.addi %mul3A_545, %mul3A_0 : i32
    %add3A_547 = arith.constant 384 : i32
    %add3A_548 = arith.addi %add3A_546, %add3A_547 : i32
    %add3A_549 = arith.constant 96 : i32
    %add3A_550 = arith.addi %add3A_548, %add3A_549 : i32
    %add3A_551 = vector.broadcast %add3A_550 : i32 to vector<16xi32>
    %add3A_552 = arith.addi %iota3A, %add3A_551 : vector<16xi32>
    %swap3A_553 = arith.constant 3 : i32
    %swap3A_554 = arith.index_cast %swap3A_553 : i32 to index
    %swap3A_555 = arith.constant 96 : index
    %swap3A_556 = tpu.vector_load %arg10[%swap3A_554, %swap3A_555] {strides = array<i32>} : memref<5x128xi32, #tpu.memory_space<vmem>>, vector<16xi32>,
    tpu.vector_store %arg10[%swap3A_554, %swap3A_555], %add3A_552 {strides = array<i32>} : memref<5x128xi32, #tpu.memory_space<vmem>>, vector<16xi32>,
    %mul3A_557 = arith.constant 10240 : i32
    %mul3A_558 = arith.muli %arg0, %mul3A_557 : i32
    %add3A_559 = arith.addi %mul3A_558, %mul3A_0 : i32
    %add3A_560 = arith.constant 384 : i32
    %add3A_561 = arith.addi %add3A_559, %add3A_560 : i32
    %add3A_562 = arith.constant 112 : i32
    %add3A_563 = arith.addi %add3A_561, %add3A_562 : i32
    %add3A_564 = vector.broadcast %add3A_563 : i32 to vector<16xi32>
    %add3A_565 = arith.addi %iota3A, %add3A_564 : vector<16xi32>
    %swap3A_566 = arith.constant 3 : i32
    %swap3A_567 = arith.index_cast %swap3A_566 : i32 to index
    %swap3A_568 = arith.constant 112 : index
    %swap3A_569 = tpu.vector_load %arg10[%swap3A_567, %swap3A_568] {strides = array<i32>} : memref<5x128xi32, #tpu.memory_space<vmem>>, vector<16xi32>,
    tpu.vector_store %arg10[%swap3A_567, %swap3A_568], %add3A_565 {strides = array<i32>} : memref<5x128xi32, #tpu.memory_space<vmem>>, vector<16xi32>,
    %mul3A_570 = arith.constant 10240 : i32
    %mul3A_571 = arith.muli %arg0, %mul3A_570 : i32
    %add3A_572 = arith.addi %mul3A_571, %mul3A_0 : i32
    %add3A_573 = arith.constant 512 : i32
    %add3A_574 = arith.addi %add3A_572, %add3A_573 : i32
    %add3A_575 = arith.constant 0 : i32
    %add3A_576 = arith.addi %add3A_574, %add3A_575 : i32
    %add3A_577 = vector.broadcast %add3A_576 : i32 to vector<16xi32>
    %add3A_578 = arith.addi %iota3A, %add3A_577 : vector<16xi32>
    %swap3A_579 = arith.constant 4 : i32
    %swap3A_580 = arith.index_cast %swap3A_579 : i32 to index
    %swap3A_581 = arith.constant 0 : index
    %swap3A_582 = tpu.vector_load %arg10[%swap3A_580, %swap3A_581] {strides = array<i32>} : memref<5x128xi32, #tpu.memory_space<vmem>>, vector<16xi32>,
    tpu.vector_store %arg10[%swap3A_580, %swap3A_581], %add3A_578 {strides = array<i32>} : memref<5x128xi32, #tpu.memory_space<vmem>>, vector<16xi32>,
    %mul3A_583 = arith.constant 10240 : i32
    %mul3A_584 = arith.muli %arg0, %mul3A_583 : i32
    %add3A_585 = arith.addi %mul3A_584, %mul3A_0 : i32
    %add3A_586 = arith.constant 512 : i32
    %add3A_587 = arith.addi %add3A_585, %add3A_586 : i32
    %add3A_588 = arith.constant 16 : i32
    %add3A_589 = arith.addi %add3A_587, %add3A_588 : i32
    %add3A_590 = vector.broadcast %add3A_589 : i32 to vector<16xi32>
    %add3A_591 = arith.addi %iota3A, %add3A_590 : vector<16xi32>
    %swap3A_592 = arith.constant 4 : i32
    %swap3A_593 = arith.index_cast %swap3A_592 : i32 to index
    %swap3A_594 = arith.constant 16 : index
    %swap3A_595 = tpu.vector_load %arg10[%swap3A_593, %swap3A_594] {strides = array<i32>} : memref<5x128xi32, #tpu.memory_space<vmem>>, vector<16xi32>,
    tpu.vector_store %arg10[%swap3A_593, %swap3A_594], %add3A_591 {strides = array<i32>} : memref<5x128xi32, #tpu.memory_space<vmem>>, vector<16xi32>,
    %mul3A_596 = arith.constant 10240 : i32
    %mul3A_597 = arith.muli %arg0, %mul3A_596 : i32
    %add3A_598 = arith.addi %mul3A_597, %mul3A_0 : i32
    %add3A_599 = arith.constant 512 : i32
    %add3A_600 = arith.addi %add3A_598, %add3A_599 : i32
    %add3A_601 = arith.constant 32 : i32
    %add3A_602 = arith.addi %add3A_600, %add3A_601 : i32
    %add3A_603 = vector.broadcast %add3A_602 : i32 to vector<16xi32>
    %add3A_604 = arith.addi %iota3A, %add3A_603 : vector<16xi32>
    %swap3A_605 = arith.constant 4 : i32
    %swap3A_606 = arith.index_cast %swap3A_605 : i32 to index
    %swap3A_607 = arith.constant 32 : index
    %swap3A_608 = tpu.vector_load %arg10[%swap3A_606, %swap3A_607] {strides = array<i32>} : memref<5x128xi32, #tpu.memory_space<vmem>>, vector<16xi32>,
    tpu.vector_store %arg10[%swap3A_606, %swap3A_607], %add3A_604 {strides = array<i32>} : memref<5x128xi32, #tpu.memory_space<vmem>>, vector<16xi32>,
    %mul3A_609 = arith.constant 10240 : i32
    %mul3A_610 = arith.muli %arg0, %mul3A_609 : i32
    %add3A_611 = arith.addi %mul3A_610, %mul3A_0 : i32
    %add3A_612 = arith.constant 512 : i32
    %add3A_613 = arith.addi %add3A_611, %add3A_612 : i32
    %add3A_614 = arith.constant 48 : i32
    %add3A_615 = arith.addi %add3A_613, %add3A_614 : i32
    %add3A_616 = vector.broadcast %add3A_615 : i32 to vector<16xi32>
    %add3A_617 = arith.addi %iota3A, %add3A_616 : vector<16xi32>
    %swap3A_618 = arith.constant 4 : i32
    %swap3A_619 = arith.index_cast %swap3A_618 : i32 to index
    %swap3A_620 = arith.constant 48 : index
    %swap3A_621 = tpu.vector_load %arg10[%swap3A_619, %swap3A_620] {strides = array<i32>} : memref<5x128xi32, #tpu.memory_space<vmem>>, vector<16xi32>,
    tpu.vector_store %arg10[%swap3A_619, %swap3A_620], %add3A_617 {strides = array<i32>} : memref<5x128xi32, #tpu.memory_space<vmem>>, vector<16xi32>,
    %mul3A_622 = arith.constant 10240 : i32
    %mul3A_623 = arith.muli %arg0, %mul3A_622 : i32
    %add3A_624 = arith.addi %mul3A_623, %mul3A_0 : i32
    %add3A_625 = arith.constant 512 : i32
    %add3A_626 = arith.addi %add3A_624, %add3A_625 : i32
    %add3A_627 = arith.constant 64 : i32
    %add3A_628 = arith.addi %add3A_626, %add3A_627 : i32
    %add3A_629 = vector.broadcast %add3A_628 : i32 to vector<16xi32>
    %add3A_630 = arith.addi %iota3A, %add3A_629 : vector<16xi32>
    %swap3A_631 = arith.constant 4 : i32
    %swap3A_632 = arith.index_cast %swap3A_631 : i32 to index
    %swap3A_633 = arith.constant 64 : index
    %swap3A_634 = tpu.vector_load %arg10[%swap3A_632, %swap3A_633] {strides = array<i32>} : memref<5x128xi32, #tpu.memory_space<vmem>>, vector<16xi32>,
    tpu.vector_store %arg10[%swap3A_632, %swap3A_633], %add3A_630 {strides = array<i32>} : memref<5x128xi32, #tpu.memory_space<vmem>>, vector<16xi32>,
    %mul3A_635 = arith.constant 10240 : i32
    %mul3A_636 = arith.muli %arg0, %mul3A_635 : i32
    %add3A_637 = arith.addi %mul3A_636, %mul3A_0 : i32
    %add3A_638 = arith.constant 512 : i32
    %add3A_639 = arith.addi %add3A_637, %add3A_638 : i32
    %add3A_640 = arith.constant 80 : i32
    %add3A_641 = arith.addi %add3A_639, %add3A_640 : i32
    %add3A_642 = vector.broadcast %add3A_641 : i32 to vector<16xi32>
    %add3A_643 = arith.addi %iota3A, %add3A_642 : vector<16xi32>
    %swap3A_644 = arith.constant 4 : i32
    %swap3A_645 = arith.index_cast %swap3A_644 : i32 to index
    %swap3A_646 = arith.constant 80 : index
    %swap3A_647 = tpu.vector_load %arg10[%swap3A_645, %swap3A_646] {strides = array<i32>} : memref<5x128xi32, #tpu.memory_space<vmem>>, vector<16xi32>,
    tpu.vector_store %arg10[%swap3A_645, %swap3A_646], %add3A_643 {strides = array<i32>} : memref<5x128xi32, #tpu.memory_space<vmem>>, vector<16xi32>,
    %mul3A_648 = arith.constant 10240 : i32
    %mul3A_649 = arith.muli %arg0, %mul3A_648 : i32
    %add3A_650 = arith.addi %mul3A_649, %mul3A_0 : i32
    %add3A_651 = arith.constant 512 : i32
    %add3A_652 = arith.addi %add3A_650, %add3A_651 : i32
    %add3A_653 = arith.constant 96 : i32
    %add3A_654 = arith.addi %add3A_652, %add3A_653 : i32
    %add3A_655 = vector.broadcast %add3A_654 : i32 to vector<16xi32>
    %add3A_656 = arith.addi %iota3A, %add3A_655 : vector<16xi32>
    %swap3A_657 = arith.constant 4 : i32
    %swap3A_658 = arith.index_cast %swap3A_657 : i32 to index
    %swap3A_659 = arith.constant 96 : index
    %swap3A_660 = tpu.vector_load %arg10[%swap3A_658, %swap3A_659] {strides = array<i32>} : memref<5x128xi32, #tpu.memory_space<vmem>>, vector<16xi32>,
    tpu.vector_store %arg10[%swap3A_658, %swap3A_659], %add3A_656 {strides = array<i32>} : memref<5x128xi32, #tpu.memory_space<vmem>>, vector<16xi32>,
    %mul3A_661 = arith.constant 10240 : i32
    %mul3A_662 = arith.muli %arg0, %mul3A_661 : i32
    %add3A_663 = arith.addi %mul3A_662, %mul3A_0 : i32
    %add3A_664 = arith.constant 512 : i32
    %add3A_665 = arith.addi %add3A_663, %add3A_664 : i32
    %add3A_666 = arith.constant 112 : i32
    %add3A_667 = arith.addi %add3A_665, %add3A_666 : i32
    %add3A_668 = vector.broadcast %add3A_667 : i32 to vector<16xi32>
    %add3A_669 = arith.addi %iota3A, %add3A_668 : vector<16xi32>
    %swap3A_670 = arith.constant 4 : i32
    %swap3A_671 = arith.index_cast %swap3A_670 : i32 to index
    %swap3A_672 = arith.constant 112 : index
    %swap3A_673 = tpu.vector_load %arg10[%swap3A_671, %swap3A_672] {strides = array<i32>} : memref<5x128xi32, #tpu.memory_space<vmem>>, vector<16xi32>,
    tpu.vector_store %arg10[%swap3A_671, %swap3A_672], %add3A_669 {strides = array<i32>} : memref<5x128xi32, #tpu.memory_space<vmem>>, vector<16xi32>,
    %dma_start3A_674 = arith.constant 0 : i32
    %dma_start3A_675 = arith.constant 0 : i32
    %dma_start3A_676 = arith.constant 0 : i32
    %dma_start3A_677 = arith.constant 0 : i32
    %dma_start3A_678 = tpu.memref_slice %arg12[%dma_start3A_675, %dma_start3A_676, %dma_start3A_677] : memref<4x128x64xbf16, #tpu.memory_space<vmem>> -> memref<1x128x64xbf16, #tpu.memory_space<vmem>>
    %dma_start3A_679 = tpu.memref_squeeze %dma_start3A_678 : memref<1x128x64xbf16, #tpu.memory_space<vmem>> -> memref<128x64xbf16, #tpu.memory_space<vmem>>
    %dma_start3A_680 = arith.constant 0 : i32
    %dma_start3A_681 = tpu.memref_slice %arg10[%dma_start3A_674, %dma_start3A_680] : memref<5x128xi32, #tpu.memory_space<vmem>> -> memref<1x128xi32, #tpu.memory_space<vmem>>
    %dma_start3A_682 = tpu.memref_squeeze %dma_start3A_681 : memref<1x128xi32, #tpu.memory_space<vmem>> -> memref<128xi32, #tpu.memory_space<vmem>>
    %dma_start3A_683 = arith.constant 0 : i32
    %dma_start3A_684 = arith.constant 0 : i32
    %dma_start3A_685 = tpu.memref_slice %arg2[%dma_start3A_683, %dma_start3A_684] : memref<20480x64xbf16, #tpu.memory_space<hbm>> -> memref<20480x64xbf16, #tpu.memory_space<hbm>>
    tpu.enqueue_indirect_dma source(%dma_start3A_685 : memref<20480x64xbf16, #tpu.memory_space<hbm>>) target(%dma_start3A_679 : memref<128x64xbf16, #tpu.memory_space<vmem>>) offsets(%dma_start3A_682 : memref<128xi32, #tpu.memory_space<vmem>>) semaphore(%arg16 : memref<!tpu.dma_semaphore, #tpu.memory_space<semaphore_mem>>)
    %dma_start3A_686 = arith.constant 1 : i32
    %dma_start3A_687 = arith.constant 1 : i32
    %dma_start3A_688 = arith.constant 0 : i32
    %dma_start3A_689 = arith.constant 0 : i32
    %dma_start3A_690 = tpu.memref_slice %arg12[%dma_start3A_687, %dma_start3A_688, %dma_start3A_689] : memref<4x128x64xbf16, #tpu.memory_space<vmem>> -> memref<1x128x64xbf16, #tpu.memory_space<vmem>>
    %dma_start3A_691 = tpu.memref_squeeze %dma_start3A_690 : memref<1x128x64xbf16, #tpu.memory_space<vmem>> -> memref<128x64xbf16, #tpu.memory_space<vmem>>
    %dma_start3A_692 = arith.constant 0 : i32
    %dma_start3A_693 = tpu.memref_slice %arg10[%dma_start3A_686, %dma_start3A_692] : memref<5x128xi32, #tpu.memory_space<vmem>> -> memref<1x128xi32, #tpu.memory_space<vmem>>
    %dma_start3A_694 = tpu.memref_squeeze %dma_start3A_693 : memref<1x128xi32, #tpu.memory_space<vmem>> -> memref<128xi32, #tpu.memory_space<vmem>>
    %dma_start3A_695 = arith.constant 0 : i32
    %dma_start3A_696 = arith.constant 0 : i32
    %dma_start3A_697 = tpu.memref_slice %arg2[%dma_start3A_695, %dma_start3A_696] : memref<20480x64xbf16, #tpu.memory_space<hbm>> -> memref<20480x64xbf16, #tpu.memory_space<hbm>>
    tpu.enqueue_indirect_dma source(%dma_start3A_697 : memref<20480x64xbf16, #tpu.memory_space<hbm>>) target(%dma_start3A_691 : memref<128x64xbf16, #tpu.memory_space<vmem>>) offsets(%dma_start3A_694 : memref<128xi32, #tpu.memory_space<vmem>>) semaphore(%arg17 : memref<!tpu.dma_semaphore, #tpu.memory_space<semaphore_mem>>)
    %dma_wait3A = arith.constant 0 : i32
    %dma_wait3A_698 = arith.constant 0 : i32
    %dma_wait3A_699 = arith.constant 0 : i32
    %dma_wait3A_700 = arith.constant 0 : i32
    %dma_wait3A_701 = tpu.memref_slice %arg12[%dma_wait3A_698, %dma_wait3A_699, %dma_wait3A_700] : memref<4x128x64xbf16, #tpu.memory_space<vmem>> -> memref<1x128x64xbf16, #tpu.memory_space<vmem>>
    %dma_wait3A_702 = tpu.memref_squeeze %dma_wait3A_701 : memref<1x128x64xbf16, #tpu.memory_space<vmem>> -> memref<128x64xbf16, #tpu.memory_space<vmem>>
    %dma_wait3A_703 = arith.constant 0 : i32
    %dma_wait3A_704 = tpu.memref_slice %arg10[%dma_wait3A, %dma_wait3A_703] : memref<5x128xi32, #tpu.memory_space<vmem>> -> memref<1x128xi32, #tpu.memory_space<vmem>>
    %dma_wait3A_705 = tpu.memref_squeeze %dma_wait3A_704 : memref<1x128xi32, #tpu.memory_space<vmem>> -> memref<128xi32, #tpu.memory_space<vmem>>
    %dma_wait3A_706 = arith.constant 0 : i32
    %dma_wait3A_707 = arith.constant 0 : i32
    %dma_wait3A_708 = tpu.memref_slice %arg2[%dma_wait3A_706, %dma_wait3A_707] : memref<20480x64xbf16, #tpu.memory_space<hbm>> -> memref<20480x64xbf16, #tpu.memory_space<hbm>>
    tpu.wait_indirect_dma semaphore(%arg16 : memref<!tpu.dma_semaphore, #tpu.memory_space<semaphore_mem>>) src(%dma_wait3A_708 : memref<20480x64xbf16, #tpu.memory_space<hbm>>) dst(%dma_wait3A_702 : memref<128x64xbf16, #tpu.memory_space<vmem>>)
    %add3A_709 = arith.constant 0 : i32
    %add3A_710 = arith.addi %mul3A_0, %add3A_709 : i32
    %run_scoped3A = arith.constant 0 : i32
    "tpu.region"() ({
      %run_scoped3A_955 = tpu.sem_alloc : memref<!tpu.dma_semaphore, #tpu.memory_space<semaphore_mem>>
      %dma_start3A_956 = arith.constant 0 : i32
      %dma_start3A_957 = arith.constant 0 : i32
      %dma_start3A_958 = tpu.memref_slice %arg12[%run_scoped3A, %dma_start3A_956, %dma_start3A_957] : memref<4x128x64xbf16, #tpu.memory_space<vmem>> -> memref<1x128x64xbf16, #tpu.memory_space<vmem>>
      %dma_start3A_959 = tpu.memref_squeeze %dma_start3A_958 : memref<1x128x64xbf16, #tpu.memory_space<vmem>> -> memref<128x64xbf16, #tpu.memory_space<vmem>>
      %dma_start3A_960 = arith.constant 0 : i32
      %dma_start3A_961 = tpu.memref_slice %arg14[%add3A_710, %dma_start3A_960] : memref<10240x64xbf16, #tpu.memory_space<vmem_shared>> -> memref<128x64xbf16, #tpu.memory_space<vmem_shared>>
      %dma_start3A_962 = arith.constant 0 : i32
      %dma_start3A_963 = tpu.memref_slice %arg14[%add3A_710, %dma_start3A_962] : memref<10240x64xbf16, #tpu.memory_space<vmem_shared>> -> memref<128x64xbf16, #tpu.memory_space<vmem_shared>>
      %dma_start3A_964 = arith.constant 0 : i32
      %dma_start3A_965 = arith.constant 0 : i32
      %dma_start3A_966 = tpu.memref_slice %arg12[%run_scoped3A, %dma_start3A_964, %dma_start3A_965] : memref<4x128x64xbf16, #tpu.memory_space<vmem>> -> memref<1x128x64xbf16, #tpu.memory_space<vmem>>
      %dma_start3A_967 = tpu.memref_squeeze %dma_start3A_966 : memref<1x128x64xbf16, #tpu.memory_space<vmem>> -> memref<128x64xbf16, #tpu.memory_space<vmem>>
      tpu.enqueue_dma source(%dma_start3A_967 : memref<128x64xbf16, #tpu.memory_space<vmem>>) target(%dma_start3A_963 : memref<128x64xbf16, #tpu.memory_space<vmem_shared>>) target_semaphore(%run_scoped3A_955 : memref<!tpu.dma_semaphore, #tpu.memory_space<semaphore_mem>>)
      %dma_wait3A_968 = arith.constant 0 : i32
      %dma_wait3A_969 = arith.constant 0 : i32
      %dma_wait3A_970 = tpu.memref_slice %arg12[%run_scoped3A, %dma_wait3A_968, %dma_wait3A_969] : memref<4x128x64xbf16, #tpu.memory_space<vmem>> -> memref<1x128x64xbf16, #tpu.memory_space<vmem>>
      %dma_wait3A_971 = tpu.memref_squeeze %dma_wait3A_970 : memref<1x128x64xbf16, #tpu.memory_space<vmem>> -> memref<128x64xbf16, #tpu.memory_space<vmem>>
      %dma_wait3A_972 = arith.constant 0 : i32
      %dma_wait3A_973 = tpu.memref_slice %arg14[%add3A_710, %dma_wait3A_972] : memref<10240x64xbf16, #tpu.memory_space<vmem_shared>> -> memref<128x64xbf16, #tpu.memory_space<vmem_shared>>
      %dma_wait3A_974 = arith.constant 0 : i32
      %dma_wait3A_975 = tpu.memref_slice %arg14[%add3A_710, %dma_wait3A_974] : memref<10240x64xbf16, #tpu.memory_space<vmem_shared>> -> memref<128x64xbf16, #tpu.memory_space<vmem_shared>>
      %dma_wait3A_976 = arith.constant 0 : i32
      %dma_wait3A_977 = arith.constant 0 : i32
      %dma_wait3A_978 = tpu.memref_slice %arg12[%run_scoped3A, %dma_wait3A_976, %dma_wait3A_977] : memref<4x128x64xbf16, #tpu.memory_space<vmem>> -> memref<1x128x64xbf16, #tpu.memory_space<vmem>>
      %dma_wait3A_979 = tpu.memref_squeeze %dma_wait3A_978 : memref<1x128x64xbf16, #tpu.memory_space<vmem>> -> memref<128x64xbf16, #tpu.memory_space<vmem>>
      tpu.wait_dma2 semaphore(%run_scoped3A_955 : memref<!tpu.dma_semaphore, #tpu.memory_space<semaphore_mem>>) src(%dma_wait3A_979 : memref<128x64xbf16, #tpu.memory_space<vmem>>) dst(%dma_wait3A_975 : memref<128x64xbf16, #tpu.memory_space<vmem_shared>>)
      tpu.yield
    }) : () -> ()
    %dma_start3A_711 = arith.constant 2 : i32
    %dma_start3A_712 = arith.constant 0 : i32
    %dma_start3A_713 = arith.constant 0 : i32
    %dma_start3A_714 = arith.constant 0 : i32
    %dma_start3A_715 = tpu.memref_slice %arg12[%dma_start3A_712, %dma_start3A_713, %dma_start3A_714] : memref<4x128x64xbf16, #tpu.memory_space<vmem>> -> memref<1x128x64xbf16, #tpu.memory_space<vmem>>
    %dma_start3A_716 = tpu.memref_squeeze %dma_start3A_715 : memref<1x128x64xbf16, #tpu.memory_space<vmem>> -> memref<128x64xbf16, #tpu.memory_space<vmem>>
    %dma_start3A_717 = arith.constant 0 : i32
    %dma_start3A_718 = tpu.memref_slice %arg10[%dma_start3A_711, %dma_start3A_717] : memref<5x128xi32, #tpu.memory_space<vmem>> -> memref<1x128xi32, #tpu.memory_space<vmem>>
    %dma_start3A_719 = tpu.memref_squeeze %dma_start3A_718 : memref<1x128xi32, #tpu.memory_space<vmem>> -> memref<128xi32, #tpu.memory_space<vmem>>
    %dma_start3A_720 = arith.constant 0 : i32
    %dma_start3A_721 = arith.constant 0 : i32
    %dma_start3A_722 = tpu.memref_slice %arg2[%dma_start3A_720, %dma_start3A_721] : memref<20480x64xbf16, #tpu.memory_space<hbm>> -> memref<20480x64xbf16, #tpu.memory_space<hbm>>
    tpu.enqueue_indirect_dma source(%dma_start3A_722 : memref<20480x64xbf16, #tpu.memory_space<hbm>>) target(%dma_start3A_716 : memref<128x64xbf16, #tpu.memory_space<vmem>>) offsets(%dma_start3A_719 : memref<128xi32, #tpu.memory_space<vmem>>) semaphore(%arg16 : memref<!tpu.dma_semaphore, #tpu.memory_space<semaphore_mem>>)
    %dma_wait3A_723 = arith.constant 1 : i32
    %dma_wait3A_724 = arith.constant 1 : i32
    %dma_wait3A_725 = arith.constant 0 : i32
    %dma_wait3A_726 = arith.constant 0 : i32
    %dma_wait3A_727 = tpu.memref_slice %arg12[%dma_wait3A_724, %dma_wait3A_725, %dma_wait3A_726] : memref<4x128x64xbf16, #tpu.memory_space<vmem>> -> memref<1x128x64xbf16, #tpu.memory_space<vmem>>
    %dma_wait3A_728 = tpu.memref_squeeze %dma_wait3A_727 : memref<1x128x64xbf16, #tpu.memory_space<vmem>> -> memref<128x64xbf16, #tpu.memory_space<vmem>>
    %dma_wait3A_729 = arith.constant 0 : i32
    %dma_wait3A_730 = tpu.memref_slice %arg10[%dma_wait3A_723, %dma_wait3A_729] : memref<5x128xi32, #tpu.memory_space<vmem>> -> memref<1x128xi32, #tpu.memory_space<vmem>>
    %dma_wait3A_731 = tpu.memref_squeeze %dma_wait3A_730 : memref<1x128xi32, #tpu.memory_space<vmem>> -> memref<128xi32, #tpu.memory_space<vmem>>
    %dma_wait3A_732 = arith.constant 0 : i32
    %dma_wait3A_733 = arith.constant 0 : i32
    %dma_wait3A_734 = tpu.memref_slice %arg2[%dma_wait3A_732, %dma_wait3A_733] : memref<20480x64xbf16, #tpu.memory_space<hbm>> -> memref<20480x64xbf16, #tpu.memory_space<hbm>>
    tpu.wait_indirect_dma semaphore(%arg17 : memref<!tpu.dma_semaphore, #tpu.memory_space<semaphore_mem>>) src(%dma_wait3A_734 : memref<20480x64xbf16, #tpu.memory_space<hbm>>) dst(%dma_wait3A_728 : memref<128x64xbf16, #tpu.memory_space<vmem>>)
    %add3A_735 = arith.constant 128 : i32
    %add3A_736 = arith.addi %mul3A_0, %add3A_735 : i32
    %run_scoped3A_737 = arith.constant 1 : i32
    "tpu.region"() ({
      %run_scoped3A_955 = tpu.sem_alloc : memref<!tpu.dma_semaphore, #tpu.memory_space<semaphore_mem>>
      %dma_start3A_956 = arith.constant 0 : i32
      %dma_start3A_957 = arith.constant 0 : i32
      %dma_start3A_958 = tpu.memref_slice %arg12[%run_scoped3A_737, %dma_start3A_956, %dma_start3A_957] : memref<4x128x64xbf16, #tpu.memory_space<vmem>> -> memref<1x128x64xbf16, #tpu.memory_space<vmem>>
      %dma_start3A_959 = tpu.memref_squeeze %dma_start3A_958 : memref<1x128x64xbf16, #tpu.memory_space<vmem>> -> memref<128x64xbf16, #tpu.memory_space<vmem>>
      %dma_start3A_960 = arith.constant 0 : i32
      %dma_start3A_961 = tpu.memref_slice %arg14[%add3A_736, %dma_start3A_960] : memref<10240x64xbf16, #tpu.memory_space<vmem_shared>> -> memref<128x64xbf16, #tpu.memory_space<vmem_shared>>
      %dma_start3A_962 = arith.constant 0 : i32
      %dma_start3A_963 = tpu.memref_slice %arg14[%add3A_736, %dma_start3A_962] : memref<10240x64xbf16, #tpu.memory_space<vmem_shared>> -> memref<128x64xbf16, #tpu.memory_space<vmem_shared>>
      %dma_start3A_964 = arith.constant 0 : i32
      %dma_start3A_965 = arith.constant 0 : i32
      %dma_start3A_966 = tpu.memref_slice %arg12[%run_scoped3A_737, %dma_start3A_964, %dma_start3A_965] : memref<4x128x64xbf16, #tpu.memory_space<vmem>> -> memref<1x128x64xbf16, #tpu.memory_space<vmem>>
      %dma_start3A_967 = tpu.memref_squeeze %dma_start3A_966 : memref<1x128x64xbf16, #tpu.memory_space<vmem>> -> memref<128x64xbf16, #tpu.memory_space<vmem>>
      tpu.enqueue_dma source(%dma_start3A_967 : memref<128x64xbf16, #tpu.memory_space<vmem>>) target(%dma_start3A_963 : memref<128x64xbf16, #tpu.memory_space<vmem_shared>>) target_semaphore(%run_scoped3A_955 : memref<!tpu.dma_semaphore, #tpu.memory_space<semaphore_mem>>)
      %dma_wait3A_968 = arith.constant 0 : i32
      %dma_wait3A_969 = arith.constant 0 : i32
      %dma_wait3A_970 = tpu.memref_slice %arg12[%run_scoped3A_737, %dma_wait3A_968, %dma_wait3A_969] : memref<4x128x64xbf16, #tpu.memory_space<vmem>> -> memref<1x128x64xbf16, #tpu.memory_space<vmem>>
      %dma_wait3A_971 = tpu.memref_squeeze %dma_wait3A_970 : memref<1x128x64xbf16, #tpu.memory_space<vmem>> -> memref<128x64xbf16, #tpu.memory_space<vmem>>
      %dma_wait3A_972 = arith.constant 0 : i32
      %dma_wait3A_973 = tpu.memref_slice %arg14[%add3A_736, %dma_wait3A_972] : memref<10240x64xbf16, #tpu.memory_space<vmem_shared>> -> memref<128x64xbf16, #tpu.memory_space<vmem_shared>>
      %dma_wait3A_974 = arith.constant 0 : i32
      %dma_wait3A_975 = tpu.memref_slice %arg14[%add3A_736, %dma_wait3A_974] : memref<10240x64xbf16, #tpu.memory_space<vmem_shared>> -> memref<128x64xbf16, #tpu.memory_space<vmem_shared>>
      %dma_wait3A_976 = arith.constant 0 : i32
      %dma_wait3A_977 = arith.constant 0 : i32
      %dma_wait3A_978 = tpu.memref_slice %arg12[%run_scoped3A_737, %dma_wait3A_976, %dma_wait3A_977] : memref<4x128x64xbf16, #tpu.memory_space<vmem>> -> memref<1x128x64xbf16, #tpu.memory_space<vmem>>
      %dma_wait3A_979 = tpu.memref_squeeze %dma_wait3A_978 : memref<1x128x64xbf16, #tpu.memory_space<vmem>> -> memref<128x64xbf16, #tpu.memory_space<vmem>>
      tpu.wait_dma2 semaphore(%run_scoped3A_955 : memref<!tpu.dma_semaphore, #tpu.memory_space<semaphore_mem>>) src(%dma_wait3A_979 : memref<128x64xbf16, #tpu.memory_space<vmem>>) dst(%dma_wait3A_975 : memref<128x64xbf16, #tpu.memory_space<vmem_shared>>)
      tpu.yield
    }) : () -> ()
    %dma_start3A_738 = arith.constant 3 : i32
    %dma_start3A_739 = arith.constant 1 : i32
    %dma_start3A_740 = arith.constant 0 : i32
    %dma_start3A_741 = arith.constant 0 : i32
    %dma_start3A_742 = tpu.memref_slice %arg12[%dma_start3A_739, %dma_start3A_740, %dma_start3A_741] : memref<4x128x64xbf16, #tpu.memory_space<vmem>> -> memref<1x128x64xbf16, #tpu.memory_space<vmem>>
    %dma_start3A_743 = tpu.memref_squeeze %dma_start3A_742 : memref<1x128x64xbf16, #tpu.memory_space<vmem>> -> memref<128x64xbf16, #tpu.memory_space<vmem>>
    %dma_start3A_744 = arith.constant 0 : i32
    %dma_start3A_745 = tpu.memref_slice %arg10[%dma_start3A_738, %dma_start3A_744] : memref<5x128xi32, #tpu.memory_space<vmem>> -> memref<1x128xi32, #tpu.memory_space<vmem>>
    %dma_start3A_746 = tpu.memref_squeeze %dma_start3A_745 : memref<1x128xi32, #tpu.memory_space<vmem>> -> memref<128xi32, #tpu.memory_space<vmem>>
    %dma_start3A_747 = arith.constant 0 : i32
    %dma_start3A_748 = arith.constant 0 : i32
    %dma_start3A_749 = tpu.memref_slice %arg2[%dma_start3A_747, %dma_start3A_748] : memref<20480x64xbf16, #tpu.memory_space<hbm>> -> memref<20480x64xbf16, #tpu.memory_space<hbm>>
    tpu.enqueue_indirect_dma source(%dma_start3A_749 : memref<20480x64xbf16, #tpu.memory_space<hbm>>) target(%dma_start3A_743 : memref<128x64xbf16, #tpu.memory_space<vmem>>) offsets(%dma_start3A_746 : memref<128xi32, #tpu.memory_space<vmem>>) semaphore(%arg17 : memref<!tpu.dma_semaphore, #tpu.memory_space<semaphore_mem>>)
    %dma_wait3A_750 = arith.constant 2 : i32
    %dma_wait3A_751 = arith.constant 0 : i32
    %dma_wait3A_752 = arith.constant 0 : i32
    %dma_wait3A_753 = arith.constant 0 : i32
    %dma_wait3A_754 = tpu.memref_slice %arg12[%dma_wait3A_751, %dma_wait3A_752, %dma_wait3A_753] : memref<4x128x64xbf16, #tpu.memory_space<vmem>> -> memref<1x128x64xbf16, #tpu.memory_space<vmem>>
    %dma_wait3A_755 = tpu.memref_squeeze %dma_wait3A_754 : memref<1x128x64xbf16, #tpu.memory_space<vmem>> -> memref<128x64xbf16, #tpu.memory_space<vmem>>
    %dma_wait3A_756 = arith.constant 0 : i32
    %dma_wait3A_757 = tpu.memref_slice %arg10[%dma_wait3A_750, %dma_wait3A_756] : memref<5x128xi32, #tpu.memory_space<vmem>> -> memref<1x128xi32, #tpu.memory_space<vmem>>
    %dma_wait3A_758 = tpu.memref_squeeze %dma_wait3A_757 : memref<1x128xi32, #tpu.memory_space<vmem>> -> memref<128xi32, #tpu.memory_space<vmem>>
    %dma_wait3A_759 = arith.constant 0 : i32
    %dma_wait3A_760 = arith.constant 0 : i32
    %dma_wait3A_761 = tpu.memref_slice %arg2[%dma_wait3A_759, %dma_wait3A_760] : memref<20480x64xbf16, #tpu.memory_space<hbm>> -> memref<20480x64xbf16, #tpu.memory_space<hbm>>
    tpu.wait_indirect_dma semaphore(%arg16 : memref<!tpu.dma_semaphore, #tpu.memory_space<semaphore_mem>>) src(%dma_wait3A_761 : memref<20480x64xbf16, #tpu.memory_space<hbm>>) dst(%dma_wait3A_755 : memref<128x64xbf16, #tpu.memory_space<vmem>>)
    %add3A_762 = arith.constant 256 : i32
    %add3A_763 = arith.addi %mul3A_0, %add3A_762 : i32
    %run_scoped3A_764 = arith.constant 0 : i32
    "tpu.region"() ({
      %run_scoped3A_955 = tpu.sem_alloc : memref<!tpu.dma_semaphore, #tpu.memory_space<semaphore_mem>>
      %dma_start3A_956 = arith.constant 0 : i32
      %dma_start3A_957 = arith.constant 0 : i32
      %dma_start3A_958 = tpu.memref_slice %arg12[%run_scoped3A_764, %dma_start3A_956, %dma_start3A_957] : memref<4x128x64xbf16, #tpu.memory_space<vmem>> -> memref<1x128x64xbf16, #tpu.memory_space<vmem>>
      %dma_start3A_959 = tpu.memref_squeeze %dma_start3A_958 : memref<1x128x64xbf16, #tpu.memory_space<vmem>> -> memref<128x64xbf16, #tpu.memory_space<vmem>>
      %dma_start3A_960 = arith.constant 0 : i32
      %dma_start3A_961 = tpu.memref_slice %arg14[%add3A_763, %dma_start3A_960] : memref<10240x64xbf16, #tpu.memory_space<vmem_shared>> -> memref<128x64xbf16, #tpu.memory_space<vmem_shared>>
      %dma_start3A_962 = arith.constant 0 : i32
      %dma_start3A_963 = tpu.memref_slice %arg14[%add3A_763, %dma_start3A_962] : memref<10240x64xbf16, #tpu.memory_space<vmem_shared>> -> memref<128x64xbf16, #tpu.memory_space<vmem_shared>>
      %dma_start3A_964 = arith.constant 0 : i32
      %dma_start3A_965 = arith.constant 0 : i32
      %dma_start3A_966 = tpu.memref_slice %arg12[%run_scoped3A_764, %dma_start3A_964, %dma_start3A_965] : memref<4x128x64xbf16, #tpu.memory_space<vmem>> -> memref<1x128x64xbf16, #tpu.memory_space<vmem>>
      %dma_start3A_967 = tpu.memref_squeeze %dma_start3A_966 : memref<1x128x64xbf16, #tpu.memory_space<vmem>> -> memref<128x64xbf16, #tpu.memory_space<vmem>>
      tpu.enqueue_dma source(%dma_start3A_967 : memref<128x64xbf16, #tpu.memory_space<vmem>>) target(%dma_start3A_963 : memref<128x64xbf16, #tpu.memory_space<vmem_shared>>) target_semaphore(%run_scoped3A_955 : memref<!tpu.dma_semaphore, #tpu.memory_space<semaphore_mem>>)
      %dma_wait3A_968 = arith.constant 0 : i32
      %dma_wait3A_969 = arith.constant 0 : i32
      %dma_wait3A_970 = tpu.memref_slice %arg12[%run_scoped3A_764, %dma_wait3A_968, %dma_wait3A_969] : memref<4x128x64xbf16, #tpu.memory_space<vmem>> -> memref<1x128x64xbf16, #tpu.memory_space<vmem>>
      %dma_wait3A_971 = tpu.memref_squeeze %dma_wait3A_970 : memref<1x128x64xbf16, #tpu.memory_space<vmem>> -> memref<128x64xbf16, #tpu.memory_space<vmem>>
      %dma_wait3A_972 = arith.constant 0 : i32
      %dma_wait3A_973 = tpu.memref_slice %arg14[%add3A_763, %dma_wait3A_972] : memref<10240x64xbf16, #tpu.memory_space<vmem_shared>> -> memref<128x64xbf16, #tpu.memory_space<vmem_shared>>
      %dma_wait3A_974 = arith.constant 0 : i32
      %dma_wait3A_975 = tpu.memref_slice %arg14[%add3A_763, %dma_wait3A_974] : memref<10240x64xbf16, #tpu.memory_space<vmem_shared>> -> memref<128x64xbf16, #tpu.memory_space<vmem_shared>>
      %dma_wait3A_976 = arith.constant 0 : i32
      %dma_wait3A_977 = arith.constant 0 : i32
      %dma_wait3A_978 = tpu.memref_slice %arg12[%run_scoped3A_764, %dma_wait3A_976, %dma_wait3A_977] : memref<4x128x64xbf16, #tpu.memory_space<vmem>> -> memref<1x128x64xbf16, #tpu.memory_space<vmem>>
      %dma_wait3A_979 = tpu.memref_squeeze %dma_wait3A_978 : memref<1x128x64xbf16, #tpu.memory_space<vmem>> -> memref<128x64xbf16, #tpu.memory_space<vmem>>
      tpu.wait_dma2 semaphore(%run_scoped3A_955 : memref<!tpu.dma_semaphore, #tpu.memory_space<semaphore_mem>>) src(%dma_wait3A_979 : memref<128x64xbf16, #tpu.memory_space<vmem>>) dst(%dma_wait3A_975 : memref<128x64xbf16, #tpu.memory_space<vmem_shared>>)
      tpu.yield
    }) : () -> ()
    %dma_start3A_765 = arith.constant 4 : i32
    %dma_start3A_766 = arith.constant 0 : i32
    %dma_start3A_767 = arith.constant 0 : i32
    %dma_start3A_768 = arith.constant 0 : i32
    %dma_start3A_769 = tpu.memref_slice %arg12[%dma_start3A_766, %dma_start3A_767, %dma_start3A_768] : memref<4x128x64xbf16, #tpu.memory_space<vmem>> -> memref<1x128x64xbf16, #tpu.memory_space<vmem>>
    %dma_start3A_770 = tpu.memref_squeeze %dma_start3A_769 : memref<1x128x64xbf16, #tpu.memory_space<vmem>> -> memref<128x64xbf16, #tpu.memory_space<vmem>>
    %dma_start3A_771 = arith.constant 0 : i32
    %dma_start3A_772 = tpu.memref_slice %arg10[%dma_start3A_765, %dma_start3A_771] : memref<5x128xi32, #tpu.memory_space<vmem>> -> memref<1x128xi32, #tpu.memory_space<vmem>>
    %dma_start3A_773 = tpu.memref_squeeze %dma_start3A_772 : memref<1x128xi32, #tpu.memory_space<vmem>> -> memref<128xi32, #tpu.memory_space<vmem>>
    %dma_start3A_774 = arith.constant 0 : i32
    %dma_start3A_775 = arith.constant 0 : i32
    %dma_start3A_776 = tpu.memref_slice %arg2[%dma_start3A_774, %dma_start3A_775] : memref<20480x64xbf16, #tpu.memory_space<hbm>> -> memref<20480x64xbf16, #tpu.memory_space<hbm>>
    tpu.enqueue_indirect_dma source(%dma_start3A_776 : memref<20480x64xbf16, #tpu.memory_space<hbm>>) target(%dma_start3A_770 : memref<128x64xbf16, #tpu.memory_space<vmem>>) offsets(%dma_start3A_773 : memref<128xi32, #tpu.memory_space<vmem>>) semaphore(%arg16 : memref<!tpu.dma_semaphore, #tpu.memory_space<semaphore_mem>>)
    %dma_wait3A_777 = arith.constant 3 : i32
    %dma_wait3A_778 = arith.constant 1 : i32
    %dma_wait3A_779 = arith.constant 0 : i32
    %dma_wait3A_780 = arith.constant 0 : i32
    %dma_wait3A_781 = tpu.memref_slice %arg12[%dma_wait3A_778, %dma_wait3A_779, %dma_wait3A_780] : memref<4x128x64xbf16, #tpu.memory_space<vmem>> -> memref<1x128x64xbf16, #tpu.memory_space<vmem>>
    %dma_wait3A_782 = tpu.memref_squeeze %dma_wait3A_781 : memref<1x128x64xbf16, #tpu.memory_space<vmem>> -> memref<128x64xbf16, #tpu.memory_space<vmem>>
    %dma_wait3A_783 = arith.constant 0 : i32
    %dma_wait3A_784 = tpu.memref_slice %arg10[%dma_wait3A_777, %dma_wait3A_783] : memref<5x128xi32, #tpu.memory_space<vmem>> -> memref<1x128xi32, #tpu.memory_space<vmem>>
    %dma_wait3A_785 = tpu.memref_squeeze %dma_wait3A_784 : memref<1x128xi32, #tpu.memory_space<vmem>> -> memref<128xi32, #tpu.memory_space<vmem>>
    %dma_wait3A_786 = arith.constant 0 : i32
    %dma_wait3A_787 = arith.constant 0 : i32
    %dma_wait3A_788 = tpu.memref_slice %arg2[%dma_wait3A_786, %dma_wait3A_787] : memref<20480x64xbf16, #tpu.memory_space<hbm>> -> memref<20480x64xbf16, #tpu.memory_space<hbm>>
    tpu.wait_indirect_dma semaphore(%arg17 : memref<!tpu.dma_semaphore, #tpu.memory_space<semaphore_mem>>) src(%dma_wait3A_788 : memref<20480x64xbf16, #tpu.memory_space<hbm>>) dst(%dma_wait3A_782 : memref<128x64xbf16, #tpu.memory_space<vmem>>)
    %add3A_789 = arith.constant 384 : i32
    %add3A_790 = arith.addi %mul3A_0, %add3A_789 : i32
    %run_scoped3A_791 = arith.constant 1 : i32
    "tpu.region"() ({
      %run_scoped3A_955 = tpu.sem_alloc : memref<!tpu.dma_semaphore, #tpu.memory_space<semaphore_mem>>
      %dma_start3A_956 = arith.constant 0 : i32
      %dma_start3A_957 = arith.constant 0 : i32
      %dma_start3A_958 = tpu.memref_slice %arg12[%run_scoped3A_791, %dma_start3A_956, %dma_start3A_957] : memref<4x128x64xbf16, #tpu.memory_space<vmem>> -> memref<1x128x64xbf16, #tpu.memory_space<vmem>>
      %dma_start3A_959 = tpu.memref_squeeze %dma_start3A_958 : memref<1x128x64xbf16, #tpu.memory_space<vmem>> -> memref<128x64xbf16, #tpu.memory_space<vmem>>
      %dma_start3A_960 = arith.constant 0 : i32
      %dma_start3A_961 = tpu.memref_slice %arg14[%add3A_790, %dma_start3A_960] : memref<10240x64xbf16, #tpu.memory_space<vmem_shared>> -> memref<128x64xbf16, #tpu.memory_space<vmem_shared>>
      %dma_start3A_962 = arith.constant 0 : i32
      %dma_start3A_963 = tpu.memref_slice %arg14[%add3A_790, %dma_start3A_962] : memref<10240x64xbf16, #tpu.memory_space<vmem_shared>> -> memref<128x64xbf16, #tpu.memory_space<vmem_shared>>
      %dma_start3A_964 = arith.constant 0 : i32
      %dma_start3A_965 = arith.constant 0 : i32
      %dma_start3A_966 = tpu.memref_slice %arg12[%run_scoped3A_791, %dma_start3A_964, %dma_start3A_965] : memref<4x128x64xbf16, #tpu.memory_space<vmem>> -> memref<1x128x64xbf16, #tpu.memory_space<vmem>>
      %dma_start3A_967 = tpu.memref_squeeze %dma_start3A_966 : memref<1x128x64xbf16, #tpu.memory_space<vmem>> -> memref<128x64xbf16, #tpu.memory_space<vmem>>
      tpu.enqueue_dma source(%dma_start3A_967 : memref<128x64xbf16, #tpu.memory_space<vmem>>) target(%dma_start3A_963 : memref<128x64xbf16, #tpu.memory_space<vmem_shared>>) target_semaphore(%run_scoped3A_955 : memref<!tpu.dma_semaphore, #tpu.memory_space<semaphore_mem>>)
      %dma_wait3A_968 = arith.constant 0 : i32
      %dma_wait3A_969 = arith.constant 0 : i32
      %dma_wait3A_970 = tpu.memref_slice %arg12[%run_scoped3A_791, %dma_wait3A_968, %dma_wait3A_969] : memref<4x128x64xbf16, #tpu.memory_space<vmem>> -> memref<1x128x64xbf16, #tpu.memory_space<vmem>>
      %dma_wait3A_971 = tpu.memref_squeeze %dma_wait3A_970 : memref<1x128x64xbf16, #tpu.memory_space<vmem>> -> memref<128x64xbf16, #tpu.memory_space<vmem>>
      %dma_wait3A_972 = arith.constant 0 : i32
      %dma_wait3A_973 = tpu.memref_slice %arg14[%add3A_790, %dma_wait3A_972] : memref<10240x64xbf16, #tpu.memory_space<vmem_shared>> -> memref<128x64xbf16, #tpu.memory_space<vmem_shared>>
      %dma_wait3A_974 = arith.constant 0 : i32
      %dma_wait3A_975 = tpu.memref_slice %arg14[%add3A_790, %dma_wait3A_974] : memref<10240x64xbf16, #tpu.memory_space<vmem_shared>> -> memref<128x64xbf16, #tpu.memory_space<vmem_shared>>
      %dma_wait3A_976 = arith.constant 0 : i32
      %dma_wait3A_977 = arith.constant 0 : i32
      %dma_wait3A_978 = tpu.memref_slice %arg12[%run_scoped3A_791, %dma_wait3A_976, %dma_wait3A_977] : memref<4x128x64xbf16, #tpu.memory_space<vmem>> -> memref<1x128x64xbf16, #tpu.memory_space<vmem>>
      %dma_wait3A_979 = tpu.memref_squeeze %dma_wait3A_978 : memref<1x128x64xbf16, #tpu.memory_space<vmem>> -> memref<128x64xbf16, #tpu.memory_space<vmem>>
      tpu.wait_dma2 semaphore(%run_scoped3A_955 : memref<!tpu.dma_semaphore, #tpu.memory_space<semaphore_mem>>) src(%dma_wait3A_979 : memref<128x64xbf16, #tpu.memory_space<vmem>>) dst(%dma_wait3A_975 : memref<128x64xbf16, #tpu.memory_space<vmem_shared>>)
      tpu.yield
    }) : () -> ()
    %dma_wait3A_792 = arith.constant 4 : i32
    %dma_wait3A_793 = arith.constant 0 : i32
    %dma_wait3A_794 = arith.constant 0 : i32
    %dma_wait3A_795 = arith.constant 0 : i32
    %dma_wait3A_796 = tpu.memref_slice %arg12[%dma_wait3A_793, %dma_wait3A_794, %dma_wait3A_795] : memref<4x128x64xbf16, #tpu.memory_space<vmem>> -> memref<1x128x64xbf16, #tpu.memory_space<vmem>>
    %dma_wait3A_797 = tpu.memref_squeeze %dma_wait3A_796 : memref<1x128x64xbf16, #tpu.memory_space<vmem>> -> memref<128x64xbf16, #tpu.memory_space<vmem>>
    %dma_wait3A_798 = arith.constant 0 : i32
    %dma_wait3A_799 = tpu.memref_slice %arg10[%dma_wait3A_792, %dma_wait3A_798] : memref<5x128xi32, #tpu.memory_space<vmem>> -> memref<1x128xi32, #tpu.memory_space<vmem>>
    %dma_wait3A_800 = tpu.memref_squeeze %dma_wait3A_799 : memref<1x128xi32, #tpu.memory_space<vmem>> -> memref<128xi32, #tpu.memory_space<vmem>>
    %dma_wait3A_801 = arith.constant 0 : i32
    %dma_wait3A_802 = arith.constant 0 : i32
    %dma_wait3A_803 = tpu.memref_slice %arg2[%dma_wait3A_801, %dma_wait3A_802] : memref<20480x64xbf16, #tpu.memory_space<hbm>> -> memref<20480x64xbf16, #tpu.memory_space<hbm>>
    tpu.wait_indirect_dma semaphore(%arg16 : memref<!tpu.dma_semaphore, #tpu.memory_space<semaphore_mem>>) src(%dma_wait3A_803 : memref<20480x64xbf16, #tpu.memory_space<hbm>>) dst(%dma_wait3A_797 : memref<128x64xbf16, #tpu.memory_space<vmem>>)
    %add3A_804 = arith.constant 512 : i32
    %add3A_805 = arith.addi %mul3A_0, %add3A_804 : i32
    %run_scoped3A_806 = arith.constant 0 : i32
    "tpu.region"() ({
      %run_scoped3A_955 = tpu.sem_alloc : memref<!tpu.dma_semaphore, #tpu.memory_space<semaphore_mem>>
      %dma_start3A_956 = arith.constant 0 : i32
      %dma_start3A_957 = arith.constant 0 : i32
      %dma_start3A_958 = tpu.memref_slice %arg12[%run_scoped3A_806, %dma_start3A_956, %dma_start3A_957] : memref<4x128x64xbf16, #tpu.memory_space<vmem>> -> memref<1x128x64xbf16, #tpu.memory_space<vmem>>
      %dma_start3A_959 = tpu.memref_squeeze %dma_start3A_958 : memref<1x128x64xbf16, #tpu.memory_space<vmem>> -> memref<128x64xbf16, #tpu.memory_space<vmem>>
      %dma_start3A_960 = arith.constant 0 : i32
      %dma_start3A_961 = tpu.memref_slice %arg14[%add3A_805, %dma_start3A_960] : memref<10240x64xbf16, #tpu.memory_space<vmem_shared>> -> memref<128x64xbf16, #tpu.memory_space<vmem_shared>>
      %dma_start3A_962 = arith.constant 0 : i32
      %dma_start3A_963 = tpu.memref_slice %arg14[%add3A_805, %dma_start3A_962] : memref<10240x64xbf16, #tpu.memory_space<vmem_shared>> -> memref<128x64xbf16, #tpu.memory_space<vmem_shared>>
      %dma_start3A_964 = arith.constant 0 : i32
      %dma_start3A_965 = arith.constant 0 : i32
      %dma_start3A_966 = tpu.memref_slice %arg12[%run_scoped3A_806, %dma_start3A_964, %dma_start3A_965] : memref<4x128x64xbf16, #tpu.memory_space<vmem>> -> memref<1x128x64xbf16, #tpu.memory_space<vmem>>
      %dma_start3A_967 = tpu.memref_squeeze %dma_start3A_966 : memref<1x128x64xbf16, #tpu.memory_space<vmem>> -> memref<128x64xbf16, #tpu.memory_space<vmem>>
      tpu.enqueue_dma source(%dma_start3A_967 : memref<128x64xbf16, #tpu.memory_space<vmem>>) target(%dma_start3A_963 : memref<128x64xbf16, #tpu.memory_space<vmem_shared>>) target_semaphore(%run_scoped3A_955 : memref<!tpu.dma_semaphore, #tpu.memory_space<semaphore_mem>>)
      %dma_wait3A_968 = arith.constant 0 : i32
      %dma_wait3A_969 = arith.constant 0 : i32
      %dma_wait3A_970 = tpu.memref_slice %arg12[%run_scoped3A_806, %dma_wait3A_968, %dma_wait3A_969] : memref<4x128x64xbf16, #tpu.memory_space<vmem>> -> memref<1x128x64xbf16, #tpu.memory_space<vmem>>
      %dma_wait3A_971 = tpu.memref_squeeze %dma_wait3A_970 : memref<1x128x64xbf16, #tpu.memory_space<vmem>> -> memref<128x64xbf16, #tpu.memory_space<vmem>>
      %dma_wait3A_972 = arith.constant 0 : i32
      %dma_wait3A_973 = tpu.memref_slice %arg14[%add3A_805, %dma_wait3A_972] : memref<10240x64xbf16, #tpu.memory_space<vmem_shared>> -> memref<128x64xbf16, #tpu.memory_space<vmem_shared>>
      %dma_wait3A_974 = arith.constant 0 : i32
      %dma_wait3A_975 = tpu.memref_slice %arg14[%add3A_805, %dma_wait3A_974] : memref<10240x64xbf16, #tpu.memory_space<vmem_shared>> -> memref<128x64xbf16, #tpu.memory_space<vmem_shared>>
      %dma_wait3A_976 = arith.constant 0 : i32
      %dma_wait3A_977 = arith.constant 0 : i32
      %dma_wait3A_978 = tpu.memref_slice %arg12[%run_scoped3A_806, %dma_wait3A_976, %dma_wait3A_977] : memref<4x128x64xbf16, #tpu.memory_space<vmem>> -> memref<1x128x64xbf16, #tpu.memory_space<vmem>>
      %dma_wait3A_979 = tpu.memref_squeeze %dma_wait3A_978 : memref<1x128x64xbf16, #tpu.memory_space<vmem>> -> memref<128x64xbf16, #tpu.memory_space<vmem>>
      tpu.wait_dma2 semaphore(%run_scoped3A_955 : memref<!tpu.dma_semaphore, #tpu.memory_space<semaphore_mem>>) src(%dma_wait3A_979 : memref<128x64xbf16, #tpu.memory_space<vmem>>) dst(%dma_wait3A_975 : memref<128x64xbf16, #tpu.memory_space<vmem_shared>>)
      tpu.yield
    }) : () -> ()
    %broadcast_in_dim3A = arith.constant 0.000000e+00 : bf16
    %broadcast_in_dim3A_807 = vector.broadcast %broadcast_in_dim3A : bf16 to vector<32xbf16>
    %scan3A = arith.constant 0 : i32
    %scan3A_808 = arith.constant 128 : i32
    %scan3A_809 = arith.addi %scan3A, %scan3A_808 : i32
    %scan3A_810 = arith.constant 1 : i32
    scf.for %scan3A_955 = %scan3A to %scan3A_809 step %scan3A_810  : i32 {
      %mul3A_956 = arith.constant 1 : i32
      %mul3A_957 = arith.muli %scan3A_955, %mul3A_956 : i32
      %add3A_958 = arith.constant 0 : i32
      %add3A_959 = arith.addi %add3A_958, %mul3A_957 : i32
      %swap3A_960 = arith.index_cast %add3A_959 : i32 to index
      %swap3A_961 = arith.constant 0 : index
      %swap3A_962 = tpu.vector_load %arg11[%swap3A_960, %swap3A_961] {strides = array<i32>} : memref<128x64xbf16, #tpu.memory_space<vmem>>, vector<32xbf16>,
      tpu.vector_store %arg11[%swap3A_960, %swap3A_961], %broadcast_in_dim3A_807 {strides = array<i32>} : memref<128x64xbf16, #tpu.memory_space<vmem>>, vector<32xbf16>,
      %swap3A_963 = arith.index_cast %add3A_959 : i32 to index
      %swap3A_964 = arith.constant 32 : index
      %swap3A_965 = tpu.vector_load %arg11[%swap3A_963, %swap3A_964] {strides = array<i32>} : memref<128x64xbf16, #tpu.memory_space<vmem>>, vector<32xbf16>,
      tpu.vector_store %arg11[%swap3A_963, %swap3A_964], %broadcast_in_dim3A_807 {strides = array<i32>} : memref<128x64xbf16, #tpu.memory_space<vmem>>, vector<32xbf16>,
    }
    %scan3A_811 = arith.constant 128 : i32
    %scan3A_812 = arith.constant 0 : i32
    %scan3A_813 = arith.constant 5 : i32
    %scan3A_814 = arith.addi %scan3A_812, %scan3A_813 : i32
    %scan3A_815 = arith.constant 1 : i32
    scf.for %scan3A_955 = %scan3A_812 to %scan3A_814 step %scan3A_815  : i32 {
      %mul3A_956 = arith.constant 1 : i32
      %mul3A_957 = arith.muli %scan3A_955, %mul3A_956 : i32
      %add3A_958 = arith.constant 0 : i32
      %add3A_959 = arith.addi %add3A_958, %mul3A_957 : i32
      %mul3A_960 = arith.constant 128 : i32
      %mul3A_961 = arith.muli %add3A_959, %mul3A_960 : i32
      %add3A_962 = arith.addi %mul3A_0, %mul3A_961 : i32
      "tpu.region"() ({
        %run_scoped3A_963 = tpu.sem_alloc : memref<!tpu.dma_semaphore, #tpu.memory_space<semaphore_mem>>
        %dma_start3A_964 = arith.constant 0 : i32
        %dma_start3A_965 = tpu.memref_slice %arg15[%add3A_962, %dma_start3A_964] : memref<10256x64xbf16, #tpu.memory_space<vmem_shared>> -> memref<128x64xbf16, #tpu.memory_space<vmem_shared>>
        %dma_start3A_966 = arith.constant 0 : i32
        %dma_start3A_967 = tpu.memref_slice %arg15[%add3A_962, %dma_start3A_966] : memref<10256x64xbf16, #tpu.memory_space<vmem_shared>> -> memref<128x64xbf16, #tpu.memory_space<vmem_shared>>
        tpu.enqueue_dma source(%arg11 : memref<128x64xbf16, #tpu.memory_space<vmem>>) target(%dma_start3A_967 : memref<128x64xbf16, #tpu.memory_space<vmem_shared>>) target_semaphore(%run_scoped3A_963 : memref<!tpu.dma_semaphore, #tpu.memory_space<semaphore_mem>>)
        %dma_wait3A_968 = arith.constant 0 : i32
        %dma_wait3A_969 = tpu.memref_slice %arg15[%add3A_962, %dma_wait3A_968] : memref<10256x64xbf16, #tpu.memory_space<vmem_shared>> -> memref<128x64xbf16, #tpu.memory_space<vmem_shared>>
        %dma_wait3A_970 = arith.constant 0 : i32
        %dma_wait3A_971 = tpu.memref_slice %arg15[%add3A_962, %dma_wait3A_970] : memref<10256x64xbf16, #tpu.memory_space<vmem_shared>> -> memref<128x64xbf16, #tpu.memory_space<vmem_shared>>
        tpu.wait_dma2 semaphore(%run_scoped3A_963 : memref<!tpu.dma_semaphore, #tpu.memory_space<semaphore_mem>>) src(%arg11 : memref<128x64xbf16, #tpu.memory_space<vmem>>) dst(%dma_wait3A_971 : memref<128x64xbf16, #tpu.memory_space<vmem_shared>>)
        tpu.yield
      }) : () -> ()
    }
    %scan3A_816 = arith.constant 5 : i32
    %eq3A = arith.constant 0 : i32
    %eq3A_817 = arith.cmpi eq, %arg1, %eq3A : i32
    %convert_element_type3A = arith.extui %eq3A_817 : i1 to i32
    %cond3A = arith.constant 0 : i32
    %cond3A_818 = arith.cmpi ne, %convert_element_type3A, %cond3A : i32
    scf.if %cond3A_818 {
      "tpu.region"() ({
        %run_scoped3A_955 = tpu.sem_alloc : memref<!tpu.dma_semaphore, #tpu.memory_space<semaphore_mem>>
        %dma_start3A_956 = arith.constant 0 : i32
        %dma_start3A_957 = arith.constant 0 : i32
        %dma_start3A_958 = tpu.memref_slice %arg11[%dma_start3A_956, %dma_start3A_957] : memref<128x64xbf16, #tpu.memory_space<vmem>> -> memref<16x64xbf16, #tpu.memory_space<vmem>>
        %dma_start3A_959 = arith.constant 10240 : i32
        %dma_start3A_960 = arith.constant 0 : i32
        %dma_start3A_961 = tpu.memref_slice %arg15[%dma_start3A_959, %dma_start3A_960] : memref<10256x64xbf16, #tpu.memory_space<vmem_shared>> -> memref<16x64xbf16, #tpu.memory_space<vmem_shared>>
        %dma_start3A_962 = arith.constant 10240 : i32
        %dma_start3A_963 = arith.constant 0 : i32
        %dma_start3A_964 = tpu.memref_slice %arg15[%dma_start3A_962, %dma_start3A_963] : memref<10256x64xbf16, #tpu.memory_space<vmem_shared>> -> memref<16x64xbf16, #tpu.memory_space<vmem_shared>>
        %dma_start3A_965 = arith.constant 0 : i32
        %dma_start3A_966 = arith.constant 0 : i32
        %dma_start3A_967 = tpu.memref_slice %arg11[%dma_start3A_965, %dma_start3A_966] : memref<128x64xbf16, #tpu.memory_space<vmem>> -> memref<16x64xbf16, #tpu.memory_space<vmem>>
        tpu.enqueue_dma source(%dma_start3A_967 : memref<16x64xbf16, #tpu.memory_space<vmem>>) target(%dma_start3A_964 : memref<16x64xbf16, #tpu.memory_space<vmem_shared>>) target_semaphore(%run_scoped3A_955 : memref<!tpu.dma_semaphore, #tpu.memory_space<semaphore_mem>>)
        %dma_wait3A_968 = arith.constant 0 : i32
        %dma_wait3A_969 = arith.constant 0 : i32
        %dma_wait3A_970 = tpu.memref_slice %arg11[%dma_wait3A_968, %dma_wait3A_969] : memref<128x64xbf16, #tpu.memory_space<vmem>> -> memref<16x64xbf16, #tpu.memory_space<vmem>>
        %dma_wait3A_971 = arith.constant 10240 : i32
        %dma_wait3A_972 = arith.constant 0 : i32
        %dma_wait3A_973 = tpu.memref_slice %arg15[%dma_wait3A_971, %dma_wait3A_972] : memref<10256x64xbf16, #tpu.memory_space<vmem_shared>> -> memref<16x64xbf16, #tpu.memory_space<vmem_shared>>
        %dma_wait3A_974 = arith.constant 10240 : i32
        %dma_wait3A_975 = arith.constant 0 : i32
        %dma_wait3A_976 = tpu.memref_slice %arg15[%dma_wait3A_974, %dma_wait3A_975] : memref<10256x64xbf16, #tpu.memory_space<vmem_shared>> -> memref<16x64xbf16, #tpu.memory_space<vmem_shared>>
        %dma_wait3A_977 = arith.constant 0 : i32
        %dma_wait3A_978 = arith.constant 0 : i32
        %dma_wait3A_979 = tpu.memref_slice %arg11[%dma_wait3A_977, %dma_wait3A_978] : memref<128x64xbf16, #tpu.memory_space<vmem>> -> memref<16x64xbf16, #tpu.memory_space<vmem>>
        tpu.wait_dma2 semaphore(%run_scoped3A_955 : memref<!tpu.dma_semaphore, #tpu.memory_space<semaphore_mem>>) src(%dma_wait3A_979 : memref<16x64xbf16, #tpu.memory_space<vmem>>) dst(%dma_wait3A_976 : memref<16x64xbf16, #tpu.memory_space<vmem_shared>>)
        tpu.yield
      }) : () -> ()
    } else {
    }
    %dma_wait3A_819 = arith.constant 0 : i32
    %dma_wait3A_820 = arith.constant 0 : i32
    %dma_wait3A_821 = tpu.memref_slice %arg8[%dma_wait3A_819, %dma_wait3A_820] : memref<160x128xi32, #tpu.memory_space<vmem>> -> memref<128x128xi32, #tpu.memory_space<vmem>>
    %dma_wait3A_822 = arith.constant 0 : i32
    %dma_wait3A_823 = tpu.memref_slice %arg6[%dma_wait3A_822] : memref<160xi32, #tpu.memory_space<vmem>> -> memref<128xi32, #tpu.memory_space<vmem>>
    %dma_wait3A_824 = arith.constant 0 : i32
    %dma_wait3A_825 = arith.constant 0 : i32
    %dma_wait3A_826 = tpu.memref_slice %arg3[%dma_wait3A_824, %dma_wait3A_825] : memref<2560x128xi32, #tpu.memory_space<hbm>> -> memref<2560x128xi32, #tpu.memory_space<hbm>>
    tpu.wait_indirect_dma semaphore(%arg24 : memref<!tpu.dma_semaphore, #tpu.memory_space<semaphore_mem>>) src(%dma_wait3A_826 : memref<2560x128xi32, #tpu.memory_space<hbm>>) dst(%dma_wait3A_821 : memref<128x128xi32, #tpu.memory_space<vmem>>)
    %dma_wait3A_827 = arith.constant 128 : i32
    %dma_wait3A_828 = arith.constant 0 : i32
    %dma_wait3A_829 = tpu.memref_slice %arg8[%dma_wait3A_827, %dma_wait3A_828] : memref<160x128xi32, #tpu.memory_space<vmem>> -> memref<32x128xi32, #tpu.memory_space<vmem>>
    %dma_wait3A_830 = arith.constant 128 : i32
    %dma_wait3A_831 = tpu.memref_slice %arg6[%dma_wait3A_830] : memref<160xi32, #tpu.memory_space<vmem>> -> memref<32xi32, #tpu.memory_space<vmem>>
    %dma_wait3A_832 = arith.constant 0 : i32
    %dma_wait3A_833 = arith.constant 0 : i32
    %dma_wait3A_834 = tpu.memref_slice %arg3[%dma_wait3A_832, %dma_wait3A_833] : memref<2560x128xi32, #tpu.memory_space<hbm>> -> memref<2560x128xi32, #tpu.memory_space<hbm>>
    tpu.wait_indirect_dma semaphore(%arg24 : memref<!tpu.dma_semaphore, #tpu.memory_space<semaphore_mem>>) src(%dma_wait3A_834 : memref<2560x128xi32, #tpu.memory_space<hbm>>) dst(%dma_wait3A_829 : memref<32x128xi32, #tpu.memory_space<vmem>>)
    %dma_wait3A_835 = arith.constant 0 : i32
    %dma_wait3A_836 = arith.constant 0 : i32
    %dma_wait3A_837 = tpu.memref_slice %arg9[%dma_wait3A_835, %dma_wait3A_836] : memref<160x128xi32, #tpu.memory_space<vmem>> -> memref<128x128xi32, #tpu.memory_space<vmem>>
    %dma_wait3A_838 = arith.constant 0 : i32
    %dma_wait3A_839 = tpu.memref_slice %arg7[%dma_wait3A_838] : memref<160xi32, #tpu.memory_space<vmem>> -> memref<128xi32, #tpu.memory_space<vmem>>
    %dma_wait3A_840 = arith.constant 0 : i32
    %dma_wait3A_841 = arith.constant 0 : i32
    %dma_wait3A_842 = tpu.memref_slice %arg4[%dma_wait3A_840, %dma_wait3A_841] : memref<2560x128xi32, #tpu.memory_space<hbm>> -> memref<2560x128xi32, #tpu.memory_space<hbm>>
    tpu.wait_indirect_dma semaphore(%arg24 : memref<!tpu.dma_semaphore, #tpu.memory_space<semaphore_mem>>) src(%dma_wait3A_842 : memref<2560x128xi32, #tpu.memory_space<hbm>>) dst(%dma_wait3A_837 : memref<128x128xi32, #tpu.memory_space<vmem>>)
    %dma_wait3A_843 = arith.constant 128 : i32
    %dma_wait3A_844 = arith.constant 0 : i32
    %dma_wait3A_845 = tpu.memref_slice %arg9[%dma_wait3A_843, %dma_wait3A_844] : memref<160x128xi32, #tpu.memory_space<vmem>> -> memref<32x128xi32, #tpu.memory_space<vmem>>
    %dma_wait3A_846 = arith.constant 128 : i32
    %dma_wait3A_847 = tpu.memref_slice %arg7[%dma_wait3A_846] : memref<160xi32, #tpu.memory_space<vmem>> -> memref<32xi32, #tpu.memory_space<vmem>>
    %dma_wait3A_848 = arith.constant 0 : i32
    %dma_wait3A_849 = arith.constant 0 : i32
    %dma_wait3A_850 = tpu.memref_slice %arg4[%dma_wait3A_848, %dma_wait3A_849] : memref<2560x128xi32, #tpu.memory_space<hbm>> -> memref<2560x128xi32, #tpu.memory_space<hbm>>
    tpu.wait_indirect_dma semaphore(%arg24 : memref<!tpu.dma_semaphore, #tpu.memory_space<semaphore_mem>>) src(%dma_wait3A_850 : memref<2560x128xi32, #tpu.memory_space<hbm>>) dst(%dma_wait3A_845 : memref<32x128xi32, #tpu.memory_space<vmem>>)
    %barrier3A = arith.constant 0 : index
    tpu.barrier barrier_id(%barrier3A)
    %broadcast_in_dim3A_851 = arith.constant 1.000000e+00 : f32
    %broadcast_in_dim3A_852 = vector.broadcast %broadcast_in_dim3A_851 : f32 to vector<16xf32>
    %dma_start3A_853 = arith.constant 0 : i32
    %dma_start3A_854 = arith.constant 0 : i32
    %dma_start3A_855 = arith.constant 0 : i32
    %dma_start3A_856 = arith.constant 0 : i32
    %dma_start3A_857 = tpu.memref_slice %arg12[%dma_start3A_854, %dma_start3A_855, %dma_start3A_856] : memref<4x128x64xbf16, #tpu.memory_space<vmem>> -> memref<1x128x64xbf16, #tpu.memory_space<vmem>>
    %dma_start3A_858 = tpu.memref_squeeze %dma_start3A_857 : memref<1x128x64xbf16, #tpu.memory_space<vmem>> -> memref<128x64xbf16, #tpu.memory_space<vmem>>
    %dma_start3A_859 = arith.constant 0 : i32
    %dma_start3A_860 = tpu.memref_slice %arg8[%dma_start3A_853, %dma_start3A_859] : memref<160x128xi32, #tpu.memory_space<vmem>> -> memref<1x128xi32, #tpu.memory_space<vmem>>
    %dma_start3A_861 = tpu.memref_squeeze %dma_start3A_860 : memref<1x128xi32, #tpu.memory_space<vmem>> -> memref<128xi32, #tpu.memory_space<vmem>>
    %dma_start3A_862 = arith.constant 0 : i32
    %dma_start3A_863 = arith.constant 0 : i32
    %dma_start3A_864 = tpu.memref_slice %arg14[%dma_start3A_862, %dma_start3A_863] : memref<10240x64xbf16, #tpu.memory_space<vmem_shared>> -> memref<10240x64xbf16, #tpu.memory_space<vmem_shared>>
    tpu.enqueue_indirect_dma source(%dma_start3A_864 : memref<10240x64xbf16, #tpu.memory_space<vmem_shared>>) target(%dma_start3A_858 : memref<128x64xbf16, #tpu.memory_space<vmem>>) offsets(%dma_start3A_861 : memref<128xi32, #tpu.memory_space<vmem>>) semaphore(%arg16 : memref<!tpu.dma_semaphore, #tpu.memory_space<semaphore_mem>>)
    %dma_start3A_865 = arith.constant 1 : i32
    %dma_start3A_866 = arith.constant 1 : i32
    %dma_start3A_867 = arith.constant 0 : i32
    %dma_start3A_868 = arith.constant 0 : i32
    %dma_start3A_869 = tpu.memref_slice %arg12[%dma_start3A_866, %dma_start3A_867, %dma_start3A_868] : memref<4x128x64xbf16, #tpu.memory_space<vmem>> -> memref<1x128x64xbf16, #tpu.memory_space<vmem>>
    %dma_start3A_870 = tpu.memref_squeeze %dma_start3A_869 : memref<1x128x64xbf16, #tpu.memory_space<vmem>> -> memref<128x64xbf16, #tpu.memory_space<vmem>>
    %dma_start3A_871 = arith.constant 0 : i32
    %dma_start3A_872 = tpu.memref_slice %arg8[%dma_start3A_865, %dma_start3A_871] : memref<160x128xi32, #tpu.memory_space<vmem>> -> memref<1x128xi32, #tpu.memory_space<vmem>>
    %dma_start3A_873 = tpu.memref_squeeze %dma_start3A_872 : memref<1x128xi32, #tpu.memory_space<vmem>> -> memref<128xi32, #tpu.memory_space<vmem>>
    %dma_start3A_874 = arith.constant 0 : i32
    %dma_start3A_875 = arith.constant 0 : i32
    %dma_start3A_876 = tpu.memref_slice %arg14[%dma_start3A_874, %dma_start3A_875] : memref<10240x64xbf16, #tpu.memory_space<vmem_shared>> -> memref<10240x64xbf16, #tpu.memory_space<vmem_shared>>
    tpu.enqueue_indirect_dma source(%dma_start3A_876 : memref<10240x64xbf16, #tpu.memory_space<vmem_shared>>) target(%dma_start3A_870 : memref<128x64xbf16, #tpu.memory_space<vmem>>) offsets(%dma_start3A_873 : memref<128xi32, #tpu.memory_space<vmem>>) semaphore(%arg17 : memref<!tpu.dma_semaphore, #tpu.memory_space<semaphore_mem>>)
    %dma_start3A_877 = arith.constant 2 : i32
    %dma_start3A_878 = arith.constant 2 : i32
    %dma_start3A_879 = arith.constant 0 : i32
    %dma_start3A_880 = arith.constant 0 : i32
    %dma_start3A_881 = tpu.memref_slice %arg12[%dma_start3A_878, %dma_start3A_879, %dma_start3A_880] : memref<4x128x64xbf16, #tpu.memory_space<vmem>> -> memref<1x128x64xbf16, #tpu.memory_space<vmem>>
    %dma_start3A_882 = tpu.memref_squeeze %dma_start3A_881 : memref<1x128x64xbf16, #tpu.memory_space<vmem>> -> memref<128x64xbf16, #tpu.memory_space<vmem>>
    %dma_start3A_883 = arith.constant 0 : i32
    %dma_start3A_884 = tpu.memref_slice %arg8[%dma_start3A_877, %dma_start3A_883] : memref<160x128xi32, #tpu.memory_space<vmem>> -> memref<1x128xi32, #tpu.memory_space<vmem>>
    %dma_start3A_885 = tpu.memref_squeeze %dma_start3A_884 : memref<1x128xi32, #tpu.memory_space<vmem>> -> memref<128xi32, #tpu.memory_space<vmem>>
    %dma_start3A_886 = arith.constant 0 : i32
    %dma_start3A_887 = arith.constant 0 : i32
    %dma_start3A_888 = tpu.memref_slice %arg14[%dma_start3A_886, %dma_start3A_887] : memref<10240x64xbf16, #tpu.memory_space<vmem_shared>> -> memref<10240x64xbf16, #tpu.memory_space<vmem_shared>>
    tpu.enqueue_indirect_dma source(%dma_start3A_888 : memref<10240x64xbf16, #tpu.memory_space<vmem_shared>>) target(%dma_start3A_882 : memref<128x64xbf16, #tpu.memory_space<vmem>>) offsets(%dma_start3A_885 : memref<128xi32, #tpu.memory_space<vmem>>) semaphore(%arg18 : memref<!tpu.dma_semaphore, #tpu.memory_space<semaphore_mem>>)
    %dma_start3A_889 = arith.constant 3 : i32
    %dma_start3A_890 = arith.constant 3 : i32
    %dma_start3A_891 = arith.constant 0 : i32
    %dma_start3A_892 = arith.constant 0 : i32
    %dma_start3A_893 = tpu.memref_slice %arg12[%dma_start3A_890, %dma_start3A_891, %dma_start3A_892] : memref<4x128x64xbf16, #tpu.memory_space<vmem>> -> memref<1x128x64xbf16, #tpu.memory_space<vmem>>
    %dma_start3A_894 = tpu.memref_squeeze %dma_start3A_893 : memref<1x128x64xbf16, #tpu.memory_space<vmem>> -> memref<128x64xbf16, #tpu.memory_space<vmem>>
    %dma_start3A_895 = arith.constant 0 : i32
    %dma_start3A_896 = tpu.memref_slice %arg8[%dma_start3A_889, %dma_start3A_895] : memref<160x128xi32, #tpu.memory_space<vmem>> -> memref<1x128xi32, #tpu.memory_space<vmem>>
    %dma_start3A_897 = tpu.memref_squeeze %dma_start3A_896 : memref<1x128xi32, #tpu.memory_space<vmem>> -> memref<128xi32, #tpu.memory_space<vmem>>
    %dma_start3A_898 = arith.constant 0 : i32
    %dma_start3A_899 = arith.constant 0 : i32
    %dma_start3A_900 = tpu.memref_slice %arg14[%dma_start3A_898, %dma_start3A_899] : memref<10240x64xbf16, #tpu.memory_space<vmem_shared>> -> memref<10240x64xbf16, #tpu.memory_space<vmem_shared>>
    tpu.enqueue_indirect_dma source(%dma_start3A_900 : memref<10240x64xbf16, #tpu.memory_space<vmem_shared>>) target(%dma_start3A_894 : memref<128x64xbf16, #tpu.memory_space<vmem>>) offsets(%dma_start3A_897 : memref<128xi32, #tpu.memory_space<vmem>>) semaphore(%arg19 : memref<!tpu.dma_semaphore, #tpu.memory_space<semaphore_mem>>)
    %scan3A_901 = arith.constant 0 : i32
    %scan3A_902 = arith.constant 40 : i32
    %scan3A_903 = arith.addi %scan3A_901, %scan3A_902 : i32
    %scan3A_904 = arith.constant 1 : i32
    scf.for %scan3A_955 = %scan3A_901 to %scan3A_903 step %scan3A_904  : i32 {
      %mul3A_956 = arith.constant 1 : i32
      %mul3A_957 = arith.muli %scan3A_955, %mul3A_956 : i32
      %add3A_958 = arith.constant 0 : i32
      %add3A_959 = arith.addi %add3A_958, %mul3A_957 : i32
      %mul3A_960 = arith.constant 4 : i32
      %mul3A_961 = arith.muli %add3A_959, %mul3A_960 : i32
      %add3A_962 = arith.constant 0 : i32
      %add3A_963 = arith.addi %mul3A_961, %add3A_962 : i32
      %dma_wait3A_964 = arith.constant 0 : i32
      %dma_wait3A_965 = arith.constant 0 : i32
      %dma_wait3A_966 = arith.constant 0 : i32
      %dma_wait3A_967 = tpu.memref_slice %arg12[%dma_wait3A_964, %dma_wait3A_965, %dma_wait3A_966] : memref<4x128x64xbf16, #tpu.memory_space<vmem>> -> memref<1x128x64xbf16, #tpu.memory_space<vmem>>
      %dma_wait3A_968 = tpu.memref_squeeze %dma_wait3A_967 : memref<1x128x64xbf16, #tpu.memory_space<vmem>> -> memref<128x64xbf16, #tpu.memory_space<vmem>>
      %dma_wait3A_969 = arith.constant 0 : i32
      %dma_wait3A_970 = tpu.memref_slice %arg8[%add3A_963, %dma_wait3A_969] : memref<160x128xi32, #tpu.memory_space<vmem>> -> memref<1x128xi32, #tpu.memory_space<vmem>>
      %dma_wait3A_971 = tpu.memref_squeeze %dma_wait3A_970 : memref<1x128xi32, #tpu.memory_space<vmem>> -> memref<128xi32, #tpu.memory_space<vmem>>
      %dma_wait3A_972 = arith.constant 0 : i32
      %dma_wait3A_973 = arith.constant 0 : i32
      %dma_wait3A_974 = tpu.memref_slice %arg14[%dma_wait3A_972, %dma_wait3A_973] : memref<10240x64xbf16, #tpu.memory_space<vmem_shared>> -> memref<10240x64xbf16, #tpu.memory_space<vmem_shared>>
      tpu.wait_indirect_dma semaphore(%arg16 : memref<!tpu.dma_semaphore, #tpu.memory_space<semaphore_mem>>) src(%dma_wait3A_974 : memref<10240x64xbf16, #tpu.memory_space<vmem_shared>>) dst(%dma_wait3A_968 : memref<128x64xbf16, #tpu.memory_space<vmem>>)
      %dma_start3A_975 = arith.constant 0 : i32
      %dma_start3A_976 = arith.constant 0 : i32
      %dma_start3A_977 = arith.constant 0 : i32
      %dma_start3A_978 = tpu.memref_slice %arg12[%dma_start3A_975, %dma_start3A_976, %dma_start3A_977] : memref<4x128x64xbf16, #tpu.memory_space<vmem>> -> memref<1x128x64xbf16, #tpu.memory_space<vmem>>
      %dma_start3A_979 = tpu.memref_squeeze %dma_start3A_978 : memref<1x128x64xbf16, #tpu.memory_space<vmem>> -> memref<128x64xbf16, #tpu.memory_space<vmem>>
      %dma_start3A_980 = arith.constant 0 : i32
      %dma_start3A_981 = tpu.memref_slice %arg9[%add3A_963, %dma_start3A_980] : memref<160x128xi32, #tpu.memory_space<vmem>> -> memref<1x128xi32, #tpu.memory_space<vmem>>
      %dma_start3A_982 = tpu.memref_squeeze %dma_start3A_981 : memref<1x128xi32, #tpu.memory_space<vmem>> -> memref<128xi32, #tpu.memory_space<vmem>>
      %dma_start3A_983 = arith.constant 0 : i32
      %dma_start3A_984 = arith.constant 0 : i32
      %dma_start3A_985 = tpu.memref_slice %arg15[%dma_start3A_983, %dma_start3A_984] : memref<10256x64xbf16, #tpu.memory_space<vmem_shared>> -> memref<10256x64xbf16, #tpu.memory_space<vmem_shared>>
      tpu.enqueue_indirect_dma source(%dma_start3A_979 : memref<128x64xbf16, #tpu.memory_space<vmem>>) target(%dma_start3A_985 : memref<10256x64xbf16, #tpu.memory_space<vmem_shared>>) offsets(%dma_start3A_982 : memref<128xi32, #tpu.memory_space<vmem>>) semaphore(%arg20 : memref<!tpu.dma_semaphore, #tpu.memory_space<semaphore_mem>>) {add = true}
      %add3A_986 = arith.constant 4 : i32
      %add3A_987 = arith.addi %add3A_963, %add3A_986 : i32
      %lt3A = arith.constant 160 : i32
      %lt3A_988 = arith.cmpi slt, %add3A_987, %lt3A : i32
      %convert_element_type3A_989 = arith.extui %lt3A_988 : i1 to i32
      %cond3A_990 = arith.constant 0 : i32
      %cond3A_991 = arith.cmpi ne, %convert_element_type3A_989, %cond3A_990 : i32
      scf.if %cond3A_991 {
        %dma_wait3A_1091 = arith.constant 0 : i32
        %dma_wait3A_1092 = arith.constant 0 : i32
        %dma_wait3A_1093 = arith.constant 0 : i32
        %dma_wait3A_1094 = tpu.memref_slice %arg12[%dma_wait3A_1091, %dma_wait3A_1092, %dma_wait3A_1093] : memref<4x128x64xbf16, #tpu.memory_space<vmem>> -> memref<1x128x64xbf16, #tpu.memory_space<vmem>>
        %dma_wait3A_1095 = tpu.memref_squeeze %dma_wait3A_1094 : memref<1x128x64xbf16, #tpu.memory_space<vmem>> -> memref<128x64xbf16, #tpu.memory_space<vmem>>
        %dma_wait3A_1096 = arith.constant 0 : i32
        %dma_wait3A_1097 = tpu.memref_slice %arg9[%add3A_963, %dma_wait3A_1096] : memref<160x128xi32, #tpu.memory_space<vmem>> -> memref<1x128xi32, #tpu.memory_space<vmem>>
        %dma_wait3A_1098 = tpu.memref_squeeze %dma_wait3A_1097 : memref<1x128xi32, #tpu.memory_space<vmem>> -> memref<128xi32, #tpu.memory_space<vmem>>
        %dma_wait3A_1099 = arith.constant 0 : i32
        %dma_wait3A_1100 = arith.constant 0 : i32
        %dma_wait3A_1101 = tpu.memref_slice %arg15[%dma_wait3A_1099, %dma_wait3A_1100] : memref<10256x64xbf16, #tpu.memory_space<vmem_shared>> -> memref<10256x64xbf16, #tpu.memory_space<vmem_shared>>
        tpu.wait_indirect_dma semaphore(%arg20 : memref<!tpu.dma_semaphore, #tpu.memory_space<semaphore_mem>>) src(%dma_wait3A_1095 : memref<128x64xbf16, #tpu.memory_space<vmem>>) dst(%dma_wait3A_1101 : memref<10256x64xbf16, #tpu.memory_space<vmem_shared>>)
        %dma_start3A_1102 = arith.constant 0 : i32
        %dma_start3A_1103 = arith.constant 0 : i32
        %dma_start3A_1104 = arith.constant 0 : i32
        %dma_start3A_1105 = tpu.memref_slice %arg12[%dma_start3A_1102, %dma_start3A_1103, %dma_start3A_1104] : memref<4x128x64xbf16, #tpu.memory_space<vmem>> -> memref<1x128x64xbf16, #tpu.memory_space<vmem>>
        %dma_start3A_1106 = tpu.memref_squeeze %dma_start3A_1105 : memref<1x128x64xbf16, #tpu.memory_space<vmem>> -> memref<128x64xbf16, #tpu.memory_space<vmem>>
        %dma_start3A_1107 = arith.constant 0 : i32
        %dma_start3A_1108 = tpu.memref_slice %arg8[%add3A_987, %dma_start3A_1107] : memref<160x128xi32, #tpu.memory_space<vmem>> -> memref<1x128xi32, #tpu.memory_space<vmem>>
        %dma_start3A_1109 = tpu.memref_squeeze %dma_start3A_1108 : memref<1x128xi32, #tpu.memory_space<vmem>> -> memref<128xi32, #tpu.memory_space<vmem>>
        %dma_start3A_1110 = arith.constant 0 : i32
        %dma_start3A_1111 = arith.constant 0 : i32
        %dma_start3A_1112 = tpu.memref_slice %arg14[%dma_start3A_1110, %dma_start3A_1111] : memref<10240x64xbf16, #tpu.memory_space<vmem_shared>> -> memref<10240x64xbf16, #tpu.memory_space<vmem_shared>>
        tpu.enqueue_indirect_dma source(%dma_start3A_1112 : memref<10240x64xbf16, #tpu.memory_space<vmem_shared>>) target(%dma_start3A_1106 : memref<128x64xbf16, #tpu.memory_space<vmem>>) offsets(%dma_start3A_1109 : memref<128xi32, #tpu.memory_space<vmem>>) semaphore(%arg16 : memref<!tpu.dma_semaphore, #tpu.memory_space<semaphore_mem>>)
      } else {
      }
      %mul3A_992 = arith.constant 4 : i32
      %mul3A_993 = arith.muli %add3A_959, %mul3A_992 : i32
      %add3A_994 = arith.constant 1 : i32
      %add3A_995 = arith.addi %mul3A_993, %add3A_994 : i32
      %dma_wait3A_996 = arith.constant 1 : i32
      %dma_wait3A_997 = arith.constant 0 : i32
      %dma_wait3A_998 = arith.constant 0 : i32
      %dma_wait3A_999 = tpu.memref_slice %arg12[%dma_wait3A_996, %dma_wait3A_997, %dma_wait3A_998] : memref<4x128x64xbf16, #tpu.memory_space<vmem>> -> memref<1x128x64xbf16, #tpu.memory_space<vmem>>
      %dma_wait3A_1000 = tpu.memref_squeeze %dma_wait3A_999 : memref<1x128x64xbf16, #tpu.memory_space<vmem>> -> memref<128x64xbf16, #tpu.memory_space<vmem>>
      %dma_wait3A_1001 = arith.constant 0 : i32
      %dma_wait3A_1002 = tpu.memref_slice %arg8[%add3A_995, %dma_wait3A_1001] : memref<160x128xi32, #tpu.memory_space<vmem>> -> memref<1x128xi32, #tpu.memory_space<vmem>>
      %dma_wait3A_1003 = tpu.memref_squeeze %dma_wait3A_1002 : memref<1x128xi32, #tpu.memory_space<vmem>> -> memref<128xi32, #tpu.memory_space<vmem>>
      %dma_wait3A_1004 = arith.constant 0 : i32
      %dma_wait3A_1005 = arith.constant 0 : i32
      %dma_wait3A_1006 = tpu.memref_slice %arg14[%dma_wait3A_1004, %dma_wait3A_1005] : memref<10240x64xbf16, #tpu.memory_space<vmem_shared>> -> memref<10240x64xbf16, #tpu.memory_space<vmem_shared>>
      tpu.wait_indirect_dma semaphore(%arg17 : memref<!tpu.dma_semaphore, #tpu.memory_space<semaphore_mem>>) src(%dma_wait3A_1006 : memref<10240x64xbf16, #tpu.memory_space<vmem_shared>>) dst(%dma_wait3A_1000 : memref<128x64xbf16, #tpu.memory_space<vmem>>)
      %dma_start3A_1007 = arith.constant 1 : i32
      %dma_start3A_1008 = arith.constant 0 : i32
      %dma_start3A_1009 = arith.constant 0 : i32
      %dma_start3A_1010 = tpu.memref_slice %arg12[%dma_start3A_1007, %dma_start3A_1008, %dma_start3A_1009] : memref<4x128x64xbf16, #tpu.memory_space<vmem>> -> memref<1x128x64xbf16, #tpu.memory_space<vmem>>
      %dma_start3A_1011 = tpu.memref_squeeze %dma_start3A_1010 : memref<1x128x64xbf16, #tpu.memory_space<vmem>> -> memref<128x64xbf16, #tpu.memory_space<vmem>>
      %dma_start3A_1012 = arith.constant 0 : i32
      %dma_start3A_1013 = tpu.memref_slice %arg9[%add3A_995, %dma_start3A_1012] : memref<160x128xi32, #tpu.memory_space<vmem>> -> memref<1x128xi32, #tpu.memory_space<vmem>>
      %dma_start3A_1014 = tpu.memref_squeeze %dma_start3A_1013 : memref<1x128xi32, #tpu.memory_space<vmem>> -> memref<128xi32, #tpu.memory_space<vmem>>
      %dma_start3A_1015 = arith.constant 0 : i32
      %dma_start3A_1016 = arith.constant 0 : i32
      %dma_start3A_1017 = tpu.memref_slice %arg15[%dma_start3A_1015, %dma_start3A_1016] : memref<10256x64xbf16, #tpu.memory_space<vmem_shared>> -> memref<10256x64xbf16, #tpu.memory_space<vmem_shared>>
      tpu.enqueue_indirect_dma source(%dma_start3A_1011 : memref<128x64xbf16, #tpu.memory_space<vmem>>) target(%dma_start3A_1017 : memref<10256x64xbf16, #tpu.memory_space<vmem_shared>>) offsets(%dma_start3A_1014 : memref<128xi32, #tpu.memory_space<vmem>>) semaphore(%arg21 : memref<!tpu.dma_semaphore, #tpu.memory_space<semaphore_mem>>) {add = true}
      %add3A_1018 = arith.constant 4 : i32
      %add3A_1019 = arith.addi %add3A_995, %add3A_1018 : i32
      %lt3A_1020 = arith.constant 160 : i32
      %lt3A_1021 = arith.cmpi slt, %add3A_1019, %lt3A_1020 : i32
      %convert_element_type3A_1022 = arith.extui %lt3A_1021 : i1 to i32
      %cond3A_1023 = arith.constant 0 : i32
      %cond3A_1024 = arith.cmpi ne, %convert_element_type3A_1022, %cond3A_1023 : i32
      scf.if %cond3A_1024 {
        %dma_wait3A_1091 = arith.constant 1 : i32
        %dma_wait3A_1092 = arith.constant 0 : i32
        %dma_wait3A_1093 = arith.constant 0 : i32
        %dma_wait3A_1094 = tpu.memref_slice %arg12[%dma_wait3A_1091, %dma_wait3A_1092, %dma_wait3A_1093] : memref<4x128x64xbf16, #tpu.memory_space<vmem>> -> memref<1x128x64xbf16, #tpu.memory_space<vmem>>
        %dma_wait3A_1095 = tpu.memref_squeeze %dma_wait3A_1094 : memref<1x128x64xbf16, #tpu.memory_space<vmem>> -> memref<128x64xbf16, #tpu.memory_space<vmem>>
        %dma_wait3A_1096 = arith.constant 0 : i32
        %dma_wait3A_1097 = tpu.memref_slice %arg9[%add3A_995, %dma_wait3A_1096] : memref<160x128xi32, #tpu.memory_space<vmem>> -> memref<1x128xi32, #tpu.memory_space<vmem>>
        %dma_wait3A_1098 = tpu.memref_squeeze %dma_wait3A_1097 : memref<1x128xi32, #tpu.memory_space<vmem>> -> memref<128xi32, #tpu.memory_space<vmem>>
        %dma_wait3A_1099 = arith.constant 0 : i32
        %dma_wait3A_1100 = arith.constant 0 : i32
        %dma_wait3A_1101 = tpu.memref_slice %arg15[%dma_wait3A_1099, %dma_wait3A_1100] : memref<10256x64xbf16, #tpu.memory_space<vmem_shared>> -> memref<10256x64xbf16, #tpu.memory_space<vmem_shared>>
        tpu.wait_indirect_dma semaphore(%arg21 : memref<!tpu.dma_semaphore, #tpu.memory_space<semaphore_mem>>) src(%dma_wait3A_1095 : memref<128x64xbf16, #tpu.memory_space<vmem>>) dst(%dma_wait3A_1101 : memref<10256x64xbf16, #tpu.memory_space<vmem_shared>>)
        %dma_start3A_1102 = arith.constant 1 : i32
        %dma_start3A_1103 = arith.constant 0 : i32
        %dma_start3A_1104 = arith.constant 0 : i32
        %dma_start3A_1105 = tpu.memref_slice %arg12[%dma_start3A_1102, %dma_start3A_1103, %dma_start3A_1104] : memref<4x128x64xbf16, #tpu.memory_space<vmem>> -> memref<1x128x64xbf16, #tpu.memory_space<vmem>>
        %dma_start3A_1106 = tpu.memref_squeeze %dma_start3A_1105 : memref<1x128x64xbf16, #tpu.memory_space<vmem>> -> memref<128x64xbf16, #tpu.memory_space<vmem>>
        %dma_start3A_1107 = arith.constant 0 : i32
        %dma_start3A_1108 = tpu.memref_slice %arg8[%add3A_1019, %dma_start3A_1107] : memref<160x128xi32, #tpu.memory_space<vmem>> -> memref<1x128xi32, #tpu.memory_space<vmem>>
        %dma_start3A_1109 = tpu.memref_squeeze %dma_start3A_1108 : memref<1x128xi32, #tpu.memory_space<vmem>> -> memref<128xi32, #tpu.memory_space<vmem>>
        %dma_start3A_1110 = arith.constant 0 : i32
        %dma_start3A_1111 = arith.constant 0 : i32
        %dma_start3A_1112 = tpu.memref_slice %arg14[%dma_start3A_1110, %dma_start3A_1111] : memref<10240x64xbf16, #tpu.memory_space<vmem_shared>> -> memref<10240x64xbf16, #tpu.memory_space<vmem_shared>>
        tpu.enqueue_indirect_dma source(%dma_start3A_1112 : memref<10240x64xbf16, #tpu.memory_space<vmem_shared>>) target(%dma_start3A_1106 : memref<128x64xbf16, #tpu.memory_space<vmem>>) offsets(%dma_start3A_1109 : memref<128xi32, #tpu.memory_space<vmem>>) semaphore(%arg17 : memref<!tpu.dma_semaphore, #tpu.memory_space<semaphore_mem>>)
      } else {
      }
      %mul3A_1025 = arith.constant 4 : i32
      %mul3A_1026 = arith.muli %add3A_959, %mul3A_1025 : i32
      %add3A_1027 = arith.constant 2 : i32
      %add3A_1028 = arith.addi %mul3A_1026, %add3A_1027 : i32
      %dma_wait3A_1029 = arith.constant 2 : i32
      %dma_wait3A_1030 = arith.constant 0 : i32
      %dma_wait3A_1031 = arith.constant 0 : i32
      %dma_wait3A_1032 = tpu.memref_slice %arg12[%dma_wait3A_1029, %dma_wait3A_1030, %dma_wait3A_1031] : memref<4x128x64xbf16, #tpu.memory_space<vmem>> -> memref<1x128x64xbf16, #tpu.memory_space<vmem>>
      %dma_wait3A_1033 = tpu.memref_squeeze %dma_wait3A_1032 : memref<1x128x64xbf16, #tpu.memory_space<vmem>> -> memref<128x64xbf16, #tpu.memory_space<vmem>>
      %dma_wait3A_1034 = arith.constant 0 : i32
      %dma_wait3A_1035 = tpu.memref_slice %arg8[%add3A_1028, %dma_wait3A_1034] : memref<160x128xi32, #tpu.memory_space<vmem>> -> memref<1x128xi32, #tpu.memory_space<vmem>>
      %dma_wait3A_1036 = tpu.memref_squeeze %dma_wait3A_1035 : memref<1x128xi32, #tpu.memory_space<vmem>> -> memref<128xi32, #tpu.memory_space<vmem>>
      %dma_wait3A_1037 = arith.constant 0 : i32
      %dma_wait3A_1038 = arith.constant 0 : i32
      %dma_wait3A_1039 = tpu.memref_slice %arg14[%dma_wait3A_1037, %dma_wait3A_1038] : memref<10240x64xbf16, #tpu.memory_space<vmem_shared>> -> memref<10240x64xbf16, #tpu.memory_space<vmem_shared>>
      tpu.wait_indirect_dma semaphore(%arg18 : memref<!tpu.dma_semaphore, #tpu.memory_space<semaphore_mem>>) src(%dma_wait3A_1039 : memref<10240x64xbf16, #tpu.memory_space<vmem_shared>>) dst(%dma_wait3A_1033 : memref<128x64xbf16, #tpu.memory_space<vmem>>)
      %dma_start3A_1040 = arith.constant 2 : i32
      %dma_start3A_1041 = arith.constant 0 : i32
      %dma_start3A_1042 = arith.constant 0 : i32
      %dma_start3A_1043 = tpu.memref_slice %arg12[%dma_start3A_1040, %dma_start3A_1041, %dma_start3A_1042] : memref<4x128x64xbf16, #tpu.memory_space<vmem>> -> memref<1x128x64xbf16, #tpu.memory_space<vmem>>
      %dma_start3A_1044 = tpu.memref_squeeze %dma_start3A_1043 : memref<1x128x64xbf16, #tpu.memory_space<vmem>> -> memref<128x64xbf16, #tpu.memory_space<vmem>>
      %dma_start3A_1045 = arith.constant 0 : i32
      %dma_start3A_1046 = tpu.memref_slice %arg9[%add3A_1028, %dma_start3A_1045] : memref<160x128xi32, #tpu.memory_space<vmem>> -> memref<1x128xi32, #tpu.memory_space<vmem>>
      %dma_start3A_1047 = tpu.memref_squeeze %dma_start3A_1046 : memref<1x128xi32, #tpu.memory_space<vmem>> -> memref<128xi32, #tpu.memory_space<vmem>>
      %dma_start3A_1048 = arith.constant 0 : i32
      %dma_start3A_1049 = arith.constant 0 : i32
      %dma_start3A_1050 = tpu.memref_slice %arg15[%dma_start3A_1048, %dma_start3A_1049] : memref<10256x64xbf16, #tpu.memory_space<vmem_shared>> -> memref<10256x64xbf16, #tpu.memory_space<vmem_shared>>
      tpu.enqueue_indirect_dma source(%dma_start3A_1044 : memref<128x64xbf16, #tpu.memory_space<vmem>>) target(%dma_start3A_1050 : memref<10256x64xbf16, #tpu.memory_space<vmem_shared>>) offsets(%dma_start3A_1047 : memref<128xi32, #tpu.memory_space<vmem>>) semaphore(%arg22 : memref<!tpu.dma_semaphore, #tpu.memory_space<semaphore_mem>>) {add = true}
      %add3A_1051 = arith.constant 4 : i32
      %add3A_1052 = arith.addi %add3A_1028, %add3A_1051 : i32
      %lt3A_1053 = arith.constant 160 : i32
      %lt3A_1054 = arith.cmpi slt, %add3A_1052, %lt3A_1053 : i32
      %convert_element_type3A_1055 = arith.extui %lt3A_1054 : i1 to i32
      %cond3A_1056 = arith.constant 0 : i32
      %cond3A_1057 = arith.cmpi ne, %convert_element_type3A_1055, %cond3A_1056 : i32
      scf.if %cond3A_1057 {
        %dma_wait3A_1091 = arith.constant 2 : i32
        %dma_wait3A_1092 = arith.constant 0 : i32
        %dma_wait3A_1093 = arith.constant 0 : i32
        %dma_wait3A_1094 = tpu.memref_slice %arg12[%dma_wait3A_1091, %dma_wait3A_1092, %dma_wait3A_1093] : memref<4x128x64xbf16, #tpu.memory_space<vmem>> -> memref<1x128x64xbf16, #tpu.memory_space<vmem>>
        %dma_wait3A_1095 = tpu.memref_squeeze %dma_wait3A_1094 : memref<1x128x64xbf16, #tpu.memory_space<vmem>> -> memref<128x64xbf16, #tpu.memory_space<vmem>>
        %dma_wait3A_1096 = arith.constant 0 : i32
        %dma_wait3A_1097 = tpu.memref_slice %arg9[%add3A_1028, %dma_wait3A_1096] : memref<160x128xi32, #tpu.memory_space<vmem>> -> memref<1x128xi32, #tpu.memory_space<vmem>>
        %dma_wait3A_1098 = tpu.memref_squeeze %dma_wait3A_1097 : memref<1x128xi32, #tpu.memory_space<vmem>> -> memref<128xi32, #tpu.memory_space<vmem>>
        %dma_wait3A_1099 = arith.constant 0 : i32
        %dma_wait3A_1100 = arith.constant 0 : i32
        %dma_wait3A_1101 = tpu.memref_slice %arg15[%dma_wait3A_1099, %dma_wait3A_1100] : memref<10256x64xbf16, #tpu.memory_space<vmem_shared>> -> memref<10256x64xbf16, #tpu.memory_space<vmem_shared>>
        tpu.wait_indirect_dma semaphore(%arg22 : memref<!tpu.dma_semaphore, #tpu.memory_space<semaphore_mem>>) src(%dma_wait3A_1095 : memref<128x64xbf16, #tpu.memory_space<vmem>>) dst(%dma_wait3A_1101 : memref<10256x64xbf16, #tpu.memory_space<vmem_shared>>)
        %dma_start3A_1102 = arith.constant 2 : i32
        %dma_start3A_1103 = arith.constant 0 : i32
        %dma_start3A_1104 = arith.constant 0 : i32
        %dma_start3A_1105 = tpu.memref_slice %arg12[%dma_start3A_1102, %dma_start3A_1103, %dma_start3A_1104] : memref<4x128x64xbf16, #tpu.memory_space<vmem>> -> memref<1x128x64xbf16, #tpu.memory_space<vmem>>
        %dma_start3A_1106 = tpu.memref_squeeze %dma_start3A_1105 : memref<1x128x64xbf16, #tpu.memory_space<vmem>> -> memref<128x64xbf16, #tpu.memory_space<vmem>>
        %dma_start3A_1107 = arith.constant 0 : i32
        %dma_start3A_1108 = tpu.memref_slice %arg8[%add3A_1052, %dma_start3A_1107] : memref<160x128xi32, #tpu.memory_space<vmem>> -> memref<1x128xi32, #tpu.memory_space<vmem>>
        %dma_start3A_1109 = tpu.memref_squeeze %dma_start3A_1108 : memref<1x128xi32, #tpu.memory_space<vmem>> -> memref<128xi32, #tpu.memory_space<vmem>>
        %dma_start3A_1110 = arith.constant 0 : i32
        %dma_start3A_1111 = arith.constant 0 : i32
        %dma_start3A_1112 = tpu.memref_slice %arg14[%dma_start3A_1110, %dma_start3A_1111] : memref<10240x64xbf16, #tpu.memory_space<vmem_shared>> -> memref<10240x64xbf16, #tpu.memory_space<vmem_shared>>
        tpu.enqueue_indirect_dma source(%dma_start3A_1112 : memref<10240x64xbf16, #tpu.memory_space<vmem_shared>>) target(%dma_start3A_1106 : memref<128x64xbf16, #tpu.memory_space<vmem>>) offsets(%dma_start3A_1109 : memref<128xi32, #tpu.memory_space<vmem>>) semaphore(%arg18 : memref<!tpu.dma_semaphore, #tpu.memory_space<semaphore_mem>>)
      } else {
      }
      %mul3A_1058 = arith.constant 4 : i32
      %mul3A_1059 = arith.muli %add3A_959, %mul3A_1058 : i32
      %add3A_1060 = arith.constant 3 : i32
      %add3A_1061 = arith.addi %mul3A_1059, %add3A_1060 : i32
      %dma_wait3A_1062 = arith.constant 3 : i32
      %dma_wait3A_1063 = arith.constant 0 : i32
      %dma_wait3A_1064 = arith.constant 0 : i32
      %dma_wait3A_1065 = tpu.memref_slice %arg12[%dma_wait3A_1062, %dma_wait3A_1063, %dma_wait3A_1064] : memref<4x128x64xbf16, #tpu.memory_space<vmem>> -> memref<1x128x64xbf16, #tpu.memory_space<vmem>>
      %dma_wait3A_1066 = tpu.memref_squeeze %dma_wait3A_1065 : memref<1x128x64xbf16, #tpu.memory_space<vmem>> -> memref<128x64xbf16, #tpu.memory_space<vmem>>
      %dma_wait3A_1067 = arith.constant 0 : i32
      %dma_wait3A_1068 = tpu.memref_slice %arg8[%add3A_1061, %dma_wait3A_1067] : memref<160x128xi32, #tpu.memory_space<vmem>> -> memref<1x128xi32, #tpu.memory_space<vmem>>
      %dma_wait3A_1069 = tpu.memref_squeeze %dma_wait3A_1068 : memref<1x128xi32, #tpu.memory_space<vmem>> -> memref<128xi32, #tpu.memory_space<vmem>>
      %dma_wait3A_1070 = arith.constant 0 : i32
      %dma_wait3A_1071 = arith.constant 0 : i32
      %dma_wait3A_1072 = tpu.memref_slice %arg14[%dma_wait3A_1070, %dma_wait3A_1071] : memref<10240x64xbf16, #tpu.memory_space<vmem_shared>> -> memref<10240x64xbf16, #tpu.memory_space<vmem_shared>>
      tpu.wait_indirect_dma semaphore(%arg19 : memref<!tpu.dma_semaphore, #tpu.memory_space<semaphore_mem>>) src(%dma_wait3A_1072 : memref<10240x64xbf16, #tpu.memory_space<vmem_shared>>) dst(%dma_wait3A_1066 : memref<128x64xbf16, #tpu.memory_space<vmem>>)
      %dma_start3A_1073 = arith.constant 3 : i32
      %dma_start3A_1074 = arith.constant 0 : i32
      %dma_start3A_1075 = arith.constant 0 : i32
      %dma_start3A_1076 = tpu.memref_slice %arg12[%dma_start3A_1073, %dma_start3A_1074, %dma_start3A_1075] : memref<4x128x64xbf16, #tpu.memory_space<vmem>> -> memref<1x128x64xbf16, #tpu.memory_space<vmem>>
      %dma_start3A_1077 = tpu.memref_squeeze %dma_start3A_1076 : memref<1x128x64xbf16, #tpu.memory_space<vmem>> -> memref<128x64xbf16, #tpu.memory_space<vmem>>
      %dma_start3A_1078 = arith.constant 0 : i32
      %dma_start3A_1079 = tpu.memref_slice %arg9[%add3A_1061, %dma_start3A_1078] : memref<160x128xi32, #tpu.memory_space<vmem>> -> memref<1x128xi32, #tpu.memory_space<vmem>>
      %dma_start3A_1080 = tpu.memref_squeeze %dma_start3A_1079 : memref<1x128xi32, #tpu.memory_space<vmem>> -> memref<128xi32, #tpu.memory_space<vmem>>
      %dma_start3A_1081 = arith.constant 0 : i32
      %dma_start3A_1082 = arith.constant 0 : i32
      %dma_start3A_1083 = tpu.memref_slice %arg15[%dma_start3A_1081, %dma_start3A_1082] : memref<10256x64xbf16, #tpu.memory_space<vmem_shared>> -> memref<10256x64xbf16, #tpu.memory_space<vmem_shared>>
      tpu.enqueue_indirect_dma source(%dma_start3A_1077 : memref<128x64xbf16, #tpu.memory_space<vmem>>) target(%dma_start3A_1083 : memref<10256x64xbf16, #tpu.memory_space<vmem_shared>>) offsets(%dma_start3A_1080 : memref<128xi32, #tpu.memory_space<vmem>>) semaphore(%arg23 : memref<!tpu.dma_semaphore, #tpu.memory_space<semaphore_mem>>) {add = true}
      %add3A_1084 = arith.constant 4 : i32
      %add3A_1085 = arith.addi %add3A_1061, %add3A_1084 : i32
      %lt3A_1086 = arith.constant 160 : i32
      %lt3A_1087 = arith.cmpi slt, %add3A_1085, %lt3A_1086 : i32
      %convert_element_type3A_1088 = arith.extui %lt3A_1087 : i1 to i32
      %cond3A_1089 = arith.constant 0 : i32
      %cond3A_1090 = arith.cmpi ne, %convert_element_type3A_1088, %cond3A_1089 : i32
      scf.if %cond3A_1090 {
        %dma_wait3A_1091 = arith.constant 3 : i32
        %dma_wait3A_1092 = arith.constant 0 : i32
        %dma_wait3A_1093 = arith.constant 0 : i32
        %dma_wait3A_1094 = tpu.memref_slice %arg12[%dma_wait3A_1091, %dma_wait3A_1092, %dma_wait3A_1093] : memref<4x128x64xbf16, #tpu.memory_space<vmem>> -> memref<1x128x64xbf16, #tpu.memory_space<vmem>>
        %dma_wait3A_1095 = tpu.memref_squeeze %dma_wait3A_1094 : memref<1x128x64xbf16, #tpu.memory_space<vmem>> -> memref<128x64xbf16, #tpu.memory_space<vmem>>
        %dma_wait3A_1096 = arith.constant 0 : i32
        %dma_wait3A_1097 = tpu.memref_slice %arg9[%add3A_1061, %dma_wait3A_1096] : memref<160x128xi32, #tpu.memory_space<vmem>> -> memref<1x128xi32, #tpu.memory_space<vmem>>
        %dma_wait3A_1098 = tpu.memref_squeeze %dma_wait3A_1097 : memref<1x128xi32, #tpu.memory_space<vmem>> -> memref<128xi32, #tpu.memory_space<vmem>>
        %dma_wait3A_1099 = arith.constant 0 : i32
        %dma_wait3A_1100 = arith.constant 0 : i32
        %dma_wait3A_1101 = tpu.memref_slice %arg15[%dma_wait3A_1099, %dma_wait3A_1100] : memref<10256x64xbf16, #tpu.memory_space<vmem_shared>> -> memref<10256x64xbf16, #tpu.memory_space<vmem_shared>>
        tpu.wait_indirect_dma semaphore(%arg23 : memref<!tpu.dma_semaphore, #tpu.memory_space<semaphore_mem>>) src(%dma_wait3A_1095 : memref<128x64xbf16, #tpu.memory_space<vmem>>) dst(%dma_wait3A_1101 : memref<10256x64xbf16, #tpu.memory_space<vmem_shared>>)
        %dma_start3A_1102 = arith.constant 3 : i32
        %dma_start3A_1103 = arith.constant 0 : i32
        %dma_start3A_1104 = arith.constant 0 : i32
        %dma_start3A_1105 = tpu.memref_slice %arg12[%dma_start3A_1102, %dma_start3A_1103, %dma_start3A_1104] : memref<4x128x64xbf16, #tpu.memory_space<vmem>> -> memref<1x128x64xbf16, #tpu.memory_space<vmem>>
        %dma_start3A_1106 = tpu.memref_squeeze %dma_start3A_1105 : memref<1x128x64xbf16, #tpu.memory_space<vmem>> -> memref<128x64xbf16, #tpu.memory_space<vmem>>
        %dma_start3A_1107 = arith.constant 0 : i32
        %dma_start3A_1108 = tpu.memref_slice %arg8[%add3A_1085, %dma_start3A_1107] : memref<160x128xi32, #tpu.memory_space<vmem>> -> memref<1x128xi32, #tpu.memory_space<vmem>>
        %dma_start3A_1109 = tpu.memref_squeeze %dma_start3A_1108 : memref<1x128xi32, #tpu.memory_space<vmem>> -> memref<128xi32, #tpu.memory_space<vmem>>
        %dma_start3A_1110 = arith.constant 0 : i32
        %dma_start3A_1111 = arith.constant 0 : i32
        %dma_start3A_1112 = tpu.memref_slice %arg14[%dma_start3A_1110, %dma_start3A_1111] : memref<10240x64xbf16, #tpu.memory_space<vmem_shared>> -> memref<10240x64xbf16, #tpu.memory_space<vmem_shared>>
        tpu.enqueue_indirect_dma source(%dma_start3A_1112 : memref<10240x64xbf16, #tpu.memory_space<vmem_shared>>) target(%dma_start3A_1106 : memref<128x64xbf16, #tpu.memory_space<vmem>>) offsets(%dma_start3A_1109 : memref<128xi32, #tpu.memory_space<vmem>>) semaphore(%arg19 : memref<!tpu.dma_semaphore, #tpu.memory_space<semaphore_mem>>)
      } else {
      }
    }
    %scan3A_905 = arith.constant 40 : i32
    %dma_wait3A_906 = arith.constant 0 : i32
    %dma_wait3A_907 = arith.constant 0 : i32
    %dma_wait3A_908 = arith.constant 0 : i32
    %dma_wait3A_909 = arith.constant 0 : i32
    %dma_wait3A_910 = tpu.memref_slice %arg12[%dma_wait3A_906, %dma_wait3A_908, %dma_wait3A_909] : memref<4x128x64xbf16, #tpu.memory_space<vmem>> -> memref<1x128x64xbf16, #tpu.memory_space<vmem>>
    %dma_wait3A_911 = tpu.memref_squeeze %dma_wait3A_910 : memref<1x128x64xbf16, #tpu.memory_space<vmem>> -> memref<128x64xbf16, #tpu.memory_space<vmem>>
    %dma_wait3A_912 = arith.constant 0 : i32
    %dma_wait3A_913 = tpu.memref_slice %arg9[%dma_wait3A_907, %dma_wait3A_912] : memref<160x128xi32, #tpu.memory_space<vmem>> -> memref<1x128xi32, #tpu.memory_space<vmem>>
    %dma_wait3A_914 = tpu.memref_squeeze %dma_wait3A_913 : memref<1x128xi32, #tpu.memory_space<vmem>> -> memref<128xi32, #tpu.memory_space<vmem>>
    %dma_wait3A_915 = arith.constant 0 : i32
    %dma_wait3A_916 = arith.constant 0 : i32
    %dma_wait3A_917 = tpu.memref_slice %arg15[%dma_wait3A_915, %dma_wait3A_916] : memref<10256x64xbf16, #tpu.memory_space<vmem_shared>> -> memref<10256x64xbf16, #tpu.memory_space<vmem_shared>>
    tpu.wait_indirect_dma semaphore(%arg20 : memref<!tpu.dma_semaphore, #tpu.memory_space<semaphore_mem>>) src(%dma_wait3A_911 : memref<128x64xbf16, #tpu.memory_space<vmem>>) dst(%dma_wait3A_917 : memref<10256x64xbf16, #tpu.memory_space<vmem_shared>>)
    %dma_wait3A_918 = arith.constant 1 : i32
    %dma_wait3A_919 = arith.constant 0 : i32
    %dma_wait3A_920 = arith.constant 0 : i32
    %dma_wait3A_921 = arith.constant 0 : i32
    %dma_wait3A_922 = tpu.memref_slice %arg12[%dma_wait3A_918, %dma_wait3A_920, %dma_wait3A_921] : memref<4x128x64xbf16, #tpu.memory_space<vmem>> -> memref<1x128x64xbf16, #tpu.memory_space<vmem>>
    %dma_wait3A_923 = tpu.memref_squeeze %dma_wait3A_922 : memref<1x128x64xbf16, #tpu.memory_space<vmem>> -> memref<128x64xbf16, #tpu.memory_space<vmem>>
    %dma_wait3A_924 = arith.constant 0 : i32
    %dma_wait3A_925 = tpu.memref_slice %arg9[%dma_wait3A_919, %dma_wait3A_924] : memref<160x128xi32, #tpu.memory_space<vmem>> -> memref<1x128xi32, #tpu.memory_space<vmem>>
    %dma_wait3A_926 = tpu.memref_squeeze %dma_wait3A_925 : memref<1x128xi32, #tpu.memory_space<vmem>> -> memref<128xi32, #tpu.memory_space<vmem>>
    %dma_wait3A_927 = arith.constant 0 : i32
    %dma_wait3A_928 = arith.constant 0 : i32
    %dma_wait3A_929 = tpu.memref_slice %arg15[%dma_wait3A_927, %dma_wait3A_928] : memref<10256x64xbf16, #tpu.memory_space<vmem_shared>> -> memref<10256x64xbf16, #tpu.memory_space<vmem_shared>>
    tpu.wait_indirect_dma semaphore(%arg21 : memref<!tpu.dma_semaphore, #tpu.memory_space<semaphore_mem>>) src(%dma_wait3A_923 : memref<128x64xbf16, #tpu.memory_space<vmem>>) dst(%dma_wait3A_929 : memref<10256x64xbf16, #tpu.memory_space<vmem_shared>>)
    %dma_wait3A_930 = arith.constant 2 : i32
    %dma_wait3A_931 = arith.constant 0 : i32
    %dma_wait3A_932 = arith.constant 0 : i32
    %dma_wait3A_933 = arith.constant 0 : i32
    %dma_wait3A_934 = tpu.memref_slice %arg12[%dma_wait3A_930, %dma_wait3A_932, %dma_wait3A_933] : memref<4x128x64xbf16, #tpu.memory_space<vmem>> -> memref<1x128x64xbf16, #tpu.memory_space<vmem>>
    %dma_wait3A_935 = tpu.memref_squeeze %dma_wait3A_934 : memref<1x128x64xbf16, #tpu.memory_space<vmem>> -> memref<128x64xbf16, #tpu.memory_space<vmem>>
    %dma_wait3A_936 = arith.constant 0 : i32
    %dma_wait3A_937 = tpu.memref_slice %arg9[%dma_wait3A_931, %dma_wait3A_936] : memref<160x128xi32, #tpu.memory_space<vmem>> -> memref<1x128xi32, #tpu.memory_space<vmem>>
    %dma_wait3A_938 = tpu.memref_squeeze %dma_wait3A_937 : memref<1x128xi32, #tpu.memory_space<vmem>> -> memref<128xi32, #tpu.memory_space<vmem>>
    %dma_wait3A_939 = arith.constant 0 : i32
    %dma_wait3A_940 = arith.constant 0 : i32
    %dma_wait3A_941 = tpu.memref_slice %arg15[%dma_wait3A_939, %dma_wait3A_940] : memref<10256x64xbf16, #tpu.memory_space<vmem_shared>> -> memref<10256x64xbf16, #tpu.memory_space<vmem_shared>>
    tpu.wait_indirect_dma semaphore(%arg22 : memref<!tpu.dma_semaphore, #tpu.memory_space<semaphore_mem>>) src(%dma_wait3A_935 : memref<128x64xbf16, #tpu.memory_space<vmem>>) dst(%dma_wait3A_941 : memref<10256x64xbf16, #tpu.memory_space<vmem_shared>>)
    %dma_wait3A_942 = arith.constant 3 : i32
    %dma_wait3A_943 = arith.constant 0 : i32
    %dma_wait3A_944 = arith.constant 0 : i32
    %dma_wait3A_945 = arith.constant 0 : i32
    %dma_wait3A_946 = tpu.memref_slice %arg12[%dma_wait3A_942, %dma_wait3A_944, %dma_wait3A_945] : memref<4x128x64xbf16, #tpu.memory_space<vmem>> -> memref<1x128x64xbf16, #tpu.memory_space<vmem>>
    %dma_wait3A_947 = tpu.memref_squeeze %dma_wait3A_946 : memref<1x128x64xbf16, #tpu.memory_space<vmem>> -> memref<128x64xbf16, #tpu.memory_space<vmem>>
    %dma_wait3A_948 = arith.constant 0 : i32
    %dma_wait3A_949 = tpu.memref_slice %arg9[%dma_wait3A_943, %dma_wait3A_948] : memref<160x128xi32, #tpu.memory_space<vmem>> -> memref<1x128xi32, #tpu.memory_space<vmem>>
    %dma_wait3A_950 = tpu.memref_squeeze %dma_wait3A_949 : memref<1x128xi32, #tpu.memory_space<vmem>> -> memref<128xi32, #tpu.memory_space<vmem>>
    %dma_wait3A_951 = arith.constant 0 : i32
    %dma_wait3A_952 = arith.constant 0 : i32
    %dma_wait3A_953 = tpu.memref_slice %arg15[%dma_wait3A_951, %dma_wait3A_952] : memref<10256x64xbf16, #tpu.memory_space<vmem_shared>> -> memref<10256x64xbf16, #tpu.memory_space<vmem_shared>>
    tpu.wait_indirect_dma semaphore(%arg23 : memref<!tpu.dma_semaphore, #tpu.memory_space<semaphore_mem>>) src(%dma_wait3A_947 : memref<128x64xbf16, #tpu.memory_space<vmem>>) dst(%dma_wait3A_953 : memref<10256x64xbf16, #tpu.memory_space<vmem_shared>>)
    %barrier3A_954 = arith.constant 0 : index
    tpu.barrier barrier_id(%barrier3A_954)
    "tpu.region"() ({
      %run_scoped3A_955 = tpu.sem_alloc : memref<!tpu.dma_semaphore, #tpu.memory_space<semaphore_mem>>
      %dma_start3A_956 = arith.constant 0 : i32
      %dma_start3A_957 = arith.constant 0 : i32
      %dma_start3A_958 = tpu.memref_slice %arg5[%arg0, %dma_start3A_956, %dma_start3A_957] : memref<2x10240x64xbf16, #tpu.memory_space<hbm>> -> memref<1x10240x64xbf16, #tpu.memory_space<hbm>>
      %dma_start3A_959 = tpu.memref_squeeze %dma_start3A_958 : memref<1x10240x64xbf16, #tpu.memory_space<hbm>> -> memref<10240x64xbf16, #tpu.memory_space<hbm>>
      %dma_start3A_960 = arith.constant 0 : i32
      %dma_start3A_961 = tpu.memref_slice %dma_start3A_959[%mul3A_0, %dma_start3A_960] : memref<10240x64xbf16, #tpu.memory_space<hbm>> -> memref<640x64xbf16, #tpu.memory_space<hbm>>
      %dma_start3A_962 = arith.constant 0 : i32
      %dma_start3A_963 = tpu.memref_slice %arg15[%mul3A_0, %dma_start3A_962] : memref<10256x64xbf16, #tpu.memory_space<vmem_shared>> -> memref<640x64xbf16, #tpu.memory_space<vmem_shared>>
      tpu.enqueue_dma source(%dma_start3A_963 : memref<640x64xbf16, #tpu.memory_space<vmem_shared>>) target(%dma_start3A_961 : memref<640x64xbf16, #tpu.memory_space<hbm>>) target_semaphore(%run_scoped3A_955 : memref<!tpu.dma_semaphore, #tpu.memory_space<semaphore_mem>>)
      %dma_wait3A_964 = arith.constant 0 : i32
      %dma_wait3A_965 = arith.constant 0 : i32
      %dma_wait3A_966 = tpu.memref_slice %arg5[%arg0, %dma_wait3A_964, %dma_wait3A_965] : memref<2x10240x64xbf16, #tpu.memory_space<hbm>> -> memref<1x10240x64xbf16, #tpu.memory_space<hbm>>
      %dma_wait3A_967 = tpu.memref_squeeze %dma_wait3A_966 : memref<1x10240x64xbf16, #tpu.memory_space<hbm>> -> memref<10240x64xbf16, #tpu.memory_space<hbm>>
      %dma_wait3A_968 = arith.constant 0 : i32
      %dma_wait3A_969 = tpu.memref_slice %dma_wait3A_967[%mul3A_0, %dma_wait3A_968] : memref<10240x64xbf16, #tpu.memory_space<hbm>> -> memref<640x64xbf16, #tpu.memory_space<hbm>>
      %dma_wait3A_970 = arith.constant 0 : i32
      %dma_wait3A_971 = tpu.memref_slice %arg15[%mul3A_0, %dma_wait3A_970] : memref<10256x64xbf16, #tpu.memory_space<vmem_shared>> -> memref<640x64xbf16, #tpu.memory_space<vmem_shared>>
      tpu.wait_dma2 semaphore(%run_scoped3A_955 : memref<!tpu.dma_semaphore, #tpu.memory_space<semaphore_mem>>) src(%dma_wait3A_971 : memref<640x64xbf16, #tpu.memory_space<vmem_shared>>) dst(%dma_wait3A_969 : memref<640x64xbf16, #tpu.memory_space<hbm>>)
      tpu.yield
    }) : () -> ()
    return
  }
}

#map = affine_map<(d0, d1) -> (0, 0)>
#map1 = affine_map<(d0, d1) -> (0, 0, 0)>
module attributes {stable_mosaic.version = 14 : i64} {
  func.func @_k(%arg0: i32, %arg1: i32, %arg2: memref<20480x64xbf16, #tpu.memory_space<hbm>>, %arg3: memref<2560x128xi32, #tpu.memory_space<hbm>>, %arg4: memref<2560x128xi32, #tpu.memory_space<hbm>>, %arg5: memref<2x10240x64xbf16, #tpu.memory_space<hbm>>, %arg6: memref<16x10240xf32, #tpu.memory_space<hbm>>, %arg7: memref<160xi32, #tpu.memory_space<vmem>>, %arg8: memref<160xi32, #tpu.memory_space<vmem>>, %arg9: memref<160x128xi32, #tpu.memory_space<vmem>>, %arg10: memref<160x128xi32, #tpu.memory_space<vmem>>, %arg11: memref<5x128xi32, #tpu.memory_space<vmem>>, %arg12: memref<128x64xbf16, #tpu.memory_space<vmem>>, %arg13: memref<4x128x64xbf16, #tpu.memory_space<vmem>>, %arg14: memref<10256xf32, #tpu.memory_space<vmem>>, %arg15: memref<10240x64xbf16, #tpu.memory_space<vmem_shared>>, %arg16: memref<10256x64xbf16, #tpu.memory_space<vmem_shared>>, %arg17: memref<!tpu.dma_semaphore, #tpu.memory_space<semaphore_mem>>, %arg18: memref<!tpu.dma_semaphore, #tpu.memory_space<semaphore_mem>>, %arg19: memref<!tpu.dma_semaphore, #tpu.memory_space<semaphore_mem>>, %arg20: memref<!tpu.dma_semaphore, #tpu.memory_space<semaphore_mem>>, %arg21: memref<!tpu.dma_semaphore, #tpu.memory_space<semaphore_mem>>, %arg22: memref<!tpu.dma_semaphore, #tpu.memory_space<semaphore_mem>>, %arg23: memref<!tpu.dma_semaphore, #tpu.memory_space<semaphore_mem>>, %arg24: memref<!tpu.dma_semaphore, #tpu.memory_space<semaphore_mem>>, %arg25: memref<!tpu.dma_semaphore, #tpu.memory_space<semaphore_mem>>) attributes {dimension_semantics = [#tpu.dimension_semantics<core_parallel>, #tpu.dimension_semantics<subcore_parallel>], iteration_bounds = array<i64: 2, 16>, scalar_prefetch = 0 : i64, scratch_operands = 19 : i64, tpu.core_type = #tpu.core_type<sc_vector_subcore>, window_params = [{transform_indices = #map}, {transform_indices = #map}, {transform_indices = #map}, {transform_indices = #map1}, {transform_indices = #map}]} {
    %mul3A = arith.constant 640 : i32
    %mul3A_0 = arith.muli %arg1, %mul3A : i32
    %mul3A_1 = arith.constant 160 : i32
    %mul3A_2 = arith.muli %arg1, %mul3A_1 : i32
    %mul3A_3 = arith.constant 160 : i32
    %mul3A_4 = arith.muli %arg1, %mul3A_3 : i32
    %iota3A = tpu.iota {dimensions = array<i32: 0>} : vector<16xi32>
    %add3A = arith.constant 0 : i32
    %add3A_5 = arith.addi %mul3A_2, %add3A : i32
    %add3A_6 = vector.broadcast %add3A_5 : i32 to vector<16xi32>
    %add3A_7 = arith.addi %iota3A, %add3A_6 : vector<16xi32>
    %swap3A = arith.constant 0 : index
    %swap3A_8 = tpu.vector_load %arg7[%swap3A] {strides = array<i32>} : memref<160xi32, #tpu.memory_space<vmem>>, vector<16xi32>,
    tpu.vector_store %arg7[%swap3A], %add3A_7 {strides = array<i32>} : memref<160xi32, #tpu.memory_space<vmem>>, vector<16xi32>,
    %add3A_9 = arith.constant 0 : i32
    %add3A_10 = arith.addi %mul3A_4, %add3A_9 : i32
    %add3A_11 = vector.broadcast %add3A_10 : i32 to vector<16xi32>
    %add3A_12 = arith.addi %iota3A, %add3A_11 : vector<16xi32>
    %swap3A_13 = arith.constant 0 : index
    %swap3A_14 = tpu.vector_load %arg8[%swap3A_13] {strides = array<i32>} : memref<160xi32, #tpu.memory_space<vmem>>, vector<16xi32>,
    tpu.vector_store %arg8[%swap3A_13], %add3A_12 {strides = array<i32>} : memref<160xi32, #tpu.memory_space<vmem>>, vector<16xi32>,
    %add3A_15 = arith.constant 16 : i32
    %add3A_16 = arith.addi %mul3A_2, %add3A_15 : i32
    %add3A_17 = vector.broadcast %add3A_16 : i32 to vector<16xi32>
    %add3A_18 = arith.addi %iota3A, %add3A_17 : vector<16xi32>
    %swap3A_19 = arith.constant 16 : index
    %swap3A_20 = tpu.vector_load %arg7[%swap3A_19] {strides = array<i32>} : memref<160xi32, #tpu.memory_space<vmem>>, vector<16xi32>,
    tpu.vector_store %arg7[%swap3A_19], %add3A_18 {strides = array<i32>} : memref<160xi32, #tpu.memory_space<vmem>>, vector<16xi32>,
    %add3A_21 = arith.constant 16 : i32
    %add3A_22 = arith.addi %mul3A_4, %add3A_21 : i32
    %add3A_23 = vector.broadcast %add3A_22 : i32 to vector<16xi32>
    %add3A_24 = arith.addi %iota3A, %add3A_23 : vector<16xi32>
    %swap3A_25 = arith.constant 16 : index
    %swap3A_26 = tpu.vector_load %arg8[%swap3A_25] {strides = array<i32>} : memref<160xi32, #tpu.memory_space<vmem>>, vector<16xi32>,
    tpu.vector_store %arg8[%swap3A_25], %add3A_24 {strides = array<i32>} : memref<160xi32, #tpu.memory_space<vmem>>, vector<16xi32>,
    %add3A_27 = arith.constant 32 : i32
    %add3A_28 = arith.addi %mul3A_2, %add3A_27 : i32
    %add3A_29 = vector.broadcast %add3A_28 : i32 to vector<16xi32>
    %add3A_30 = arith.addi %iota3A, %add3A_29 : vector<16xi32>
    %swap3A_31 = arith.constant 32 : index
    %swap3A_32 = tpu.vector_load %arg7[%swap3A_31] {strides = array<i32>} : memref<160xi32, #tpu.memory_space<vmem>>, vector<16xi32>,
    tpu.vector_store %arg7[%swap3A_31], %add3A_30 {strides = array<i32>} : memref<160xi32, #tpu.memory_space<vmem>>, vector<16xi32>,
    %add3A_33 = arith.constant 32 : i32
    %add3A_34 = arith.addi %mul3A_4, %add3A_33 : i32
    %add3A_35 = vector.broadcast %add3A_34 : i32 to vector<16xi32>
    %add3A_36 = arith.addi %iota3A, %add3A_35 : vector<16xi32>
    %swap3A_37 = arith.constant 32 : index
    %swap3A_38 = tpu.vector_load %arg8[%swap3A_37] {strides = array<i32>} : memref<160xi32, #tpu.memory_space<vmem>>, vector<16xi32>,
    tpu.vector_store %arg8[%swap3A_37], %add3A_36 {strides = array<i32>} : memref<160xi32, #tpu.memory_space<vmem>>, vector<16xi32>,
    %add3A_39 = arith.constant 48 : i32
    %add3A_40 = arith.addi %mul3A_2, %add3A_39 : i32
    %add3A_41 = vector.broadcast %add3A_40 : i32 to vector<16xi32>
    %add3A_42 = arith.addi %iota3A, %add3A_41 : vector<16xi32>
    %swap3A_43 = arith.constant 48 : index
    %swap3A_44 = tpu.vector_load %arg7[%swap3A_43] {strides = array<i32>} : memref<160xi32, #tpu.memory_space<vmem>>, vector<16xi32>,
    tpu.vector_store %arg7[%swap3A_43], %add3A_42 {strides = array<i32>} : memref<160xi32, #tpu.memory_space<vmem>>, vector<16xi32>,
    %add3A_45 = arith.constant 48 : i32
    %add3A_46 = arith.addi %mul3A_4, %add3A_45 : i32
    %add3A_47 = vector.broadcast %add3A_46 : i32 to vector<16xi32>
    %add3A_48 = arith.addi %iota3A, %add3A_47 : vector<16xi32>
    %swap3A_49 = arith.constant 48 : index
    %swap3A_50 = tpu.vector_load %arg8[%swap3A_49] {strides = array<i32>} : memref<160xi32, #tpu.memory_space<vmem>>, vector<16xi32>,
    tpu.vector_store %arg8[%swap3A_49], %add3A_48 {strides = array<i32>} : memref<160xi32, #tpu.memory_space<vmem>>, vector<16xi32>,
    %add3A_51 = arith.constant 64 : i32
    %add3A_52 = arith.addi %mul3A_2, %add3A_51 : i32
    %add3A_53 = vector.broadcast %add3A_52 : i32 to vector<16xi32>
    %add3A_54 = arith.addi %iota3A, %add3A_53 : vector<16xi32>
    %swap3A_55 = arith.constant 64 : index
    %swap3A_56 = tpu.vector_load %arg7[%swap3A_55] {strides = array<i32>} : memref<160xi32, #tpu.memory_space<vmem>>, vector<16xi32>,
    tpu.vector_store %arg7[%swap3A_55], %add3A_54 {strides = array<i32>} : memref<160xi32, #tpu.memory_space<vmem>>, vector<16xi32>,
    %add3A_57 = arith.constant 64 : i32
    %add3A_58 = arith.addi %mul3A_4, %add3A_57 : i32
    %add3A_59 = vector.broadcast %add3A_58 : i32 to vector<16xi32>
    %add3A_60 = arith.addi %iota3A, %add3A_59 : vector<16xi32>
    %swap3A_61 = arith.constant 64 : index
    %swap3A_62 = tpu.vector_load %arg8[%swap3A_61] {strides = array<i32>} : memref<160xi32, #tpu.memory_space<vmem>>, vector<16xi32>,
    tpu.vector_store %arg8[%swap3A_61], %add3A_60 {strides = array<i32>} : memref<160xi32, #tpu.memory_space<vmem>>, vector<16xi32>,
    %add3A_63 = arith.constant 80 : i32
    %add3A_64 = arith.addi %mul3A_2, %add3A_63 : i32
    %add3A_65 = vector.broadcast %add3A_64 : i32 to vector<16xi32>
    %add3A_66 = arith.addi %iota3A, %add3A_65 : vector<16xi32>
    %swap3A_67 = arith.constant 80 : index
    %swap3A_68 = tpu.vector_load %arg7[%swap3A_67] {strides = array<i32>} : memref<160xi32, #tpu.memory_space<vmem>>, vector<16xi32>,
    tpu.vector_store %arg7[%swap3A_67], %add3A_66 {strides = array<i32>} : memref<160xi32, #tpu.memory_space<vmem>>, vector<16xi32>,
    %add3A_69 = arith.constant 80 : i32
    %add3A_70 = arith.addi %mul3A_4, %add3A_69 : i32
    %add3A_71 = vector.broadcast %add3A_70 : i32 to vector<16xi32>
    %add3A_72 = arith.addi %iota3A, %add3A_71 : vector<16xi32>
    %swap3A_73 = arith.constant 80 : index
    %swap3A_74 = tpu.vector_load %arg8[%swap3A_73] {strides = array<i32>} : memref<160xi32, #tpu.memory_space<vmem>>, vector<16xi32>,
    tpu.vector_store %arg8[%swap3A_73], %add3A_72 {strides = array<i32>} : memref<160xi32, #tpu.memory_space<vmem>>, vector<16xi32>,
    %add3A_75 = arith.constant 96 : i32
    %add3A_76 = arith.addi %mul3A_2, %add3A_75 : i32
    %add3A_77 = vector.broadcast %add3A_76 : i32 to vector<16xi32>
    %add3A_78 = arith.addi %iota3A, %add3A_77 : vector<16xi32>
    %swap3A_79 = arith.constant 96 : index
    %swap3A_80 = tpu.vector_load %arg7[%swap3A_79] {strides = array<i32>} : memref<160xi32, #tpu.memory_space<vmem>>, vector<16xi32>,
    tpu.vector_store %arg7[%swap3A_79], %add3A_78 {strides = array<i32>} : memref<160xi32, #tpu.memory_space<vmem>>, vector<16xi32>,
    %add3A_81 = arith.constant 96 : i32
    %add3A_82 = arith.addi %mul3A_4, %add3A_81 : i32
    %add3A_83 = vector.broadcast %add3A_82 : i32 to vector<16xi32>
    %add3A_84 = arith.addi %iota3A, %add3A_83 : vector<16xi32>
    %swap3A_85 = arith.constant 96 : index
    %swap3A_86 = tpu.vector_load %arg8[%swap3A_85] {strides = array<i32>} : memref<160xi32, #tpu.memory_space<vmem>>, vector<16xi32>,
    tpu.vector_store %arg8[%swap3A_85], %add3A_84 {strides = array<i32>} : memref<160xi32, #tpu.memory_space<vmem>>, vector<16xi32>,
    %add3A_87 = arith.constant 112 : i32
    %add3A_88 = arith.addi %mul3A_2, %add3A_87 : i32
    %add3A_89 = vector.broadcast %add3A_88 : i32 to vector<16xi32>
    %add3A_90 = arith.addi %iota3A, %add3A_89 : vector<16xi32>
    %swap3A_91 = arith.constant 112 : index
    %swap3A_92 = tpu.vector_load %arg7[%swap3A_91] {strides = array<i32>} : memref<160xi32, #tpu.memory_space<vmem>>, vector<16xi32>,
    tpu.vector_store %arg7[%swap3A_91], %add3A_90 {strides = array<i32>} : memref<160xi32, #tpu.memory_space<vmem>>, vector<16xi32>,
    %add3A_93 = arith.constant 112 : i32
    %add3A_94 = arith.addi %mul3A_4, %add3A_93 : i32
    %add3A_95 = vector.broadcast %add3A_94 : i32 to vector<16xi32>
    %add3A_96 = arith.addi %iota3A, %add3A_95 : vector<16xi32>
    %swap3A_97 = arith.constant 112 : index
    %swap3A_98 = tpu.vector_load %arg8[%swap3A_97] {strides = array<i32>} : memref<160xi32, #tpu.memory_space<vmem>>, vector<16xi32>,
    tpu.vector_store %arg8[%swap3A_97], %add3A_96 {strides = array<i32>} : memref<160xi32, #tpu.memory_space<vmem>>, vector<16xi32>,
    %add3A_99 = arith.constant 128 : i32
    %add3A_100 = arith.addi %mul3A_2, %add3A_99 : i32
    %add3A_101 = vector.broadcast %add3A_100 : i32 to vector<16xi32>
    %add3A_102 = arith.addi %iota3A, %add3A_101 : vector<16xi32>
    %swap3A_103 = arith.constant 128 : index
    %swap3A_104 = tpu.vector_load %arg7[%swap3A_103] {strides = array<i32>} : memref<160xi32, #tpu.memory_space<vmem>>, vector<16xi32>,
    tpu.vector_store %arg7[%swap3A_103], %add3A_102 {strides = array<i32>} : memref<160xi32, #tpu.memory_space<vmem>>, vector<16xi32>,
    %add3A_105 = arith.constant 128 : i32
    %add3A_106 = arith.addi %mul3A_4, %add3A_105 : i32
    %add3A_107 = vector.broadcast %add3A_106 : i32 to vector<16xi32>
    %add3A_108 = arith.addi %iota3A, %add3A_107 : vector<16xi32>
    %swap3A_109 = arith.constant 128 : index
    %swap3A_110 = tpu.vector_load %arg8[%swap3A_109] {strides = array<i32>} : memref<160xi32, #tpu.memory_space<vmem>>, vector<16xi32>,
    tpu.vector_store %arg8[%swap3A_109], %add3A_108 {strides = array<i32>} : memref<160xi32, #tpu.memory_space<vmem>>, vector<16xi32>,
    %add3A_111 = arith.constant 144 : i32
    %add3A_112 = arith.addi %mul3A_2, %add3A_111 : i32
    %add3A_113 = vector.broadcast %add3A_112 : i32 to vector<16xi32>
    %add3A_114 = arith.addi %iota3A, %add3A_113 : vector<16xi32>
    %swap3A_115 = arith.constant 144 : index
    %swap3A_116 = tpu.vector_load %arg7[%swap3A_115] {strides = array<i32>} : memref<160xi32, #tpu.memory_space<vmem>>, vector<16xi32>,
    tpu.vector_store %arg7[%swap3A_115], %add3A_114 {strides = array<i32>} : memref<160xi32, #tpu.memory_space<vmem>>, vector<16xi32>,
    %add3A_117 = arith.constant 144 : i32
    %add3A_118 = arith.addi %mul3A_4, %add3A_117 : i32
    %add3A_119 = vector.broadcast %add3A_118 : i32 to vector<16xi32>
    %add3A_120 = arith.addi %iota3A, %add3A_119 : vector<16xi32>
    %swap3A_121 = arith.constant 144 : index
    %swap3A_122 = tpu.vector_load %arg8[%swap3A_121] {strides = array<i32>} : memref<160xi32, #tpu.memory_space<vmem>>, vector<16xi32>,
    tpu.vector_store %arg8[%swap3A_121], %add3A_120 {strides = array<i32>} : memref<160xi32, #tpu.memory_space<vmem>>, vector<16xi32>,
    %dma_start3A = arith.constant 0 : i32
    %dma_start3A_123 = arith.constant 0 : i32
    %dma_start3A_124 = tpu.memref_slice %arg9[%dma_start3A, %dma_start3A_123] : memref<160x128xi32, #tpu.memory_space<vmem>> -> memref<128x128xi32, #tpu.memory_space<vmem>>
    %dma_start3A_125 = arith.constant 0 : i32
    %dma_start3A_126 = tpu.memref_slice %arg7[%dma_start3A_125] : memref<160xi32, #tpu.memory_space<vmem>> -> memref<128xi32, #tpu.memory_space<vmem>>
    %dma_start3A_127 = arith.constant 0 : i32
    %dma_start3A_128 = arith.constant 0 : i32
    %dma_start3A_129 = tpu.memref_slice %arg3[%dma_start3A_127, %dma_start3A_128] : memref<2560x128xi32, #tpu.memory_space<hbm>> -> memref<2560x128xi32, #tpu.memory_space<hbm>>
    tpu.enqueue_indirect_dma source(%dma_start3A_129 : memref<2560x128xi32, #tpu.memory_space<hbm>>) target(%dma_start3A_124 : memref<128x128xi32, #tpu.memory_space<vmem>>) offsets(%dma_start3A_126 : memref<128xi32, #tpu.memory_space<vmem>>) semaphore(%arg25 : memref<!tpu.dma_semaphore, #tpu.memory_space<semaphore_mem>>)
    %dma_start3A_130 = arith.constant 128 : i32
    %dma_start3A_131 = arith.constant 0 : i32
    %dma_start3A_132 = tpu.memref_slice %arg9[%dma_start3A_130, %dma_start3A_131] : memref<160x128xi32, #tpu.memory_space<vmem>> -> memref<32x128xi32, #tpu.memory_space<vmem>>
    %dma_start3A_133 = arith.constant 128 : i32
    %dma_start3A_134 = tpu.memref_slice %arg7[%dma_start3A_133] : memref<160xi32, #tpu.memory_space<vmem>> -> memref<32xi32, #tpu.memory_space<vmem>>
    %dma_start3A_135 = arith.constant 0 : i32
    %dma_start3A_136 = arith.constant 0 : i32
    %dma_start3A_137 = tpu.memref_slice %arg3[%dma_start3A_135, %dma_start3A_136] : memref<2560x128xi32, #tpu.memory_space<hbm>> -> memref<2560x128xi32, #tpu.memory_space<hbm>>
    tpu.enqueue_indirect_dma source(%dma_start3A_137 : memref<2560x128xi32, #tpu.memory_space<hbm>>) target(%dma_start3A_132 : memref<32x128xi32, #tpu.memory_space<vmem>>) offsets(%dma_start3A_134 : memref<32xi32, #tpu.memory_space<vmem>>) semaphore(%arg25 : memref<!tpu.dma_semaphore, #tpu.memory_space<semaphore_mem>>)
    %dma_start3A_138 = arith.constant 0 : i32
    %dma_start3A_139 = arith.constant 0 : i32
    %dma_start3A_140 = tpu.memref_slice %arg10[%dma_start3A_138, %dma_start3A_139] : memref<160x128xi32, #tpu.memory_space<vmem>> -> memref<128x128xi32, #tpu.memory_space<vmem>>
    %dma_start3A_141 = arith.constant 0 : i32
    %dma_start3A_142 = tpu.memref_slice %arg8[%dma_start3A_141] : memref<160xi32, #tpu.memory_space<vmem>> -> memref<128xi32, #tpu.memory_space<vmem>>
    %dma_start3A_143 = arith.constant 0 : i32
    %dma_start3A_144 = arith.constant 0 : i32
    %dma_start3A_145 = tpu.memref_slice %arg4[%dma_start3A_143, %dma_start3A_144] : memref<2560x128xi32, #tpu.memory_space<hbm>> -> memref<2560x128xi32, #tpu.memory_space<hbm>>
    tpu.enqueue_indirect_dma source(%dma_start3A_145 : memref<2560x128xi32, #tpu.memory_space<hbm>>) target(%dma_start3A_140 : memref<128x128xi32, #tpu.memory_space<vmem>>) offsets(%dma_start3A_142 : memref<128xi32, #tpu.memory_space<vmem>>) semaphore(%arg25 : memref<!tpu.dma_semaphore, #tpu.memory_space<semaphore_mem>>)
    %dma_start3A_146 = arith.constant 128 : i32
    %dma_start3A_147 = arith.constant 0 : i32
    %dma_start3A_148 = tpu.memref_slice %arg10[%dma_start3A_146, %dma_start3A_147] : memref<160x128xi32, #tpu.memory_space<vmem>> -> memref<32x128xi32, #tpu.memory_space<vmem>>
    %dma_start3A_149 = arith.constant 128 : i32
    %dma_start3A_150 = tpu.memref_slice %arg8[%dma_start3A_149] : memref<160xi32, #tpu.memory_space<vmem>> -> memref<32xi32, #tpu.memory_space<vmem>>
    %dma_start3A_151 = arith.constant 0 : i32
    %dma_start3A_152 = arith.constant 0 : i32
    %dma_start3A_153 = tpu.memref_slice %arg4[%dma_start3A_151, %dma_start3A_152] : memref<2560x128xi32, #tpu.memory_space<hbm>> -> memref<2560x128xi32, #tpu.memory_space<hbm>>
    tpu.enqueue_indirect_dma source(%dma_start3A_153 : memref<2560x128xi32, #tpu.memory_space<hbm>>) target(%dma_start3A_148 : memref<32x128xi32, #tpu.memory_space<vmem>>) offsets(%dma_start3A_150 : memref<32xi32, #tpu.memory_space<vmem>>) semaphore(%arg25 : memref<!tpu.dma_semaphore, #tpu.memory_space<semaphore_mem>>)
    %mul3A_154 = arith.constant 10240 : i32
    %mul3A_155 = arith.muli %arg0, %mul3A_154 : i32
    %add3A_156 = arith.addi %mul3A_155, %mul3A_0 : i32
    %add3A_157 = arith.constant 0 : i32
    %add3A_158 = arith.addi %add3A_156, %add3A_157 : i32
    %add3A_159 = arith.constant 0 : i32
    %add3A_160 = arith.addi %add3A_158, %add3A_159 : i32
    %add3A_161 = vector.broadcast %add3A_160 : i32 to vector<16xi32>
    %add3A_162 = arith.addi %iota3A, %add3A_161 : vector<16xi32>
    %swap3A_163 = arith.constant 0 : i32
    %swap3A_164 = arith.index_cast %swap3A_163 : i32 to index
    %swap3A_165 = arith.constant 0 : index
    %swap3A_166 = tpu.vector_load %arg11[%swap3A_164, %swap3A_165] {strides = array<i32>} : memref<5x128xi32, #tpu.memory_space<vmem>>, vector<16xi32>,
    tpu.vector_store %arg11[%swap3A_164, %swap3A_165], %add3A_162 {strides = array<i32>} : memref<5x128xi32, #tpu.memory_space<vmem>>, vector<16xi32>,
    %mul3A_167 = arith.constant 10240 : i32
    %mul3A_168 = arith.muli %arg0, %mul3A_167 : i32
    %add3A_169 = arith.addi %mul3A_168, %mul3A_0 : i32
    %add3A_170 = arith.constant 0 : i32
    %add3A_171 = arith.addi %add3A_169, %add3A_170 : i32
    %add3A_172 = arith.constant 16 : i32
    %add3A_173 = arith.addi %add3A_171, %add3A_172 : i32
    %add3A_174 = vector.broadcast %add3A_173 : i32 to vector<16xi32>
    %add3A_175 = arith.addi %iota3A, %add3A_174 : vector<16xi32>
    %swap3A_176 = arith.constant 0 : i32
    %swap3A_177 = arith.index_cast %swap3A_176 : i32 to index
    %swap3A_178 = arith.constant 16 : index
    %swap3A_179 = tpu.vector_load %arg11[%swap3A_177, %swap3A_178] {strides = array<i32>} : memref<5x128xi32, #tpu.memory_space<vmem>>, vector<16xi32>,
    tpu.vector_store %arg11[%swap3A_177, %swap3A_178], %add3A_175 {strides = array<i32>} : memref<5x128xi32, #tpu.memory_space<vmem>>, vector<16xi32>,
    %mul3A_180 = arith.constant 10240 : i32
    %mul3A_181 = arith.muli %arg0, %mul3A_180 : i32
    %add3A_182 = arith.addi %mul3A_181, %mul3A_0 : i32
    %add3A_183 = arith.constant 0 : i32
    %add3A_184 = arith.addi %add3A_182, %add3A_183 : i32
    %add3A_185 = arith.constant 32 : i32
    %add3A_186 = arith.addi %add3A_184, %add3A_185 : i32
    %add3A_187 = vector.broadcast %add3A_186 : i32 to vector<16xi32>
    %add3A_188 = arith.addi %iota3A, %add3A_187 : vector<16xi32>
    %swap3A_189 = arith.constant 0 : i32
    %swap3A_190 = arith.index_cast %swap3A_189 : i32 to index
    %swap3A_191 = arith.constant 32 : index
    %swap3A_192 = tpu.vector_load %arg11[%swap3A_190, %swap3A_191] {strides = array<i32>} : memref<5x128xi32, #tpu.memory_space<vmem>>, vector<16xi32>,
    tpu.vector_store %arg11[%swap3A_190, %swap3A_191], %add3A_188 {strides = array<i32>} : memref<5x128xi32, #tpu.memory_space<vmem>>, vector<16xi32>,
    %mul3A_193 = arith.constant 10240 : i32
    %mul3A_194 = arith.muli %arg0, %mul3A_193 : i32
    %add3A_195 = arith.addi %mul3A_194, %mul3A_0 : i32
    %add3A_196 = arith.constant 0 : i32
    %add3A_197 = arith.addi %add3A_195, %add3A_196 : i32
    %add3A_198 = arith.constant 48 : i32
    %add3A_199 = arith.addi %add3A_197, %add3A_198 : i32
    %add3A_200 = vector.broadcast %add3A_199 : i32 to vector<16xi32>
    %add3A_201 = arith.addi %iota3A, %add3A_200 : vector<16xi32>
    %swap3A_202 = arith.constant 0 : i32
    %swap3A_203 = arith.index_cast %swap3A_202 : i32 to index
    %swap3A_204 = arith.constant 48 : index
    %swap3A_205 = tpu.vector_load %arg11[%swap3A_203, %swap3A_204] {strides = array<i32>} : memref<5x128xi32, #tpu.memory_space<vmem>>, vector<16xi32>,
    tpu.vector_store %arg11[%swap3A_203, %swap3A_204], %add3A_201 {strides = array<i32>} : memref<5x128xi32, #tpu.memory_space<vmem>>, vector<16xi32>,
    %mul3A_206 = arith.constant 10240 : i32
    %mul3A_207 = arith.muli %arg0, %mul3A_206 : i32
    %add3A_208 = arith.addi %mul3A_207, %mul3A_0 : i32
    %add3A_209 = arith.constant 0 : i32
    %add3A_210 = arith.addi %add3A_208, %add3A_209 : i32
    %add3A_211 = arith.constant 64 : i32
    %add3A_212 = arith.addi %add3A_210, %add3A_211 : i32
    %add3A_213 = vector.broadcast %add3A_212 : i32 to vector<16xi32>
    %add3A_214 = arith.addi %iota3A, %add3A_213 : vector<16xi32>
    %swap3A_215 = arith.constant 0 : i32
    %swap3A_216 = arith.index_cast %swap3A_215 : i32 to index
    %swap3A_217 = arith.constant 64 : index
    %swap3A_218 = tpu.vector_load %arg11[%swap3A_216, %swap3A_217] {strides = array<i32>} : memref<5x128xi32, #tpu.memory_space<vmem>>, vector<16xi32>,
    tpu.vector_store %arg11[%swap3A_216, %swap3A_217], %add3A_214 {strides = array<i32>} : memref<5x128xi32, #tpu.memory_space<vmem>>, vector<16xi32>,
    %mul3A_219 = arith.constant 10240 : i32
    %mul3A_220 = arith.muli %arg0, %mul3A_219 : i32
    %add3A_221 = arith.addi %mul3A_220, %mul3A_0 : i32
    %add3A_222 = arith.constant 0 : i32
    %add3A_223 = arith.addi %add3A_221, %add3A_222 : i32
    %add3A_224 = arith.constant 80 : i32
    %add3A_225 = arith.addi %add3A_223, %add3A_224 : i32
    %add3A_226 = vector.broadcast %add3A_225 : i32 to vector<16xi32>
    %add3A_227 = arith.addi %iota3A, %add3A_226 : vector<16xi32>
    %swap3A_228 = arith.constant 0 : i32
    %swap3A_229 = arith.index_cast %swap3A_228 : i32 to index
    %swap3A_230 = arith.constant 80 : index
    %swap3A_231 = tpu.vector_load %arg11[%swap3A_229, %swap3A_230] {strides = array<i32>} : memref<5x128xi32, #tpu.memory_space<vmem>>, vector<16xi32>,
    tpu.vector_store %arg11[%swap3A_229, %swap3A_230], %add3A_227 {strides = array<i32>} : memref<5x128xi32, #tpu.memory_space<vmem>>, vector<16xi32>,
    %mul3A_232 = arith.constant 10240 : i32
    %mul3A_233 = arith.muli %arg0, %mul3A_232 : i32
    %add3A_234 = arith.addi %mul3A_233, %mul3A_0 : i32
    %add3A_235 = arith.constant 0 : i32
    %add3A_236 = arith.addi %add3A_234, %add3A_235 : i32
    %add3A_237 = arith.constant 96 : i32
    %add3A_238 = arith.addi %add3A_236, %add3A_237 : i32
    %add3A_239 = vector.broadcast %add3A_238 : i32 to vector<16xi32>
    %add3A_240 = arith.addi %iota3A, %add3A_239 : vector<16xi32>
    %swap3A_241 = arith.constant 0 : i32
    %swap3A_242 = arith.index_cast %swap3A_241 : i32 to index
    %swap3A_243 = arith.constant 96 : index
    %swap3A_244 = tpu.vector_load %arg11[%swap3A_242, %swap3A_243] {strides = array<i32>} : memref<5x128xi32, #tpu.memory_space<vmem>>, vector<16xi32>,
    tpu.vector_store %arg11[%swap3A_242, %swap3A_243], %add3A_240 {strides = array<i32>} : memref<5x128xi32, #tpu.memory_space<vmem>>, vector<16xi32>,
    %mul3A_245 = arith.constant 10240 : i32
    %mul3A_246 = arith.muli %arg0, %mul3A_245 : i32
    %add3A_247 = arith.addi %mul3A_246, %mul3A_0 : i32
    %add3A_248 = arith.constant 0 : i32
    %add3A_249 = arith.addi %add3A_247, %add3A_248 : i32
    %add3A_250 = arith.constant 112 : i32
    %add3A_251 = arith.addi %add3A_249, %add3A_250 : i32
    %add3A_252 = vector.broadcast %add3A_251 : i32 to vector<16xi32>
    %add3A_253 = arith.addi %iota3A, %add3A_252 : vector<16xi32>
    %swap3A_254 = arith.constant 0 : i32
    %swap3A_255 = arith.index_cast %swap3A_254 : i32 to index
    %swap3A_256 = arith.constant 112 : index
    %swap3A_257 = tpu.vector_load %arg11[%swap3A_255, %swap3A_256] {strides = array<i32>} : memref<5x128xi32, #tpu.memory_space<vmem>>, vector<16xi32>,
    tpu.vector_store %arg11[%swap3A_255, %swap3A_256], %add3A_253 {strides = array<i32>} : memref<5x128xi32, #tpu.memory_space<vmem>>, vector<16xi32>,
    %mul3A_258 = arith.constant 10240 : i32
    %mul3A_259 = arith.muli %arg0, %mul3A_258 : i32
    %add3A_260 = arith.addi %mul3A_259, %mul3A_0 : i32
    %add3A_261 = arith.constant 128 : i32
    %add3A_262 = arith.addi %add3A_260, %add3A_261 : i32
    %add3A_263 = arith.constant 0 : i32
    %add3A_264 = arith.addi %add3A_262, %add3A_263 : i32
    %add3A_265 = vector.broadcast %add3A_264 : i32 to vector<16xi32>
    %add3A_266 = arith.addi %iota3A, %add3A_265 : vector<16xi32>
    %swap3A_267 = arith.constant 1 : i32
    %swap3A_268 = arith.index_cast %swap3A_267 : i32 to index
    %swap3A_269 = arith.constant 0 : index
    %swap3A_270 = tpu.vector_load %arg11[%swap3A_268, %swap3A_269] {strides = array<i32>} : memref<5x128xi32, #tpu.memory_space<vmem>>, vector<16xi32>,
    tpu.vector_store %arg11[%swap3A_268, %swap3A_269], %add3A_266 {strides = array<i32>} : memref<5x128xi32, #tpu.memory_space<vmem>>, vector<16xi32>,
    %mul3A_271 = arith.constant 10240 : i32
    %mul3A_272 = arith.muli %arg0, %mul3A_271 : i32
    %add3A_273 = arith.addi %mul3A_272, %mul3A_0 : i32
    %add3A_274 = arith.constant 128 : i32
    %add3A_275 = arith.addi %add3A_273, %add3A_274 : i32
    %add3A_276 = arith.constant 16 : i32
    %add3A_277 = arith.addi %add3A_275, %add3A_276 : i32
    %add3A_278 = vector.broadcast %add3A_277 : i32 to vector<16xi32>
    %add3A_279 = arith.addi %iota3A, %add3A_278 : vector<16xi32>
    %swap3A_280 = arith.constant 1 : i32
    %swap3A_281 = arith.index_cast %swap3A_280 : i32 to index
    %swap3A_282 = arith.constant 16 : index
    %swap3A_283 = tpu.vector_load %arg11[%swap3A_281, %swap3A_282] {strides = array<i32>} : memref<5x128xi32, #tpu.memory_space<vmem>>, vector<16xi32>,
    tpu.vector_store %arg11[%swap3A_281, %swap3A_282], %add3A_279 {strides = array<i32>} : memref<5x128xi32, #tpu.memory_space<vmem>>, vector<16xi32>,
    %mul3A_284 = arith.constant 10240 : i32
    %mul3A_285 = arith.muli %arg0, %mul3A_284 : i32
    %add3A_286 = arith.addi %mul3A_285, %mul3A_0 : i32
    %add3A_287 = arith.constant 128 : i32
    %add3A_288 = arith.addi %add3A_286, %add3A_287 : i32
    %add3A_289 = arith.constant 32 : i32
    %add3A_290 = arith.addi %add3A_288, %add3A_289 : i32
    %add3A_291 = vector.broadcast %add3A_290 : i32 to vector<16xi32>
    %add3A_292 = arith.addi %iota3A, %add3A_291 : vector<16xi32>
    %swap3A_293 = arith.constant 1 : i32
    %swap3A_294 = arith.index_cast %swap3A_293 : i32 to index
    %swap3A_295 = arith.constant 32 : index
    %swap3A_296 = tpu.vector_load %arg11[%swap3A_294, %swap3A_295] {strides = array<i32>} : memref<5x128xi32, #tpu.memory_space<vmem>>, vector<16xi32>,
    tpu.vector_store %arg11[%swap3A_294, %swap3A_295], %add3A_292 {strides = array<i32>} : memref<5x128xi32, #tpu.memory_space<vmem>>, vector<16xi32>,
    %mul3A_297 = arith.constant 10240 : i32
    %mul3A_298 = arith.muli %arg0, %mul3A_297 : i32
    %add3A_299 = arith.addi %mul3A_298, %mul3A_0 : i32
    %add3A_300 = arith.constant 128 : i32
    %add3A_301 = arith.addi %add3A_299, %add3A_300 : i32
    %add3A_302 = arith.constant 48 : i32
    %add3A_303 = arith.addi %add3A_301, %add3A_302 : i32
    %add3A_304 = vector.broadcast %add3A_303 : i32 to vector<16xi32>
    %add3A_305 = arith.addi %iota3A, %add3A_304 : vector<16xi32>
    %swap3A_306 = arith.constant 1 : i32
    %swap3A_307 = arith.index_cast %swap3A_306 : i32 to index
    %swap3A_308 = arith.constant 48 : index
    %swap3A_309 = tpu.vector_load %arg11[%swap3A_307, %swap3A_308] {strides = array<i32>} : memref<5x128xi32, #tpu.memory_space<vmem>>, vector<16xi32>,
    tpu.vector_store %arg11[%swap3A_307, %swap3A_308], %add3A_305 {strides = array<i32>} : memref<5x128xi32, #tpu.memory_space<vmem>>, vector<16xi32>,
    %mul3A_310 = arith.constant 10240 : i32
    %mul3A_311 = arith.muli %arg0, %mul3A_310 : i32
    %add3A_312 = arith.addi %mul3A_311, %mul3A_0 : i32
    %add3A_313 = arith.constant 128 : i32
    %add3A_314 = arith.addi %add3A_312, %add3A_313 : i32
    %add3A_315 = arith.constant 64 : i32
    %add3A_316 = arith.addi %add3A_314, %add3A_315 : i32
    %add3A_317 = vector.broadcast %add3A_316 : i32 to vector<16xi32>
    %add3A_318 = arith.addi %iota3A, %add3A_317 : vector<16xi32>
    %swap3A_319 = arith.constant 1 : i32
    %swap3A_320 = arith.index_cast %swap3A_319 : i32 to index
    %swap3A_321 = arith.constant 64 : index
    %swap3A_322 = tpu.vector_load %arg11[%swap3A_320, %swap3A_321] {strides = array<i32>} : memref<5x128xi32, #tpu.memory_space<vmem>>, vector<16xi32>,
    tpu.vector_store %arg11[%swap3A_320, %swap3A_321], %add3A_318 {strides = array<i32>} : memref<5x128xi32, #tpu.memory_space<vmem>>, vector<16xi32>,
    %mul3A_323 = arith.constant 10240 : i32
    %mul3A_324 = arith.muli %arg0, %mul3A_323 : i32
    %add3A_325 = arith.addi %mul3A_324, %mul3A_0 : i32
    %add3A_326 = arith.constant 128 : i32
    %add3A_327 = arith.addi %add3A_325, %add3A_326 : i32
    %add3A_328 = arith.constant 80 : i32
    %add3A_329 = arith.addi %add3A_327, %add3A_328 : i32
    %add3A_330 = vector.broadcast %add3A_329 : i32 to vector<16xi32>
    %add3A_331 = arith.addi %iota3A, %add3A_330 : vector<16xi32>
    %swap3A_332 = arith.constant 1 : i32
    %swap3A_333 = arith.index_cast %swap3A_332 : i32 to index
    %swap3A_334 = arith.constant 80 : index
    %swap3A_335 = tpu.vector_load %arg11[%swap3A_333, %swap3A_334] {strides = array<i32>} : memref<5x128xi32, #tpu.memory_space<vmem>>, vector<16xi32>,
    tpu.vector_store %arg11[%swap3A_333, %swap3A_334], %add3A_331 {strides = array<i32>} : memref<5x128xi32, #tpu.memory_space<vmem>>, vector<16xi32>,
    %mul3A_336 = arith.constant 10240 : i32
    %mul3A_337 = arith.muli %arg0, %mul3A_336 : i32
    %add3A_338 = arith.addi %mul3A_337, %mul3A_0 : i32
    %add3A_339 = arith.constant 128 : i32
    %add3A_340 = arith.addi %add3A_338, %add3A_339 : i32
    %add3A_341 = arith.constant 96 : i32
    %add3A_342 = arith.addi %add3A_340, %add3A_341 : i32
    %add3A_343 = vector.broadcast %add3A_342 : i32 to vector<16xi32>
    %add3A_344 = arith.addi %iota3A, %add3A_343 : vector<16xi32>
    %swap3A_345 = arith.constant 1 : i32
    %swap3A_346 = arith.index_cast %swap3A_345 : i32 to index
    %swap3A_347 = arith.constant 96 : index
    %swap3A_348 = tpu.vector_load %arg11[%swap3A_346, %swap3A_347] {strides = array<i32>} : memref<5x128xi32, #tpu.memory_space<vmem>>, vector<16xi32>,
    tpu.vector_store %arg11[%swap3A_346, %swap3A_347], %add3A_344 {strides = array<i32>} : memref<5x128xi32, #tpu.memory_space<vmem>>, vector<16xi32>,
    %mul3A_349 = arith.constant 10240 : i32
    %mul3A_350 = arith.muli %arg0, %mul3A_349 : i32
    %add3A_351 = arith.addi %mul3A_350, %mul3A_0 : i32
    %add3A_352 = arith.constant 128 : i32
    %add3A_353 = arith.addi %add3A_351, %add3A_352 : i32
    %add3A_354 = arith.constant 112 : i32
    %add3A_355 = arith.addi %add3A_353, %add3A_354 : i32
    %add3A_356 = vector.broadcast %add3A_355 : i32 to vector<16xi32>
    %add3A_357 = arith.addi %iota3A, %add3A_356 : vector<16xi32>
    %swap3A_358 = arith.constant 1 : i32
    %swap3A_359 = arith.index_cast %swap3A_358 : i32 to index
    %swap3A_360 = arith.constant 112 : index
    %swap3A_361 = tpu.vector_load %arg11[%swap3A_359, %swap3A_360] {strides = array<i32>} : memref<5x128xi32, #tpu.memory_space<vmem>>, vector<16xi32>,
    tpu.vector_store %arg11[%swap3A_359, %swap3A_360], %add3A_357 {strides = array<i32>} : memref<5x128xi32, #tpu.memory_space<vmem>>, vector<16xi32>,
    %mul3A_362 = arith.constant 10240 : i32
    %mul3A_363 = arith.muli %arg0, %mul3A_362 : i32
    %add3A_364 = arith.addi %mul3A_363, %mul3A_0 : i32
    %add3A_365 = arith.constant 256 : i32
    %add3A_366 = arith.addi %add3A_364, %add3A_365 : i32
    %add3A_367 = arith.constant 0 : i32
    %add3A_368 = arith.addi %add3A_366, %add3A_367 : i32
    %add3A_369 = vector.broadcast %add3A_368 : i32 to vector<16xi32>
    %add3A_370 = arith.addi %iota3A, %add3A_369 : vector<16xi32>
    %swap3A_371 = arith.constant 2 : i32
    %swap3A_372 = arith.index_cast %swap3A_371 : i32 to index
    %swap3A_373 = arith.constant 0 : index
    %swap3A_374 = tpu.vector_load %arg11[%swap3A_372, %swap3A_373] {strides = array<i32>} : memref<5x128xi32, #tpu.memory_space<vmem>>, vector<16xi32>,
    tpu.vector_store %arg11[%swap3A_372, %swap3A_373], %add3A_370 {strides = array<i32>} : memref<5x128xi32, #tpu.memory_space<vmem>>, vector<16xi32>,
    %mul3A_375 = arith.constant 10240 : i32
    %mul3A_376 = arith.muli %arg0, %mul3A_375 : i32
    %add3A_377 = arith.addi %mul3A_376, %mul3A_0 : i32
    %add3A_378 = arith.constant 256 : i32
    %add3A_379 = arith.addi %add3A_377, %add3A_378 : i32
    %add3A_380 = arith.constant 16 : i32
    %add3A_381 = arith.addi %add3A_379, %add3A_380 : i32
    %add3A_382 = vector.broadcast %add3A_381 : i32 to vector<16xi32>
    %add3A_383 = arith.addi %iota3A, %add3A_382 : vector<16xi32>
    %swap3A_384 = arith.constant 2 : i32
    %swap3A_385 = arith.index_cast %swap3A_384 : i32 to index
    %swap3A_386 = arith.constant 16 : index
    %swap3A_387 = tpu.vector_load %arg11[%swap3A_385, %swap3A_386] {strides = array<i32>} : memref<5x128xi32, #tpu.memory_space<vmem>>, vector<16xi32>,
    tpu.vector_store %arg11[%swap3A_385, %swap3A_386], %add3A_383 {strides = array<i32>} : memref<5x128xi32, #tpu.memory_space<vmem>>, vector<16xi32>,
    %mul3A_388 = arith.constant 10240 : i32
    %mul3A_389 = arith.muli %arg0, %mul3A_388 : i32
    %add3A_390 = arith.addi %mul3A_389, %mul3A_0 : i32
    %add3A_391 = arith.constant 256 : i32
    %add3A_392 = arith.addi %add3A_390, %add3A_391 : i32
    %add3A_393 = arith.constant 32 : i32
    %add3A_394 = arith.addi %add3A_392, %add3A_393 : i32
    %add3A_395 = vector.broadcast %add3A_394 : i32 to vector<16xi32>
    %add3A_396 = arith.addi %iota3A, %add3A_395 : vector<16xi32>
    %swap3A_397 = arith.constant 2 : i32
    %swap3A_398 = arith.index_cast %swap3A_397 : i32 to index
    %swap3A_399 = arith.constant 32 : index
    %swap3A_400 = tpu.vector_load %arg11[%swap3A_398, %swap3A_399] {strides = array<i32>} : memref<5x128xi32, #tpu.memory_space<vmem>>, vector<16xi32>,
    tpu.vector_store %arg11[%swap3A_398, %swap3A_399], %add3A_396 {strides = array<i32>} : memref<5x128xi32, #tpu.memory_space<vmem>>, vector<16xi32>,
    %mul3A_401 = arith.constant 10240 : i32
    %mul3A_402 = arith.muli %arg0, %mul3A_401 : i32
    %add3A_403 = arith.addi %mul3A_402, %mul3A_0 : i32
    %add3A_404 = arith.constant 256 : i32
    %add3A_405 = arith.addi %add3A_403, %add3A_404 : i32
    %add3A_406 = arith.constant 48 : i32
    %add3A_407 = arith.addi %add3A_405, %add3A_406 : i32
    %add3A_408 = vector.broadcast %add3A_407 : i32 to vector<16xi32>
    %add3A_409 = arith.addi %iota3A, %add3A_408 : vector<16xi32>
    %swap3A_410 = arith.constant 2 : i32
    %swap3A_411 = arith.index_cast %swap3A_410 : i32 to index
    %swap3A_412 = arith.constant 48 : index
    %swap3A_413 = tpu.vector_load %arg11[%swap3A_411, %swap3A_412] {strides = array<i32>} : memref<5x128xi32, #tpu.memory_space<vmem>>, vector<16xi32>,
    tpu.vector_store %arg11[%swap3A_411, %swap3A_412], %add3A_409 {strides = array<i32>} : memref<5x128xi32, #tpu.memory_space<vmem>>, vector<16xi32>,
    %mul3A_414 = arith.constant 10240 : i32
    %mul3A_415 = arith.muli %arg0, %mul3A_414 : i32
    %add3A_416 = arith.addi %mul3A_415, %mul3A_0 : i32
    %add3A_417 = arith.constant 256 : i32
    %add3A_418 = arith.addi %add3A_416, %add3A_417 : i32
    %add3A_419 = arith.constant 64 : i32
    %add3A_420 = arith.addi %add3A_418, %add3A_419 : i32
    %add3A_421 = vector.broadcast %add3A_420 : i32 to vector<16xi32>
    %add3A_422 = arith.addi %iota3A, %add3A_421 : vector<16xi32>
    %swap3A_423 = arith.constant 2 : i32
    %swap3A_424 = arith.index_cast %swap3A_423 : i32 to index
    %swap3A_425 = arith.constant 64 : index
    %swap3A_426 = tpu.vector_load %arg11[%swap3A_424, %swap3A_425] {strides = array<i32>} : memref<5x128xi32, #tpu.memory_space<vmem>>, vector<16xi32>,
    tpu.vector_store %arg11[%swap3A_424, %swap3A_425], %add3A_422 {strides = array<i32>} : memref<5x128xi32, #tpu.memory_space<vmem>>, vector<16xi32>,
    %mul3A_427 = arith.constant 10240 : i32
    %mul3A_428 = arith.muli %arg0, %mul3A_427 : i32
    %add3A_429 = arith.addi %mul3A_428, %mul3A_0 : i32
    %add3A_430 = arith.constant 256 : i32
    %add3A_431 = arith.addi %add3A_429, %add3A_430 : i32
    %add3A_432 = arith.constant 80 : i32
    %add3A_433 = arith.addi %add3A_431, %add3A_432 : i32
    %add3A_434 = vector.broadcast %add3A_433 : i32 to vector<16xi32>
    %add3A_435 = arith.addi %iota3A, %add3A_434 : vector<16xi32>
    %swap3A_436 = arith.constant 2 : i32
    %swap3A_437 = arith.index_cast %swap3A_436 : i32 to index
    %swap3A_438 = arith.constant 80 : index
    %swap3A_439 = tpu.vector_load %arg11[%swap3A_437, %swap3A_438] {strides = array<i32>} : memref<5x128xi32, #tpu.memory_space<vmem>>, vector<16xi32>,
    tpu.vector_store %arg11[%swap3A_437, %swap3A_438], %add3A_435 {strides = array<i32>} : memref<5x128xi32, #tpu.memory_space<vmem>>, vector<16xi32>,
    %mul3A_440 = arith.constant 10240 : i32
    %mul3A_441 = arith.muli %arg0, %mul3A_440 : i32
    %add3A_442 = arith.addi %mul3A_441, %mul3A_0 : i32
    %add3A_443 = arith.constant 256 : i32
    %add3A_444 = arith.addi %add3A_442, %add3A_443 : i32
    %add3A_445 = arith.constant 96 : i32
    %add3A_446 = arith.addi %add3A_444, %add3A_445 : i32
    %add3A_447 = vector.broadcast %add3A_446 : i32 to vector<16xi32>
    %add3A_448 = arith.addi %iota3A, %add3A_447 : vector<16xi32>
    %swap3A_449 = arith.constant 2 : i32
    %swap3A_450 = arith.index_cast %swap3A_449 : i32 to index
    %swap3A_451 = arith.constant 96 : index
    %swap3A_452 = tpu.vector_load %arg11[%swap3A_450, %swap3A_451] {strides = array<i32>} : memref<5x128xi32, #tpu.memory_space<vmem>>, vector<16xi32>,
    tpu.vector_store %arg11[%swap3A_450, %swap3A_451], %add3A_448 {strides = array<i32>} : memref<5x128xi32, #tpu.memory_space<vmem>>, vector<16xi32>,
    %mul3A_453 = arith.constant 10240 : i32
    %mul3A_454 = arith.muli %arg0, %mul3A_453 : i32
    %add3A_455 = arith.addi %mul3A_454, %mul3A_0 : i32
    %add3A_456 = arith.constant 256 : i32
    %add3A_457 = arith.addi %add3A_455, %add3A_456 : i32
    %add3A_458 = arith.constant 112 : i32
    %add3A_459 = arith.addi %add3A_457, %add3A_458 : i32
    %add3A_460 = vector.broadcast %add3A_459 : i32 to vector<16xi32>
    %add3A_461 = arith.addi %iota3A, %add3A_460 : vector<16xi32>
    %swap3A_462 = arith.constant 2 : i32
    %swap3A_463 = arith.index_cast %swap3A_462 : i32 to index
    %swap3A_464 = arith.constant 112 : index
    %swap3A_465 = tpu.vector_load %arg11[%swap3A_463, %swap3A_464] {strides = array<i32>} : memref<5x128xi32, #tpu.memory_space<vmem>>, vector<16xi32>,
    tpu.vector_store %arg11[%swap3A_463, %swap3A_464], %add3A_461 {strides = array<i32>} : memref<5x128xi32, #tpu.memory_space<vmem>>, vector<16xi32>,
    %mul3A_466 = arith.constant 10240 : i32
    %mul3A_467 = arith.muli %arg0, %mul3A_466 : i32
    %add3A_468 = arith.addi %mul3A_467, %mul3A_0 : i32
    %add3A_469 = arith.constant 384 : i32
    %add3A_470 = arith.addi %add3A_468, %add3A_469 : i32
    %add3A_471 = arith.constant 0 : i32
    %add3A_472 = arith.addi %add3A_470, %add3A_471 : i32
    %add3A_473 = vector.broadcast %add3A_472 : i32 to vector<16xi32>
    %add3A_474 = arith.addi %iota3A, %add3A_473 : vector<16xi32>
    %swap3A_475 = arith.constant 3 : i32
    %swap3A_476 = arith.index_cast %swap3A_475 : i32 to index
    %swap3A_477 = arith.constant 0 : index
    %swap3A_478 = tpu.vector_load %arg11[%swap3A_476, %swap3A_477] {strides = array<i32>} : memref<5x128xi32, #tpu.memory_space<vmem>>, vector<16xi32>,
    tpu.vector_store %arg11[%swap3A_476, %swap3A_477], %add3A_474 {strides = array<i32>} : memref<5x128xi32, #tpu.memory_space<vmem>>, vector<16xi32>,
    %mul3A_479 = arith.constant 10240 : i32
    %mul3A_480 = arith.muli %arg0, %mul3A_479 : i32
    %add3A_481 = arith.addi %mul3A_480, %mul3A_0 : i32
    %add3A_482 = arith.constant 384 : i32
    %add3A_483 = arith.addi %add3A_481, %add3A_482 : i32
    %add3A_484 = arith.constant 16 : i32
    %add3A_485 = arith.addi %add3A_483, %add3A_484 : i32
    %add3A_486 = vector.broadcast %add3A_485 : i32 to vector<16xi32>
    %add3A_487 = arith.addi %iota3A, %add3A_486 : vector<16xi32>
    %swap3A_488 = arith.constant 3 : i32
    %swap3A_489 = arith.index_cast %swap3A_488 : i32 to index
    %swap3A_490 = arith.constant 16 : index
    %swap3A_491 = tpu.vector_load %arg11[%swap3A_489, %swap3A_490] {strides = array<i32>} : memref<5x128xi32, #tpu.memory_space<vmem>>, vector<16xi32>,
    tpu.vector_store %arg11[%swap3A_489, %swap3A_490], %add3A_487 {strides = array<i32>} : memref<5x128xi32, #tpu.memory_space<vmem>>, vector<16xi32>,
    %mul3A_492 = arith.constant 10240 : i32
    %mul3A_493 = arith.muli %arg0, %mul3A_492 : i32
    %add3A_494 = arith.addi %mul3A_493, %mul3A_0 : i32
    %add3A_495 = arith.constant 384 : i32
    %add3A_496 = arith.addi %add3A_494, %add3A_495 : i32
    %add3A_497 = arith.constant 32 : i32
    %add3A_498 = arith.addi %add3A_496, %add3A_497 : i32
    %add3A_499 = vector.broadcast %add3A_498 : i32 to vector<16xi32>
    %add3A_500 = arith.addi %iota3A, %add3A_499 : vector<16xi32>
    %swap3A_501 = arith.constant 3 : i32
    %swap3A_502 = arith.index_cast %swap3A_501 : i32 to index
    %swap3A_503 = arith.constant 32 : index
    %swap3A_504 = tpu.vector_load %arg11[%swap3A_502, %swap3A_503] {strides = array<i32>} : memref<5x128xi32, #tpu.memory_space<vmem>>, vector<16xi32>,
    tpu.vector_store %arg11[%swap3A_502, %swap3A_503], %add3A_500 {strides = array<i32>} : memref<5x128xi32, #tpu.memory_space<vmem>>, vector<16xi32>,
    %mul3A_505 = arith.constant 10240 : i32
    %mul3A_506 = arith.muli %arg0, %mul3A_505 : i32
    %add3A_507 = arith.addi %mul3A_506, %mul3A_0 : i32
    %add3A_508 = arith.constant 384 : i32
    %add3A_509 = arith.addi %add3A_507, %add3A_508 : i32
    %add3A_510 = arith.constant 48 : i32
    %add3A_511 = arith.addi %add3A_509, %add3A_510 : i32
    %add3A_512 = vector.broadcast %add3A_511 : i32 to vector<16xi32>
    %add3A_513 = arith.addi %iota3A, %add3A_512 : vector<16xi32>
    %swap3A_514 = arith.constant 3 : i32
    %swap3A_515 = arith.index_cast %swap3A_514 : i32 to index
    %swap3A_516 = arith.constant 48 : index
    %swap3A_517 = tpu.vector_load %arg11[%swap3A_515, %swap3A_516] {strides = array<i32>} : memref<5x128xi32, #tpu.memory_space<vmem>>, vector<16xi32>,
    tpu.vector_store %arg11[%swap3A_515, %swap3A_516], %add3A_513 {strides = array<i32>} : memref<5x128xi32, #tpu.memory_space<vmem>>, vector<16xi32>,
    %mul3A_518 = arith.constant 10240 : i32
    %mul3A_519 = arith.muli %arg0, %mul3A_518 : i32
    %add3A_520 = arith.addi %mul3A_519, %mul3A_0 : i32
    %add3A_521 = arith.constant 384 : i32
    %add3A_522 = arith.addi %add3A_520, %add3A_521 : i32
    %add3A_523 = arith.constant 64 : i32
    %add3A_524 = arith.addi %add3A_522, %add3A_523 : i32
    %add3A_525 = vector.broadcast %add3A_524 : i32 to vector<16xi32>
    %add3A_526 = arith.addi %iota3A, %add3A_525 : vector<16xi32>
    %swap3A_527 = arith.constant 3 : i32
    %swap3A_528 = arith.index_cast %swap3A_527 : i32 to index
    %swap3A_529 = arith.constant 64 : index
    %swap3A_530 = tpu.vector_load %arg11[%swap3A_528, %swap3A_529] {strides = array<i32>} : memref<5x128xi32, #tpu.memory_space<vmem>>, vector<16xi32>,
    tpu.vector_store %arg11[%swap3A_528, %swap3A_529], %add3A_526 {strides = array<i32>} : memref<5x128xi32, #tpu.memory_space<vmem>>, vector<16xi32>,
    %mul3A_531 = arith.constant 10240 : i32
    %mul3A_532 = arith.muli %arg0, %mul3A_531 : i32
    %add3A_533 = arith.addi %mul3A_532, %mul3A_0 : i32
    %add3A_534 = arith.constant 384 : i32
    %add3A_535 = arith.addi %add3A_533, %add3A_534 : i32
    %add3A_536 = arith.constant 80 : i32
    %add3A_537 = arith.addi %add3A_535, %add3A_536 : i32
    %add3A_538 = vector.broadcast %add3A_537 : i32 to vector<16xi32>
    %add3A_539 = arith.addi %iota3A, %add3A_538 : vector<16xi32>
    %swap3A_540 = arith.constant 3 : i32
    %swap3A_541 = arith.index_cast %swap3A_540 : i32 to index
    %swap3A_542 = arith.constant 80 : index
    %swap3A_543 = tpu.vector_load %arg11[%swap3A_541, %swap3A_542] {strides = array<i32>} : memref<5x128xi32, #tpu.memory_space<vmem>>, vector<16xi32>,
    tpu.vector_store %arg11[%swap3A_541, %swap3A_542], %add3A_539 {strides = array<i32>} : memref<5x128xi32, #tpu.memory_space<vmem>>, vector<16xi32>,
    %mul3A_544 = arith.constant 10240 : i32
    %mul3A_545 = arith.muli %arg0, %mul3A_544 : i32
    %add3A_546 = arith.addi %mul3A_545, %mul3A_0 : i32
    %add3A_547 = arith.constant 384 : i32
    %add3A_548 = arith.addi %add3A_546, %add3A_547 : i32
    %add3A_549 = arith.constant 96 : i32
    %add3A_550 = arith.addi %add3A_548, %add3A_549 : i32
    %add3A_551 = vector.broadcast %add3A_550 : i32 to vector<16xi32>
    %add3A_552 = arith.addi %iota3A, %add3A_551 : vector<16xi32>
    %swap3A_553 = arith.constant 3 : i32
    %swap3A_554 = arith.index_cast %swap3A_553 : i32 to index
    %swap3A_555 = arith.constant 96 : index
    %swap3A_556 = tpu.vector_load %arg11[%swap3A_554, %swap3A_555] {strides = array<i32>} : memref<5x128xi32, #tpu.memory_space<vmem>>, vector<16xi32>,
    tpu.vector_store %arg11[%swap3A_554, %swap3A_555], %add3A_552 {strides = array<i32>} : memref<5x128xi32, #tpu.memory_space<vmem>>, vector<16xi32>,
    %mul3A_557 = arith.constant 10240 : i32
    %mul3A_558 = arith.muli %arg0, %mul3A_557 : i32
    %add3A_559 = arith.addi %mul3A_558, %mul3A_0 : i32
    %add3A_560 = arith.constant 384 : i32
    %add3A_561 = arith.addi %add3A_559, %add3A_560 : i32
    %add3A_562 = arith.constant 112 : i32
    %add3A_563 = arith.addi %add3A_561, %add3A_562 : i32
    %add3A_564 = vector.broadcast %add3A_563 : i32 to vector<16xi32>
    %add3A_565 = arith.addi %iota3A, %add3A_564 : vector<16xi32>
    %swap3A_566 = arith.constant 3 : i32
    %swap3A_567 = arith.index_cast %swap3A_566 : i32 to index
    %swap3A_568 = arith.constant 112 : index
    %swap3A_569 = tpu.vector_load %arg11[%swap3A_567, %swap3A_568] {strides = array<i32>} : memref<5x128xi32, #tpu.memory_space<vmem>>, vector<16xi32>,
    tpu.vector_store %arg11[%swap3A_567, %swap3A_568], %add3A_565 {strides = array<i32>} : memref<5x128xi32, #tpu.memory_space<vmem>>, vector<16xi32>,
    %mul3A_570 = arith.constant 10240 : i32
    %mul3A_571 = arith.muli %arg0, %mul3A_570 : i32
    %add3A_572 = arith.addi %mul3A_571, %mul3A_0 : i32
    %add3A_573 = arith.constant 512 : i32
    %add3A_574 = arith.addi %add3A_572, %add3A_573 : i32
    %add3A_575 = arith.constant 0 : i32
    %add3A_576 = arith.addi %add3A_574, %add3A_575 : i32
    %add3A_577 = vector.broadcast %add3A_576 : i32 to vector<16xi32>
    %add3A_578 = arith.addi %iota3A, %add3A_577 : vector<16xi32>
    %swap3A_579 = arith.constant 4 : i32
    %swap3A_580 = arith.index_cast %swap3A_579 : i32 to index
    %swap3A_581 = arith.constant 0 : index
    %swap3A_582 = tpu.vector_load %arg11[%swap3A_580, %swap3A_581] {strides = array<i32>} : memref<5x128xi32, #tpu.memory_space<vmem>>, vector<16xi32>,
    tpu.vector_store %arg11[%swap3A_580, %swap3A_581], %add3A_578 {strides = array<i32>} : memref<5x128xi32, #tpu.memory_space<vmem>>, vector<16xi32>,
    %mul3A_583 = arith.constant 10240 : i32
    %mul3A_584 = arith.muli %arg0, %mul3A_583 : i32
    %add3A_585 = arith.addi %mul3A_584, %mul3A_0 : i32
    %add3A_586 = arith.constant 512 : i32
    %add3A_587 = arith.addi %add3A_585, %add3A_586 : i32
    %add3A_588 = arith.constant 16 : i32
    %add3A_589 = arith.addi %add3A_587, %add3A_588 : i32
    %add3A_590 = vector.broadcast %add3A_589 : i32 to vector<16xi32>
    %add3A_591 = arith.addi %iota3A, %add3A_590 : vector<16xi32>
    %swap3A_592 = arith.constant 4 : i32
    %swap3A_593 = arith.index_cast %swap3A_592 : i32 to index
    %swap3A_594 = arith.constant 16 : index
    %swap3A_595 = tpu.vector_load %arg11[%swap3A_593, %swap3A_594] {strides = array<i32>} : memref<5x128xi32, #tpu.memory_space<vmem>>, vector<16xi32>,
    tpu.vector_store %arg11[%swap3A_593, %swap3A_594], %add3A_591 {strides = array<i32>} : memref<5x128xi32, #tpu.memory_space<vmem>>, vector<16xi32>,
    %mul3A_596 = arith.constant 10240 : i32
    %mul3A_597 = arith.muli %arg0, %mul3A_596 : i32
    %add3A_598 = arith.addi %mul3A_597, %mul3A_0 : i32
    %add3A_599 = arith.constant 512 : i32
    %add3A_600 = arith.addi %add3A_598, %add3A_599 : i32
    %add3A_601 = arith.constant 32 : i32
    %add3A_602 = arith.addi %add3A_600, %add3A_601 : i32
    %add3A_603 = vector.broadcast %add3A_602 : i32 to vector<16xi32>
    %add3A_604 = arith.addi %iota3A, %add3A_603 : vector<16xi32>
    %swap3A_605 = arith.constant 4 : i32
    %swap3A_606 = arith.index_cast %swap3A_605 : i32 to index
    %swap3A_607 = arith.constant 32 : index
    %swap3A_608 = tpu.vector_load %arg11[%swap3A_606, %swap3A_607] {strides = array<i32>} : memref<5x128xi32, #tpu.memory_space<vmem>>, vector<16xi32>,
    tpu.vector_store %arg11[%swap3A_606, %swap3A_607], %add3A_604 {strides = array<i32>} : memref<5x128xi32, #tpu.memory_space<vmem>>, vector<16xi32>,
    %mul3A_609 = arith.constant 10240 : i32
    %mul3A_610 = arith.muli %arg0, %mul3A_609 : i32
    %add3A_611 = arith.addi %mul3A_610, %mul3A_0 : i32
    %add3A_612 = arith.constant 512 : i32
    %add3A_613 = arith.addi %add3A_611, %add3A_612 : i32
    %add3A_614 = arith.constant 48 : i32
    %add3A_615 = arith.addi %add3A_613, %add3A_614 : i32
    %add3A_616 = vector.broadcast %add3A_615 : i32 to vector<16xi32>
    %add3A_617 = arith.addi %iota3A, %add3A_616 : vector<16xi32>
    %swap3A_618 = arith.constant 4 : i32
    %swap3A_619 = arith.index_cast %swap3A_618 : i32 to index
    %swap3A_620 = arith.constant 48 : index
    %swap3A_621 = tpu.vector_load %arg11[%swap3A_619, %swap3A_620] {strides = array<i32>} : memref<5x128xi32, #tpu.memory_space<vmem>>, vector<16xi32>,
    tpu.vector_store %arg11[%swap3A_619, %swap3A_620], %add3A_617 {strides = array<i32>} : memref<5x128xi32, #tpu.memory_space<vmem>>, vector<16xi32>,
    %mul3A_622 = arith.constant 10240 : i32
    %mul3A_623 = arith.muli %arg0, %mul3A_622 : i32
    %add3A_624 = arith.addi %mul3A_623, %mul3A_0 : i32
    %add3A_625 = arith.constant 512 : i32
    %add3A_626 = arith.addi %add3A_624, %add3A_625 : i32
    %add3A_627 = arith.constant 64 : i32
    %add3A_628 = arith.addi %add3A_626, %add3A_627 : i32
    %add3A_629 = vector.broadcast %add3A_628 : i32 to vector<16xi32>
    %add3A_630 = arith.addi %iota3A, %add3A_629 : vector<16xi32>
    %swap3A_631 = arith.constant 4 : i32
    %swap3A_632 = arith.index_cast %swap3A_631 : i32 to index
    %swap3A_633 = arith.constant 64 : index
    %swap3A_634 = tpu.vector_load %arg11[%swap3A_632, %swap3A_633] {strides = array<i32>} : memref<5x128xi32, #tpu.memory_space<vmem>>, vector<16xi32>,
    tpu.vector_store %arg11[%swap3A_632, %swap3A_633], %add3A_630 {strides = array<i32>} : memref<5x128xi32, #tpu.memory_space<vmem>>, vector<16xi32>,
    %mul3A_635 = arith.constant 10240 : i32
    %mul3A_636 = arith.muli %arg0, %mul3A_635 : i32
    %add3A_637 = arith.addi %mul3A_636, %mul3A_0 : i32
    %add3A_638 = arith.constant 512 : i32
    %add3A_639 = arith.addi %add3A_637, %add3A_638 : i32
    %add3A_640 = arith.constant 80 : i32
    %add3A_641 = arith.addi %add3A_639, %add3A_640 : i32
    %add3A_642 = vector.broadcast %add3A_641 : i32 to vector<16xi32>
    %add3A_643 = arith.addi %iota3A, %add3A_642 : vector<16xi32>
    %swap3A_644 = arith.constant 4 : i32
    %swap3A_645 = arith.index_cast %swap3A_644 : i32 to index
    %swap3A_646 = arith.constant 80 : index
    %swap3A_647 = tpu.vector_load %arg11[%swap3A_645, %swap3A_646] {strides = array<i32>} : memref<5x128xi32, #tpu.memory_space<vmem>>, vector<16xi32>,
    tpu.vector_store %arg11[%swap3A_645, %swap3A_646], %add3A_643 {strides = array<i32>} : memref<5x128xi32, #tpu.memory_space<vmem>>, vector<16xi32>,
    %mul3A_648 = arith.constant 10240 : i32
    %mul3A_649 = arith.muli %arg0, %mul3A_648 : i32
    %add3A_650 = arith.addi %mul3A_649, %mul3A_0 : i32
    %add3A_651 = arith.constant 512 : i32
    %add3A_652 = arith.addi %add3A_650, %add3A_651 : i32
    %add3A_653 = arith.constant 96 : i32
    %add3A_654 = arith.addi %add3A_652, %add3A_653 : i32
    %add3A_655 = vector.broadcast %add3A_654 : i32 to vector<16xi32>
    %add3A_656 = arith.addi %iota3A, %add3A_655 : vector<16xi32>
    %swap3A_657 = arith.constant 4 : i32
    %swap3A_658 = arith.index_cast %swap3A_657 : i32 to index
    %swap3A_659 = arith.constant 96 : index
    %swap3A_660 = tpu.vector_load %arg11[%swap3A_658, %swap3A_659] {strides = array<i32>} : memref<5x128xi32, #tpu.memory_space<vmem>>, vector<16xi32>,
    tpu.vector_store %arg11[%swap3A_658, %swap3A_659], %add3A_656 {strides = array<i32>} : memref<5x128xi32, #tpu.memory_space<vmem>>, vector<16xi32>,
    %mul3A_661 = arith.constant 10240 : i32
    %mul3A_662 = arith.muli %arg0, %mul3A_661 : i32
    %add3A_663 = arith.addi %mul3A_662, %mul3A_0 : i32
    %add3A_664 = arith.constant 512 : i32
    %add3A_665 = arith.addi %add3A_663, %add3A_664 : i32
    %add3A_666 = arith.constant 112 : i32
    %add3A_667 = arith.addi %add3A_665, %add3A_666 : i32
    %add3A_668 = vector.broadcast %add3A_667 : i32 to vector<16xi32>
    %add3A_669 = arith.addi %iota3A, %add3A_668 : vector<16xi32>
    %swap3A_670 = arith.constant 4 : i32
    %swap3A_671 = arith.index_cast %swap3A_670 : i32 to index
    %swap3A_672 = arith.constant 112 : index
    %swap3A_673 = tpu.vector_load %arg11[%swap3A_671, %swap3A_672] {strides = array<i32>} : memref<5x128xi32, #tpu.memory_space<vmem>>, vector<16xi32>,
    tpu.vector_store %arg11[%swap3A_671, %swap3A_672], %add3A_669 {strides = array<i32>} : memref<5x128xi32, #tpu.memory_space<vmem>>, vector<16xi32>,
    %dma_start3A_674 = arith.constant 0 : i32
    %dma_start3A_675 = arith.constant 0 : i32
    %dma_start3A_676 = arith.constant 0 : i32
    %dma_start3A_677 = arith.constant 0 : i32
    %dma_start3A_678 = tpu.memref_slice %arg13[%dma_start3A_675, %dma_start3A_676, %dma_start3A_677] : memref<4x128x64xbf16, #tpu.memory_space<vmem>> -> memref<1x128x64xbf16, #tpu.memory_space<vmem>>
    %dma_start3A_679 = tpu.memref_squeeze %dma_start3A_678 : memref<1x128x64xbf16, #tpu.memory_space<vmem>> -> memref<128x64xbf16, #tpu.memory_space<vmem>>
    %dma_start3A_680 = arith.constant 0 : i32
    %dma_start3A_681 = tpu.memref_slice %arg11[%dma_start3A_674, %dma_start3A_680] : memref<5x128xi32, #tpu.memory_space<vmem>> -> memref<1x128xi32, #tpu.memory_space<vmem>>
    %dma_start3A_682 = tpu.memref_squeeze %dma_start3A_681 : memref<1x128xi32, #tpu.memory_space<vmem>> -> memref<128xi32, #tpu.memory_space<vmem>>
    %dma_start3A_683 = arith.constant 0 : i32
    %dma_start3A_684 = arith.constant 0 : i32
    %dma_start3A_685 = tpu.memref_slice %arg2[%dma_start3A_683, %dma_start3A_684] : memref<20480x64xbf16, #tpu.memory_space<hbm>> -> memref<20480x64xbf16, #tpu.memory_space<hbm>>
    tpu.enqueue_indirect_dma source(%dma_start3A_685 : memref<20480x64xbf16, #tpu.memory_space<hbm>>) target(%dma_start3A_679 : memref<128x64xbf16, #tpu.memory_space<vmem>>) offsets(%dma_start3A_682 : memref<128xi32, #tpu.memory_space<vmem>>) semaphore(%arg17 : memref<!tpu.dma_semaphore, #tpu.memory_space<semaphore_mem>>)
    %dma_start3A_686 = arith.constant 1 : i32
    %dma_start3A_687 = arith.constant 1 : i32
    %dma_start3A_688 = arith.constant 0 : i32
    %dma_start3A_689 = arith.constant 0 : i32
    %dma_start3A_690 = tpu.memref_slice %arg13[%dma_start3A_687, %dma_start3A_688, %dma_start3A_689] : memref<4x128x64xbf16, #tpu.memory_space<vmem>> -> memref<1x128x64xbf16, #tpu.memory_space<vmem>>
    %dma_start3A_691 = tpu.memref_squeeze %dma_start3A_690 : memref<1x128x64xbf16, #tpu.memory_space<vmem>> -> memref<128x64xbf16, #tpu.memory_space<vmem>>
    %dma_start3A_692 = arith.constant 0 : i32
    %dma_start3A_693 = tpu.memref_slice %arg11[%dma_start3A_686, %dma_start3A_692] : memref<5x128xi32, #tpu.memory_space<vmem>> -> memref<1x128xi32, #tpu.memory_space<vmem>>
    %dma_start3A_694 = tpu.memref_squeeze %dma_start3A_693 : memref<1x128xi32, #tpu.memory_space<vmem>> -> memref<128xi32, #tpu.memory_space<vmem>>
    %dma_start3A_695 = arith.constant 0 : i32
    %dma_start3A_696 = arith.constant 0 : i32
    %dma_start3A_697 = tpu.memref_slice %arg2[%dma_start3A_695, %dma_start3A_696] : memref<20480x64xbf16, #tpu.memory_space<hbm>> -> memref<20480x64xbf16, #tpu.memory_space<hbm>>
    tpu.enqueue_indirect_dma source(%dma_start3A_697 : memref<20480x64xbf16, #tpu.memory_space<hbm>>) target(%dma_start3A_691 : memref<128x64xbf16, #tpu.memory_space<vmem>>) offsets(%dma_start3A_694 : memref<128xi32, #tpu.memory_space<vmem>>) semaphore(%arg18 : memref<!tpu.dma_semaphore, #tpu.memory_space<semaphore_mem>>)
    %dma_wait3A = arith.constant 0 : i32
    %dma_wait3A_698 = arith.constant 0 : i32
    %dma_wait3A_699 = arith.constant 0 : i32
    %dma_wait3A_700 = arith.constant 0 : i32
    %dma_wait3A_701 = tpu.memref_slice %arg13[%dma_wait3A_698, %dma_wait3A_699, %dma_wait3A_700] : memref<4x128x64xbf16, #tpu.memory_space<vmem>> -> memref<1x128x64xbf16, #tpu.memory_space<vmem>>
    %dma_wait3A_702 = tpu.memref_squeeze %dma_wait3A_701 : memref<1x128x64xbf16, #tpu.memory_space<vmem>> -> memref<128x64xbf16, #tpu.memory_space<vmem>>
    %dma_wait3A_703 = arith.constant 0 : i32
    %dma_wait3A_704 = tpu.memref_slice %arg11[%dma_wait3A, %dma_wait3A_703] : memref<5x128xi32, #tpu.memory_space<vmem>> -> memref<1x128xi32, #tpu.memory_space<vmem>>
    %dma_wait3A_705 = tpu.memref_squeeze %dma_wait3A_704 : memref<1x128xi32, #tpu.memory_space<vmem>> -> memref<128xi32, #tpu.memory_space<vmem>>
    %dma_wait3A_706 = arith.constant 0 : i32
    %dma_wait3A_707 = arith.constant 0 : i32
    %dma_wait3A_708 = tpu.memref_slice %arg2[%dma_wait3A_706, %dma_wait3A_707] : memref<20480x64xbf16, #tpu.memory_space<hbm>> -> memref<20480x64xbf16, #tpu.memory_space<hbm>>
    tpu.wait_indirect_dma semaphore(%arg17 : memref<!tpu.dma_semaphore, #tpu.memory_space<semaphore_mem>>) src(%dma_wait3A_708 : memref<20480x64xbf16, #tpu.memory_space<hbm>>) dst(%dma_wait3A_702 : memref<128x64xbf16, #tpu.memory_space<vmem>>)
    %add3A_709 = arith.constant 0 : i32
    %add3A_710 = arith.addi %mul3A_0, %add3A_709 : i32
    %run_scoped3A = arith.constant 0 : i32
    "tpu.region"() ({
      %run_scoped3A_967 = tpu.sem_alloc : memref<!tpu.dma_semaphore, #tpu.memory_space<semaphore_mem>>
      %dma_start3A_968 = arith.constant 0 : i32
      %dma_start3A_969 = arith.constant 0 : i32
      %dma_start3A_970 = tpu.memref_slice %arg13[%run_scoped3A, %dma_start3A_968, %dma_start3A_969] : memref<4x128x64xbf16, #tpu.memory_space<vmem>> -> memref<1x128x64xbf16, #tpu.memory_space<vmem>>
      %dma_start3A_971 = tpu.memref_squeeze %dma_start3A_970 : memref<1x128x64xbf16, #tpu.memory_space<vmem>> -> memref<128x64xbf16, #tpu.memory_space<vmem>>
      %dma_start3A_972 = arith.constant 0 : i32
      %dma_start3A_973 = tpu.memref_slice %arg15[%add3A_710, %dma_start3A_972] : memref<10240x64xbf16, #tpu.memory_space<vmem_shared>> -> memref<128x64xbf16, #tpu.memory_space<vmem_shared>>
      %dma_start3A_974 = arith.constant 0 : i32
      %dma_start3A_975 = tpu.memref_slice %arg15[%add3A_710, %dma_start3A_974] : memref<10240x64xbf16, #tpu.memory_space<vmem_shared>> -> memref<128x64xbf16, #tpu.memory_space<vmem_shared>>
      %dma_start3A_976 = arith.constant 0 : i32
      %dma_start3A_977 = arith.constant 0 : i32
      %dma_start3A_978 = tpu.memref_slice %arg13[%run_scoped3A, %dma_start3A_976, %dma_start3A_977] : memref<4x128x64xbf16, #tpu.memory_space<vmem>> -> memref<1x128x64xbf16, #tpu.memory_space<vmem>>
      %dma_start3A_979 = tpu.memref_squeeze %dma_start3A_978 : memref<1x128x64xbf16, #tpu.memory_space<vmem>> -> memref<128x64xbf16, #tpu.memory_space<vmem>>
      tpu.enqueue_dma source(%dma_start3A_979 : memref<128x64xbf16, #tpu.memory_space<vmem>>) target(%dma_start3A_975 : memref<128x64xbf16, #tpu.memory_space<vmem_shared>>) target_semaphore(%run_scoped3A_967 : memref<!tpu.dma_semaphore, #tpu.memory_space<semaphore_mem>>)
      %dma_wait3A_980 = arith.constant 0 : i32
      %dma_wait3A_981 = arith.constant 0 : i32
      %dma_wait3A_982 = tpu.memref_slice %arg13[%run_scoped3A, %dma_wait3A_980, %dma_wait3A_981] : memref<4x128x64xbf16, #tpu.memory_space<vmem>> -> memref<1x128x64xbf16, #tpu.memory_space<vmem>>
      %dma_wait3A_983 = tpu.memref_squeeze %dma_wait3A_982 : memref<1x128x64xbf16, #tpu.memory_space<vmem>> -> memref<128x64xbf16, #tpu.memory_space<vmem>>
      %dma_wait3A_984 = arith.constant 0 : i32
      %dma_wait3A_985 = tpu.memref_slice %arg15[%add3A_710, %dma_wait3A_984] : memref<10240x64xbf16, #tpu.memory_space<vmem_shared>> -> memref<128x64xbf16, #tpu.memory_space<vmem_shared>>
      %dma_wait3A_986 = arith.constant 0 : i32
      %dma_wait3A_987 = tpu.memref_slice %arg15[%add3A_710, %dma_wait3A_986] : memref<10240x64xbf16, #tpu.memory_space<vmem_shared>> -> memref<128x64xbf16, #tpu.memory_space<vmem_shared>>
      %dma_wait3A_988 = arith.constant 0 : i32
      %dma_wait3A_989 = arith.constant 0 : i32
      %dma_wait3A_990 = tpu.memref_slice %arg13[%run_scoped3A, %dma_wait3A_988, %dma_wait3A_989] : memref<4x128x64xbf16, #tpu.memory_space<vmem>> -> memref<1x128x64xbf16, #tpu.memory_space<vmem>>
      %dma_wait3A_991 = tpu.memref_squeeze %dma_wait3A_990 : memref<1x128x64xbf16, #tpu.memory_space<vmem>> -> memref<128x64xbf16, #tpu.memory_space<vmem>>
      tpu.wait_dma2 semaphore(%run_scoped3A_967 : memref<!tpu.dma_semaphore, #tpu.memory_space<semaphore_mem>>) src(%dma_wait3A_991 : memref<128x64xbf16, #tpu.memory_space<vmem>>) dst(%dma_wait3A_987 : memref<128x64xbf16, #tpu.memory_space<vmem_shared>>)
      tpu.yield
    }) : () -> ()
    %dma_start3A_711 = arith.constant 2 : i32
    %dma_start3A_712 = arith.constant 0 : i32
    %dma_start3A_713 = arith.constant 0 : i32
    %dma_start3A_714 = arith.constant 0 : i32
    %dma_start3A_715 = tpu.memref_slice %arg13[%dma_start3A_712, %dma_start3A_713, %dma_start3A_714] : memref<4x128x64xbf16, #tpu.memory_space<vmem>> -> memref<1x128x64xbf16, #tpu.memory_space<vmem>>
    %dma_start3A_716 = tpu.memref_squeeze %dma_start3A_715 : memref<1x128x64xbf16, #tpu.memory_space<vmem>> -> memref<128x64xbf16, #tpu.memory_space<vmem>>
    %dma_start3A_717 = arith.constant 0 : i32
    %dma_start3A_718 = tpu.memref_slice %arg11[%dma_start3A_711, %dma_start3A_717] : memref<5x128xi32, #tpu.memory_space<vmem>> -> memref<1x128xi32, #tpu.memory_space<vmem>>
    %dma_start3A_719 = tpu.memref_squeeze %dma_start3A_718 : memref<1x128xi32, #tpu.memory_space<vmem>> -> memref<128xi32, #tpu.memory_space<vmem>>
    %dma_start3A_720 = arith.constant 0 : i32
    %dma_start3A_721 = arith.constant 0 : i32
    %dma_start3A_722 = tpu.memref_slice %arg2[%dma_start3A_720, %dma_start3A_721] : memref<20480x64xbf16, #tpu.memory_space<hbm>> -> memref<20480x64xbf16, #tpu.memory_space<hbm>>
    tpu.enqueue_indirect_dma source(%dma_start3A_722 : memref<20480x64xbf16, #tpu.memory_space<hbm>>) target(%dma_start3A_716 : memref<128x64xbf16, #tpu.memory_space<vmem>>) offsets(%dma_start3A_719 : memref<128xi32, #tpu.memory_space<vmem>>) semaphore(%arg17 : memref<!tpu.dma_semaphore, #tpu.memory_space<semaphore_mem>>)
    %dma_wait3A_723 = arith.constant 1 : i32
    %dma_wait3A_724 = arith.constant 1 : i32
    %dma_wait3A_725 = arith.constant 0 : i32
    %dma_wait3A_726 = arith.constant 0 : i32
    %dma_wait3A_727 = tpu.memref_slice %arg13[%dma_wait3A_724, %dma_wait3A_725, %dma_wait3A_726] : memref<4x128x64xbf16, #tpu.memory_space<vmem>> -> memref<1x128x64xbf16, #tpu.memory_space<vmem>>
    %dma_wait3A_728 = tpu.memref_squeeze %dma_wait3A_727 : memref<1x128x64xbf16, #tpu.memory_space<vmem>> -> memref<128x64xbf16, #tpu.memory_space<vmem>>
    %dma_wait3A_729 = arith.constant 0 : i32
    %dma_wait3A_730 = tpu.memref_slice %arg11[%dma_wait3A_723, %dma_wait3A_729] : memref<5x128xi32, #tpu.memory_space<vmem>> -> memref<1x128xi32, #tpu.memory_space<vmem>>
    %dma_wait3A_731 = tpu.memref_squeeze %dma_wait3A_730 : memref<1x128xi32, #tpu.memory_space<vmem>> -> memref<128xi32, #tpu.memory_space<vmem>>
    %dma_wait3A_732 = arith.constant 0 : i32
    %dma_wait3A_733 = arith.constant 0 : i32
    %dma_wait3A_734 = tpu.memref_slice %arg2[%dma_wait3A_732, %dma_wait3A_733] : memref<20480x64xbf16, #tpu.memory_space<hbm>> -> memref<20480x64xbf16, #tpu.memory_space<hbm>>
    tpu.wait_indirect_dma semaphore(%arg18 : memref<!tpu.dma_semaphore, #tpu.memory_space<semaphore_mem>>) src(%dma_wait3A_734 : memref<20480x64xbf16, #tpu.memory_space<hbm>>) dst(%dma_wait3A_728 : memref<128x64xbf16, #tpu.memory_space<vmem>>)
    %add3A_735 = arith.constant 128 : i32
    %add3A_736 = arith.addi %mul3A_0, %add3A_735 : i32
    %run_scoped3A_737 = arith.constant 1 : i32
    "tpu.region"() ({
      %run_scoped3A_967 = tpu.sem_alloc : memref<!tpu.dma_semaphore, #tpu.memory_space<semaphore_mem>>
      %dma_start3A_968 = arith.constant 0 : i32
      %dma_start3A_969 = arith.constant 0 : i32
      %dma_start3A_970 = tpu.memref_slice %arg13[%run_scoped3A_737, %dma_start3A_968, %dma_start3A_969] : memref<4x128x64xbf16, #tpu.memory_space<vmem>> -> memref<1x128x64xbf16, #tpu.memory_space<vmem>>
      %dma_start3A_971 = tpu.memref_squeeze %dma_start3A_970 : memref<1x128x64xbf16, #tpu.memory_space<vmem>> -> memref<128x64xbf16, #tpu.memory_space<vmem>>
      %dma_start3A_972 = arith.constant 0 : i32
      %dma_start3A_973 = tpu.memref_slice %arg15[%add3A_736, %dma_start3A_972] : memref<10240x64xbf16, #tpu.memory_space<vmem_shared>> -> memref<128x64xbf16, #tpu.memory_space<vmem_shared>>
      %dma_start3A_974 = arith.constant 0 : i32
      %dma_start3A_975 = tpu.memref_slice %arg15[%add3A_736, %dma_start3A_974] : memref<10240x64xbf16, #tpu.memory_space<vmem_shared>> -> memref<128x64xbf16, #tpu.memory_space<vmem_shared>>
      %dma_start3A_976 = arith.constant 0 : i32
      %dma_start3A_977 = arith.constant 0 : i32
      %dma_start3A_978 = tpu.memref_slice %arg13[%run_scoped3A_737, %dma_start3A_976, %dma_start3A_977] : memref<4x128x64xbf16, #tpu.memory_space<vmem>> -> memref<1x128x64xbf16, #tpu.memory_space<vmem>>
      %dma_start3A_979 = tpu.memref_squeeze %dma_start3A_978 : memref<1x128x64xbf16, #tpu.memory_space<vmem>> -> memref<128x64xbf16, #tpu.memory_space<vmem>>
      tpu.enqueue_dma source(%dma_start3A_979 : memref<128x64xbf16, #tpu.memory_space<vmem>>) target(%dma_start3A_975 : memref<128x64xbf16, #tpu.memory_space<vmem_shared>>) target_semaphore(%run_scoped3A_967 : memref<!tpu.dma_semaphore, #tpu.memory_space<semaphore_mem>>)
      %dma_wait3A_980 = arith.constant 0 : i32
      %dma_wait3A_981 = arith.constant 0 : i32
      %dma_wait3A_982 = tpu.memref_slice %arg13[%run_scoped3A_737, %dma_wait3A_980, %dma_wait3A_981] : memref<4x128x64xbf16, #tpu.memory_space<vmem>> -> memref<1x128x64xbf16, #tpu.memory_space<vmem>>
      %dma_wait3A_983 = tpu.memref_squeeze %dma_wait3A_982 : memref<1x128x64xbf16, #tpu.memory_space<vmem>> -> memref<128x64xbf16, #tpu.memory_space<vmem>>
      %dma_wait3A_984 = arith.constant 0 : i32
      %dma_wait3A_985 = tpu.memref_slice %arg15[%add3A_736, %dma_wait3A_984] : memref<10240x64xbf16, #tpu.memory_space<vmem_shared>> -> memref<128x64xbf16, #tpu.memory_space<vmem_shared>>
      %dma_wait3A_986 = arith.constant 0 : i32
      %dma_wait3A_987 = tpu.memref_slice %arg15[%add3A_736, %dma_wait3A_986] : memref<10240x64xbf16, #tpu.memory_space<vmem_shared>> -> memref<128x64xbf16, #tpu.memory_space<vmem_shared>>
      %dma_wait3A_988 = arith.constant 0 : i32
      %dma_wait3A_989 = arith.constant 0 : i32
      %dma_wait3A_990 = tpu.memref_slice %arg13[%run_scoped3A_737, %dma_wait3A_988, %dma_wait3A_989] : memref<4x128x64xbf16, #tpu.memory_space<vmem>> -> memref<1x128x64xbf16, #tpu.memory_space<vmem>>
      %dma_wait3A_991 = tpu.memref_squeeze %dma_wait3A_990 : memref<1x128x64xbf16, #tpu.memory_space<vmem>> -> memref<128x64xbf16, #tpu.memory_space<vmem>>
      tpu.wait_dma2 semaphore(%run_scoped3A_967 : memref<!tpu.dma_semaphore, #tpu.memory_space<semaphore_mem>>) src(%dma_wait3A_991 : memref<128x64xbf16, #tpu.memory_space<vmem>>) dst(%dma_wait3A_987 : memref<128x64xbf16, #tpu.memory_space<vmem_shared>>)
      tpu.yield
    }) : () -> ()
    %dma_start3A_738 = arith.constant 3 : i32
    %dma_start3A_739 = arith.constant 1 : i32
    %dma_start3A_740 = arith.constant 0 : i32
    %dma_start3A_741 = arith.constant 0 : i32
    %dma_start3A_742 = tpu.memref_slice %arg13[%dma_start3A_739, %dma_start3A_740, %dma_start3A_741] : memref<4x128x64xbf16, #tpu.memory_space<vmem>> -> memref<1x128x64xbf16, #tpu.memory_space<vmem>>
    %dma_start3A_743 = tpu.memref_squeeze %dma_start3A_742 : memref<1x128x64xbf16, #tpu.memory_space<vmem>> -> memref<128x64xbf16, #tpu.memory_space<vmem>>
    %dma_start3A_744 = arith.constant 0 : i32
    %dma_start3A_745 = tpu.memref_slice %arg11[%dma_start3A_738, %dma_start3A_744] : memref<5x128xi32, #tpu.memory_space<vmem>> -> memref<1x128xi32, #tpu.memory_space<vmem>>
    %dma_start3A_746 = tpu.memref_squeeze %dma_start3A_745 : memref<1x128xi32, #tpu.memory_space<vmem>> -> memref<128xi32, #tpu.memory_space<vmem>>
    %dma_start3A_747 = arith.constant 0 : i32
    %dma_start3A_748 = arith.constant 0 : i32
    %dma_start3A_749 = tpu.memref_slice %arg2[%dma_start3A_747, %dma_start3A_748] : memref<20480x64xbf16, #tpu.memory_space<hbm>> -> memref<20480x64xbf16, #tpu.memory_space<hbm>>
    tpu.enqueue_indirect_dma source(%dma_start3A_749 : memref<20480x64xbf16, #tpu.memory_space<hbm>>) target(%dma_start3A_743 : memref<128x64xbf16, #tpu.memory_space<vmem>>) offsets(%dma_start3A_746 : memref<128xi32, #tpu.memory_space<vmem>>) semaphore(%arg18 : memref<!tpu.dma_semaphore, #tpu.memory_space<semaphore_mem>>)
    %dma_wait3A_750 = arith.constant 2 : i32
    %dma_wait3A_751 = arith.constant 0 : i32
    %dma_wait3A_752 = arith.constant 0 : i32
    %dma_wait3A_753 = arith.constant 0 : i32
    %dma_wait3A_754 = tpu.memref_slice %arg13[%dma_wait3A_751, %dma_wait3A_752, %dma_wait3A_753] : memref<4x128x64xbf16, #tpu.memory_space<vmem>> -> memref<1x128x64xbf16, #tpu.memory_space<vmem>>
    %dma_wait3A_755 = tpu.memref_squeeze %dma_wait3A_754 : memref<1x128x64xbf16, #tpu.memory_space<vmem>> -> memref<128x64xbf16, #tpu.memory_space<vmem>>
    %dma_wait3A_756 = arith.constant 0 : i32
    %dma_wait3A_757 = tpu.memref_slice %arg11[%dma_wait3A_750, %dma_wait3A_756] : memref<5x128xi32, #tpu.memory_space<vmem>> -> memref<1x128xi32, #tpu.memory_space<vmem>>
    %dma_wait3A_758 = tpu.memref_squeeze %dma_wait3A_757 : memref<1x128xi32, #tpu.memory_space<vmem>> -> memref<128xi32, #tpu.memory_space<vmem>>
    %dma_wait3A_759 = arith.constant 0 : i32
    %dma_wait3A_760 = arith.constant 0 : i32
    %dma_wait3A_761 = tpu.memref_slice %arg2[%dma_wait3A_759, %dma_wait3A_760] : memref<20480x64xbf16, #tpu.memory_space<hbm>> -> memref<20480x64xbf16, #tpu.memory_space<hbm>>
    tpu.wait_indirect_dma semaphore(%arg17 : memref<!tpu.dma_semaphore, #tpu.memory_space<semaphore_mem>>) src(%dma_wait3A_761 : memref<20480x64xbf16, #tpu.memory_space<hbm>>) dst(%dma_wait3A_755 : memref<128x64xbf16, #tpu.memory_space<vmem>>)
    %add3A_762 = arith.constant 256 : i32
    %add3A_763 = arith.addi %mul3A_0, %add3A_762 : i32
    %run_scoped3A_764 = arith.constant 0 : i32
    "tpu.region"() ({
      %run_scoped3A_967 = tpu.sem_alloc : memref<!tpu.dma_semaphore, #tpu.memory_space<semaphore_mem>>
      %dma_start3A_968 = arith.constant 0 : i32
      %dma_start3A_969 = arith.constant 0 : i32
      %dma_start3A_970 = tpu.memref_slice %arg13[%run_scoped3A_764, %dma_start3A_968, %dma_start3A_969] : memref<4x128x64xbf16, #tpu.memory_space<vmem>> -> memref<1x128x64xbf16, #tpu.memory_space<vmem>>
      %dma_start3A_971 = tpu.memref_squeeze %dma_start3A_970 : memref<1x128x64xbf16, #tpu.memory_space<vmem>> -> memref<128x64xbf16, #tpu.memory_space<vmem>>
      %dma_start3A_972 = arith.constant 0 : i32
      %dma_start3A_973 = tpu.memref_slice %arg15[%add3A_763, %dma_start3A_972] : memref<10240x64xbf16, #tpu.memory_space<vmem_shared>> -> memref<128x64xbf16, #tpu.memory_space<vmem_shared>>
      %dma_start3A_974 = arith.constant 0 : i32
      %dma_start3A_975 = tpu.memref_slice %arg15[%add3A_763, %dma_start3A_974] : memref<10240x64xbf16, #tpu.memory_space<vmem_shared>> -> memref<128x64xbf16, #tpu.memory_space<vmem_shared>>
      %dma_start3A_976 = arith.constant 0 : i32
      %dma_start3A_977 = arith.constant 0 : i32
      %dma_start3A_978 = tpu.memref_slice %arg13[%run_scoped3A_764, %dma_start3A_976, %dma_start3A_977] : memref<4x128x64xbf16, #tpu.memory_space<vmem>> -> memref<1x128x64xbf16, #tpu.memory_space<vmem>>
      %dma_start3A_979 = tpu.memref_squeeze %dma_start3A_978 : memref<1x128x64xbf16, #tpu.memory_space<vmem>> -> memref<128x64xbf16, #tpu.memory_space<vmem>>
      tpu.enqueue_dma source(%dma_start3A_979 : memref<128x64xbf16, #tpu.memory_space<vmem>>) target(%dma_start3A_975 : memref<128x64xbf16, #tpu.memory_space<vmem_shared>>) target_semaphore(%run_scoped3A_967 : memref<!tpu.dma_semaphore, #tpu.memory_space<semaphore_mem>>)
      %dma_wait3A_980 = arith.constant 0 : i32
      %dma_wait3A_981 = arith.constant 0 : i32
      %dma_wait3A_982 = tpu.memref_slice %arg13[%run_scoped3A_764, %dma_wait3A_980, %dma_wait3A_981] : memref<4x128x64xbf16, #tpu.memory_space<vmem>> -> memref<1x128x64xbf16, #tpu.memory_space<vmem>>
      %dma_wait3A_983 = tpu.memref_squeeze %dma_wait3A_982 : memref<1x128x64xbf16, #tpu.memory_space<vmem>> -> memref<128x64xbf16, #tpu.memory_space<vmem>>
      %dma_wait3A_984 = arith.constant 0 : i32
      %dma_wait3A_985 = tpu.memref_slice %arg15[%add3A_763, %dma_wait3A_984] : memref<10240x64xbf16, #tpu.memory_space<vmem_shared>> -> memref<128x64xbf16, #tpu.memory_space<vmem_shared>>
      %dma_wait3A_986 = arith.constant 0 : i32
      %dma_wait3A_987 = tpu.memref_slice %arg15[%add3A_763, %dma_wait3A_986] : memref<10240x64xbf16, #tpu.memory_space<vmem_shared>> -> memref<128x64xbf16, #tpu.memory_space<vmem_shared>>
      %dma_wait3A_988 = arith.constant 0 : i32
      %dma_wait3A_989 = arith.constant 0 : i32
      %dma_wait3A_990 = tpu.memref_slice %arg13[%run_scoped3A_764, %dma_wait3A_988, %dma_wait3A_989] : memref<4x128x64xbf16, #tpu.memory_space<vmem>> -> memref<1x128x64xbf16, #tpu.memory_space<vmem>>
      %dma_wait3A_991 = tpu.memref_squeeze %dma_wait3A_990 : memref<1x128x64xbf16, #tpu.memory_space<vmem>> -> memref<128x64xbf16, #tpu.memory_space<vmem>>
      tpu.wait_dma2 semaphore(%run_scoped3A_967 : memref<!tpu.dma_semaphore, #tpu.memory_space<semaphore_mem>>) src(%dma_wait3A_991 : memref<128x64xbf16, #tpu.memory_space<vmem>>) dst(%dma_wait3A_987 : memref<128x64xbf16, #tpu.memory_space<vmem_shared>>)
      tpu.yield
    }) : () -> ()
    %dma_start3A_765 = arith.constant 4 : i32
    %dma_start3A_766 = arith.constant 0 : i32
    %dma_start3A_767 = arith.constant 0 : i32
    %dma_start3A_768 = arith.constant 0 : i32
    %dma_start3A_769 = tpu.memref_slice %arg13[%dma_start3A_766, %dma_start3A_767, %dma_start3A_768] : memref<4x128x64xbf16, #tpu.memory_space<vmem>> -> memref<1x128x64xbf16, #tpu.memory_space<vmem>>
    %dma_start3A_770 = tpu.memref_squeeze %dma_start3A_769 : memref<1x128x64xbf16, #tpu.memory_space<vmem>> -> memref<128x64xbf16, #tpu.memory_space<vmem>>
    %dma_start3A_771 = arith.constant 0 : i32
    %dma_start3A_772 = tpu.memref_slice %arg11[%dma_start3A_765, %dma_start3A_771] : memref<5x128xi32, #tpu.memory_space<vmem>> -> memref<1x128xi32, #tpu.memory_space<vmem>>
    %dma_start3A_773 = tpu.memref_squeeze %dma_start3A_772 : memref<1x128xi32, #tpu.memory_space<vmem>> -> memref<128xi32, #tpu.memory_space<vmem>>
    %dma_start3A_774 = arith.constant 0 : i32
    %dma_start3A_775 = arith.constant 0 : i32
    %dma_start3A_776 = tpu.memref_slice %arg2[%dma_start3A_774, %dma_start3A_775] : memref<20480x64xbf16, #tpu.memory_space<hbm>> -> memref<20480x64xbf16, #tpu.memory_space<hbm>>
    tpu.enqueue_indirect_dma source(%dma_start3A_776 : memref<20480x64xbf16, #tpu.memory_space<hbm>>) target(%dma_start3A_770 : memref<128x64xbf16, #tpu.memory_space<vmem>>) offsets(%dma_start3A_773 : memref<128xi32, #tpu.memory_space<vmem>>) semaphore(%arg17 : memref<!tpu.dma_semaphore, #tpu.memory_space<semaphore_mem>>)
    %dma_wait3A_777 = arith.constant 3 : i32
    %dma_wait3A_778 = arith.constant 1 : i32
    %dma_wait3A_779 = arith.constant 0 : i32
    %dma_wait3A_780 = arith.constant 0 : i32
    %dma_wait3A_781 = tpu.memref_slice %arg13[%dma_wait3A_778, %dma_wait3A_779, %dma_wait3A_780] : memref<4x128x64xbf16, #tpu.memory_space<vmem>> -> memref<1x128x64xbf16, #tpu.memory_space<vmem>>
    %dma_wait3A_782 = tpu.memref_squeeze %dma_wait3A_781 : memref<1x128x64xbf16, #tpu.memory_space<vmem>> -> memref<128x64xbf16, #tpu.memory_space<vmem>>
    %dma_wait3A_783 = arith.constant 0 : i32
    %dma_wait3A_784 = tpu.memref_slice %arg11[%dma_wait3A_777, %dma_wait3A_783] : memref<5x128xi32, #tpu.memory_space<vmem>> -> memref<1x128xi32, #tpu.memory_space<vmem>>
    %dma_wait3A_785 = tpu.memref_squeeze %dma_wait3A_784 : memref<1x128xi32, #tpu.memory_space<vmem>> -> memref<128xi32, #tpu.memory_space<vmem>>
    %dma_wait3A_786 = arith.constant 0 : i32
    %dma_wait3A_787 = arith.constant 0 : i32
    %dma_wait3A_788 = tpu.memref_slice %arg2[%dma_wait3A_786, %dma_wait3A_787] : memref<20480x64xbf16, #tpu.memory_space<hbm>> -> memref<20480x64xbf16, #tpu.memory_space<hbm>>
    tpu.wait_indirect_dma semaphore(%arg18 : memref<!tpu.dma_semaphore, #tpu.memory_space<semaphore_mem>>) src(%dma_wait3A_788 : memref<20480x64xbf16, #tpu.memory_space<hbm>>) dst(%dma_wait3A_782 : memref<128x64xbf16, #tpu.memory_space<vmem>>)
    %add3A_789 = arith.constant 384 : i32
    %add3A_790 = arith.addi %mul3A_0, %add3A_789 : i32
    %run_scoped3A_791 = arith.constant 1 : i32
    "tpu.region"() ({
      %run_scoped3A_967 = tpu.sem_alloc : memref<!tpu.dma_semaphore, #tpu.memory_space<semaphore_mem>>
      %dma_start3A_968 = arith.constant 0 : i32
      %dma_start3A_969 = arith.constant 0 : i32
      %dma_start3A_970 = tpu.memref_slice %arg13[%run_scoped3A_791, %dma_start3A_968, %dma_start3A_969] : memref<4x128x64xbf16, #tpu.memory_space<vmem>> -> memref<1x128x64xbf16, #tpu.memory_space<vmem>>
      %dma_start3A_971 = tpu.memref_squeeze %dma_start3A_970 : memref<1x128x64xbf16, #tpu.memory_space<vmem>> -> memref<128x64xbf16, #tpu.memory_space<vmem>>
      %dma_start3A_972 = arith.constant 0 : i32
      %dma_start3A_973 = tpu.memref_slice %arg15[%add3A_790, %dma_start3A_972] : memref<10240x64xbf16, #tpu.memory_space<vmem_shared>> -> memref<128x64xbf16, #tpu.memory_space<vmem_shared>>
      %dma_start3A_974 = arith.constant 0 : i32
      %dma_start3A_975 = tpu.memref_slice %arg15[%add3A_790, %dma_start3A_974] : memref<10240x64xbf16, #tpu.memory_space<vmem_shared>> -> memref<128x64xbf16, #tpu.memory_space<vmem_shared>>
      %dma_start3A_976 = arith.constant 0 : i32
      %dma_start3A_977 = arith.constant 0 : i32
      %dma_start3A_978 = tpu.memref_slice %arg13[%run_scoped3A_791, %dma_start3A_976, %dma_start3A_977] : memref<4x128x64xbf16, #tpu.memory_space<vmem>> -> memref<1x128x64xbf16, #tpu.memory_space<vmem>>
      %dma_start3A_979 = tpu.memref_squeeze %dma_start3A_978 : memref<1x128x64xbf16, #tpu.memory_space<vmem>> -> memref<128x64xbf16, #tpu.memory_space<vmem>>
      tpu.enqueue_dma source(%dma_start3A_979 : memref<128x64xbf16, #tpu.memory_space<vmem>>) target(%dma_start3A_975 : memref<128x64xbf16, #tpu.memory_space<vmem_shared>>) target_semaphore(%run_scoped3A_967 : memref<!tpu.dma_semaphore, #tpu.memory_space<semaphore_mem>>)
      %dma_wait3A_980 = arith.constant 0 : i32
      %dma_wait3A_981 = arith.constant 0 : i32
      %dma_wait3A_982 = tpu.memref_slice %arg13[%run_scoped3A_791, %dma_wait3A_980, %dma_wait3A_981] : memref<4x128x64xbf16, #tpu.memory_space<vmem>> -> memref<1x128x64xbf16, #tpu.memory_space<vmem>>
      %dma_wait3A_983 = tpu.memref_squeeze %dma_wait3A_982 : memref<1x128x64xbf16, #tpu.memory_space<vmem>> -> memref<128x64xbf16, #tpu.memory_space<vmem>>
      %dma_wait3A_984 = arith.constant 0 : i32
      %dma_wait3A_985 = tpu.memref_slice %arg15[%add3A_790, %dma_wait3A_984] : memref<10240x64xbf16, #tpu.memory_space<vmem_shared>> -> memref<128x64xbf16, #tpu.memory_space<vmem_shared>>
      %dma_wait3A_986 = arith.constant 0 : i32
      %dma_wait3A_987 = tpu.memref_slice %arg15[%add3A_790, %dma_wait3A_986] : memref<10240x64xbf16, #tpu.memory_space<vmem_shared>> -> memref<128x64xbf16, #tpu.memory_space<vmem_shared>>
      %dma_wait3A_988 = arith.constant 0 : i32
      %dma_wait3A_989 = arith.constant 0 : i32
      %dma_wait3A_990 = tpu.memref_slice %arg13[%run_scoped3A_791, %dma_wait3A_988, %dma_wait3A_989] : memref<4x128x64xbf16, #tpu.memory_space<vmem>> -> memref<1x128x64xbf16, #tpu.memory_space<vmem>>
      %dma_wait3A_991 = tpu.memref_squeeze %dma_wait3A_990 : memref<1x128x64xbf16, #tpu.memory_space<vmem>> -> memref<128x64xbf16, #tpu.memory_space<vmem>>
      tpu.wait_dma2 semaphore(%run_scoped3A_967 : memref<!tpu.dma_semaphore, #tpu.memory_space<semaphore_mem>>) src(%dma_wait3A_991 : memref<128x64xbf16, #tpu.memory_space<vmem>>) dst(%dma_wait3A_987 : memref<128x64xbf16, #tpu.memory_space<vmem_shared>>)
      tpu.yield
    }) : () -> ()
    %dma_wait3A_792 = arith.constant 4 : i32
    %dma_wait3A_793 = arith.constant 0 : i32
    %dma_wait3A_794 = arith.constant 0 : i32
    %dma_wait3A_795 = arith.constant 0 : i32
    %dma_wait3A_796 = tpu.memref_slice %arg13[%dma_wait3A_793, %dma_wait3A_794, %dma_wait3A_795] : memref<4x128x64xbf16, #tpu.memory_space<vmem>> -> memref<1x128x64xbf16, #tpu.memory_space<vmem>>
    %dma_wait3A_797 = tpu.memref_squeeze %dma_wait3A_796 : memref<1x128x64xbf16, #tpu.memory_space<vmem>> -> memref<128x64xbf16, #tpu.memory_space<vmem>>
    %dma_wait3A_798 = arith.constant 0 : i32
    %dma_wait3A_799 = tpu.memref_slice %arg11[%dma_wait3A_792, %dma_wait3A_798] : memref<5x128xi32, #tpu.memory_space<vmem>> -> memref<1x128xi32, #tpu.memory_space<vmem>>
    %dma_wait3A_800 = tpu.memref_squeeze %dma_wait3A_799 : memref<1x128xi32, #tpu.memory_space<vmem>> -> memref<128xi32, #tpu.memory_space<vmem>>
    %dma_wait3A_801 = arith.constant 0 : i32
    %dma_wait3A_802 = arith.constant 0 : i32
    %dma_wait3A_803 = tpu.memref_slice %arg2[%dma_wait3A_801, %dma_wait3A_802] : memref<20480x64xbf16, #tpu.memory_space<hbm>> -> memref<20480x64xbf16, #tpu.memory_space<hbm>>
    tpu.wait_indirect_dma semaphore(%arg17 : memref<!tpu.dma_semaphore, #tpu.memory_space<semaphore_mem>>) src(%dma_wait3A_803 : memref<20480x64xbf16, #tpu.memory_space<hbm>>) dst(%dma_wait3A_797 : memref<128x64xbf16, #tpu.memory_space<vmem>>)
    %add3A_804 = arith.constant 512 : i32
    %add3A_805 = arith.addi %mul3A_0, %add3A_804 : i32
    %run_scoped3A_806 = arith.constant 0 : i32
    "tpu.region"() ({
      %run_scoped3A_967 = tpu.sem_alloc : memref<!tpu.dma_semaphore, #tpu.memory_space<semaphore_mem>>
      %dma_start3A_968 = arith.constant 0 : i32
      %dma_start3A_969 = arith.constant 0 : i32
      %dma_start3A_970 = tpu.memref_slice %arg13[%run_scoped3A_806, %dma_start3A_968, %dma_start3A_969] : memref<4x128x64xbf16, #tpu.memory_space<vmem>> -> memref<1x128x64xbf16, #tpu.memory_space<vmem>>
      %dma_start3A_971 = tpu.memref_squeeze %dma_start3A_970 : memref<1x128x64xbf16, #tpu.memory_space<vmem>> -> memref<128x64xbf16, #tpu.memory_space<vmem>>
      %dma_start3A_972 = arith.constant 0 : i32
      %dma_start3A_973 = tpu.memref_slice %arg15[%add3A_805, %dma_start3A_972] : memref<10240x64xbf16, #tpu.memory_space<vmem_shared>> -> memref<128x64xbf16, #tpu.memory_space<vmem_shared>>
      %dma_start3A_974 = arith.constant 0 : i32
      %dma_start3A_975 = tpu.memref_slice %arg15[%add3A_805, %dma_start3A_974] : memref<10240x64xbf16, #tpu.memory_space<vmem_shared>> -> memref<128x64xbf16, #tpu.memory_space<vmem_shared>>
      %dma_start3A_976 = arith.constant 0 : i32
      %dma_start3A_977 = arith.constant 0 : i32
      %dma_start3A_978 = tpu.memref_slice %arg13[%run_scoped3A_806, %dma_start3A_976, %dma_start3A_977] : memref<4x128x64xbf16, #tpu.memory_space<vmem>> -> memref<1x128x64xbf16, #tpu.memory_space<vmem>>
      %dma_start3A_979 = tpu.memref_squeeze %dma_start3A_978 : memref<1x128x64xbf16, #tpu.memory_space<vmem>> -> memref<128x64xbf16, #tpu.memory_space<vmem>>
      tpu.enqueue_dma source(%dma_start3A_979 : memref<128x64xbf16, #tpu.memory_space<vmem>>) target(%dma_start3A_975 : memref<128x64xbf16, #tpu.memory_space<vmem_shared>>) target_semaphore(%run_scoped3A_967 : memref<!tpu.dma_semaphore, #tpu.memory_space<semaphore_mem>>)
      %dma_wait3A_980 = arith.constant 0 : i32
      %dma_wait3A_981 = arith.constant 0 : i32
      %dma_wait3A_982 = tpu.memref_slice %arg13[%run_scoped3A_806, %dma_wait3A_980, %dma_wait3A_981] : memref<4x128x64xbf16, #tpu.memory_space<vmem>> -> memref<1x128x64xbf16, #tpu.memory_space<vmem>>
      %dma_wait3A_983 = tpu.memref_squeeze %dma_wait3A_982 : memref<1x128x64xbf16, #tpu.memory_space<vmem>> -> memref<128x64xbf16, #tpu.memory_space<vmem>>
      %dma_wait3A_984 = arith.constant 0 : i32
      %dma_wait3A_985 = tpu.memref_slice %arg15[%add3A_805, %dma_wait3A_984] : memref<10240x64xbf16, #tpu.memory_space<vmem_shared>> -> memref<128x64xbf16, #tpu.memory_space<vmem_shared>>
      %dma_wait3A_986 = arith.constant 0 : i32
      %dma_wait3A_987 = tpu.memref_slice %arg15[%add3A_805, %dma_wait3A_986] : memref<10240x64xbf16, #tpu.memory_space<vmem_shared>> -> memref<128x64xbf16, #tpu.memory_space<vmem_shared>>
      %dma_wait3A_988 = arith.constant 0 : i32
      %dma_wait3A_989 = arith.constant 0 : i32
      %dma_wait3A_990 = tpu.memref_slice %arg13[%run_scoped3A_806, %dma_wait3A_988, %dma_wait3A_989] : memref<4x128x64xbf16, #tpu.memory_space<vmem>> -> memref<1x128x64xbf16, #tpu.memory_space<vmem>>
      %dma_wait3A_991 = tpu.memref_squeeze %dma_wait3A_990 : memref<1x128x64xbf16, #tpu.memory_space<vmem>> -> memref<128x64xbf16, #tpu.memory_space<vmem>>
      tpu.wait_dma2 semaphore(%run_scoped3A_967 : memref<!tpu.dma_semaphore, #tpu.memory_space<semaphore_mem>>) src(%dma_wait3A_991 : memref<128x64xbf16, #tpu.memory_space<vmem>>) dst(%dma_wait3A_987 : memref<128x64xbf16, #tpu.memory_space<vmem_shared>>)
      tpu.yield
    }) : () -> ()
    %broadcast_in_dim3A = arith.constant 0.000000e+00 : bf16
    %broadcast_in_dim3A_807 = vector.broadcast %broadcast_in_dim3A : bf16 to vector<32xbf16>
    %scan3A = arith.constant 0 : i32
    %scan3A_808 = arith.constant 128 : i32
    %scan3A_809 = arith.addi %scan3A, %scan3A_808 : i32
    %scan3A_810 = arith.constant 1 : i32
    scf.for %scan3A_967 = %scan3A to %scan3A_809 step %scan3A_810  : i32 {
      %mul3A_968 = arith.constant 1 : i32
      %mul3A_969 = arith.muli %scan3A_967, %mul3A_968 : i32
      %add3A_970 = arith.constant 0 : i32
      %add3A_971 = arith.addi %add3A_970, %mul3A_969 : i32
      %swap3A_972 = arith.index_cast %add3A_971 : i32 to index
      %swap3A_973 = arith.constant 0 : index
      %swap3A_974 = tpu.vector_load %arg12[%swap3A_972, %swap3A_973] {strides = array<i32>} : memref<128x64xbf16, #tpu.memory_space<vmem>>, vector<32xbf16>,
      tpu.vector_store %arg12[%swap3A_972, %swap3A_973], %broadcast_in_dim3A_807 {strides = array<i32>} : memref<128x64xbf16, #tpu.memory_space<vmem>>, vector<32xbf16>,
      %swap3A_975 = arith.index_cast %add3A_971 : i32 to index
      %swap3A_976 = arith.constant 32 : index
      %swap3A_977 = tpu.vector_load %arg12[%swap3A_975, %swap3A_976] {strides = array<i32>} : memref<128x64xbf16, #tpu.memory_space<vmem>>, vector<32xbf16>,
      tpu.vector_store %arg12[%swap3A_975, %swap3A_976], %broadcast_in_dim3A_807 {strides = array<i32>} : memref<128x64xbf16, #tpu.memory_space<vmem>>, vector<32xbf16>,
    }
    %scan3A_811 = arith.constant 128 : i32
    %scan3A_812 = arith.constant 0 : i32
    %scan3A_813 = arith.constant 5 : i32
    %scan3A_814 = arith.addi %scan3A_812, %scan3A_813 : i32
    %scan3A_815 = arith.constant 1 : i32
    scf.for %scan3A_967 = %scan3A_812 to %scan3A_814 step %scan3A_815  : i32 {
      %mul3A_968 = arith.constant 1 : i32
      %mul3A_969 = arith.muli %scan3A_967, %mul3A_968 : i32
      %add3A_970 = arith.constant 0 : i32
      %add3A_971 = arith.addi %add3A_970, %mul3A_969 : i32
      %mul3A_972 = arith.constant 128 : i32
      %mul3A_973 = arith.muli %add3A_971, %mul3A_972 : i32
      %add3A_974 = arith.addi %mul3A_0, %mul3A_973 : i32
      "tpu.region"() ({
        %run_scoped3A_975 = tpu.sem_alloc : memref<!tpu.dma_semaphore, #tpu.memory_space<semaphore_mem>>
        %dma_start3A_976 = arith.constant 0 : i32
        %dma_start3A_977 = tpu.memref_slice %arg16[%add3A_974, %dma_start3A_976] : memref<10256x64xbf16, #tpu.memory_space<vmem_shared>> -> memref<128x64xbf16, #tpu.memory_space<vmem_shared>>
        %dma_start3A_978 = arith.constant 0 : i32
        %dma_start3A_979 = tpu.memref_slice %arg16[%add3A_974, %dma_start3A_978] : memref<10256x64xbf16, #tpu.memory_space<vmem_shared>> -> memref<128x64xbf16, #tpu.memory_space<vmem_shared>>
        tpu.enqueue_dma source(%arg12 : memref<128x64xbf16, #tpu.memory_space<vmem>>) target(%dma_start3A_979 : memref<128x64xbf16, #tpu.memory_space<vmem_shared>>) target_semaphore(%run_scoped3A_975 : memref<!tpu.dma_semaphore, #tpu.memory_space<semaphore_mem>>)
        %dma_wait3A_980 = arith.constant 0 : i32
        %dma_wait3A_981 = tpu.memref_slice %arg16[%add3A_974, %dma_wait3A_980] : memref<10256x64xbf16, #tpu.memory_space<vmem_shared>> -> memref<128x64xbf16, #tpu.memory_space<vmem_shared>>
        %dma_wait3A_982 = arith.constant 0 : i32
        %dma_wait3A_983 = tpu.memref_slice %arg16[%add3A_974, %dma_wait3A_982] : memref<10256x64xbf16, #tpu.memory_space<vmem_shared>> -> memref<128x64xbf16, #tpu.memory_space<vmem_shared>>
        tpu.wait_dma2 semaphore(%run_scoped3A_975 : memref<!tpu.dma_semaphore, #tpu.memory_space<semaphore_mem>>) src(%arg12 : memref<128x64xbf16, #tpu.memory_space<vmem>>) dst(%dma_wait3A_983 : memref<128x64xbf16, #tpu.memory_space<vmem_shared>>)
        tpu.yield
      }) : () -> ()
    }
    %scan3A_816 = arith.constant 5 : i32
    %eq3A = arith.constant 0 : i32
    %eq3A_817 = arith.cmpi eq, %arg1, %eq3A : i32
    %convert_element_type3A = arith.extui %eq3A_817 : i1 to i32
    %cond3A = arith.constant 0 : i32
    %cond3A_818 = arith.cmpi ne, %convert_element_type3A, %cond3A : i32
    scf.if %cond3A_818 {
      "tpu.region"() ({
        %run_scoped3A_967 = tpu.sem_alloc : memref<!tpu.dma_semaphore, #tpu.memory_space<semaphore_mem>>
        %dma_start3A_968 = arith.constant 0 : i32
        %dma_start3A_969 = arith.constant 0 : i32
        %dma_start3A_970 = tpu.memref_slice %arg12[%dma_start3A_968, %dma_start3A_969] : memref<128x64xbf16, #tpu.memory_space<vmem>> -> memref<16x64xbf16, #tpu.memory_space<vmem>>
        %dma_start3A_971 = arith.constant 10240 : i32
        %dma_start3A_972 = arith.constant 0 : i32
        %dma_start3A_973 = tpu.memref_slice %arg16[%dma_start3A_971, %dma_start3A_972] : memref<10256x64xbf16, #tpu.memory_space<vmem_shared>> -> memref<16x64xbf16, #tpu.memory_space<vmem_shared>>
        %dma_start3A_974 = arith.constant 10240 : i32
        %dma_start3A_975 = arith.constant 0 : i32
        %dma_start3A_976 = tpu.memref_slice %arg16[%dma_start3A_974, %dma_start3A_975] : memref<10256x64xbf16, #tpu.memory_space<vmem_shared>> -> memref<16x64xbf16, #tpu.memory_space<vmem_shared>>
        %dma_start3A_977 = arith.constant 0 : i32
        %dma_start3A_978 = arith.constant 0 : i32
        %dma_start3A_979 = tpu.memref_slice %arg12[%dma_start3A_977, %dma_start3A_978] : memref<128x64xbf16, #tpu.memory_space<vmem>> -> memref<16x64xbf16, #tpu.memory_space<vmem>>
        tpu.enqueue_dma source(%dma_start3A_979 : memref<16x64xbf16, #tpu.memory_space<vmem>>) target(%dma_start3A_976 : memref<16x64xbf16, #tpu.memory_space<vmem_shared>>) target_semaphore(%run_scoped3A_967 : memref<!tpu.dma_semaphore, #tpu.memory_space<semaphore_mem>>)
        %dma_wait3A_980 = arith.constant 0 : i32
        %dma_wait3A_981 = arith.constant 0 : i32
        %dma_wait3A_982 = tpu.memref_slice %arg12[%dma_wait3A_980, %dma_wait3A_981] : memref<128x64xbf16, #tpu.memory_space<vmem>> -> memref<16x64xbf16, #tpu.memory_space<vmem>>
        %dma_wait3A_983 = arith.constant 10240 : i32
        %dma_wait3A_984 = arith.constant 0 : i32
        %dma_wait3A_985 = tpu.memref_slice %arg16[%dma_wait3A_983, %dma_wait3A_984] : memref<10256x64xbf16, #tpu.memory_space<vmem_shared>> -> memref<16x64xbf16, #tpu.memory_space<vmem_shared>>
        %dma_wait3A_986 = arith.constant 10240 : i32
        %dma_wait3A_987 = arith.constant 0 : i32
        %dma_wait3A_988 = tpu.memref_slice %arg16[%dma_wait3A_986, %dma_wait3A_987] : memref<10256x64xbf16, #tpu.memory_space<vmem_shared>> -> memref<16x64xbf16, #tpu.memory_space<vmem_shared>>
        %dma_wait3A_989 = arith.constant 0 : i32
        %dma_wait3A_990 = arith.constant 0 : i32
        %dma_wait3A_991 = tpu.memref_slice %arg12[%dma_wait3A_989, %dma_wait3A_990] : memref<128x64xbf16, #tpu.memory_space<vmem>> -> memref<16x64xbf16, #tpu.memory_space<vmem>>
        tpu.wait_dma2 semaphore(%run_scoped3A_967 : memref<!tpu.dma_semaphore, #tpu.memory_space<semaphore_mem>>) src(%dma_wait3A_991 : memref<16x64xbf16, #tpu.memory_space<vmem>>) dst(%dma_wait3A_988 : memref<16x64xbf16, #tpu.memory_space<vmem_shared>>)
        tpu.yield
      }) : () -> ()
    } else {
    }
    %broadcast_in_dim3A_819 = arith.constant 0.000000e+00 : f32
    %broadcast_in_dim3A_820 = vector.broadcast %broadcast_in_dim3A_819 : f32 to vector<16xf32>
    %scan3A_821 = arith.constant 0 : i32
    %scan3A_822 = arith.constant 641 : i32
    %scan3A_823 = arith.addi %scan3A_821, %scan3A_822 : i32
    %scan3A_824 = arith.constant 1 : i32
    scf.for %scan3A_967 = %scan3A_821 to %scan3A_823 step %scan3A_824  : i32 {
      %mul3A_968 = arith.constant 1 : i32
      %mul3A_969 = arith.muli %scan3A_967, %mul3A_968 : i32
      %add3A_970 = arith.constant 0 : i32
      %add3A_971 = arith.addi %add3A_970, %mul3A_969 : i32
      %mul3A_972 = arith.constant 16 : i32
      %mul3A_973 = arith.muli %add3A_971, %mul3A_972 : i32
      %swap3A_974 = arith.index_cast %mul3A_973 : i32 to index
      %swap3A_975 = tpu.vector_load %arg14[%swap3A_974] {strides = array<i32>} : memref<10256xf32, #tpu.memory_space<vmem>>, vector<16xf32>,
      tpu.vector_store %arg14[%swap3A_974], %broadcast_in_dim3A_820 {strides = array<i32>} : memref<10256xf32, #tpu.memory_space<vmem>>, vector<16xf32>,
    }
    %scan3A_825 = arith.constant 641 : i32
    %dma_wait3A_826 = arith.constant 0 : i32
    %dma_wait3A_827 = arith.constant 0 : i32
    %dma_wait3A_828 = tpu.memref_slice %arg9[%dma_wait3A_826, %dma_wait3A_827] : memref<160x128xi32, #tpu.memory_space<vmem>> -> memref<128x128xi32, #tpu.memory_space<vmem>>
    %dma_wait3A_829 = arith.constant 0 : i32
    %dma_wait3A_830 = tpu.memref_slice %arg7[%dma_wait3A_829] : memref<160xi32, #tpu.memory_space<vmem>> -> memref<128xi32, #tpu.memory_space<vmem>>
    %dma_wait3A_831 = arith.constant 0 : i32
    %dma_wait3A_832 = arith.constant 0 : i32
    %dma_wait3A_833 = tpu.memref_slice %arg3[%dma_wait3A_831, %dma_wait3A_832] : memref<2560x128xi32, #tpu.memory_space<hbm>> -> memref<2560x128xi32, #tpu.memory_space<hbm>>
    tpu.wait_indirect_dma semaphore(%arg25 : memref<!tpu.dma_semaphore, #tpu.memory_space<semaphore_mem>>) src(%dma_wait3A_833 : memref<2560x128xi32, #tpu.memory_space<hbm>>) dst(%dma_wait3A_828 : memref<128x128xi32, #tpu.memory_space<vmem>>)
    %dma_wait3A_834 = arith.constant 128 : i32
    %dma_wait3A_835 = arith.constant 0 : i32
    %dma_wait3A_836 = tpu.memref_slice %arg9[%dma_wait3A_834, %dma_wait3A_835] : memref<160x128xi32, #tpu.memory_space<vmem>> -> memref<32x128xi32, #tpu.memory_space<vmem>>
    %dma_wait3A_837 = arith.constant 128 : i32
    %dma_wait3A_838 = tpu.memref_slice %arg7[%dma_wait3A_837] : memref<160xi32, #tpu.memory_space<vmem>> -> memref<32xi32, #tpu.memory_space<vmem>>
    %dma_wait3A_839 = arith.constant 0 : i32
    %dma_wait3A_840 = arith.constant 0 : i32
    %dma_wait3A_841 = tpu.memref_slice %arg3[%dma_wait3A_839, %dma_wait3A_840] : memref<2560x128xi32, #tpu.memory_space<hbm>> -> memref<2560x128xi32, #tpu.memory_space<hbm>>
    tpu.wait_indirect_dma semaphore(%arg25 : memref<!tpu.dma_semaphore, #tpu.memory_space<semaphore_mem>>) src(%dma_wait3A_841 : memref<2560x128xi32, #tpu.memory_space<hbm>>) dst(%dma_wait3A_836 : memref<32x128xi32, #tpu.memory_space<vmem>>)
    %dma_wait3A_842 = arith.constant 0 : i32
    %dma_wait3A_843 = arith.constant 0 : i32
    %dma_wait3A_844 = tpu.memref_slice %arg10[%dma_wait3A_842, %dma_wait3A_843] : memref<160x128xi32, #tpu.memory_space<vmem>> -> memref<128x128xi32, #tpu.memory_space<vmem>>
    %dma_wait3A_845 = arith.constant 0 : i32
    %dma_wait3A_846 = tpu.memref_slice %arg8[%dma_wait3A_845] : memref<160xi32, #tpu.memory_space<vmem>> -> memref<128xi32, #tpu.memory_space<vmem>>
    %dma_wait3A_847 = arith.constant 0 : i32
    %dma_wait3A_848 = arith.constant 0 : i32
    %dma_wait3A_849 = tpu.memref_slice %arg4[%dma_wait3A_847, %dma_wait3A_848] : memref<2560x128xi32, #tpu.memory_space<hbm>> -> memref<2560x128xi32, #tpu.memory_space<hbm>>
    tpu.wait_indirect_dma semaphore(%arg25 : memref<!tpu.dma_semaphore, #tpu.memory_space<semaphore_mem>>) src(%dma_wait3A_849 : memref<2560x128xi32, #tpu.memory_space<hbm>>) dst(%dma_wait3A_844 : memref<128x128xi32, #tpu.memory_space<vmem>>)
    %dma_wait3A_850 = arith.constant 128 : i32
    %dma_wait3A_851 = arith.constant 0 : i32
    %dma_wait3A_852 = tpu.memref_slice %arg10[%dma_wait3A_850, %dma_wait3A_851] : memref<160x128xi32, #tpu.memory_space<vmem>> -> memref<32x128xi32, #tpu.memory_space<vmem>>
    %dma_wait3A_853 = arith.constant 128 : i32
    %dma_wait3A_854 = tpu.memref_slice %arg8[%dma_wait3A_853] : memref<160xi32, #tpu.memory_space<vmem>> -> memref<32xi32, #tpu.memory_space<vmem>>
    %dma_wait3A_855 = arith.constant 0 : i32
    %dma_wait3A_856 = arith.constant 0 : i32
    %dma_wait3A_857 = tpu.memref_slice %arg4[%dma_wait3A_855, %dma_wait3A_856] : memref<2560x128xi32, #tpu.memory_space<hbm>> -> memref<2560x128xi32, #tpu.memory_space<hbm>>
    tpu.wait_indirect_dma semaphore(%arg25 : memref<!tpu.dma_semaphore, #tpu.memory_space<semaphore_mem>>) src(%dma_wait3A_857 : memref<2560x128xi32, #tpu.memory_space<hbm>>) dst(%dma_wait3A_852 : memref<32x128xi32, #tpu.memory_space<vmem>>)
    %barrier3A = arith.constant 0 : index
    tpu.barrier barrier_id(%barrier3A)
    %broadcast_in_dim3A_858 = arith.constant 1.000000e+00 : f32
    %broadcast_in_dim3A_859 = vector.broadcast %broadcast_in_dim3A_858 : f32 to vector<16xf32>
    %dma_start3A_860 = arith.constant 0 : i32
    %dma_start3A_861 = arith.constant 0 : i32
    %dma_start3A_862 = arith.constant 0 : i32
    %dma_start3A_863 = arith.constant 0 : i32
    %dma_start3A_864 = tpu.memref_slice %arg13[%dma_start3A_861, %dma_start3A_862, %dma_start3A_863] : memref<4x128x64xbf16, #tpu.memory_space<vmem>> -> memref<1x128x64xbf16, #tpu.memory_space<vmem>>
    %dma_start3A_865 = tpu.memref_squeeze %dma_start3A_864 : memref<1x128x64xbf16, #tpu.memory_space<vmem>> -> memref<128x64xbf16, #tpu.memory_space<vmem>>
    %dma_start3A_866 = arith.constant 0 : i32
    %dma_start3A_867 = tpu.memref_slice %arg9[%dma_start3A_860, %dma_start3A_866] : memref<160x128xi32, #tpu.memory_space<vmem>> -> memref<1x128xi32, #tpu.memory_space<vmem>>
    %dma_start3A_868 = tpu.memref_squeeze %dma_start3A_867 : memref<1x128xi32, #tpu.memory_space<vmem>> -> memref<128xi32, #tpu.memory_space<vmem>>
    %dma_start3A_869 = arith.constant 0 : i32
    %dma_start3A_870 = arith.constant 0 : i32
    %dma_start3A_871 = tpu.memref_slice %arg15[%dma_start3A_869, %dma_start3A_870] : memref<10240x64xbf16, #tpu.memory_space<vmem_shared>> -> memref<10240x64xbf16, #tpu.memory_space<vmem_shared>>
    tpu.enqueue_indirect_dma source(%dma_start3A_871 : memref<10240x64xbf16, #tpu.memory_space<vmem_shared>>) target(%dma_start3A_865 : memref<128x64xbf16, #tpu.memory_space<vmem>>) offsets(%dma_start3A_868 : memref<128xi32, #tpu.memory_space<vmem>>) semaphore(%arg17 : memref<!tpu.dma_semaphore, #tpu.memory_space<semaphore_mem>>)
    %dma_start3A_872 = arith.constant 1 : i32
    %dma_start3A_873 = arith.constant 1 : i32
    %dma_start3A_874 = arith.constant 0 : i32
    %dma_start3A_875 = arith.constant 0 : i32
    %dma_start3A_876 = tpu.memref_slice %arg13[%dma_start3A_873, %dma_start3A_874, %dma_start3A_875] : memref<4x128x64xbf16, #tpu.memory_space<vmem>> -> memref<1x128x64xbf16, #tpu.memory_space<vmem>>
    %dma_start3A_877 = tpu.memref_squeeze %dma_start3A_876 : memref<1x128x64xbf16, #tpu.memory_space<vmem>> -> memref<128x64xbf16, #tpu.memory_space<vmem>>
    %dma_start3A_878 = arith.constant 0 : i32
    %dma_start3A_879 = tpu.memref_slice %arg9[%dma_start3A_872, %dma_start3A_878] : memref<160x128xi32, #tpu.memory_space<vmem>> -> memref<1x128xi32, #tpu.memory_space<vmem>>
    %dma_start3A_880 = tpu.memref_squeeze %dma_start3A_879 : memref<1x128xi32, #tpu.memory_space<vmem>> -> memref<128xi32, #tpu.memory_space<vmem>>
    %dma_start3A_881 = arith.constant 0 : i32
    %dma_start3A_882 = arith.constant 0 : i32
    %dma_start3A_883 = tpu.memref_slice %arg15[%dma_start3A_881, %dma_start3A_882] : memref<10240x64xbf16, #tpu.memory_space<vmem_shared>> -> memref<10240x64xbf16, #tpu.memory_space<vmem_shared>>
    tpu.enqueue_indirect_dma source(%dma_start3A_883 : memref<10240x64xbf16, #tpu.memory_space<vmem_shared>>) target(%dma_start3A_877 : memref<128x64xbf16, #tpu.memory_space<vmem>>) offsets(%dma_start3A_880 : memref<128xi32, #tpu.memory_space<vmem>>) semaphore(%arg18 : memref<!tpu.dma_semaphore, #tpu.memory_space<semaphore_mem>>)
    %dma_start3A_884 = arith.constant 2 : i32
    %dma_start3A_885 = arith.constant 2 : i32
    %dma_start3A_886 = arith.constant 0 : i32
    %dma_start3A_887 = arith.constant 0 : i32
    %dma_start3A_888 = tpu.memref_slice %arg13[%dma_start3A_885, %dma_start3A_886, %dma_start3A_887] : memref<4x128x64xbf16, #tpu.memory_space<vmem>> -> memref<1x128x64xbf16, #tpu.memory_space<vmem>>
    %dma_start3A_889 = tpu.memref_squeeze %dma_start3A_888 : memref<1x128x64xbf16, #tpu.memory_space<vmem>> -> memref<128x64xbf16, #tpu.memory_space<vmem>>
    %dma_start3A_890 = arith.constant 0 : i32
    %dma_start3A_891 = tpu.memref_slice %arg9[%dma_start3A_884, %dma_start3A_890] : memref<160x128xi32, #tpu.memory_space<vmem>> -> memref<1x128xi32, #tpu.memory_space<vmem>>
    %dma_start3A_892 = tpu.memref_squeeze %dma_start3A_891 : memref<1x128xi32, #tpu.memory_space<vmem>> -> memref<128xi32, #tpu.memory_space<vmem>>
    %dma_start3A_893 = arith.constant 0 : i32
    %dma_start3A_894 = arith.constant 0 : i32
    %dma_start3A_895 = tpu.memref_slice %arg15[%dma_start3A_893, %dma_start3A_894] : memref<10240x64xbf16, #tpu.memory_space<vmem_shared>> -> memref<10240x64xbf16, #tpu.memory_space<vmem_shared>>
    tpu.enqueue_indirect_dma source(%dma_start3A_895 : memref<10240x64xbf16, #tpu.memory_space<vmem_shared>>) target(%dma_start3A_889 : memref<128x64xbf16, #tpu.memory_space<vmem>>) offsets(%dma_start3A_892 : memref<128xi32, #tpu.memory_space<vmem>>) semaphore(%arg19 : memref<!tpu.dma_semaphore, #tpu.memory_space<semaphore_mem>>)
    %dma_start3A_896 = arith.constant 3 : i32
    %dma_start3A_897 = arith.constant 3 : i32
    %dma_start3A_898 = arith.constant 0 : i32
    %dma_start3A_899 = arith.constant 0 : i32
    %dma_start3A_900 = tpu.memref_slice %arg13[%dma_start3A_897, %dma_start3A_898, %dma_start3A_899] : memref<4x128x64xbf16, #tpu.memory_space<vmem>> -> memref<1x128x64xbf16, #tpu.memory_space<vmem>>
    %dma_start3A_901 = tpu.memref_squeeze %dma_start3A_900 : memref<1x128x64xbf16, #tpu.memory_space<vmem>> -> memref<128x64xbf16, #tpu.memory_space<vmem>>
    %dma_start3A_902 = arith.constant 0 : i32
    %dma_start3A_903 = tpu.memref_slice %arg9[%dma_start3A_896, %dma_start3A_902] : memref<160x128xi32, #tpu.memory_space<vmem>> -> memref<1x128xi32, #tpu.memory_space<vmem>>
    %dma_start3A_904 = tpu.memref_squeeze %dma_start3A_903 : memref<1x128xi32, #tpu.memory_space<vmem>> -> memref<128xi32, #tpu.memory_space<vmem>>
    %dma_start3A_905 = arith.constant 0 : i32
    %dma_start3A_906 = arith.constant 0 : i32
    %dma_start3A_907 = tpu.memref_slice %arg15[%dma_start3A_905, %dma_start3A_906] : memref<10240x64xbf16, #tpu.memory_space<vmem_shared>> -> memref<10240x64xbf16, #tpu.memory_space<vmem_shared>>
    tpu.enqueue_indirect_dma source(%dma_start3A_907 : memref<10240x64xbf16, #tpu.memory_space<vmem_shared>>) target(%dma_start3A_901 : memref<128x64xbf16, #tpu.memory_space<vmem>>) offsets(%dma_start3A_904 : memref<128xi32, #tpu.memory_space<vmem>>) semaphore(%arg20 : memref<!tpu.dma_semaphore, #tpu.memory_space<semaphore_mem>>)
    %scan3A_908 = arith.constant 0 : i32
    %scan3A_909 = arith.constant 40 : i32
    %scan3A_910 = arith.addi %scan3A_908, %scan3A_909 : i32
    %scan3A_911 = arith.constant 1 : i32
    scf.for %scan3A_967 = %scan3A_908 to %scan3A_910 step %scan3A_911  : i32 {
      %mul3A_968 = arith.constant 1 : i32
      %mul3A_969 = arith.muli %scan3A_967, %mul3A_968 : i32
      %add3A_970 = arith.constant 0 : i32
      %add3A_971 = arith.addi %add3A_970, %mul3A_969 : i32
      %mul3A_972 = arith.constant 4 : i32
      %mul3A_973 = arith.muli %add3A_971, %mul3A_972 : i32
      %add3A_974 = arith.constant 0 : i32
      %add3A_975 = arith.addi %mul3A_973, %add3A_974 : i32
      %dma_wait3A_976 = arith.constant 0 : i32
      %dma_wait3A_977 = arith.constant 0 : i32
      %dma_wait3A_978 = arith.constant 0 : i32
      %dma_wait3A_979 = tpu.memref_slice %arg13[%dma_wait3A_976, %dma_wait3A_977, %dma_wait3A_978] : memref<4x128x64xbf16, #tpu.memory_space<vmem>> -> memref<1x128x64xbf16, #tpu.memory_space<vmem>>
      %dma_wait3A_980 = tpu.memref_squeeze %dma_wait3A_979 : memref<1x128x64xbf16, #tpu.memory_space<vmem>> -> memref<128x64xbf16, #tpu.memory_space<vmem>>
      %dma_wait3A_981 = arith.constant 0 : i32
      %dma_wait3A_982 = tpu.memref_slice %arg9[%add3A_975, %dma_wait3A_981] : memref<160x128xi32, #tpu.memory_space<vmem>> -> memref<1x128xi32, #tpu.memory_space<vmem>>
      %dma_wait3A_983 = tpu.memref_squeeze %dma_wait3A_982 : memref<1x128xi32, #tpu.memory_space<vmem>> -> memref<128xi32, #tpu.memory_space<vmem>>
      %dma_wait3A_984 = arith.constant 0 : i32
      %dma_wait3A_985 = arith.constant 0 : i32
      %dma_wait3A_986 = tpu.memref_slice %arg15[%dma_wait3A_984, %dma_wait3A_985] : memref<10240x64xbf16, #tpu.memory_space<vmem_shared>> -> memref<10240x64xbf16, #tpu.memory_space<vmem_shared>>
      tpu.wait_indirect_dma semaphore(%arg17 : memref<!tpu.dma_semaphore, #tpu.memory_space<semaphore_mem>>) src(%dma_wait3A_986 : memref<10240x64xbf16, #tpu.memory_space<vmem_shared>>) dst(%dma_wait3A_980 : memref<128x64xbf16, #tpu.memory_space<vmem>>)
      %dma_start3A_987 = arith.constant 0 : i32
      %dma_start3A_988 = arith.constant 0 : i32
      %dma_start3A_989 = arith.constant 0 : i32
      %dma_start3A_990 = tpu.memref_slice %arg13[%dma_start3A_987, %dma_start3A_988, %dma_start3A_989] : memref<4x128x64xbf16, #tpu.memory_space<vmem>> -> memref<1x128x64xbf16, #tpu.memory_space<vmem>>
      %dma_start3A_991 = tpu.memref_squeeze %dma_start3A_990 : memref<1x128x64xbf16, #tpu.memory_space<vmem>> -> memref<128x64xbf16, #tpu.memory_space<vmem>>
      %dma_start3A_992 = arith.constant 0 : i32
      %dma_start3A_993 = tpu.memref_slice %arg10[%add3A_975, %dma_start3A_992] : memref<160x128xi32, #tpu.memory_space<vmem>> -> memref<1x128xi32, #tpu.memory_space<vmem>>
      %dma_start3A_994 = tpu.memref_squeeze %dma_start3A_993 : memref<1x128xi32, #tpu.memory_space<vmem>> -> memref<128xi32, #tpu.memory_space<vmem>>
      %dma_start3A_995 = arith.constant 0 : i32
      %dma_start3A_996 = arith.constant 0 : i32
      %dma_start3A_997 = tpu.memref_slice %arg16[%dma_start3A_995, %dma_start3A_996] : memref<10256x64xbf16, #tpu.memory_space<vmem_shared>> -> memref<10256x64xbf16, #tpu.memory_space<vmem_shared>>
      tpu.enqueue_indirect_dma source(%dma_start3A_991 : memref<128x64xbf16, #tpu.memory_space<vmem>>) target(%dma_start3A_997 : memref<10256x64xbf16, #tpu.memory_space<vmem_shared>>) offsets(%dma_start3A_994 : memref<128xi32, #tpu.memory_space<vmem>>) semaphore(%arg21 : memref<!tpu.dma_semaphore, #tpu.memory_space<semaphore_mem>>) {add = true}
      %eq3A_998 = arith.constant 0 : i32
      %eq3A_999 = arith.cmpi eq, %arg0, %eq3A_998 : i32
      %convert_element_type3A_1000 = arith.extui %eq3A_999 : i1 to i32
      %cond3A_1001 = arith.constant 0 : i32
      %cond3A_1002 = arith.cmpi ne, %convert_element_type3A_1000, %cond3A_1001 : i32
      scf.if %cond3A_1002 {
        %get3A = arith.index_cast %add3A_975 : i32 to index
        %get3A_1123 = arith.constant 0 : index
        %get3A_1124 = tpu.vector_load %arg10[%get3A, %get3A_1123] {strides = array<i32>} : memref<160x128xi32, #tpu.memory_space<vmem>>, vector<16xi32>,
        tpu.vector_store_idx %arg14[%get3A_1124], %broadcast_in_dim3A_859 {add = true} : memref<10256xf32, #tpu.memory_space<vmem>>[vector<16xi32>], vector<16xf32>,
        %get3A_1125 = arith.index_cast %add3A_975 : i32 to index
        %get3A_1126 = arith.constant 16 : index
        %get3A_1127 = tpu.vector_load %arg10[%get3A_1125, %get3A_1126] {strides = array<i32>} : memref<160x128xi32, #tpu.memory_space<vmem>>, vector<16xi32>,
        tpu.vector_store_idx %arg14[%get3A_1127], %broadcast_in_dim3A_859 {add = true} : memref<10256xf32, #tpu.memory_space<vmem>>[vector<16xi32>], vector<16xf32>,
        %get3A_1128 = arith.index_cast %add3A_975 : i32 to index
        %get3A_1129 = arith.constant 32 : index
        %get3A_1130 = tpu.vector_load %arg10[%get3A_1128, %get3A_1129] {strides = array<i32>} : memref<160x128xi32, #tpu.memory_space<vmem>>, vector<16xi32>,
        tpu.vector_store_idx %arg14[%get3A_1130], %broadcast_in_dim3A_859 {add = true} : memref<10256xf32, #tpu.memory_space<vmem>>[vector<16xi32>], vector<16xf32>,
        %get3A_1131 = arith.index_cast %add3A_975 : i32 to index
        %get3A_1132 = arith.constant 48 : index
        %get3A_1133 = tpu.vector_load %arg10[%get3A_1131, %get3A_1132] {strides = array<i32>} : memref<160x128xi32, #tpu.memory_space<vmem>>, vector<16xi32>,
        tpu.vector_store_idx %arg14[%get3A_1133], %broadcast_in_dim3A_859 {add = true} : memref<10256xf32, #tpu.memory_space<vmem>>[vector<16xi32>], vector<16xf32>,
        %get3A_1134 = arith.index_cast %add3A_975 : i32 to index
        %get3A_1135 = arith.constant 64 : index
        %get3A_1136 = tpu.vector_load %arg10[%get3A_1134, %get3A_1135] {strides = array<i32>} : memref<160x128xi32, #tpu.memory_space<vmem>>, vector<16xi32>,
        tpu.vector_store_idx %arg14[%get3A_1136], %broadcast_in_dim3A_859 {add = true} : memref<10256xf32, #tpu.memory_space<vmem>>[vector<16xi32>], vector<16xf32>,
        %get3A_1137 = arith.index_cast %add3A_975 : i32 to index
        %get3A_1138 = arith.constant 80 : index
        %get3A_1139 = tpu.vector_load %arg10[%get3A_1137, %get3A_1138] {strides = array<i32>} : memref<160x128xi32, #tpu.memory_space<vmem>>, vector<16xi32>,
        tpu.vector_store_idx %arg14[%get3A_1139], %broadcast_in_dim3A_859 {add = true} : memref<10256xf32, #tpu.memory_space<vmem>>[vector<16xi32>], vector<16xf32>,
        %get3A_1140 = arith.index_cast %add3A_975 : i32 to index
        %get3A_1141 = arith.constant 96 : index
        %get3A_1142 = tpu.vector_load %arg10[%get3A_1140, %get3A_1141] {strides = array<i32>} : memref<160x128xi32, #tpu.memory_space<vmem>>, vector<16xi32>,
        tpu.vector_store_idx %arg14[%get3A_1142], %broadcast_in_dim3A_859 {add = true} : memref<10256xf32, #tpu.memory_space<vmem>>[vector<16xi32>], vector<16xf32>,
        %get3A_1143 = arith.index_cast %add3A_975 : i32 to index
        %get3A_1144 = arith.constant 112 : index
        %get3A_1145 = tpu.vector_load %arg10[%get3A_1143, %get3A_1144] {strides = array<i32>} : memref<160x128xi32, #tpu.memory_space<vmem>>, vector<16xi32>,
        tpu.vector_store_idx %arg14[%get3A_1145], %broadcast_in_dim3A_859 {add = true} : memref<10256xf32, #tpu.memory_space<vmem>>[vector<16xi32>], vector<16xf32>,
      } else {
      }
      %add3A_1003 = arith.constant 4 : i32
      %add3A_1004 = arith.addi %add3A_975, %add3A_1003 : i32
      %lt3A = arith.constant 160 : i32
      %lt3A_1005 = arith.cmpi slt, %add3A_1004, %lt3A : i32
      %convert_element_type3A_1006 = arith.extui %lt3A_1005 : i1 to i32
      %cond3A_1007 = arith.constant 0 : i32
      %cond3A_1008 = arith.cmpi ne, %convert_element_type3A_1006, %cond3A_1007 : i32
      scf.if %cond3A_1008 {
        %dma_wait3A_1123 = arith.constant 0 : i32
        %dma_wait3A_1124 = arith.constant 0 : i32
        %dma_wait3A_1125 = arith.constant 0 : i32
        %dma_wait3A_1126 = tpu.memref_slice %arg13[%dma_wait3A_1123, %dma_wait3A_1124, %dma_wait3A_1125] : memref<4x128x64xbf16, #tpu.memory_space<vmem>> -> memref<1x128x64xbf16, #tpu.memory_space<vmem>>
        %dma_wait3A_1127 = tpu.memref_squeeze %dma_wait3A_1126 : memref<1x128x64xbf16, #tpu.memory_space<vmem>> -> memref<128x64xbf16, #tpu.memory_space<vmem>>
        %dma_wait3A_1128 = arith.constant 0 : i32
        %dma_wait3A_1129 = tpu.memref_slice %arg10[%add3A_975, %dma_wait3A_1128] : memref<160x128xi32, #tpu.memory_space<vmem>> -> memref<1x128xi32, #tpu.memory_space<vmem>>
        %dma_wait3A_1130 = tpu.memref_squeeze %dma_wait3A_1129 : memref<1x128xi32, #tpu.memory_space<vmem>> -> memref<128xi32, #tpu.memory_space<vmem>>
        %dma_wait3A_1131 = arith.constant 0 : i32
        %dma_wait3A_1132 = arith.constant 0 : i32
        %dma_wait3A_1133 = tpu.memref_slice %arg16[%dma_wait3A_1131, %dma_wait3A_1132] : memref<10256x64xbf16, #tpu.memory_space<vmem_shared>> -> memref<10256x64xbf16, #tpu.memory_space<vmem_shared>>
        tpu.wait_indirect_dma semaphore(%arg21 : memref<!tpu.dma_semaphore, #tpu.memory_space<semaphore_mem>>) src(%dma_wait3A_1127 : memref<128x64xbf16, #tpu.memory_space<vmem>>) dst(%dma_wait3A_1133 : memref<10256x64xbf16, #tpu.memory_space<vmem_shared>>)
        %dma_start3A_1134 = arith.constant 0 : i32
        %dma_start3A_1135 = arith.constant 0 : i32
        %dma_start3A_1136 = arith.constant 0 : i32
        %dma_start3A_1137 = tpu.memref_slice %arg13[%dma_start3A_1134, %dma_start3A_1135, %dma_start3A_1136] : memref<4x128x64xbf16, #tpu.memory_space<vmem>> -> memref<1x128x64xbf16, #tpu.memory_space<vmem>>
        %dma_start3A_1138 = tpu.memref_squeeze %dma_start3A_1137 : memref<1x128x64xbf16, #tpu.memory_space<vmem>> -> memref<128x64xbf16, #tpu.memory_space<vmem>>
        %dma_start3A_1139 = arith.constant 0 : i32
        %dma_start3A_1140 = tpu.memref_slice %arg9[%add3A_1004, %dma_start3A_1139] : memref<160x128xi32, #tpu.memory_space<vmem>> -> memref<1x128xi32, #tpu.memory_space<vmem>>
        %dma_start3A_1141 = tpu.memref_squeeze %dma_start3A_1140 : memref<1x128xi32, #tpu.memory_space<vmem>> -> memref<128xi32, #tpu.memory_space<vmem>>
        %dma_start3A_1142 = arith.constant 0 : i32
        %dma_start3A_1143 = arith.constant 0 : i32
        %dma_start3A_1144 = tpu.memref_slice %arg15[%dma_start3A_1142, %dma_start3A_1143] : memref<10240x64xbf16, #tpu.memory_space<vmem_shared>> -> memref<10240x64xbf16, #tpu.memory_space<vmem_shared>>
        tpu.enqueue_indirect_dma source(%dma_start3A_1144 : memref<10240x64xbf16, #tpu.memory_space<vmem_shared>>) target(%dma_start3A_1138 : memref<128x64xbf16, #tpu.memory_space<vmem>>) offsets(%dma_start3A_1141 : memref<128xi32, #tpu.memory_space<vmem>>) semaphore(%arg17 : memref<!tpu.dma_semaphore, #tpu.memory_space<semaphore_mem>>)
      } else {
      }
      %mul3A_1009 = arith.constant 4 : i32
      %mul3A_1010 = arith.muli %add3A_971, %mul3A_1009 : i32
      %add3A_1011 = arith.constant 1 : i32
      %add3A_1012 = arith.addi %mul3A_1010, %add3A_1011 : i32
      %dma_wait3A_1013 = arith.constant 1 : i32
      %dma_wait3A_1014 = arith.constant 0 : i32
      %dma_wait3A_1015 = arith.constant 0 : i32
      %dma_wait3A_1016 = tpu.memref_slice %arg13[%dma_wait3A_1013, %dma_wait3A_1014, %dma_wait3A_1015] : memref<4x128x64xbf16, #tpu.memory_space<vmem>> -> memref<1x128x64xbf16, #tpu.memory_space<vmem>>
      %dma_wait3A_1017 = tpu.memref_squeeze %dma_wait3A_1016 : memref<1x128x64xbf16, #tpu.memory_space<vmem>> -> memref<128x64xbf16, #tpu.memory_space<vmem>>
      %dma_wait3A_1018 = arith.constant 0 : i32
      %dma_wait3A_1019 = tpu.memref_slice %arg9[%add3A_1012, %dma_wait3A_1018] : memref<160x128xi32, #tpu.memory_space<vmem>> -> memref<1x128xi32, #tpu.memory_space<vmem>>
      %dma_wait3A_1020 = tpu.memref_squeeze %dma_wait3A_1019 : memref<1x128xi32, #tpu.memory_space<vmem>> -> memref<128xi32, #tpu.memory_space<vmem>>
      %dma_wait3A_1021 = arith.constant 0 : i32
      %dma_wait3A_1022 = arith.constant 0 : i32
      %dma_wait3A_1023 = tpu.memref_slice %arg15[%dma_wait3A_1021, %dma_wait3A_1022] : memref<10240x64xbf16, #tpu.memory_space<vmem_shared>> -> memref<10240x64xbf16, #tpu.memory_space<vmem_shared>>
      tpu.wait_indirect_dma semaphore(%arg18 : memref<!tpu.dma_semaphore, #tpu.memory_space<semaphore_mem>>) src(%dma_wait3A_1023 : memref<10240x64xbf16, #tpu.memory_space<vmem_shared>>) dst(%dma_wait3A_1017 : memref<128x64xbf16, #tpu.memory_space<vmem>>)
      %dma_start3A_1024 = arith.constant 1 : i32
      %dma_start3A_1025 = arith.constant 0 : i32
      %dma_start3A_1026 = arith.constant 0 : i32
      %dma_start3A_1027 = tpu.memref_slice %arg13[%dma_start3A_1024, %dma_start3A_1025, %dma_start3A_1026] : memref<4x128x64xbf16, #tpu.memory_space<vmem>> -> memref<1x128x64xbf16, #tpu.memory_space<vmem>>
      %dma_start3A_1028 = tpu.memref_squeeze %dma_start3A_1027 : memref<1x128x64xbf16, #tpu.memory_space<vmem>> -> memref<128x64xbf16, #tpu.memory_space<vmem>>
      %dma_start3A_1029 = arith.constant 0 : i32
      %dma_start3A_1030 = tpu.memref_slice %arg10[%add3A_1012, %dma_start3A_1029] : memref<160x128xi32, #tpu.memory_space<vmem>> -> memref<1x128xi32, #tpu.memory_space<vmem>>
      %dma_start3A_1031 = tpu.memref_squeeze %dma_start3A_1030 : memref<1x128xi32, #tpu.memory_space<vmem>> -> memref<128xi32, #tpu.memory_space<vmem>>
      %dma_start3A_1032 = arith.constant 0 : i32
      %dma_start3A_1033 = arith.constant 0 : i32
      %dma_start3A_1034 = tpu.memref_slice %arg16[%dma_start3A_1032, %dma_start3A_1033] : memref<10256x64xbf16, #tpu.memory_space<vmem_shared>> -> memref<10256x64xbf16, #tpu.memory_space<vmem_shared>>
      tpu.enqueue_indirect_dma source(%dma_start3A_1028 : memref<128x64xbf16, #tpu.memory_space<vmem>>) target(%dma_start3A_1034 : memref<10256x64xbf16, #tpu.memory_space<vmem_shared>>) offsets(%dma_start3A_1031 : memref<128xi32, #tpu.memory_space<vmem>>) semaphore(%arg22 : memref<!tpu.dma_semaphore, #tpu.memory_space<semaphore_mem>>) {add = true}
      %eq3A_1035 = arith.constant 0 : i32
      %eq3A_1036 = arith.cmpi eq, %arg0, %eq3A_1035 : i32
      %convert_element_type3A_1037 = arith.extui %eq3A_1036 : i1 to i32
      %cond3A_1038 = arith.constant 0 : i32
      %cond3A_1039 = arith.cmpi ne, %convert_element_type3A_1037, %cond3A_1038 : i32
      scf.if %cond3A_1039 {
        %get3A = arith.index_cast %add3A_1012 : i32 to index
        %get3A_1123 = arith.constant 0 : index
        %get3A_1124 = tpu.vector_load %arg10[%get3A, %get3A_1123] {strides = array<i32>} : memref<160x128xi32, #tpu.memory_space<vmem>>, vector<16xi32>,
        tpu.vector_store_idx %arg14[%get3A_1124], %broadcast_in_dim3A_859 {add = true} : memref<10256xf32, #tpu.memory_space<vmem>>[vector<16xi32>], vector<16xf32>,
        %get3A_1125 = arith.index_cast %add3A_1012 : i32 to index
        %get3A_1126 = arith.constant 16 : index
        %get3A_1127 = tpu.vector_load %arg10[%get3A_1125, %get3A_1126] {strides = array<i32>} : memref<160x128xi32, #tpu.memory_space<vmem>>, vector<16xi32>,
        tpu.vector_store_idx %arg14[%get3A_1127], %broadcast_in_dim3A_859 {add = true} : memref<10256xf32, #tpu.memory_space<vmem>>[vector<16xi32>], vector<16xf32>,
        %get3A_1128 = arith.index_cast %add3A_1012 : i32 to index
        %get3A_1129 = arith.constant 32 : index
        %get3A_1130 = tpu.vector_load %arg10[%get3A_1128, %get3A_1129] {strides = array<i32>} : memref<160x128xi32, #tpu.memory_space<vmem>>, vector<16xi32>,
        tpu.vector_store_idx %arg14[%get3A_1130], %broadcast_in_dim3A_859 {add = true} : memref<10256xf32, #tpu.memory_space<vmem>>[vector<16xi32>], vector<16xf32>,
        %get3A_1131 = arith.index_cast %add3A_1012 : i32 to index
        %get3A_1132 = arith.constant 48 : index
        %get3A_1133 = tpu.vector_load %arg10[%get3A_1131, %get3A_1132] {strides = array<i32>} : memref<160x128xi32, #tpu.memory_space<vmem>>, vector<16xi32>,
        tpu.vector_store_idx %arg14[%get3A_1133], %broadcast_in_dim3A_859 {add = true} : memref<10256xf32, #tpu.memory_space<vmem>>[vector<16xi32>], vector<16xf32>,
        %get3A_1134 = arith.index_cast %add3A_1012 : i32 to index
        %get3A_1135 = arith.constant 64 : index
        %get3A_1136 = tpu.vector_load %arg10[%get3A_1134, %get3A_1135] {strides = array<i32>} : memref<160x128xi32, #tpu.memory_space<vmem>>, vector<16xi32>,
        tpu.vector_store_idx %arg14[%get3A_1136], %broadcast_in_dim3A_859 {add = true} : memref<10256xf32, #tpu.memory_space<vmem>>[vector<16xi32>], vector<16xf32>,
        %get3A_1137 = arith.index_cast %add3A_1012 : i32 to index
        %get3A_1138 = arith.constant 80 : index
        %get3A_1139 = tpu.vector_load %arg10[%get3A_1137, %get3A_1138] {strides = array<i32>} : memref<160x128xi32, #tpu.memory_space<vmem>>, vector<16xi32>,
        tpu.vector_store_idx %arg14[%get3A_1139], %broadcast_in_dim3A_859 {add = true} : memref<10256xf32, #tpu.memory_space<vmem>>[vector<16xi32>], vector<16xf32>,
        %get3A_1140 = arith.index_cast %add3A_1012 : i32 to index
        %get3A_1141 = arith.constant 96 : index
        %get3A_1142 = tpu.vector_load %arg10[%get3A_1140, %get3A_1141] {strides = array<i32>} : memref<160x128xi32, #tpu.memory_space<vmem>>, vector<16xi32>,
        tpu.vector_store_idx %arg14[%get3A_1142], %broadcast_in_dim3A_859 {add = true} : memref<10256xf32, #tpu.memory_space<vmem>>[vector<16xi32>], vector<16xf32>,
        %get3A_1143 = arith.index_cast %add3A_1012 : i32 to index
        %get3A_1144 = arith.constant 112 : index
        %get3A_1145 = tpu.vector_load %arg10[%get3A_1143, %get3A_1144] {strides = array<i32>} : memref<160x128xi32, #tpu.memory_space<vmem>>, vector<16xi32>,
        tpu.vector_store_idx %arg14[%get3A_1145], %broadcast_in_dim3A_859 {add = true} : memref<10256xf32, #tpu.memory_space<vmem>>[vector<16xi32>], vector<16xf32>,
      } else {
      }
      %add3A_1040 = arith.constant 4 : i32
      %add3A_1041 = arith.addi %add3A_1012, %add3A_1040 : i32
      %lt3A_1042 = arith.constant 160 : i32
      %lt3A_1043 = arith.cmpi slt, %add3A_1041, %lt3A_1042 : i32
      %convert_element_type3A_1044 = arith.extui %lt3A_1043 : i1 to i32
      %cond3A_1045 = arith.constant 0 : i32
      %cond3A_1046 = arith.cmpi ne, %convert_element_type3A_1044, %cond3A_1045 : i32
      scf.if %cond3A_1046 {
        %dma_wait3A_1123 = arith.constant 1 : i32
        %dma_wait3A_1124 = arith.constant 0 : i32
        %dma_wait3A_1125 = arith.constant 0 : i32
        %dma_wait3A_1126 = tpu.memref_slice %arg13[%dma_wait3A_1123, %dma_wait3A_1124, %dma_wait3A_1125] : memref<4x128x64xbf16, #tpu.memory_space<vmem>> -> memref<1x128x64xbf16, #tpu.memory_space<vmem>>
        %dma_wait3A_1127 = tpu.memref_squeeze %dma_wait3A_1126 : memref<1x128x64xbf16, #tpu.memory_space<vmem>> -> memref<128x64xbf16, #tpu.memory_space<vmem>>
        %dma_wait3A_1128 = arith.constant 0 : i32
        %dma_wait3A_1129 = tpu.memref_slice %arg10[%add3A_1012, %dma_wait3A_1128] : memref<160x128xi32, #tpu.memory_space<vmem>> -> memref<1x128xi32, #tpu.memory_space<vmem>>
        %dma_wait3A_1130 = tpu.memref_squeeze %dma_wait3A_1129 : memref<1x128xi32, #tpu.memory_space<vmem>> -> memref<128xi32, #tpu.memory_space<vmem>>
        %dma_wait3A_1131 = arith.constant 0 : i32
        %dma_wait3A_1132 = arith.constant 0 : i32
        %dma_wait3A_1133 = tpu.memref_slice %arg16[%dma_wait3A_1131, %dma_wait3A_1132] : memref<10256x64xbf16, #tpu.memory_space<vmem_shared>> -> memref<10256x64xbf16, #tpu.memory_space<vmem_shared>>
        tpu.wait_indirect_dma semaphore(%arg22 : memref<!tpu.dma_semaphore, #tpu.memory_space<semaphore_mem>>) src(%dma_wait3A_1127 : memref<128x64xbf16, #tpu.memory_space<vmem>>) dst(%dma_wait3A_1133 : memref<10256x64xbf16, #tpu.memory_space<vmem_shared>>)
        %dma_start3A_1134 = arith.constant 1 : i32
        %dma_start3A_1135 = arith.constant 0 : i32
        %dma_start3A_1136 = arith.constant 0 : i32
        %dma_start3A_1137 = tpu.memref_slice %arg13[%dma_start3A_1134, %dma_start3A_1135, %dma_start3A_1136] : memref<4x128x64xbf16, #tpu.memory_space<vmem>> -> memref<1x128x64xbf16, #tpu.memory_space<vmem>>
        %dma_start3A_1138 = tpu.memref_squeeze %dma_start3A_1137 : memref<1x128x64xbf16, #tpu.memory_space<vmem>> -> memref<128x64xbf16, #tpu.memory_space<vmem>>
        %dma_start3A_1139 = arith.constant 0 : i32
        %dma_start3A_1140 = tpu.memref_slice %arg9[%add3A_1041, %dma_start3A_1139] : memref<160x128xi32, #tpu.memory_space<vmem>> -> memref<1x128xi32, #tpu.memory_space<vmem>>
        %dma_start3A_1141 = tpu.memref_squeeze %dma_start3A_1140 : memref<1x128xi32, #tpu.memory_space<vmem>> -> memref<128xi32, #tpu.memory_space<vmem>>
        %dma_start3A_1142 = arith.constant 0 : i32
        %dma_start3A_1143 = arith.constant 0 : i32
        %dma_start3A_1144 = tpu.memref_slice %arg15[%dma_start3A_1142, %dma_start3A_1143] : memref<10240x64xbf16, #tpu.memory_space<vmem_shared>> -> memref<10240x64xbf16, #tpu.memory_space<vmem_shared>>
        tpu.enqueue_indirect_dma source(%dma_start3A_1144 : memref<10240x64xbf16, #tpu.memory_space<vmem_shared>>) target(%dma_start3A_1138 : memref<128x64xbf16, #tpu.memory_space<vmem>>) offsets(%dma_start3A_1141 : memref<128xi32, #tpu.memory_space<vmem>>) semaphore(%arg18 : memref<!tpu.dma_semaphore, #tpu.memory_space<semaphore_mem>>)
      } else {
      }
      %mul3A_1047 = arith.constant 4 : i32
      %mul3A_1048 = arith.muli %add3A_971, %mul3A_1047 : i32
      %add3A_1049 = arith.constant 2 : i32
      %add3A_1050 = arith.addi %mul3A_1048, %add3A_1049 : i32
      %dma_wait3A_1051 = arith.constant 2 : i32
      %dma_wait3A_1052 = arith.constant 0 : i32
      %dma_wait3A_1053 = arith.constant 0 : i32
      %dma_wait3A_1054 = tpu.memref_slice %arg13[%dma_wait3A_1051, %dma_wait3A_1052, %dma_wait3A_1053] : memref<4x128x64xbf16, #tpu.memory_space<vmem>> -> memref<1x128x64xbf16, #tpu.memory_space<vmem>>
      %dma_wait3A_1055 = tpu.memref_squeeze %dma_wait3A_1054 : memref<1x128x64xbf16, #tpu.memory_space<vmem>> -> memref<128x64xbf16, #tpu.memory_space<vmem>>
      %dma_wait3A_1056 = arith.constant 0 : i32
      %dma_wait3A_1057 = tpu.memref_slice %arg9[%add3A_1050, %dma_wait3A_1056] : memref<160x128xi32, #tpu.memory_space<vmem>> -> memref<1x128xi32, #tpu.memory_space<vmem>>
      %dma_wait3A_1058 = tpu.memref_squeeze %dma_wait3A_1057 : memref<1x128xi32, #tpu.memory_space<vmem>> -> memref<128xi32, #tpu.memory_space<vmem>>
      %dma_wait3A_1059 = arith.constant 0 : i32
      %dma_wait3A_1060 = arith.constant 0 : i32
      %dma_wait3A_1061 = tpu.memref_slice %arg15[%dma_wait3A_1059, %dma_wait3A_1060] : memref<10240x64xbf16, #tpu.memory_space<vmem_shared>> -> memref<10240x64xbf16, #tpu.memory_space<vmem_shared>>
      tpu.wait_indirect_dma semaphore(%arg19 : memref<!tpu.dma_semaphore, #tpu.memory_space<semaphore_mem>>) src(%dma_wait3A_1061 : memref<10240x64xbf16, #tpu.memory_space<vmem_shared>>) dst(%dma_wait3A_1055 : memref<128x64xbf16, #tpu.memory_space<vmem>>)
      %dma_start3A_1062 = arith.constant 2 : i32
      %dma_start3A_1063 = arith.constant 0 : i32
      %dma_start3A_1064 = arith.constant 0 : i32
      %dma_start3A_1065 = tpu.memref_slice %arg13[%dma_start3A_1062, %dma_start3A_1063, %dma_start3A_1064] : memref<4x128x64xbf16, #tpu.memory_space<vmem>> -> memref<1x128x64xbf16, #tpu.memory_space<vmem>>
      %dma_start3A_1066 = tpu.memref_squeeze %dma_start3A_1065 : memref<1x128x64xbf16, #tpu.memory_space<vmem>> -> memref<128x64xbf16, #tpu.memory_space<vmem>>
      %dma_start3A_1067 = arith.constant 0 : i32
      %dma_start3A_1068 = tpu.memref_slice %arg10[%add3A_1050, %dma_start3A_1067] : memref<160x128xi32, #tpu.memory_space<vmem>> -> memref<1x128xi32, #tpu.memory_space<vmem>>
      %dma_start3A_1069 = tpu.memref_squeeze %dma_start3A_1068 : memref<1x128xi32, #tpu.memory_space<vmem>> -> memref<128xi32, #tpu.memory_space<vmem>>
      %dma_start3A_1070 = arith.constant 0 : i32
      %dma_start3A_1071 = arith.constant 0 : i32
      %dma_start3A_1072 = tpu.memref_slice %arg16[%dma_start3A_1070, %dma_start3A_1071] : memref<10256x64xbf16, #tpu.memory_space<vmem_shared>> -> memref<10256x64xbf16, #tpu.memory_space<vmem_shared>>
      tpu.enqueue_indirect_dma source(%dma_start3A_1066 : memref<128x64xbf16, #tpu.memory_space<vmem>>) target(%dma_start3A_1072 : memref<10256x64xbf16, #tpu.memory_space<vmem_shared>>) offsets(%dma_start3A_1069 : memref<128xi32, #tpu.memory_space<vmem>>) semaphore(%arg23 : memref<!tpu.dma_semaphore, #tpu.memory_space<semaphore_mem>>) {add = true}
      %eq3A_1073 = arith.constant 0 : i32
      %eq3A_1074 = arith.cmpi eq, %arg0, %eq3A_1073 : i32
      %convert_element_type3A_1075 = arith.extui %eq3A_1074 : i1 to i32
      %cond3A_1076 = arith.constant 0 : i32
      %cond3A_1077 = arith.cmpi ne, %convert_element_type3A_1075, %cond3A_1076 : i32
      scf.if %cond3A_1077 {
        %get3A = arith.index_cast %add3A_1050 : i32 to index
        %get3A_1123 = arith.constant 0 : index
        %get3A_1124 = tpu.vector_load %arg10[%get3A, %get3A_1123] {strides = array<i32>} : memref<160x128xi32, #tpu.memory_space<vmem>>, vector<16xi32>,
        tpu.vector_store_idx %arg14[%get3A_1124], %broadcast_in_dim3A_859 {add = true} : memref<10256xf32, #tpu.memory_space<vmem>>[vector<16xi32>], vector<16xf32>,
        %get3A_1125 = arith.index_cast %add3A_1050 : i32 to index
        %get3A_1126 = arith.constant 16 : index
        %get3A_1127 = tpu.vector_load %arg10[%get3A_1125, %get3A_1126] {strides = array<i32>} : memref<160x128xi32, #tpu.memory_space<vmem>>, vector<16xi32>,
        tpu.vector_store_idx %arg14[%get3A_1127], %broadcast_in_dim3A_859 {add = true} : memref<10256xf32, #tpu.memory_space<vmem>>[vector<16xi32>], vector<16xf32>,
        %get3A_1128 = arith.index_cast %add3A_1050 : i32 to index
        %get3A_1129 = arith.constant 32 : index
        %get3A_1130 = tpu.vector_load %arg10[%get3A_1128, %get3A_1129] {strides = array<i32>} : memref<160x128xi32, #tpu.memory_space<vmem>>, vector<16xi32>,
        tpu.vector_store_idx %arg14[%get3A_1130], %broadcast_in_dim3A_859 {add = true} : memref<10256xf32, #tpu.memory_space<vmem>>[vector<16xi32>], vector<16xf32>,
        %get3A_1131 = arith.index_cast %add3A_1050 : i32 to index
        %get3A_1132 = arith.constant 48 : index
        %get3A_1133 = tpu.vector_load %arg10[%get3A_1131, %get3A_1132] {strides = array<i32>} : memref<160x128xi32, #tpu.memory_space<vmem>>, vector<16xi32>,
        tpu.vector_store_idx %arg14[%get3A_1133], %broadcast_in_dim3A_859 {add = true} : memref<10256xf32, #tpu.memory_space<vmem>>[vector<16xi32>], vector<16xf32>,
        %get3A_1134 = arith.index_cast %add3A_1050 : i32 to index
        %get3A_1135 = arith.constant 64 : index
        %get3A_1136 = tpu.vector_load %arg10[%get3A_1134, %get3A_1135] {strides = array<i32>} : memref<160x128xi32, #tpu.memory_space<vmem>>, vector<16xi32>,
        tpu.vector_store_idx %arg14[%get3A_1136], %broadcast_in_dim3A_859 {add = true} : memref<10256xf32, #tpu.memory_space<vmem>>[vector<16xi32>], vector<16xf32>,
        %get3A_1137 = arith.index_cast %add3A_1050 : i32 to index
        %get3A_1138 = arith.constant 80 : index
        %get3A_1139 = tpu.vector_load %arg10[%get3A_1137, %get3A_1138] {strides = array<i32>} : memref<160x128xi32, #tpu.memory_space<vmem>>, vector<16xi32>,
        tpu.vector_store_idx %arg14[%get3A_1139], %broadcast_in_dim3A_859 {add = true} : memref<10256xf32, #tpu.memory_space<vmem>>[vector<16xi32>], vector<16xf32>,
        %get3A_1140 = arith.index_cast %add3A_1050 : i32 to index
        %get3A_1141 = arith.constant 96 : index
        %get3A_1142 = tpu.vector_load %arg10[%get3A_1140, %get3A_1141] {strides = array<i32>} : memref<160x128xi32, #tpu.memory_space<vmem>>, vector<16xi32>,
        tpu.vector_store_idx %arg14[%get3A_1142], %broadcast_in_dim3A_859 {add = true} : memref<10256xf32, #tpu.memory_space<vmem>>[vector<16xi32>], vector<16xf32>,
        %get3A_1143 = arith.index_cast %add3A_1050 : i32 to index
        %get3A_1144 = arith.constant 112 : index
        %get3A_1145 = tpu.vector_load %arg10[%get3A_1143, %get3A_1144] {strides = array<i32>} : memref<160x128xi32, #tpu.memory_space<vmem>>, vector<16xi32>,
        tpu.vector_store_idx %arg14[%get3A_1145], %broadcast_in_dim3A_859 {add = true} : memref<10256xf32, #tpu.memory_space<vmem>>[vector<16xi32>], vector<16xf32>,
      } else {
      }
      %add3A_1078 = arith.constant 4 : i32
      %add3A_1079 = arith.addi %add3A_1050, %add3A_1078 : i32
      %lt3A_1080 = arith.constant 160 : i32
      %lt3A_1081 = arith.cmpi slt, %add3A_1079, %lt3A_1080 : i32
      %convert_element_type3A_1082 = arith.extui %lt3A_1081 : i1 to i32
      %cond3A_1083 = arith.constant 0 : i32
      %cond3A_1084 = arith.cmpi ne, %convert_element_type3A_1082, %cond3A_1083 : i32
      scf.if %cond3A_1084 {
        %dma_wait3A_1123 = arith.constant 2 : i32
        %dma_wait3A_1124 = arith.constant 0 : i32
        %dma_wait3A_1125 = arith.constant 0 : i32
        %dma_wait3A_1126 = tpu.memref_slice %arg13[%dma_wait3A_1123, %dma_wait3A_1124, %dma_wait3A_1125] : memref<4x128x64xbf16, #tpu.memory_space<vmem>> -> memref<1x128x64xbf16, #tpu.memory_space<vmem>>
        %dma_wait3A_1127 = tpu.memref_squeeze %dma_wait3A_1126 : memref<1x128x64xbf16, #tpu.memory_space<vmem>> -> memref<128x64xbf16, #tpu.memory_space<vmem>>
        %dma_wait3A_1128 = arith.constant 0 : i32
        %dma_wait3A_1129 = tpu.memref_slice %arg10[%add3A_1050, %dma_wait3A_1128] : memref<160x128xi32, #tpu.memory_space<vmem>> -> memref<1x128xi32, #tpu.memory_space<vmem>>
        %dma_wait3A_1130 = tpu.memref_squeeze %dma_wait3A_1129 : memref<1x128xi32, #tpu.memory_space<vmem>> -> memref<128xi32, #tpu.memory_space<vmem>>
        %dma_wait3A_1131 = arith.constant 0 : i32
        %dma_wait3A_1132 = arith.constant 0 : i32
        %dma_wait3A_1133 = tpu.memref_slice %arg16[%dma_wait3A_1131, %dma_wait3A_1132] : memref<10256x64xbf16, #tpu.memory_space<vmem_shared>> -> memref<10256x64xbf16, #tpu.memory_space<vmem_shared>>
        tpu.wait_indirect_dma semaphore(%arg23 : memref<!tpu.dma_semaphore, #tpu.memory_space<semaphore_mem>>) src(%dma_wait3A_1127 : memref<128x64xbf16, #tpu.memory_space<vmem>>) dst(%dma_wait3A_1133 : memref<10256x64xbf16, #tpu.memory_space<vmem_shared>>)
        %dma_start3A_1134 = arith.constant 2 : i32
        %dma_start3A_1135 = arith.constant 0 : i32
        %dma_start3A_1136 = arith.constant 0 : i32
        %dma_start3A_1137 = tpu.memref_slice %arg13[%dma_start3A_1134, %dma_start3A_1135, %dma_start3A_1136] : memref<4x128x64xbf16, #tpu.memory_space<vmem>> -> memref<1x128x64xbf16, #tpu.memory_space<vmem>>
        %dma_start3A_1138 = tpu.memref_squeeze %dma_start3A_1137 : memref<1x128x64xbf16, #tpu.memory_space<vmem>> -> memref<128x64xbf16, #tpu.memory_space<vmem>>
        %dma_start3A_1139 = arith.constant 0 : i32
        %dma_start3A_1140 = tpu.memref_slice %arg9[%add3A_1079, %dma_start3A_1139] : memref<160x128xi32, #tpu.memory_space<vmem>> -> memref<1x128xi32, #tpu.memory_space<vmem>>
        %dma_start3A_1141 = tpu.memref_squeeze %dma_start3A_1140 : memref<1x128xi32, #tpu.memory_space<vmem>> -> memref<128xi32, #tpu.memory_space<vmem>>
        %dma_start3A_1142 = arith.constant 0 : i32
        %dma_start3A_1143 = arith.constant 0 : i32
        %dma_start3A_1144 = tpu.memref_slice %arg15[%dma_start3A_1142, %dma_start3A_1143] : memref<10240x64xbf16, #tpu.memory_space<vmem_shared>> -> memref<10240x64xbf16, #tpu.memory_space<vmem_shared>>
        tpu.enqueue_indirect_dma source(%dma_start3A_1144 : memref<10240x64xbf16, #tpu.memory_space<vmem_shared>>) target(%dma_start3A_1138 : memref<128x64xbf16, #tpu.memory_space<vmem>>) offsets(%dma_start3A_1141 : memref<128xi32, #tpu.memory_space<vmem>>) semaphore(%arg19 : memref<!tpu.dma_semaphore, #tpu.memory_space<semaphore_mem>>)
      } else {
      }
      %mul3A_1085 = arith.constant 4 : i32
      %mul3A_1086 = arith.muli %add3A_971, %mul3A_1085 : i32
      %add3A_1087 = arith.constant 3 : i32
      %add3A_1088 = arith.addi %mul3A_1086, %add3A_1087 : i32
      %dma_wait3A_1089 = arith.constant 3 : i32
      %dma_wait3A_1090 = arith.constant 0 : i32
      %dma_wait3A_1091 = arith.constant 0 : i32
      %dma_wait3A_1092 = tpu.memref_slice %arg13[%dma_wait3A_1089, %dma_wait3A_1090, %dma_wait3A_1091] : memref<4x128x64xbf16, #tpu.memory_space<vmem>> -> memref<1x128x64xbf16, #tpu.memory_space<vmem>>
      %dma_wait3A_1093 = tpu.memref_squeeze %dma_wait3A_1092 : memref<1x128x64xbf16, #tpu.memory_space<vmem>> -> memref<128x64xbf16, #tpu.memory_space<vmem>>
      %dma_wait3A_1094 = arith.constant 0 : i32
      %dma_wait3A_1095 = tpu.memref_slice %arg9[%add3A_1088, %dma_wait3A_1094] : memref<160x128xi32, #tpu.memory_space<vmem>> -> memref<1x128xi32, #tpu.memory_space<vmem>>
      %dma_wait3A_1096 = tpu.memref_squeeze %dma_wait3A_1095 : memref<1x128xi32, #tpu.memory_space<vmem>> -> memref<128xi32, #tpu.memory_space<vmem>>
      %dma_wait3A_1097 = arith.constant 0 : i32
      %dma_wait3A_1098 = arith.constant 0 : i32
      %dma_wait3A_1099 = tpu.memref_slice %arg15[%dma_wait3A_1097, %dma_wait3A_1098] : memref<10240x64xbf16, #tpu.memory_space<vmem_shared>> -> memref<10240x64xbf16, #tpu.memory_space<vmem_shared>>
      tpu.wait_indirect_dma semaphore(%arg20 : memref<!tpu.dma_semaphore, #tpu.memory_space<semaphore_mem>>) src(%dma_wait3A_1099 : memref<10240x64xbf16, #tpu.memory_space<vmem_shared>>) dst(%dma_wait3A_1093 : memref<128x64xbf16, #tpu.memory_space<vmem>>)
      %dma_start3A_1100 = arith.constant 3 : i32
      %dma_start3A_1101 = arith.constant 0 : i32
      %dma_start3A_1102 = arith.constant 0 : i32
      %dma_start3A_1103 = tpu.memref_slice %arg13[%dma_start3A_1100, %dma_start3A_1101, %dma_start3A_1102] : memref<4x128x64xbf16, #tpu.memory_space<vmem>> -> memref<1x128x64xbf16, #tpu.memory_space<vmem>>
      %dma_start3A_1104 = tpu.memref_squeeze %dma_start3A_1103 : memref<1x128x64xbf16, #tpu.memory_space<vmem>> -> memref<128x64xbf16, #tpu.memory_space<vmem>>
      %dma_start3A_1105 = arith.constant 0 : i32
      %dma_start3A_1106 = tpu.memref_slice %arg10[%add3A_1088, %dma_start3A_1105] : memref<160x128xi32, #tpu.memory_space<vmem>> -> memref<1x128xi32, #tpu.memory_space<vmem>>
      %dma_start3A_1107 = tpu.memref_squeeze %dma_start3A_1106 : memref<1x128xi32, #tpu.memory_space<vmem>> -> memref<128xi32, #tpu.memory_space<vmem>>
      %dma_start3A_1108 = arith.constant 0 : i32
      %dma_start3A_1109 = arith.constant 0 : i32
      %dma_start3A_1110 = tpu.memref_slice %arg16[%dma_start3A_1108, %dma_start3A_1109] : memref<10256x64xbf16, #tpu.memory_space<vmem_shared>> -> memref<10256x64xbf16, #tpu.memory_space<vmem_shared>>
      tpu.enqueue_indirect_dma source(%dma_start3A_1104 : memref<128x64xbf16, #tpu.memory_space<vmem>>) target(%dma_start3A_1110 : memref<10256x64xbf16, #tpu.memory_space<vmem_shared>>) offsets(%dma_start3A_1107 : memref<128xi32, #tpu.memory_space<vmem>>) semaphore(%arg24 : memref<!tpu.dma_semaphore, #tpu.memory_space<semaphore_mem>>) {add = true}
      %eq3A_1111 = arith.constant 0 : i32
      %eq3A_1112 = arith.cmpi eq, %arg0, %eq3A_1111 : i32
      %convert_element_type3A_1113 = arith.extui %eq3A_1112 : i1 to i32
      %cond3A_1114 = arith.constant 0 : i32
      %cond3A_1115 = arith.cmpi ne, %convert_element_type3A_1113, %cond3A_1114 : i32
      scf.if %cond3A_1115 {
        %get3A = arith.index_cast %add3A_1088 : i32 to index
        %get3A_1123 = arith.constant 0 : index
        %get3A_1124 = tpu.vector_load %arg10[%get3A, %get3A_1123] {strides = array<i32>} : memref<160x128xi32, #tpu.memory_space<vmem>>, vector<16xi32>,
        tpu.vector_store_idx %arg14[%get3A_1124], %broadcast_in_dim3A_859 {add = true} : memref<10256xf32, #tpu.memory_space<vmem>>[vector<16xi32>], vector<16xf32>,
        %get3A_1125 = arith.index_cast %add3A_1088 : i32 to index
        %get3A_1126 = arith.constant 16 : index
        %get3A_1127 = tpu.vector_load %arg10[%get3A_1125, %get3A_1126] {strides = array<i32>} : memref<160x128xi32, #tpu.memory_space<vmem>>, vector<16xi32>,
        tpu.vector_store_idx %arg14[%get3A_1127], %broadcast_in_dim3A_859 {add = true} : memref<10256xf32, #tpu.memory_space<vmem>>[vector<16xi32>], vector<16xf32>,
        %get3A_1128 = arith.index_cast %add3A_1088 : i32 to index
        %get3A_1129 = arith.constant 32 : index
        %get3A_1130 = tpu.vector_load %arg10[%get3A_1128, %get3A_1129] {strides = array<i32>} : memref<160x128xi32, #tpu.memory_space<vmem>>, vector<16xi32>,
        tpu.vector_store_idx %arg14[%get3A_1130], %broadcast_in_dim3A_859 {add = true} : memref<10256xf32, #tpu.memory_space<vmem>>[vector<16xi32>], vector<16xf32>,
        %get3A_1131 = arith.index_cast %add3A_1088 : i32 to index
        %get3A_1132 = arith.constant 48 : index
        %get3A_1133 = tpu.vector_load %arg10[%get3A_1131, %get3A_1132] {strides = array<i32>} : memref<160x128xi32, #tpu.memory_space<vmem>>, vector<16xi32>,
        tpu.vector_store_idx %arg14[%get3A_1133], %broadcast_in_dim3A_859 {add = true} : memref<10256xf32, #tpu.memory_space<vmem>>[vector<16xi32>], vector<16xf32>,
        %get3A_1134 = arith.index_cast %add3A_1088 : i32 to index
        %get3A_1135 = arith.constant 64 : index
        %get3A_1136 = tpu.vector_load %arg10[%get3A_1134, %get3A_1135] {strides = array<i32>} : memref<160x128xi32, #tpu.memory_space<vmem>>, vector<16xi32>,
        tpu.vector_store_idx %arg14[%get3A_1136], %broadcast_in_dim3A_859 {add = true} : memref<10256xf32, #tpu.memory_space<vmem>>[vector<16xi32>], vector<16xf32>,
        %get3A_1137 = arith.index_cast %add3A_1088 : i32 to index
        %get3A_1138 = arith.constant 80 : index
        %get3A_1139 = tpu.vector_load %arg10[%get3A_1137, %get3A_1138] {strides = array<i32>} : memref<160x128xi32, #tpu.memory_space<vmem>>, vector<16xi32>,
        tpu.vector_store_idx %arg14[%get3A_1139], %broadcast_in_dim3A_859 {add = true} : memref<10256xf32, #tpu.memory_space<vmem>>[vector<16xi32>], vector<16xf32>,
        %get3A_1140 = arith.index_cast %add3A_1088 : i32 to index
        %get3A_1141 = arith.constant 96 : index
        %get3A_1142 = tpu.vector_load %arg10[%get3A_1140, %get3A_1141] {strides = array<i32>} : memref<160x128xi32, #tpu.memory_space<vmem>>, vector<16xi32>,
        tpu.vector_store_idx %arg14[%get3A_1142], %broadcast_in_dim3A_859 {add = true} : memref<10256xf32, #tpu.memory_space<vmem>>[vector<16xi32>], vector<16xf32>,
        %get3A_1143 = arith.index_cast %add3A_1088 : i32 to index
        %get3A_1144 = arith.constant 112 : index
        %get3A_1145 = tpu.vector_load %arg10[%get3A_1143, %get3A_1144] {strides = array<i32>} : memref<160x128xi32, #tpu.memory_space<vmem>>, vector<16xi32>,
        tpu.vector_store_idx %arg14[%get3A_1145], %broadcast_in_dim3A_859 {add = true} : memref<10256xf32, #tpu.memory_space<vmem>>[vector<16xi32>], vector<16xf32>,
      } else {
      }
      %add3A_1116 = arith.constant 4 : i32
      %add3A_1117 = arith.addi %add3A_1088, %add3A_1116 : i32
      %lt3A_1118 = arith.constant 160 : i32
      %lt3A_1119 = arith.cmpi slt, %add3A_1117, %lt3A_1118 : i32
      %convert_element_type3A_1120 = arith.extui %lt3A_1119 : i1 to i32
      %cond3A_1121 = arith.constant 0 : i32
      %cond3A_1122 = arith.cmpi ne, %convert_element_type3A_1120, %cond3A_1121 : i32
      scf.if %cond3A_1122 {
        %dma_wait3A_1123 = arith.constant 3 : i32
        %dma_wait3A_1124 = arith.constant 0 : i32
        %dma_wait3A_1125 = arith.constant 0 : i32
        %dma_wait3A_1126 = tpu.memref_slice %arg13[%dma_wait3A_1123, %dma_wait3A_1124, %dma_wait3A_1125] : memref<4x128x64xbf16, #tpu.memory_space<vmem>> -> memref<1x128x64xbf16, #tpu.memory_space<vmem>>
        %dma_wait3A_1127 = tpu.memref_squeeze %dma_wait3A_1126 : memref<1x128x64xbf16, #tpu.memory_space<vmem>> -> memref<128x64xbf16, #tpu.memory_space<vmem>>
        %dma_wait3A_1128 = arith.constant 0 : i32
        %dma_wait3A_1129 = tpu.memref_slice %arg10[%add3A_1088, %dma_wait3A_1128] : memref<160x128xi32, #tpu.memory_space<vmem>> -> memref<1x128xi32, #tpu.memory_space<vmem>>
        %dma_wait3A_1130 = tpu.memref_squeeze %dma_wait3A_1129 : memref<1x128xi32, #tpu.memory_space<vmem>> -> memref<128xi32, #tpu.memory_space<vmem>>
        %dma_wait3A_1131 = arith.constant 0 : i32
        %dma_wait3A_1132 = arith.constant 0 : i32
        %dma_wait3A_1133 = tpu.memref_slice %arg16[%dma_wait3A_1131, %dma_wait3A_1132] : memref<10256x64xbf16, #tpu.memory_space<vmem_shared>> -> memref<10256x64xbf16, #tpu.memory_space<vmem_shared>>
        tpu.wait_indirect_dma semaphore(%arg24 : memref<!tpu.dma_semaphore, #tpu.memory_space<semaphore_mem>>) src(%dma_wait3A_1127 : memref<128x64xbf16, #tpu.memory_space<vmem>>) dst(%dma_wait3A_1133 : memref<10256x64xbf16, #tpu.memory_space<vmem_shared>>)
        %dma_start3A_1134 = arith.constant 3 : i32
        %dma_start3A_1135 = arith.constant 0 : i32
        %dma_start3A_1136 = arith.constant 0 : i32
        %dma_start3A_1137 = tpu.memref_slice %arg13[%dma_start3A_1134, %dma_start3A_1135, %dma_start3A_1136] : memref<4x128x64xbf16, #tpu.memory_space<vmem>> -> memref<1x128x64xbf16, #tpu.memory_space<vmem>>
        %dma_start3A_1138 = tpu.memref_squeeze %dma_start3A_1137 : memref<1x128x64xbf16, #tpu.memory_space<vmem>> -> memref<128x64xbf16, #tpu.memory_space<vmem>>
        %dma_start3A_1139 = arith.constant 0 : i32
        %dma_start3A_1140 = tpu.memref_slice %arg9[%add3A_1117, %dma_start3A_1139] : memref<160x128xi32, #tpu.memory_space<vmem>> -> memref<1x128xi32, #tpu.memory_space<vmem>>
        %dma_start3A_1141 = tpu.memref_squeeze %dma_start3A_1140 : memref<1x128xi32, #tpu.memory_space<vmem>> -> memref<128xi32, #tpu.memory_space<vmem>>
        %dma_start3A_1142 = arith.constant 0 : i32
        %dma_start3A_1143 = arith.constant 0 : i32
        %dma_start3A_1144 = tpu.memref_slice %arg15[%dma_start3A_1142, %dma_start3A_1143] : memref<10240x64xbf16, #tpu.memory_space<vmem_shared>> -> memref<10240x64xbf16, #tpu.memory_space<vmem_shared>>
        tpu.enqueue_indirect_dma source(%dma_start3A_1144 : memref<10240x64xbf16, #tpu.memory_space<vmem_shared>>) target(%dma_start3A_1138 : memref<128x64xbf16, #tpu.memory_space<vmem>>) offsets(%dma_start3A_1141 : memref<128xi32, #tpu.memory_space<vmem>>) semaphore(%arg20 : memref<!tpu.dma_semaphore, #tpu.memory_space<semaphore_mem>>)
      } else {
      }
    }
    %scan3A_912 = arith.constant 40 : i32
    %dma_wait3A_913 = arith.constant 0 : i32
    %dma_wait3A_914 = arith.constant 0 : i32
    %dma_wait3A_915 = arith.constant 0 : i32
    %dma_wait3A_916 = arith.constant 0 : i32
    %dma_wait3A_917 = tpu.memref_slice %arg13[%dma_wait3A_913, %dma_wait3A_915, %dma_wait3A_916] : memref<4x128x64xbf16, #tpu.memory_space<vmem>> -> memref<1x128x64xbf16, #tpu.memory_space<vmem>>
    %dma_wait3A_918 = tpu.memref_squeeze %dma_wait3A_917 : memref<1x128x64xbf16, #tpu.memory_space<vmem>> -> memref<128x64xbf16, #tpu.memory_space<vmem>>
    %dma_wait3A_919 = arith.constant 0 : i32
    %dma_wait3A_920 = tpu.memref_slice %arg10[%dma_wait3A_914, %dma_wait3A_919] : memref<160x128xi32, #tpu.memory_space<vmem>> -> memref<1x128xi32, #tpu.memory_space<vmem>>
    %dma_wait3A_921 = tpu.memref_squeeze %dma_wait3A_920 : memref<1x128xi32, #tpu.memory_space<vmem>> -> memref<128xi32, #tpu.memory_space<vmem>>
    %dma_wait3A_922 = arith.constant 0 : i32
    %dma_wait3A_923 = arith.constant 0 : i32
    %dma_wait3A_924 = tpu.memref_slice %arg16[%dma_wait3A_922, %dma_wait3A_923] : memref<10256x64xbf16, #tpu.memory_space<vmem_shared>> -> memref<10256x64xbf16, #tpu.memory_space<vmem_shared>>
    tpu.wait_indirect_dma semaphore(%arg21 : memref<!tpu.dma_semaphore, #tpu.memory_space<semaphore_mem>>) src(%dma_wait3A_918 : memref<128x64xbf16, #tpu.memory_space<vmem>>) dst(%dma_wait3A_924 : memref<10256x64xbf16, #tpu.memory_space<vmem_shared>>)
    %dma_wait3A_925 = arith.constant 1 : i32
    %dma_wait3A_926 = arith.constant 0 : i32
    %dma_wait3A_927 = arith.constant 0 : i32
    %dma_wait3A_928 = arith.constant 0 : i32
    %dma_wait3A_929 = tpu.memref_slice %arg13[%dma_wait3A_925, %dma_wait3A_927, %dma_wait3A_928] : memref<4x128x64xbf16, #tpu.memory_space<vmem>> -> memref<1x128x64xbf16, #tpu.memory_space<vmem>>
    %dma_wait3A_930 = tpu.memref_squeeze %dma_wait3A_929 : memref<1x128x64xbf16, #tpu.memory_space<vmem>> -> memref<128x64xbf16, #tpu.memory_space<vmem>>
    %dma_wait3A_931 = arith.constant 0 : i32
    %dma_wait3A_932 = tpu.memref_slice %arg10[%dma_wait3A_926, %dma_wait3A_931] : memref<160x128xi32, #tpu.memory_space<vmem>> -> memref<1x128xi32, #tpu.memory_space<vmem>>
    %dma_wait3A_933 = tpu.memref_squeeze %dma_wait3A_932 : memref<1x128xi32, #tpu.memory_space<vmem>> -> memref<128xi32, #tpu.memory_space<vmem>>
    %dma_wait3A_934 = arith.constant 0 : i32
    %dma_wait3A_935 = arith.constant 0 : i32
    %dma_wait3A_936 = tpu.memref_slice %arg16[%dma_wait3A_934, %dma_wait3A_935] : memref<10256x64xbf16, #tpu.memory_space<vmem_shared>> -> memref<10256x64xbf16, #tpu.memory_space<vmem_shared>>
    tpu.wait_indirect_dma semaphore(%arg22 : memref<!tpu.dma_semaphore, #tpu.memory_space<semaphore_mem>>) src(%dma_wait3A_930 : memref<128x64xbf16, #tpu.memory_space<vmem>>) dst(%dma_wait3A_936 : memref<10256x64xbf16, #tpu.memory_space<vmem_shared>>)
    %dma_wait3A_937 = arith.constant 2 : i32
    %dma_wait3A_938 = arith.constant 0 : i32
    %dma_wait3A_939 = arith.constant 0 : i32
    %dma_wait3A_940 = arith.constant 0 : i32
    %dma_wait3A_941 = tpu.memref_slice %arg13[%dma_wait3A_937, %dma_wait3A_939, %dma_wait3A_940] : memref<4x128x64xbf16, #tpu.memory_space<vmem>> -> memref<1x128x64xbf16, #tpu.memory_space<vmem>>
    %dma_wait3A_942 = tpu.memref_squeeze %dma_wait3A_941 : memref<1x128x64xbf16, #tpu.memory_space<vmem>> -> memref<128x64xbf16, #tpu.memory_space<vmem>>
    %dma_wait3A_943 = arith.constant 0 : i32
    %dma_wait3A_944 = tpu.memref_slice %arg10[%dma_wait3A_938, %dma_wait3A_943] : memref<160x128xi32, #tpu.memory_space<vmem>> -> memref<1x128xi32, #tpu.memory_space<vmem>>
    %dma_wait3A_945 = tpu.memref_squeeze %dma_wait3A_944 : memref<1x128xi32, #tpu.memory_space<vmem>> -> memref<128xi32, #tpu.memory_space<vmem>>
    %dma_wait3A_946 = arith.constant 0 : i32
    %dma_wait3A_947 = arith.constant 0 : i32
    %dma_wait3A_948 = tpu.memref_slice %arg16[%dma_wait3A_946, %dma_wait3A_947] : memref<10256x64xbf16, #tpu.memory_space<vmem_shared>> -> memref<10256x64xbf16, #tpu.memory_space<vmem_shared>>
    tpu.wait_indirect_dma semaphore(%arg23 : memref<!tpu.dma_semaphore, #tpu.memory_space<semaphore_mem>>) src(%dma_wait3A_942 : memref<128x64xbf16, #tpu.memory_space<vmem>>) dst(%dma_wait3A_948 : memref<10256x64xbf16, #tpu.memory_space<vmem_shared>>)
    %dma_wait3A_949 = arith.constant 3 : i32
    %dma_wait3A_950 = arith.constant 0 : i32
    %dma_wait3A_951 = arith.constant 0 : i32
    %dma_wait3A_952 = arith.constant 0 : i32
    %dma_wait3A_953 = tpu.memref_slice %arg13[%dma_wait3A_949, %dma_wait3A_951, %dma_wait3A_952] : memref<4x128x64xbf16, #tpu.memory_space<vmem>> -> memref<1x128x64xbf16, #tpu.memory_space<vmem>>
    %dma_wait3A_954 = tpu.memref_squeeze %dma_wait3A_953 : memref<1x128x64xbf16, #tpu.memory_space<vmem>> -> memref<128x64xbf16, #tpu.memory_space<vmem>>
    %dma_wait3A_955 = arith.constant 0 : i32
    %dma_wait3A_956 = tpu.memref_slice %arg10[%dma_wait3A_950, %dma_wait3A_955] : memref<160x128xi32, #tpu.memory_space<vmem>> -> memref<1x128xi32, #tpu.memory_space<vmem>>
    %dma_wait3A_957 = tpu.memref_squeeze %dma_wait3A_956 : memref<1x128xi32, #tpu.memory_space<vmem>> -> memref<128xi32, #tpu.memory_space<vmem>>
    %dma_wait3A_958 = arith.constant 0 : i32
    %dma_wait3A_959 = arith.constant 0 : i32
    %dma_wait3A_960 = tpu.memref_slice %arg16[%dma_wait3A_958, %dma_wait3A_959] : memref<10256x64xbf16, #tpu.memory_space<vmem_shared>> -> memref<10256x64xbf16, #tpu.memory_space<vmem_shared>>
    tpu.wait_indirect_dma semaphore(%arg24 : memref<!tpu.dma_semaphore, #tpu.memory_space<semaphore_mem>>) src(%dma_wait3A_954 : memref<128x64xbf16, #tpu.memory_space<vmem>>) dst(%dma_wait3A_960 : memref<10256x64xbf16, #tpu.memory_space<vmem_shared>>)
    %barrier3A_961 = arith.constant 0 : index
    tpu.barrier barrier_id(%barrier3A_961)
    "tpu.region"() ({
      %run_scoped3A_967 = tpu.sem_alloc : memref<!tpu.dma_semaphore, #tpu.memory_space<semaphore_mem>>
      %dma_start3A_968 = arith.constant 0 : i32
      %dma_start3A_969 = arith.constant 0 : i32
      %dma_start3A_970 = tpu.memref_slice %arg5[%arg0, %dma_start3A_968, %dma_start3A_969] : memref<2x10240x64xbf16, #tpu.memory_space<hbm>> -> memref<1x10240x64xbf16, #tpu.memory_space<hbm>>
      %dma_start3A_971 = tpu.memref_squeeze %dma_start3A_970 : memref<1x10240x64xbf16, #tpu.memory_space<hbm>> -> memref<10240x64xbf16, #tpu.memory_space<hbm>>
      %dma_start3A_972 = arith.constant 0 : i32
      %dma_start3A_973 = tpu.memref_slice %dma_start3A_971[%mul3A_0, %dma_start3A_972] : memref<10240x64xbf16, #tpu.memory_space<hbm>> -> memref<640x64xbf16, #tpu.memory_space<hbm>>
      %dma_start3A_974 = arith.constant 0 : i32
      %dma_start3A_975 = tpu.memref_slice %arg16[%mul3A_0, %dma_start3A_974] : memref<10256x64xbf16, #tpu.memory_space<vmem_shared>> -> memref<640x64xbf16, #tpu.memory_space<vmem_shared>>
      tpu.enqueue_dma source(%dma_start3A_975 : memref<640x64xbf16, #tpu.memory_space<vmem_shared>>) target(%dma_start3A_973 : memref<640x64xbf16, #tpu.memory_space<hbm>>) target_semaphore(%run_scoped3A_967 : memref<!tpu.dma_semaphore, #tpu.memory_space<semaphore_mem>>)
      %dma_wait3A_976 = arith.constant 0 : i32
      %dma_wait3A_977 = arith.constant 0 : i32
      %dma_wait3A_978 = tpu.memref_slice %arg5[%arg0, %dma_wait3A_976, %dma_wait3A_977] : memref<2x10240x64xbf16, #tpu.memory_space<hbm>> -> memref<1x10240x64xbf16, #tpu.memory_space<hbm>>
      %dma_wait3A_979 = tpu.memref_squeeze %dma_wait3A_978 : memref<1x10240x64xbf16, #tpu.memory_space<hbm>> -> memref<10240x64xbf16, #tpu.memory_space<hbm>>
      %dma_wait3A_980 = arith.constant 0 : i32
      %dma_wait3A_981 = tpu.memref_slice %dma_wait3A_979[%mul3A_0, %dma_wait3A_980] : memref<10240x64xbf16, #tpu.memory_space<hbm>> -> memref<640x64xbf16, #tpu.memory_space<hbm>>
      %dma_wait3A_982 = arith.constant 0 : i32
      %dma_wait3A_983 = tpu.memref_slice %arg16[%mul3A_0, %dma_wait3A_982] : memref<10256x64xbf16, #tpu.memory_space<vmem_shared>> -> memref<640x64xbf16, #tpu.memory_space<vmem_shared>>
      tpu.wait_dma2 semaphore(%run_scoped3A_967 : memref<!tpu.dma_semaphore, #tpu.memory_space<semaphore_mem>>) src(%dma_wait3A_983 : memref<640x64xbf16, #tpu.memory_space<vmem_shared>>) dst(%dma_wait3A_981 : memref<640x64xbf16, #tpu.memory_space<hbm>>)
      tpu.yield
    }) : () -> ()
    %eq3A_962 = arith.constant 0 : i32
    %eq3A_963 = arith.cmpi eq, %arg0, %eq3A_962 : i32
    %convert_element_type3A_964 = arith.extui %eq3A_963 : i1 to i32
    %cond3A_965 = arith.constant 0 : i32
    %cond3A_966 = arith.cmpi ne, %convert_element_type3A_964, %cond3A_965 : i32
    scf.if %cond3A_966 {
      "tpu.region"() ({
        %run_scoped3A_967 = tpu.sem_alloc : memref<!tpu.dma_semaphore, #tpu.memory_space<semaphore_mem>>
        %dma_start3A_968 = arith.constant 0 : i32
        %dma_start3A_969 = tpu.memref_slice %arg14[%dma_start3A_968] : memref<10256xf32, #tpu.memory_space<vmem>> -> memref<10240xf32, #tpu.memory_space<vmem>>
        %dma_start3A_970 = arith.constant 0 : i32
        %dma_start3A_971 = tpu.memref_slice %arg6[%arg1, %dma_start3A_970] : memref<16x10240xf32, #tpu.memory_space<hbm>> -> memref<1x10240xf32, #tpu.memory_space<hbm>>
        %dma_start3A_972 = tpu.memref_squeeze %dma_start3A_971 : memref<1x10240xf32, #tpu.memory_space<hbm>> -> memref<10240xf32, #tpu.memory_space<hbm>>
        %dma_start3A_973 = arith.constant 0 : i32
        %dma_start3A_974 = tpu.memref_slice %arg6[%arg1, %dma_start3A_973] : memref<16x10240xf32, #tpu.memory_space<hbm>> -> memref<1x10240xf32, #tpu.memory_space<hbm>>
        %dma_start3A_975 = tpu.memref_squeeze %dma_start3A_974 : memref<1x10240xf32, #tpu.memory_space<hbm>> -> memref<10240xf32, #tpu.memory_space<hbm>>
        %dma_start3A_976 = arith.constant 0 : i32
        %dma_start3A_977 = tpu.memref_slice %arg14[%dma_start3A_976] : memref<10256xf32, #tpu.memory_space<vmem>> -> memref<10240xf32, #tpu.memory_space<vmem>>
        tpu.enqueue_dma source(%dma_start3A_977 : memref<10240xf32, #tpu.memory_space<vmem>>) target(%dma_start3A_975 : memref<10240xf32, #tpu.memory_space<hbm>>) target_semaphore(%run_scoped3A_967 : memref<!tpu.dma_semaphore, #tpu.memory_space<semaphore_mem>>)
        %dma_wait3A_978 = arith.constant 0 : i32
        %dma_wait3A_979 = tpu.memref_slice %arg14[%dma_wait3A_978] : memref<10256xf32, #tpu.memory_space<vmem>> -> memref<10240xf32, #tpu.memory_space<vmem>>
        %dma_wait3A_980 = arith.constant 0 : i32
        %dma_wait3A_981 = tpu.memref_slice %arg6[%arg1, %dma_wait3A_980] : memref<16x10240xf32, #tpu.memory_space<hbm>> -> memref<1x10240xf32, #tpu.memory_space<hbm>>
        %dma_wait3A_982 = tpu.memref_squeeze %dma_wait3A_981 : memref<1x10240xf32, #tpu.memory_space<hbm>> -> memref<10240xf32, #tpu.memory_space<hbm>>
        %dma_wait3A_983 = arith.constant 0 : i32
        %dma_wait3A_984 = tpu.memref_slice %arg6[%arg1, %dma_wait3A_983] : memref<16x10240xf32, #tpu.memory_space<hbm>> -> memref<1x10240xf32, #tpu.memory_space<hbm>>
        %dma_wait3A_985 = tpu.memref_squeeze %dma_wait3A_984 : memref<1x10240xf32, #tpu.memory_space<hbm>> -> memref<10240xf32, #tpu.memory_space<hbm>>
        %dma_wait3A_986 = arith.constant 0 : i32
        %dma_wait3A_987 = tpu.memref_slice %arg14[%dma_wait3A_986] : memref<10256xf32, #tpu.memory_space<vmem>> -> memref<10240xf32, #tpu.memory_space<vmem>>
        tpu.wait_dma2 semaphore(%run_scoped3A_967 : memref<!tpu.dma_semaphore, #tpu.memory_space<semaphore_mem>>) src(%dma_wait3A_987 : memref<10240xf32, #tpu.memory_space<vmem>>) dst(%dma_wait3A_985 : memref<10240xf32, #tpu.memory_space<hbm>>)
        tpu.yield
      }) : () -> ()
    } else {
    }
    return
  }
}

module attributes {stable_mosaic.version = 14 : i64} {
  func.func @_cast_body(%arg0: i32, %arg1: memref<1280x128xf32, #tpu.memory_space<vmem>>, %arg2: memref<2x1280x64xbf16, #tpu.memory_space<vmem>>) attributes {dimension_semantics = [#tpu.dimension_semantics<arbitrary>], iteration_bounds = array<i64: 8>, scalar_prefetch = 0 : i64, scratch_operands = 0 : i64, tpu.core_type = #tpu.core_type<tc>, window_params = [{transform_indices = @transform_0, window_bounds = array<i64: 1280, 128>}, {transform_indices = @transform_1, window_bounds = array<i64: 2, 1280, 64>}]} {
    %get3A = arith.constant 0 : index
    %get3A_0 = arith.constant 0 : index
    %get3A_1 = vector.load %arg1[%get3A, %get3A_0] : memref<1280x128xf32, #tpu.memory_space<vmem>>, vector<1280x64xf32>
    %convert_element_type3A = arith.truncf %get3A_1 : vector<1280x64xf32> to vector<1280x64xbf16>
    %swap3A = arith.constant 0 : index
    %swap3A_2 = arith.constant 0 : index
    %swap3A_3 = arith.constant 0 : index
    %swap3A_4 = vector.load %arg2[%swap3A, %swap3A_2, %swap3A_3] : memref<2x1280x64xbf16, #tpu.memory_space<vmem>>, vector<1x1280x64xbf16>
    %swap3A_5 = vector.shape_cast %swap3A_4 : vector<1x1280x64xbf16> to vector<1280x64xbf16>
    %swap3A_6 = vector.shape_cast %convert_element_type3A : vector<1280x64xbf16> to vector<1x1280x64xbf16>
    tpu.vector_store %arg2[%swap3A, %swap3A_2, %swap3A_3], %swap3A_6 {strides = array<i32>} : memref<2x1280x64xbf16, #tpu.memory_space<vmem>>, vector<1x1280x64xbf16>,
    %get3A_7 = arith.constant 0 : index
    %get3A_8 = arith.constant 64 : index
    %get3A_9 = vector.load %arg1[%get3A_7, %get3A_8] : memref<1280x128xf32, #tpu.memory_space<vmem>>, vector<1280x64xf32>
    %convert_element_type3A_10 = arith.truncf %get3A_9 : vector<1280x64xf32> to vector<1280x64xbf16>
    %swap3A_11 = arith.constant 1 : index
    %swap3A_12 = arith.constant 0 : index
    %swap3A_13 = arith.constant 0 : index
    %swap3A_14 = vector.load %arg2[%swap3A_11, %swap3A_12, %swap3A_13] : memref<2x1280x64xbf16, #tpu.memory_space<vmem>>, vector<1x1280x64xbf16>
    %swap3A_15 = vector.shape_cast %swap3A_14 : vector<1x1280x64xbf16> to vector<1280x64xbf16>
    %swap3A_16 = vector.shape_cast %convert_element_type3A_10 : vector<1280x64xbf16> to vector<1x1280x64xbf16>
    tpu.vector_store %arg2[%swap3A_11, %swap3A_12, %swap3A_13], %swap3A_16 {strides = array<i32>} : memref<2x1280x64xbf16, #tpu.memory_space<vmem>>, vector<1x1280x64xbf16>,
    return
  }
  func.func @transform_0(%arg0: i32) -> (i32, i32) {
    %c0_i32 = arith.constant 0 : i32
    %c0_i32_0 = arith.constant 0 : i32
    return %arg0, %c0_i32 : i32, i32
  }
  func.func @transform_1(%arg0: i32) -> (i32, i32, i32) {
    %c0_i32 = arith.constant 0 : i32
    %c0_i32_0 = arith.constant 0 : i32
    %c0_i32_1 = arith.constant 0 : i32
    return %c0_i32, %arg0, %c0_i32_0 : i32, i32, i32
  }
}

module attributes {stable_mosaic.version = 14 : i64} {
  func.func @_lambda_(%arg0: i32, %arg1: memref<2x1280x64xbf16, #tpu.memory_space<vmem>>, %arg2: memref<16x1280xf32, #tpu.memory_space<vmem>>, %arg3: memref<8x128xf32, #tpu.memory_space<vmem>>, %arg4: memref<1280x128xf32, #tpu.memory_space<vmem>>, %arg5: memref<128x128xf32, #tpu.memory_space<vmem>>, %arg6: memref<1280x128xf32, #tpu.memory_space<vmem>>, %arg7: memref<2x1280x64xbf16, #tpu.memory_space<vmem>>) attributes {dimension_semantics = [#tpu.dimension_semantics<arbitrary>], iteration_bounds = array<i64: 8>, scalar_prefetch = 0 : i64, scratch_operands = 0 : i64, tpu.core_type = #tpu.core_type<tc>, window_params = [{transform_indices = @transform_0, window_bounds = array<i64: 2, 1280, 64>}, {transform_indices = @transform_1, window_bounds = array<i64: 16, 1280>}, {pipeline_mode = #tpu.pipeline_mode<synchronous>, transform_indices = @transform_2, window_bounds = array<i64: 8, 128>}, {transform_indices = @transform_3, window_bounds = array<i64: 1280, 128>}, {pipeline_mode = #tpu.pipeline_mode<synchronous>, transform_indices = @transform_4, window_bounds = array<i64: 128, 128>}, {transform_indices = @transform_5, window_bounds = array<i64: 1280, 128>}, {transform_indices = @transform_6, window_bounds = array<i64: 2, 1280, 64>}]} {
    %get3A = arith.constant 0 : index
    %get3A_0 = arith.constant 0 : index
    %get3A_1 = arith.constant 0 : index
    %get3A_2 = vector.load %arg1[%get3A, %get3A_0, %get3A_1] : memref<2x1280x64xbf16, #tpu.memory_space<vmem>>, vector<1x1280x64xbf16>
    %get3A_3 = vector.shape_cast %get3A_2 : vector<1x1280x64xbf16> to vector<1280x64xbf16>
    %get3A_4 = arith.constant 1 : index
    %get3A_5 = arith.constant 0 : index
    %get3A_6 = arith.constant 0 : index
    %get3A_7 = vector.load %arg1[%get3A_4, %get3A_5, %get3A_6] : memref<2x1280x64xbf16, #tpu.memory_space<vmem>>, vector<1x1280x64xbf16>
    %get3A_8 = vector.shape_cast %get3A_7 : vector<1x1280x64xbf16> to vector<1280x64xbf16>
    %concatenate3A = tpu.concatenate %get3A_3, %get3A_8 in 1 : vector<1280x64xbf16>, vector<1280x64xbf16> -> vector<1280x128xbf16>
    %convert_element_type3A = arith.extf %concatenate3A : vector<1280x128xbf16> to vector<1280x128xf32>
    %get3A_9 = arith.constant 0 : index
    %get3A_10 = arith.constant 0 : index
    %get3A_11 = vector.load %arg2[%get3A_9, %get3A_10] : memref<16x1280xf32, #tpu.memory_space<vmem>>, vector<16x1280xf32>
    %reduce_sum3A = arith.constant dense<0.000000e+00> : vector<1280xf32>
    %reduce_sum3A_12 = vector.multi_reduction <add>, %get3A_11, %reduce_sum3A [0] : vector<16x1280xf32> to vector<1280xf32>
    %max3A = arith.constant 1.000000e+00 : f32
    %max3A_13 = vector.broadcast %max3A : f32 to vector<1280xf32>
    %max3A_14 = arith.maximumf %reduce_sum3A_12, %max3A_13 : vector<1280xf32>
    %div3A = arith.constant 1.000000e+00 : f32
    %div3A_15 = vector.broadcast %div3A : f32 to vector<1280xf32>
    %div3A_16 = arith.divf %div3A_15, %max3A_14 : vector<1280xf32>
    %broadcast_in_dim3A = vector.shape_cast %div3A_16 : vector<1280xf32> to vector<1280x1xf32>
    %mul3A = vector.broadcast %broadcast_in_dim3A : vector<1280x1xf32> to vector<1280x128xf32>
    %mul3A_17 = arith.mulf %convert_element_type3A, %mul3A : vector<1280x128xf32>
    %get3A_18 = arith.constant 0 : index
    %get3A_19 = arith.constant 0 : index
    %get3A_20 = vector.load %arg5[%get3A_18, %get3A_19] : memref<128x128xf32, #tpu.memory_space<vmem>>, vector<128x128xf32>
    %dot_general3A = arith.constant dense<0.000000e+00> : vector<1280x128xf32>
    %dot_general3A_21 = tpu.matmul %mul3A_17, %get3A_20, %dot_general3A {dimension_numbers = #tpu.dot_dimension_numbers<[1], [0], [0], [1], [0, 0, 1, 1], [], []>, transpose_lhs_hint = false} : vector<1280x128xf32>, vector<128x128xf32>, vector<1280x128xf32> -> vector<1280x128xf32>
    %get3A_22 = arith.constant 0 : index
    %get3A_23 = arith.constant 0 : index
    %get3A_24 = vector.load %arg4[%get3A_22, %get3A_23] : memref<1280x128xf32, #tpu.memory_space<vmem>>, vector<1280x128xf32>
    %get3A_25 = arith.constant 0 : index
    %get3A_26 = arith.constant 0 : index
    %get3A_27 = vector.load %arg3[%get3A_25, %get3A_26] : memref<8x128xf32, #tpu.memory_space<vmem>>, vector<1x128xf32>
    %add3A = vector.broadcast %get3A_27 : vector<1x128xf32> to vector<1280x128xf32>
    %add3A_28 = arith.addf %dot_general3A_21, %add3A : vector<1280x128xf32>
    %max3A_29 = arith.constant 0.000000e+00 : f32
    %max3A_30 = vector.broadcast %max3A_29 : f32 to vector<1280x128xf32>
    %max3A_31 = arith.maximumf %add3A_28, %max3A_30 : vector<1280x128xf32>
    %add3A_32 = arith.addf %get3A_24, %max3A_31 : vector<1280x128xf32>
    %swap3A = arith.constant 0 : index
    %swap3A_33 = arith.constant 0 : index
    %swap3A_34 = vector.load %arg6[%swap3A, %swap3A_33] : memref<1280x128xf32, #tpu.memory_space<vmem>>, vector<1280x128xf32>
    tpu.vector_store %arg6[%swap3A, %swap3A_33], %add3A_32 {strides = array<i32>} : memref<1280x128xf32, #tpu.memory_space<vmem>>, vector<1280x128xf32>,
    %slice3A = vector.extract_strided_slice %add3A_32 {offsets = [0, 0], sizes = [1280, 64], strides = [1, 1]} : vector<1280x128xf32> to vector<1280x64xf32>
    %convert_element_type3A_35 = arith.truncf %slice3A : vector<1280x64xf32> to vector<1280x64xbf16>
    %swap3A_36 = arith.constant 0 : index
    %swap3A_37 = arith.constant 0 : index
    %swap3A_38 = arith.constant 0 : index
    %swap3A_39 = vector.load %arg7[%swap3A_36, %swap3A_37, %swap3A_38] : memref<2x1280x64xbf16, #tpu.memory_space<vmem>>, vector<1x1280x64xbf16>
    %swap3A_40 = vector.shape_cast %swap3A_39 : vector<1x1280x64xbf16> to vector<1280x64xbf16>
    %swap3A_41 = vector.shape_cast %convert_element_type3A_35 : vector<1280x64xbf16> to vector<1x1280x64xbf16>
    tpu.vector_store %arg7[%swap3A_36, %swap3A_37, %swap3A_38], %swap3A_41 {strides = array<i32>} : memref<2x1280x64xbf16, #tpu.memory_space<vmem>>, vector<1x1280x64xbf16>,
    %slice3A_42 = vector.extract_strided_slice %add3A_32 {offsets = [0, 64], sizes = [1280, 64], strides = [1, 1]} : vector<1280x128xf32> to vector<1280x64xf32>
    %convert_element_type3A_43 = arith.truncf %slice3A_42 : vector<1280x64xf32> to vector<1280x64xbf16>
    %swap3A_44 = arith.constant 1 : index
    %swap3A_45 = arith.constant 0 : index
    %swap3A_46 = arith.constant 0 : index
    %swap3A_47 = vector.load %arg7[%swap3A_44, %swap3A_45, %swap3A_46] : memref<2x1280x64xbf16, #tpu.memory_space<vmem>>, vector<1x1280x64xbf16>
    %swap3A_48 = vector.shape_cast %swap3A_47 : vector<1x1280x64xbf16> to vector<1280x64xbf16>
    %swap3A_49 = vector.shape_cast %convert_element_type3A_43 : vector<1280x64xbf16> to vector<1x1280x64xbf16>
    tpu.vector_store %arg7[%swap3A_44, %swap3A_45, %swap3A_46], %swap3A_49 {strides = array<i32>} : memref<2x1280x64xbf16, #tpu.memory_space<vmem>>, vector<1x1280x64xbf16>,
    return
  }
  func.func @transform_0(%arg0: i32) -> (i32, i32, i32) {
    %c0_i32 = arith.constant 0 : i32
    %c0_i32_0 = arith.constant 0 : i32
    %c0_i32_1 = arith.constant 0 : i32
    return %c0_i32, %arg0, %c0_i32_0 : i32, i32, i32
  }
  func.func @transform_1(%arg0: i32) -> (i32, i32) {
    %c0_i32 = arith.constant 0 : i32
    %c0_i32_0 = arith.constant 0 : i32
    return %c0_i32, %arg0 : i32, i32
  }
  func.func @transform_2(%arg0: i32) -> (i32, i32) {
    %c0_i32 = arith.constant 0 : i32
    %c0_i32_0 = arith.constant 0 : i32
    %c0_i32_1 = arith.constant 0 : i32
    return %c0_i32, %c0_i32_0 : i32, i32
  }
  func.func @transform_3(%arg0: i32) -> (i32, i32) {
    %c0_i32 = arith.constant 0 : i32
    %c0_i32_0 = arith.constant 0 : i32
    return %arg0, %c0_i32 : i32, i32
  }
  func.func @transform_4(%arg0: i32) -> (i32, i32) {
    %c0_i32 = arith.constant 0 : i32
    %c0_i32_0 = arith.constant 0 : i32
    %c0_i32_1 = arith.constant 0 : i32
    return %c0_i32, %c0_i32_0 : i32, i32
  }
  func.func @transform_5(%arg0: i32) -> (i32, i32) {
    %c0_i32 = arith.constant 0 : i32
    %c0_i32_0 = arith.constant 0 : i32
    return %arg0, %c0_i32 : i32, i32
  }
  func.func @transform_6(%arg0: i32) -> (i32, i32, i32) {
    %c0_i32 = arith.constant 0 : i32
    %c0_i32_0 = arith.constant 0 : i32
    %c0_i32_1 = arith.constant 0 : i32
    return %c0_i32, %arg0, %c0_i32_0 : i32, i32, i32
  }
}

module attributes {stable_mosaic.version = 14 : i64} {
  func.func @_lambda_(%arg0: i32, %arg1: memref<2x1280x64xbf16, #tpu.memory_space<vmem>>, %arg2: memref<16x1280xf32, #tpu.memory_space<vmem>>, %arg3: memref<8x128xf32, #tpu.memory_space<vmem>>, %arg4: memref<1280x128xf32, #tpu.memory_space<vmem>>, %arg5: memref<128x128xf32, #tpu.memory_space<vmem>>, %arg6: memref<1280x128xf32, #tpu.memory_space<vmem>>) attributes {dimension_semantics = [#tpu.dimension_semantics<arbitrary>], iteration_bounds = array<i64: 8>, scalar_prefetch = 0 : i64, scratch_operands = 0 : i64, tpu.core_type = #tpu.core_type<tc>, window_params = [{transform_indices = @transform_0, window_bounds = array<i64: 2, 1280, 64>}, {transform_indices = @transform_1, window_bounds = array<i64: 16, 1280>}, {pipeline_mode = #tpu.pipeline_mode<synchronous>, transform_indices = @transform_2, window_bounds = array<i64: 8, 128>}, {transform_indices = @transform_3, window_bounds = array<i64: 1280, 128>}, {pipeline_mode = #tpu.pipeline_mode<synchronous>, transform_indices = @transform_4, window_bounds = array<i64: 128, 128>}, {transform_indices = @transform_5, window_bounds = array<i64: 1280, 128>}]} {
    %get3A = arith.constant 0 : index
    %get3A_0 = arith.constant 0 : index
    %get3A_1 = arith.constant 0 : index
    %get3A_2 = vector.load %arg1[%get3A, %get3A_0, %get3A_1] : memref<2x1280x64xbf16, #tpu.memory_space<vmem>>, vector<1x1280x64xbf16>
    %get3A_3 = vector.shape_cast %get3A_2 : vector<1x1280x64xbf16> to vector<1280x64xbf16>
    %get3A_4 = arith.constant 1 : index
    %get3A_5 = arith.constant 0 : index
    %get3A_6 = arith.constant 0 : index
    %get3A_7 = vector.load %arg1[%get3A_4, %get3A_5, %get3A_6] : memref<2x1280x64xbf16, #tpu.memory_space<vmem>>, vector<1x1280x64xbf16>
    %get3A_8 = vector.shape_cast %get3A_7 : vector<1x1280x64xbf16> to vector<1280x64xbf16>
    %concatenate3A = tpu.concatenate %get3A_3, %get3A_8 in 1 : vector<1280x64xbf16>, vector<1280x64xbf16> -> vector<1280x128xbf16>
    %convert_element_type3A = arith.extf %concatenate3A : vector<1280x128xbf16> to vector<1280x128xf32>
    %get3A_9 = arith.constant 0 : index
    %get3A_10 = arith.constant 0 : index
    %get3A_11 = vector.load %arg2[%get3A_9, %get3A_10] : memref<16x1280xf32, #tpu.memory_space<vmem>>, vector<16x1280xf32>
    %reduce_sum3A = arith.constant dense<0.000000e+00> : vector<1280xf32>
    %reduce_sum3A_12 = vector.multi_reduction <add>, %get3A_11, %reduce_sum3A [0] : vector<16x1280xf32> to vector<1280xf32>
    %max3A = arith.constant 1.000000e+00 : f32
    %max3A_13 = vector.broadcast %max3A : f32 to vector<1280xf32>
    %max3A_14 = arith.maximumf %reduce_sum3A_12, %max3A_13 : vector<1280xf32>
    %div3A = arith.constant 1.000000e+00 : f32
    %div3A_15 = vector.broadcast %div3A : f32 to vector<1280xf32>
    %div3A_16 = arith.divf %div3A_15, %max3A_14 : vector<1280xf32>
    %broadcast_in_dim3A = vector.shape_cast %div3A_16 : vector<1280xf32> to vector<1280x1xf32>
    %mul3A = vector.broadcast %broadcast_in_dim3A : vector<1280x1xf32> to vector<1280x128xf32>
    %mul3A_17 = arith.mulf %convert_element_type3A, %mul3A : vector<1280x128xf32>
    %get3A_18 = arith.constant 0 : index
    %get3A_19 = arith.constant 0 : index
    %get3A_20 = vector.load %arg5[%get3A_18, %get3A_19] : memref<128x128xf32, #tpu.memory_space<vmem>>, vector<128x128xf32>
    %dot_general3A = arith.constant dense<0.000000e+00> : vector<1280x128xf32>
    %dot_general3A_21 = tpu.matmul %mul3A_17, %get3A_20, %dot_general3A {dimension_numbers = #tpu.dot_dimension_numbers<[1], [0], [0], [1], [0, 0, 1, 1], [], []>, transpose_lhs_hint = false} : vector<1280x128xf32>, vector<128x128xf32>, vector<1280x128xf32> -> vector<1280x128xf32>
    %get3A_22 = arith.constant 0 : index
    %get3A_23 = arith.constant 0 : index
    %get3A_24 = vector.load %arg4[%get3A_22, %get3A_23] : memref<1280x128xf32, #tpu.memory_space<vmem>>, vector<1280x128xf32>
    %get3A_25 = arith.constant 0 : index
    %get3A_26 = arith.constant 0 : index
    %get3A_27 = vector.load %arg3[%get3A_25, %get3A_26] : memref<8x128xf32, #tpu.memory_space<vmem>>, vector<1x128xf32>
    %add3A = vector.broadcast %get3A_27 : vector<1x128xf32> to vector<1280x128xf32>
    %add3A_28 = arith.addf %dot_general3A_21, %add3A : vector<1280x128xf32>
    %max3A_29 = arith.constant 0.000000e+00 : f32
    %max3A_30 = vector.broadcast %max3A_29 : f32 to vector<1280x128xf32>
    %max3A_31 = arith.maximumf %add3A_28, %max3A_30 : vector<1280x128xf32>
    %add3A_32 = arith.addf %get3A_24, %max3A_31 : vector<1280x128xf32>
    %mul3A_33 = arith.mulf %add3A_32, %add3A_32 : vector<1280x128xf32>
    %reduce_sum3A_34 = arith.constant dense<0.000000e+00> : vector<1280xf32>
    %reduce_sum3A_35 = vector.multi_reduction <add>, %mul3A_33, %reduce_sum3A_34 [1] : vector<1280x128xf32> to vector<1280xf32>
    %broadcast_in_dim3A_36 = vector.shape_cast %reduce_sum3A_35 : vector<1280xf32> to vector<1280x1xf32>
    %sqrt3A = math.sqrt %broadcast_in_dim3A_36 : vector<1280x1xf32>
    %max3A_37 = arith.constant 9.99999996E-13 : f32
    %max3A_38 = vector.broadcast %max3A_37 : f32 to vector<1280x1xf32>
    %max3A_39 = arith.maximumf %sqrt3A, %max3A_38 : vector<1280x1xf32>
    %div3A_40 = vector.broadcast %max3A_39 : vector<1280x1xf32> to vector<1280x128xf32>
    %div3A_41 = arith.divf %add3A_32, %div3A_40 : vector<1280x128xf32>
    %swap3A = arith.constant 0 : index
    %swap3A_42 = arith.constant 0 : index
    %swap3A_43 = vector.load %arg6[%swap3A, %swap3A_42] : memref<1280x128xf32, #tpu.memory_space<vmem>>, vector<1280x128xf32>
    tpu.vector_store %arg6[%swap3A, %swap3A_42], %div3A_41 {strides = array<i32>} : memref<1280x128xf32, #tpu.memory_space<vmem>>, vector<1280x128xf32>,
    return
  }
  func.func @transform_0(%arg0: i32) -> (i32, i32, i32) {
    %c0_i32 = arith.constant 0 : i32
    %c0_i32_0 = arith.constant 0 : i32
    %c0_i32_1 = arith.constant 0 : i32
    return %c0_i32, %arg0, %c0_i32_0 : i32, i32, i32
  }
  func.func @transform_1(%arg0: i32) -> (i32, i32) {
    %c0_i32 = arith.constant 0 : i32
    %c0_i32_0 = arith.constant 0 : i32
    return %c0_i32, %arg0 : i32, i32
  }
  func.func @transform_2(%arg0: i32) -> (i32, i32) {
    %c0_i32 = arith.constant 0 : i32
    %c0_i32_0 = arith.constant 0 : i32
    %c0_i32_1 = arith.constant 0 : i32
    return %c0_i32, %c0_i32_0 : i32, i32
  }
  func.func @transform_3(%arg0: i32) -> (i32, i32) {
    %c0_i32 = arith.constant 0 : i32
    %c0_i32_0 = arith.constant 0 : i32
    return %arg0, %c0_i32 : i32, i32
  }
  func.func @transform_4(%arg0: i32) -> (i32, i32) {
    %c0_i32 = arith.constant 0 : i32
    %c0_i32_0 = arith.constant 0 : i32
    %c0_i32_1 = arith.constant 0 : i32
    return %c0_i32, %c0_i32_0 : i32, i32
  }
  func.func @transform_5(%arg0: i32) -> (i32, i32) {
    %c0_i32 = arith.constant 0 : i32
    %c0_i32_0 = arith.constant 0 : i32
    return %arg0, %c0_i32 : i32, i32
  }
}

</mosaic_0001>

<sc_bundles>
// kernel: kernel.10.cloned.1.call-start
scs
__scs_entry_jumppad:
0x0: {  	(pc) =	sbr.rel $0x88, $3  }
0x1: {  	(tag) =	ssettag $0x0;
	lr =	simm.s32 $0x1  }
0x2: {  	[smem:$0x3F9B] =	sst lr;
	_ =	strace $0xD0000000  }
0x3: {  	_ = 	snop  }
0x4: {  	_ = 	snop  }
0x5: {  	_ = 	snop  }
0x6: {  	_ = 	snop  }
0x7: {  	_ = 	snop  }
__scs_overlays_trampoline_lowered:
0x8: {  	[smem:$0x3FAA] =	sst s0  }
0x9: {  	[smem:$0x3FAB] =	sst s1  }
0xa: {  	[smem:$0x3FAC] =	sst s2  }
0xb: {  	[smem:$0x3FAD] =	sst s3  }
0xc: {  	[smem:$0x3FAE] =	sst s4  }
0xd: {  	[smem:$0x3FAF] =	sst s5  }
0xe: {  	[smem:$0x3FB0] =	sst s6  }
0xf: {  	[smem:$0x3FB1] =	sst s7  }
0x10: {  	[smem:$0x3FB2] =	sst s8  }
0x11: {  	[smem:$0x3FB3] =	sst s9;
	s0 =	simm.s32 @!p0 $0x0  }
0x12: {  	s1 =	sld [smem:$0x3F99];
	s0 =	simm.s32 @p0 $0x1  }
0x13: {  	[smem:$0x3FB4] =	sst s0;
	s0 =	simm.s32 @!p1 $0x0  }
0x14: {  	s2 =	sld [smem:$0x3F98];
	s0 =	simm.s32 @p1 $0x1  }
0x15: {  	[smem:$0x3FB5] =	sst s0;
	s0 =	simm.s32 @!p2 $0x0  }
0x16: {  	s3 =	sld [smem:$0x3FDB];
	s0 =	simm.s32 @p2 $0x1  }
0x17: {  	s4 =	simm.s32 $0x1BF5;
	[smem:$0x3FB7] =	sst s0  }
0x18: {  	s0 =	sld [smem:$0x3F9A];
	_ =	swait.ge [sflag:s4], $0x0  }
0x19: {  	s7 =	sld [smem:$0x3F9B]  }
0x1a: {  	s8 =	sadd.s32 $0xFFFFE003, lr  }
0x1b: {  	s9 =	sadd.s32 $0xFFFFFEF7, lr;
	s5 =	simm.s32 $0xFFFFFFFF;
	p2 =	slt.u32 s8, $0xFFFFF086  }
0x1c: {  	p1 =	slt.u32 s9, $0xF7A;
	s5 =	simm.s32 @!p2 $0x0  }
0x1d: {  	s5 =	simm.s32 @p1 $0x1;
	p0 =	seq.s32 s7, s2  }
0x1e: {  	s7 =	smul.u32 @!p0 $0xF7A, s2;
	p2 =	seq.s32 @!p0 s5, $0x0  }
0x1f: {  	s9 =	smul.u32 $0xF7A, s1;
	s8 =	simm.s32 @!p0 $0x1BF5;
	p2 =	por !p2, p0  }
0x20: {  	[sflag:s8] =	ssyncset.s32 @!p0 $0xFFFFF086;
	s6 =	sadd.s32 @!p0 s3, s7;
	s7 =	simm.s32 @!p0 $0x108  }
0x21: {  	s3 =	sadd.s32 s3, s9;
	s6 =	sadd.s32 @!p0 $0x88, s6;
	s7 =	simm.s32 @p2 $0x1082  }
0x22: {  	[simem:s7], [sflag:s8] =	dma.local @!p0 [hbm:s6], $0xF7A  }
0x23: {  	s9 =	sor.u32 $0xD0000000, s2;
	s6 =	simm.s32 $0x108;
	_ =	swait.ge @!p0 [sflag:s8], $0x0  }
0x24: {  	s3 =	sadd.s32 $0x88, s3;
	s6 =	simm.s32 @!p1 $0x1082;
	[sflag:s4] =	ssyncset.s32 $0xFFFFF086  }
0x25: {  	[simem:s6], [sflag:s4] =	dma.local [hbm:s3], $0xF7A  }
0x26: {  	[smem:$0x3F9B] =	sst s1;
	(tag) =	ssettag s2;
	_ =	strace s9  }
0x27: {  	s1 =	sld [smem:$0x3FAB]  }
0x28: {  	s2 =	sld [smem:$0x3FAC]  }
0x29: {  	s4 =	sld [smem:$0x3FAE]  }
0x2a: {  	p0 =	seq.s32 s5, $0x0;
	s5 =	sld [smem:$0x3FAF]  }
0x2b: {  	s6 =	sld [smem:$0x3FB0]  }
0x2c: {  	s7 =	sld [smem:$0x3FB1]  }
0x2d: {  	s3 =	simm.s32 $0x108;
	s8 =	sld [smem:$0x3FB2]  }
0x2e: {  	s3 =	simm.s32 @!p0 $0x1082;
	s9 =	sld [smem:$0x3FB3]  }
0x2f: {  	lr =	sadd.s32 s0, s3;
	s0 =	sld [smem:$0x3FAA]  }
0x30: {  	s3 =	sld [smem:$0x3FAD]  }
0x31: {  	[smem:$0x3FB6] =	sst s10  }
0x32: {  	s10 =	sld [smem:$0x3FB4];
	_ =	sdelay $0x3  }
0x33: {  	p0 =	seq.s32 s10, $0x1;
	s10 =	sld [smem:$0x3FB6];
	_ =	sdelay $0x3  }
0x34: {  	[smem:$0x3FB6] =	sst s10  }
0x35: {  	s10 =	sld [smem:$0x3FB5];
	_ =	sdelay $0x3  }
0x36: {  	p1 =	seq.s32 s10, $0x1;
	s10 =	sld [smem:$0x3FB6];
	_ =	sdelay $0x3  }
0x37: {  	[smem:$0x3FB6] =	sst s10  }
0x38: {  	s10 =	sld [smem:$0x3FB7]  }
0x39: {  	_ = 	snop;
	(pc) =	sbr.ind lr, $3  }
0x3a: {  	_ = 	snop  }
0x3b: {  	_ = 	snop  }
0x3c: {  	p2 =	seq.s32 s10, $0x1;
	s10 =	sld [smem:$0x3FB6]  }
0x3d: {  	_ =	shalt  }
0x3e: {  	_ =	shalt  }
0x3f: {  	_ =	shalt  }
0x40: {  	_ =	shalt  }
0x41: {  	_ =	shalt  }
0x42: {  	_ =	shalt  }
0x43: {  	_ =	shalt  }
0x44: {  	_ =	shalt  }
0x45: {  	_ =	shalt  }
0x46: {  	_ =	shalt  }
0x47: {  	_ =	shalt  }
0x48: {  	_ =	shalt  }
0x49: {  	_ =	shalt  }
0x4a: {  	_ =	shalt  }
0x4b: {  	_ =	shalt  }
0x4c: {  	_ =	shalt  }
0x4d: {  	_ =	shalt  }
0x4e: {  	_ =	shalt  }
0x4f: {  	_ =	shalt  }
0x50: {  	_ =	shalt  }
0x51: {  	_ =	shalt  }
0x52: {  	_ =	shalt  }
0x53: {  	_ =	shalt  }
0x54: {  	_ =	shalt  }
0x55: {  	_ =	shalt  }
0x56: {  	_ =	shalt  }
0x57: {  	_ =	shalt  }
0x58: {  	_ =	shalt  }
0x59: {  	_ =	shalt  }
0x5a: {  	_ =	shalt  }
0x5b: {  	_ =	shalt  }
0x5c: {  	_ =	shalt  }
0x5d: {  	_ =	shalt  }
0x5e: {  	_ =	shalt  }
0x5f: {  	_ =	shalt  }
0x60: {  	_ =	shalt  }
0x61: {  	_ =	shalt  }
0x62: {  	_ =	shalt  }
0x63: {  	_ =	shalt  }
0x64: {  	_ =	shalt  }
0x65: {  	_ =	shalt  }
0x66: {  	_ =	shalt  }
0x67: {  	_ =	shalt  }
0x68: {  	_ =	shalt  }
0x69: {  	_ =	shalt  }
0x6a: {  	_ =	shalt  }
0x6b: {  	_ =	shalt  }
0x6c: {  	_ =	shalt  }
0x6d: {  	_ =	shalt  }
0x6e: {  	_ =	shalt  }
0x6f: {  	_ =	shalt  }
0x70: {  	_ =	shalt  }
0x71: {  	_ =	shalt  }
0x72: {  	_ =	shalt  }
0x73: {  	_ =	shalt  }
0x74: {  	_ =	shalt  }
0x75: {  	_ =	shalt  }
0x76: {  	_ =	shalt  }
0x77: {  	_ =	shalt  }
0x78: {  	_ =	shalt  }
0x79: {  	_ =	shalt  }
0x7a: {  	_ =	shalt  }
0x7b: {  	_ =	shalt  }
0x7c: {  	_ =	shalt  }
0x7d: {  	_ =	shalt  }
0x7e: {  	_ =	shalt  }
0x7f: {  	_ =	shalt  }
0x80: {  	_ =	shalt  }
0x81: {  	_ =	shalt  }
0x82: {  	_ =	shalt  }
0x83: {  	_ =	shalt  }
0x84: {  	_ =	shalt  }
0x85: {  	_ =	shalt  }
0x86: {  	_ =	shalt  }
0x87: {  	_ =	shalt  }
.Lfunc_end0:
.L_simem_size_0:
called_computation.1_lowered:
.L_overlay_start_0:
0x88: {  	s2 =	sld [smem:$0x3FD9]  }
0x89: {  	s3 =	sld [smem:$0x3FFE];
	_ =	sdelay $0x1  }
0x8a: {  	s1 =	srdreg.scid  }
0x8b: {  	s0 =	sand.u32 $0x1, s1  }
0x8c: {  	s17 =	sshll.u32 s0, $0xA;
	s2 =	sadd.s32 s3, s2  }
0x8d: {  	s2 =	sadd.s32 s2, s17  }
0x8e: {  	[smem:$0x3FC2] =	sst s2  }
0x8f: {  	_ = 	snop  }
0x90: {  	s2 =	sld [smem:$0x3FD0];
	(tm) =	ssettm $0x1  }
0x91: {  	s18 =	sld [smem:$0x3FFB];
	_ =	sdelay $0x3  }
0x92: {  	_ =	strace s18  }
0x93: {  	s3 =	sld [smem:$0x3FFC];
	_ =	sdelay $0x3  }
0x94: {  	_ =	strace s3  }
0x95: {  	s3 =	sld [smem:$0x3FFD];
	_ =	sdelay $0x3  }
0x96: {  	_ =	strace s3  }
0x97: {  	_ =	strace $0x8FFFFFFF  }
0x98: {  	s19 =	sld [smem:$0x3FDB];
	_ =	sdelay $0x1  }
0x99: {  	s4 =	simm.s32 $_scs_section_size  }
0x9a: {  	s5 =	simm.s32 $_size__tile_overlayer_lowered;
	s6 =	simm.s32 $_tile_overlayer_lowered  }
0x9b: {  	s22 =	simm.s32 $0x1BFF;
	s21 =	sshll.u32 s6, $0x1;
	s3 =	sadd.s32 s4, s19  }
0x9c: {  	s7 =	simm.s32 $0x0;
	s20 =	sshll.u32 s5, $0x1;
	s5 =	sadd.s32 s21, s3  }
0x9d: {  	[timem:s7], [sflag:s22] =	dma.local [hbm:s5], s20  }
0x9e: {  	_ =	swait.ge [sflag:s22], s20  }
0x9f: {  	s4 =	ssub.s32 $0x0, s20;
	[sflag:s22] =	ssyncset.done $0x0  }
0xa0: {  	[sflag:s22] =	ssyncadd.s32 s4;
	_ =	sdelay $0x1  }
0xa1: {  	s23 =	simm.s32 $0x1B8B  }
0xa2: {  	_ =	swait.ge [sflag:s23], $0x1  }
0xa3: {  	[sflag:s23] =	ssyncset.done $0x0  }
0xa4: {  	s25 =	simm.s32 $0x1B8E;
	s24 =	sld [smem:$0x3FFE];
	[sflag:s23] =	ssyncadd.s32 $0xFFFFFFFF  }
0xa5: {  	s26 =	simm.s32 $execute0_lowered;
	[smem:$0x3FD2] =	sst s25  }
0xa6: {  	s5 =	sshll.u32 s26, $0x1;
	_ =	strace $0x80000049;
	[dreg:$0x1] =	wrdreg $0xFFFFFFFF  }
0xa7: {  	s28 =	simm.s32 $_size_execute0_lowered;
	s3 =	sadd.s32 s3, s5;
	[dreg:$0x0] =	wrdreg $0x0  }
0xa8: {  	s5 =	sshll.u32 s28, $0x1;
	[dreg:$0x2] =	wrdreg s3  }
0xa9: {  	[dreg:$0x3] =	wrdreg s5  }
0xaa: {  	[dreg:$0x4] =	wrdreg $0xC0  }
0xab: {  	_ =	task [dreg:s7], $0x5FFFF  }
0xac: {  	[dreg:$0x1] =	wrdreg $0xFFFFFFFF  }
0xad: {  	[dreg:$0x0] =	wrdreg $0x60  }
0xae: {  	[dreg:$0x2] =	wrdreg s2  }
0xaf: {  	[dreg:$0x3] =	wrdreg s24  }
0xb0: {  	[dreg:$0x4] =	wrdreg $0xF3C00  }
0xb1: {  	[dreg:$0x5] =	wrdreg $0x143C00  }
0xb2: {  	[dreg:$0x6] =	wrdreg $0x9  }
0xb3: {  	_ =	task.clear_ibuf [dreg:s7], $0x7FFFF;
	_ =	strace $0x90000049  }
0xb4: {  	s29 =	simm.s32 $0x9;
	_ =	strace $0x8000004B  }
0xb5: {  	_ =	swait.ge [sflag:s29], $0x1  }
0xb6: {  	[sflag:s29] =	ssyncadd.s32 $0xFFFFFFFF  }
0xb7: {  	_ =	strace $0x9000004B  }
0xb8: {  	_ =	sfence  }
0xb9: {  	s30 =	sld [smem:$0x0];
	_ =	sdelay $0x2  }
0xba: {  	s31 =	sshll.u32 s1, $0xD;
	s1 =	sshrl.u32 s1, $0x2  }
0xbb: {  	s3 =	sand.u32 $0x4000, s31;
	s1 =	sadd.s32 s1, s30  }
0xbc: {  	s0 =	sor.u32 s3, s0;
	s1 =	sshll.u32 s1, $0x11  }
0xbd: {  	s0 =	sor.u32 s1, s0  }
0xbe: {  	s0 =	sadd.s32 $0x8F2B, s0  }
0xbf: {  	[sflag:s0] =	ssyncadd.remote.s32 $0x1  }
0xc0: {  	_ =	sfence.sel $0xFFFF  }
0xc1: {  	[dreg:$0x0] =	wrdreg $0xFFFFFFFF;
	(pc) =	sbr.abs _section_cstart, $3  }
0xc2: {  	[dreg:$0x1] =	wrdreg $0xFFFFFFFF  }
0xc3: {  	_ =	task.clear_ibuf [dreg:s7], $0x2FFFF;
	_ =	strace $0x9FFFFFFF  }
0xc4: {  	(tm) =	ssettm $0x7FFFFFFF  }
0xc5: {  	_ =	shalt  }
tec
execute0_lowered:
.L_overlay_start_1:
0x0: {  	(tag) =	ssettag $0x1  }
0x1: {  	s1 =	rddreg [dreg:$0x0]  }
0x2: {  	s0 =	rddreg [dreg:$0x1]  }
0x3: {  	s2 =	rddreg [dreg:$0x2];
	s14 =	stileid.u32  }
0x4: {  	s3 =	rddreg [dreg:$0x3];
	s13 =	smul.u32 $0xA0, s14  }
0x5: {  	s5 =	simm.s32 $0x0;
	s4 =	srdreg.scid;
	s17 =	smul.u32 $0x280, s14  }
0x6: {  	[smem:$0x7FF] =	sst s5;
	s4 =	sand.u32 $0x1, s4;
	s9 =	smul.u32 $0x14000, s14  }
0x7: {  	s6 =	sadd.s32 $0xB000, s0;
	s7 =	sadd.s32 $0x1000, s0;
	s10 =	smul.u32 $0xA000, s14  }
0x8: {  	_ =	strace $0x8000004A;
	s15 =	smul.u32 $0xA000, s4;
	s8 =	ssub.s32 $0x2, s4  }
0x9: {  	s4 =	smul.u32 $0x2800, s4;
	s11 =	sadd.s32 $0x60, s13;
	s23 =	sshrl.u32 s10, $0x1  }
0xa: {  	s9 =	sshrl.u32 s9, $0x2;
	[smem:$0x7F6] =	sst s11;
	s24 =	sadd.s32 s23, s2  }
0xb: {  	v49 =	vlaneseq.u32;
	s20 =	sadd.s32 $0x40, s13;
	s12 =	sadd.s32 s9, s2;
	[dreg:$0x5] =	wrdreg s24  }
0xc: {  	s16 =	sshrl.u32 s8, $0x1;
	v4 =	vor.u32 s20, v49;
	s25 =	sadd.s32 $0x1000, s12;
	s20 =	sld [smem:$0x7F6]  }
0xd: {  	s5 =	ssub.s32 s8, s16;
	s26 =	sadd.s32 $0x2000, s12;
	[dreg:$0x6] =	wrdreg s25  }
0xe: {  	s8 =	sshrl.u32 s10, $0x4;
	s10 =	sadd.s32 $0x3000, s12;
	[dreg:$0x7] =	wrdreg s26  }
0xf: {  	s0 =	sadd.s32 s15, s0;
	s15 =	sadd.s32 $0x4000, s12;
	[dreg:$0x9] =	wrdreg s10  }
0x10: {  	s16 =	sadd.s32 s17, s4;
	s17 =	smax.u32 s5, $0x1;
	[dreg:$0xa] =	wrdreg s15  }
0x11: {  	s19 =	sadd.s32 $0x20, s13;
	s31 =	sadd.s32 $0xE0, s16;
	[dreg:$0xb] =	wrdreg s17  }
0x12: {  	s18 =	sor.u32 $0x10, s13;
	v2 =	vor.u32 s19, v49;
	s19 =	sadd.s32 $0x1F0, s16;
	[smem:$0x7F7] =	sst s31  }
0x13: {  	s21 =	sadd.s32 $0x50, s13;
	v1 =	vor.u32 s18, v49;
	s18 =	sadd.s32 $0x200, s16;
	[dreg:$0x19] =	wrdreg s19  }
0x14: {  	s22 =	sadd.s32 $0x70, s13;
	v5 =	vor.u32 s21, v49;
	s21 =	sadd.s32 $0x220, s16;
	[dreg:$0x10] =	wrdreg s18  }
0x15: {  	s23 =	sadd.s32 s23, s3;
	v7 =	vor.u32 s22, v49;
	s22 =	sadd.s32 $0x270, s16;
	[dreg:$0x1a] =	wrdreg s21  }
0x16: {  	s0 =	sadd.s32 $0x15000, s0;
	s23 =	sshrl.u32 s23, $0x3;
	[dreg:$0x15] =	wrdreg s22  }
0x17: {  	s0 =	sadd.s32 s8, s0;
	[dreg:$0xc] =	wrdreg s23  }
0x18: {  	s31 =	sadd.s32 $0xF0, s16;
	[dreg:$0x8] =	wrdreg s0  }
0x19: {  	s19 =	sadd.s32 $0x210, s16;
	[smem:$0x7F8] =	sst s31  }
0x1a: {  	s18 =	sadd.s32 $0x230, s16;
	[dreg:$0x11] =	wrdreg s19  }
0x1b: {  	s24 =	sadd.s32 $0x80, s13;
	s21 =	sadd.s32 $0x260, s16;
	[dreg:$0x12] =	wrdreg s18  }
0x1c: {  	v8 =	vor.u32 s24, v49;
	s24 =	sadd.s32 $0x50000, s3;
	[dreg:$0x14] =	wrdreg s21  }
0x1d: {  	s31 =	sadd.s32 $0x100, s16;
	[dreg:$0xd] =	wrdreg s24  }
0x1e: {  	s19 =	sadd.s32 $0x240, s16;
	[smem:$0x7F9] =	sst s31  }
0x1f: {  	s5 =	sor.u32 $0x10, s16;
	s17 =	sadd.s32 $0x80, s16;
	[dreg:$0x13] =	wrdreg s19  }
0x20: {  	s0 =	sadd.s32 s9, s3;
	v18 =	vor.u32 s17, v49;
	s31 =	sadd.s32 $0x110, s16;
	s17 =	sld [smem:$0x7F8]  }
0x21: {  	v11 =	vor.u32 s5, v49;
	s5 =	sadd.s32 $0x1000, s0;
	[smem:$0x7FA] =	sst s31  }
0x22: {  	s25 =	sadd.s32 $0xA0, s16;
	[dreg:$0xe] =	wrdreg s5  }
0x23: {  	v20 =	vor.u32 s25, v49;
	s31 =	sadd.s32 $0x120, s16;
	s25 =	sld [smem:$0x7F9]  }
0x24: {  	s26 =	sadd.s32 $0xC0, s16;
	[smem:$0x7FB] =	sst s31  }
0x25: {  	v22 =	vor.u32 s26, v49;
	s31 =	sadd.s32 $0x130, s16;
	s26 =	sld [smem:$0x7FA]  }
0x26: {  	s8 =	sor.u32 $0x30, s16;
	[smem:$0x7FC] =	sst s31  }
0x27: {  	v13 =	vor.u32 s8, v49;
	s31 =	sadd.s32 $0x140, s16;
	s8 =	sld [smem:$0x7FB]  }
0x28: {  	s9 =	sor.u32 $0x40, s16;
	[dreg:$0x1e] =	wrdreg s31  }
0x29: {  	v14 =	vor.u32 s9, v49;
	s31 =	sadd.s32 $0x150, s16;
	s9 =	sld [smem:$0x7FC]  }
0x2a: {  	s10 =	sor.u32 $0x20, s16;
	[dreg:$0x1f] =	wrdreg s31  }
0x2b: {  	v12 =	vor.u32 s10, v49;
	s31 =	sadd.s32 $0x160, s16;
	s10 =	rddreg [dreg:$0x1e]  }
0x2c: {  	s11 =	sor.u32 $0x60, s16;
	[smem:$0x7FD] =	sst s31  }
0x2d: {  	v16 =	vor.u32 s11, v49;
	s31 =	sadd.s32 $0x170, s16;
	s11 =	rddreg [dreg:$0x1f]  }
0x2e: {  	s12 =	sor.u32 $0x70, s16;
	[dreg:$0x1b] =	wrdreg s31  }
0x2f: {  	v17 =	vor.u32 s12, v49;
	s31 =	sadd.s32 $0x180, s16;
	s12 =	sld [smem:$0x7FD]  }
0x30: {  	p0 =	sne.s32 s14, $0x0;
	s14 =	sor.u32 $0x50, s16;
	[dreg:$0x1c] =	wrdreg s31  }
0x31: {  	v15 =	vor.u32 s14, v49;
	s31 =	sadd.s32 $0x190, s16;
	s14 =	rddreg [dreg:$0x1b]  }
0x32: {  	s15 =	sadd.s32 $0x90, s16;
	[dreg:$0x1d] =	wrdreg s31  }
0x33: {  	v19 =	vor.u32 s15, v49;
	s15 =	rddreg [dreg:$0x1c]  }
0x34: {  	s31 =	sadd.s32 $0x1A0, s16;
	v33 =	vor.u32 s14, v49;
	s14 =	rddreg [dreg:$0x10]  }
0x35: {  	[dreg:$0x16] =	wrdreg s31  }
0x36: {  	v32 =	vor.u32 s12, v49;
	s12 =	rddreg [dreg:$0x19]  }
0x37: {  	s31 =	sadd.s32 $0x1B0, s16;
	v34 =	vor.u32 s15, v49;
	s15 =	rddreg [dreg:$0x11]  }
0x38: {  	s30 =	sadd.s32 $0x30, s13;
	s4 =	sadd.s32 $0x90, s13;
	[dreg:$0x17] =	wrdreg s31  }
0x39: {  	v3 =	vor.u32 s30, v49;
	s30 =	simm.s32 $0xD3C0;
	s29 =	sadd.s32 $0xB0, s16;
	v25 =	vor.u32 s17, v49;
	s17 =	rddreg [dreg:$0x16]  }
0x3a: {  	s28 =	sadd.s32 $0xD0, s16;
	s31 =	sadd.s32 $0x1C0, s16;
	v43 =	vor.u32 s15, v49;
	s15 =	rddreg [dreg:$0x13]  }
0x3b: {  	v0 =	vor.u32 s13, v49;
	s13 =	sadd.s32 $0x250, s16;
	v9 =	vor.u32 s4, v49;
	s4 =	simm.s32 $0xA3C0;
	[dreg:$0x18] =	wrdreg s31  }
0x3c: {  	s22 =	simm.s32 $0x80;
	s23 =	simm.s32 $0x140;
	v29 =	vor.u32 s9, v49;
	s9 =	rddreg [dreg:$0x17]  }
0x3d: {  	v21 =	vor.u32 s29, v49;
	s29 =	simm.s32 $0x2;
	s31 =	sadd.s32 $0x1D0, s16;
	v36 =	vor.u32 s17, v49;
	s17 =	rddreg [dreg:$0x12]  }
0x3e: {  	v23 =	vor.u32 s28, v49;
	s28 =	simm.s32 $0x9;
	v47 =	vor.u32 s13, v49;
	s13 =	simm.s32 $0x8;
	[dreg:$0xf] =	wrdreg s31  }
0x3f: {  	v10 =	vor.u32 s16, v49;
	s24 =	simm.s32 $0x20;
	s31 =	sadd.s32 $0x1E0, s16;
	s16 =	sld [smem:$0x7F7]  }
0x40: {  	v6 =	vor.u32 s20, v49;
	s19 =	sadd.s32 $0x2000, s0;
	s20 =	sadd.s32 $0x3000, s0;
	v30 =	vor.u32 s10, v49;
	s10 =	rddreg [dreg:$0x18]  }
0x41: {  	v50 =	vimm.bf16 $0.0e+00;
	s18 =	smov.u32 s0;
	s21 =	sadd.s32 $0x4000, s0;
	v26 =	vor.u32 s25, v49;
	v45 =	vor.u32 s17, v49;
	s17 =	rddreg [dreg:$0x15]  }
0x42: {  	s0 =	simm.s32 $0xB3C0;
	s5 =	simm.s32 $0xC3C0;
	v27 =	vor.u32 s26, v49;
	v28 =	vor.u32 s8, v49;
	v31 =	vor.u32 s11, v49;
	s11 =	rddreg [dreg:$0xf]  }
0x43: {  	s25 =	simm.s32 $0x1;
	s26 =	simm.s32 $0xA;
	v42 =	vor.u32 s14, v49;
	v41 =	vor.u32 s12, v49;
	v24 =	vor.u32 s16, v49;
	s16 =	rddreg [dreg:$0x1d]  }
0x44: {  	s8 =	simm.s32 $0x5;
	s12 =	simm.s32 $0x4;
	v46 =	vor.u32 s15, v49;
	v37 =	vor.u32 s9, v49;
	v35 =	vor.u32 s16, v49;
	s16 =	rddreg [dreg:$0x1a]  }
0x45: {  	s15 =	simm.s32 $0x0;
	s9 =	simm.s32 $0x6;
	v38 =	vor.u32 s10, v49;
	v40 =	vor.u32 s31, v49;
	v44 =	vor.u32 s16, v49;
	s16 =	rddreg [dreg:$0x14]  }
0x46: {  	s31 =	simm.s32 $0xE3C0;
	s10 =	simm.s32 $0x3;
	v39 =	vor.u32 s11, v49;
	s11 =	simm.s32 $0x7;
	v48 =	vor.u32 s16, v49;
	v49 =	vor.u32 s17, v49  }
.LBB2_1:
0x47: {  	[tilespmem:$0x0] =	vst v0  }
0x48: {  	[tilespmem:$0xA0] =	vst v0  }
0x49: {  	[tilespmem:$0x10] =	vst v1  }
0x4a: {  	[tilespmem:$0xB0] =	vst v1  }
0x4b: {  	[tilespmem:$0x20] =	vst v2  }
0x4c: {  	[tilespmem:$0xC0] =	vst v2  }
0x4d: {  	[tilespmem:$0x30] =	vst v3  }
0x4e: {  	[tilespmem:$0xD0] =	vst v3  }
0x4f: {  	[tilespmem:$0x40] =	vst v4  }
0x50: {  	[tilespmem:$0xE0] =	vst v4  }
0x51: {  	[tilespmem:$0x50] =	vst v5  }
0x52: {  	[tilespmem:$0xF0] =	vst v5  }
0x53: {  	[tilespmem:$0x60] =	vst v6  }
0x54: {  	[tilespmem:$0x100] =	vst v6  }
0x55: {  	[tilespmem:$0x70] =	vst v7  }
0x56: {  	[tilespmem:$0x110] =	vst v7  }
0x57: {  	[tilespmem:$0x80] =	vst v8  }
0x58: {  	[tilespmem:$0x120] =	vst v8  }
0x59: {  	[tilespmem:$0x90] =	vst v9  }
0x5a: {  	[tilespmem:$0x130] =	vst v9;
	s14 =	simm.s32 $0x0  }
0x5b: {  	[tilespmem:s23], [sflag:$0x9] =	stream.indirect.gather [hbm4b:s6+s22], $0x80, s14, s22, $0xb8;
	[tilespmem:$0x193E0] =	vst v63  }
0x5c: {  	s16 =	simm.s32 $0x4140  }
0x5d: {  	[tilespmem:s16], [sflag:$0x9] =	stream.indirect.gather [hbm4b:s6+s24], $0x80, s22, s24, $0xb8;
	[tilespmem:$0x193E0] =	vst v63  }
0x5e: {  	s17 =	simm.s32 $0xA0;
	s16 =	simm.s32 $0x5140  }
0x5f: {  	[tilespmem:s16], [sflag:$0x9] =	stream.indirect.gather [hbm4b:s7+s22], $0x80, s17, s22, $0xb8;
	[tilespmem:$0x193E0] =	vst v63  }
0x60: {  	s16 =	simm.s32 $0x120;
	s17 =	simm.s32 $0x9140  }
0x61: {  	[tilespmem:s17], [sflag:$0x9] =	stream.indirect.gather [hbm4b:s7+s24], $0x80, s16, s24, $0xb8;
	[tilespmem:$0x193E0] =	vst v63  }
0x62: {  	[tilespmem:$0xA140] =	vst v10  }
0x63: {  	[tilespmem:$0xA150] =	vst v11  }
0x64: {  	[tilespmem:$0xA160] =	vst v12  }
0x65: {  	[tilespmem:$0xA170] =	vst v13  }
0x66: {  	[tilespmem:$0xA180] =	vst v14  }
0x67: {  	[tilespmem:$0xA190] =	vst v15  }
0x68: {  	[tilespmem:$0xA1A0] =	vst v16  }
0x69: {  	[tilespmem:$0xA1B0] =	vst v17  }
0x6a: {  	[tilespmem:$0xA1C0] =	vst v18  }
0x6b: {  	[tilespmem:$0xA1D0] =	vst v19  }
0x6c: {  	[tilespmem:$0xA1E0] =	vst v20  }
0x6d: {  	[tilespmem:$0xA1F0] =	vst v21  }
0x6e: {  	[tilespmem:$0xA200] =	vst v22  }
0x6f: {  	[tilespmem:$0xA210] =	vst v23  }
0x70: {  	[tilespmem:$0xA220] =	vst v24  }
0x71: {  	[tilespmem:$0xA230] =	vst v25  }
0x72: {  	[tilespmem:$0xA240] =	vst v26  }
0x73: {  	[tilespmem:$0xA250] =	vst v27  }
0x74: {  	[tilespmem:$0xA260] =	vst v28  }
0x75: {  	[tilespmem:$0xA270] =	vst v29  }
0x76: {  	[tilespmem:$0xA280] =	vst v30  }
0x77: {  	[tilespmem:$0xA290] =	vst v31  }
0x78: {  	[tilespmem:$0xA2A0] =	vst v32  }
0x79: {  	[tilespmem:$0xA2B0] =	vst v33  }
0x7a: {  	[tilespmem:$0xA2C0] =	vst v34  }
0x7b: {  	[tilespmem:$0xA2D0] =	vst v35  }
0x7c: {  	[tilespmem:$0xA2E0] =	vst v36  }
0x7d: {  	[tilespmem:$0xA2F0] =	vst v37  }
0x7e: {  	[tilespmem:$0xA300] =	vst v38  }
0x7f: {  	[tilespmem:$0xA310] =	vst v39  }
0x80: {  	[tilespmem:$0xA320] =	vst v40  }
0x81: {  	[tilespmem:$0xA330] =	vst v41  }
0x82: {  	[tilespmem:$0xA340] =	vst v42  }
0x83: {  	[tilespmem:$0xA350] =	vst v43  }
0x84: {  	[tilespmem:$0xA360] =	vst v44  }
0x85: {  	[tilespmem:$0xA370] =	vst v45  }
0x86: {  	[tilespmem:$0xA380] =	vst v46  }
0x87: {  	[tilespmem:$0xA390] =	vst v47  }
0x88: {  	[tilespmem:$0xA3A0] =	vst v48  }
0x89: {  	s16 =	simm.s32 $0xA140;
	[tilespmem:$0xA3B0] =	vst v49  }
0x8a: {  	[tilespmem:s0], [sflag:$0x1] =	stream.indirect.gather [hbm4b:s1+s22], $0x20, s16, s22, $0xb8;
	[tilespmem:$0x193E0] =	vst v63  }
0x8b: {  	s17 =	simm.s32 $0xA1C0  }
0x8c: {  	[tilespmem:s5], [sflag:$0x2] =	stream.indirect.gather [hbm4b:s1+s22], $0x20, s17, s22, $0xb8;
	[tilespmem:$0x193E0] =	vst v63  }
0x8d: {  	_ =	swait.ge [sflag:s25], $0x1000  }
0x8e: {  	[sflag:s25] =	ssyncset.done $0x0  }
0x8f: {  	s16 =	rddreg [dreg:$0x5];
	[sflag:s25] =	ssyncadd.s32 $0xFFFFF000  }
0x90: {  	[spmem:s16] =	stream.linear.scatter [tilespmem:s0], [sflag:$0xA], $0x1000, $0x38;
	[tilespmem:$0x193E0] =	vst v63  }
0x91: {  	_ =	swait.ge [sflag:s26], $0x1000  }
0x92: {  	[sflag:s26] =	ssyncset.done $0x0  }
0x93: {  	s17 =	simm.s32 $0xA240;
	[sflag:s26] =	ssyncadd.s32 $0xFFFFF000  }
0x94: {  	[tilespmem:s0], [sflag:$0x1] =	stream.indirect.gather [hbm4b:s1+s22], $0x20, s17, s22, $0xb8;
	[tilespmem:$0x193E0] =	vst v63  }
0x95: {  	_ =	swait.ge [sflag:s29], $0x1000  }
0x96: {  	[sflag:s29] =	ssyncset.done $0x0  }
0x97: {  	s16 =	rddreg [dreg:$0x6];
	[sflag:s29] =	ssyncadd.s32 $0xFFFFF000  }
0x98: {  	[spmem:s16] =	stream.linear.scatter [tilespmem:s5], [sflag:$0xA], $0x1000, $0x38;
	[tilespmem:$0x193E0] =	vst v63  }
0x99: {  	_ =	swait.ge [sflag:s26], $0x1000  }
0x9a: {  	[sflag:s26] =	ssyncset.done $0x0  }
0x9b: {  	s17 =	simm.s32 $0xA2C0;
	[sflag:s26] =	ssyncadd.s32 $0xFFFFF000  }
0x9c: {  	[tilespmem:s5], [sflag:$0x2] =	stream.indirect.gather [hbm4b:s1+s22], $0x20, s17, s22, $0xb8;
	[tilespmem:$0x193E0] =	vst v63  }
0x9d: {  	_ =	swait.ge [sflag:s25], $0x1000  }
0x9e: {  	[sflag:s25] =	ssyncset.done $0x0  }
0x9f: {  	s16 =	rddreg [dreg:$0x7];
	[sflag:s25] =	ssyncadd.s32 $0xFFFFF000  }
0xa0: {  	[spmem:s16] =	stream.linear.scatter [tilespmem:s0], [sflag:$0xA], $0x1000, $0x38;
	[tilespmem:$0x193E0] =	vst v63  }
0xa1: {  	_ =	swait.ge [sflag:s26], $0x1000  }
0xa2: {  	[sflag:s26] =	ssyncset.done $0x0  }
0xa3: {  	s17 =	simm.s32 $0xA340;
	[sflag:s26] =	ssyncadd.s32 $0xFFFFF000  }
0xa4: {  	[tilespmem:s0], [sflag:$0x1] =	stream.indirect.gather [hbm4b:s1+s22], $0x20, s17, s22, $0xb8;
	[tilespmem:$0x193E0] =	vst v63  }
0xa5: {  	_ =	swait.ge [sflag:s29], $0x1000  }
0xa6: {  	[sflag:s29] =	ssyncset.done $0x0  }
0xa7: {  	s16 =	rddreg [dreg:$0x9];
	[sflag:s29] =	ssyncadd.s32 $0xFFFFF000  }
0xa8: {  	[spmem:s16] =	stream.linear.scatter [tilespmem:s5], [sflag:$0xA], $0x1000, $0x38;
	[tilespmem:$0x193E0] =	vst v63  }
0xa9: {  	_ =	swait.ge [sflag:s26], $0x1000  }
0xaa: {  	[sflag:s26] =	ssyncset.done $0x0  }
0xab: {  	[sflag:s26] =	ssyncadd.s32 $0xFFFFF000  }
0xac: {  	_ =	swait.ge [sflag:s25], $0x1000  }
0xad: {  	[sflag:s25] =	ssyncset.done $0x0  }
0xae: {  	s17 =	rddreg [dreg:$0xa];
	[sflag:s25] =	ssyncadd.s32 $0xFFFFF000  }
0xaf: {  	[spmem:s17] =	stream.linear.scatter [tilespmem:s0], [sflag:$0xA], $0x1000, $0x38;
	[tilespmem:$0x193E0] =	vst v63  }
0xb0: {  	_ =	swait.ge [sflag:s26], $0x1000  }
0xb1: {  	[sflag:s26] =	ssyncset.done $0x0  }
0xb2: {  	s14 =	simm.s32 $0x80;
	s16 =	simm.s32 $0x0;
	[sflag:s26] =	ssyncadd.s32 $0xFFFFF000  }
.LBB2_2:
0xb3: {  	p1 =	sne.s32 s14, $0x3F80;
	[tilespmem:s16+$0xA3C0] =	vst v50;
	s17 =	smov.u32 s14;
	s14 =	sadd.s32 $0x80, s14  }
.Ltmp0:
0xb4: {  	[tilespmem:s16+$0xA3D0] =	vst v50;
	(pc) =	sbr.rel @p1 .LBB2_2-.Ltmp0, $2  }
0xb5: {  	_ =	sdelay $0x2  }
0xb6: {  	s16 =	sshra.s32 s17, $0x2  }
0xb7: {  	[tilespmem:s16+$0xA3C0] =	vst v50  }
0xb8: {  	[tilespmem:s16+$0xA3D0] =	vst v50  }
0xb9: {  	[spmem:s18] =	stream.linear.scatter [tilespmem:s4], [sflag:$0xA], $0x1000, $0x38;
	[tilespmem:$0x193E0] =	vst v63  }
0xba: {  	_ =	swait.ge [sflag:s26], $0x1000  }
0xbb: {  	[sflag:s26] =	ssyncset.done $0x0  }
0xbc: {  	s14 =	rddreg [dreg:$0xe];
	[sflag:s26] =	ssyncadd.s32 $0xFFFFF000  }
0xbd: {  	[spmem:s14] =	stream.linear.scatter [tilespmem:s4], [sflag:$0xA], $0x1000, $0x38;
	[tilespmem:$0x193E0] =	vst v63  }
0xbe: {  	_ =	swait.ge [sflag:s26], $0x1000  }
0xbf: {  	[sflag:s26] =	ssyncset.done $0x0  }
0xc0: {  	[sflag:s26] =	ssyncadd.s32 $0xFFFFF000  }
0xc1: {  	[spmem:s19] =	stream.linear.scatter [tilespmem:s4], [sflag:$0xA], $0x1000, $0x38;
	[tilespmem:$0x193E0] =	vst v63  }
0xc2: {  	_ =	swait.ge [sflag:s26], $0x1000  }
0xc3: {  	[sflag:s26] =	ssyncset.done $0x0  }
0xc4: {  	[sflag:s26] =	ssyncadd.s32 $0xFFFFF000  }
0xc5: {  	[spmem:s20] =	stream.linear.scatter [tilespmem:s4], [sflag:$0xA], $0x1000, $0x38;
	[tilespmem:$0x193E0] =	vst v63  }
0xc6: {  	_ =	swait.ge [sflag:s26], $0x1000  }
0xc7: {  	[sflag:s26] =	ssyncset.done $0x0  }
0xc8: {  	[sflag:s26] =	ssyncadd.s32 $0xFFFFF000  }
0xc9: {  	[spmem:s21] =	stream.linear.scatter [tilespmem:s4], [sflag:$0xA], $0x1000, $0x38;
	[tilespmem:$0x193E0] =	vst v63  }
0xca: {  	_ =	swait.ge [sflag:s26], $0x1000  }
0xcb: {  	[sflag:s26] =	ssyncset.done $0x0  }
0xcc: {  	s14 =	simm.s32 @!p0 $0xA3C0;
	s16 =	rddreg [dreg:$0xd];
	[sflag:s26] =	ssyncadd.s32 $0xFFFFF000  }
0xcd: {  	[spmem:s16] =	stream.linear.scatter @!p0 [tilespmem:s14], [sflag:$0xA], $0x200, $0x38;
	[tilespmem:$0x193E0] =	vst v63  }
0xce: {  	s14 =	simm.s32 @!p0 $0xA  }
0xcf: {  	_ =	swait.ge @!p0 [sflag:s14], $0x200  }
0xd0: {  	[sflag:s14] =	ssyncset.done @!p0 $0x0  }
0xd1: {  	[sflag:s14] =	ssyncadd.s32 @!p0 $0xFFFFFE00  }
0xd2: {  	_ =	swait.ge [sflag:s28], $0x4000  }
0xd3: {  	[sflag:s28] =	ssyncset.done $0x0  }
0xd4: {  	[sflag:s28] =	ssyncadd.s32 $0xFFFFC000  }
0xd5: {  	_ =	swait.ge [sflag:s28], $0x1000  }
0xd6: {  	[sflag:s28] =	ssyncset.done $0x0  }
0xd7: {  	[sflag:s28] =	ssyncadd.s32 $0xFFFFF000  }
0xd8: {  	_ =	swait.ge [sflag:s28], $0x4000  }
0xd9: {  	[sflag:s28] =	ssyncset.done $0x0  }
0xda: {  	[sflag:s28] =	ssyncadd.s32 $0xFFFFC000  }
0xdb: {  	_ =	swait.ge [sflag:s28], $0x1000  }
0xdc: {  	[sflag:s28] =	ssyncset.done $0x0  }
0xdd: {  	[sflag:s28] =	ssyncadd.s32 $0xFFFFF000  }
0xde: {  	[bflag:$0x0] =	sbarrier.arrive $0xFFFF  }
0xdf: {  	[tilespmem:s0], [sflag:$0x1] =	stream.indirect.gather [spmem:s2], $0x20, s23, s22, $0xb8;
	[tilespmem:$0x193E0] =	vst v63  }
0xe0: {  	s16 =	simm.s32 $0x1C0  }
0xe1: {  	[tilespmem:s5], [sflag:$0x2] =	stream.indirect.gather [spmem:s2], $0x20, s16, s22, $0xb8;
	[tilespmem:$0x193E0] =	vst v63  }
0xe2: {  	s17 =	simm.s32 $0x240  }
0xe3: {  	[tilespmem:s30], [sflag:$0x3] =	stream.indirect.gather [spmem:s2], $0x20, s17, s22, $0xb8;
	[tilespmem:$0x193E0] =	vst v63  }
0xe4: {  	s16 =	simm.s32 $0x2C0  }
0xe5: {  	[tilespmem:s31], [sflag:$0x4] =	stream.indirect.gather [spmem:s2], $0x20, s16, s22, $0xb8;
	[tilespmem:$0x193E0] =	vst v63  }
0xe6: {  	_ =	swait.ge [sflag:s25], $0x1000  }
0xe7: {  	[sflag:s25] =	ssyncset.done $0x0  }
0xe8: {  	s17 =	simm.s32 $0x5140;
	[sflag:s25] =	ssyncadd.s32 $0xFFFFF000  }
0xe9: {  	[spmem:s3] =	stream.indirect.scatter.add.bf16 [tilespmem:s0], [sflag:$0x5], $0x20, s17, s22, $0xb8;
	[tilespmem:$0x193E0] =	vst v63  }
0xea: {  	_ =	swait.ge [sflag:s8], $0x1000  }
0xeb: {  	[sflag:s8] =	ssyncset.done $0x0  }
0xec: {  	s16 =	simm.s32 $0x340;
	[sflag:s8] =	ssyncadd.s32 $0xFFFFF000  }
0xed: {  	[tilespmem:s0], [sflag:$0x1] =	stream.indirect.gather [spmem:s2], $0x20, s16, s22, $0xb8;
	[tilespmem:$0x193E0] =	vst v63  }
0xee: {  	_ =	swait.ge [sflag:s29], $0x1000  }
0xef: {  	[sflag:s29] =	ssyncset.done $0x0  }
0xf0: {  	s17 =	simm.s32 $0x51C0;
	[sflag:s29] =	ssyncadd.s32 $0xFFFFF000  }
0xf1: {  	[spmem:s3] =	stream.indirect.scatter.add.bf16 [tilespmem:s5], [sflag:$0x6], $0x20, s17, s22, $0xb8;
	[tilespmem:$0x193E0] =	vst v63  }
0xf2: {  	_ =	swait.ge [sflag:s9], $0x1000  }
0xf3: {  	[sflag:s9] =	ssyncset.done $0x0  }
0xf4: {  	s16 =	simm.s32 $0x3C0;
	[sflag:s9] =	ssyncadd.s32 $0xFFFFF000  }
0xf5: {  	[tilespmem:s5], [sflag:$0x2] =	stream.indirect.gather [spmem:s2], $0x20, s16, s22, $0xb8;
	[tilespmem:$0x193E0] =	vst v63  }
0xf6: {  	_ =	swait.ge [sflag:s10], $0x1000  }
0xf7: {  	[sflag:s10] =	ssyncset.done $0x0  }
0xf8: {  	s17 =	simm.s32 $0x5240;
	[sflag:s10] =	ssyncadd.s32 $0xFFFFF000  }
0xf9: {  	[spmem:s3] =	stream.indirect.scatter.add.bf16 [tilespmem:s30], [sflag:$0x7], $0x20, s17, s22, $0xb8;
	[tilespmem:$0x193E0] =	vst v63  }
0xfa: {  	_ =	swait.ge [sflag:s11], $0x1000  }
0xfb: {  	[sflag:s11] =	ssyncset.done $0x0  }
0xfc: {  	s16 =	simm.s32 $0x440;
	[sflag:s11] =	ssyncadd.s32 $0xFFFFF000  }
0xfd: {  	[tilespmem:s30], [sflag:$0x3] =	stream.indirect.gather [spmem:s2], $0x20, s16, s22, $0xb8;
	[tilespmem:$0x193E0] =	vst v63  }
0xfe: {  	_ =	swait.ge [sflag:s12], $0x1000  }
0xff: {  	[sflag:s12] =	ssyncset.done $0x0  }
0x100: {  	s17 =	simm.s32 $0x52C0;
	[sflag:s12] =	ssyncadd.s32 $0xFFFFF000  }
0x101: {  	[spmem:s3] =	stream.indirect.scatter.add.bf16 [tilespmem:s31], [sflag:$0x8], $0x20, s17, s22, $0xb8;
	[tilespmem:$0x193E0] =	vst v63  }
0x102: {  	_ =	swait.ge [sflag:s13], $0x1000  }
0x103: {  	[sflag:s13] =	ssyncset.done $0x0  }
0x104: {  	s14 =	simm.s32 $0x800;
	s16 =	simm.s32 $0x4C0;
	[sflag:s13] =	ssyncadd.s32 $0xFFFFF000  }
.LBB2_4:
0x105: {  	[tilespmem:s31], [sflag:$0x4] =	stream.indirect.gather [spmem:s2], $0x20, s16, s22, $0xb8;
	[tilespmem:$0x193E0] =	vst v63  }
0x106: {  	s16 =	smov.u32 s14  }
0x107: {  	p1 =	sne.s32 s14, $0x13000;
	s14 =	sadd.s32 $0x800, s14;
	_ =	swait.ge [sflag:s25], $0x1000  }
0x108: {  	s16 =	sshra.s32 s16, $0x2;
	[sflag:s25] =	ssyncset.done $0x0  }
0x109: {  	s17 =	sadd.s32 $0x5140, s16;
	[sflag:s25] =	ssyncadd.s32 $0xFFFFF000  }
0x10a: {  	[spmem:s3] =	stream.indirect.scatter.add.bf16 [tilespmem:s0], [sflag:$0x5], $0x20, s17, s22, $0xb8;
	[tilespmem:$0x193E0] =	vst v63  }
0x10b: {  	_ =	swait.ge [sflag:s8], $0x1000  }
0x10c: {  	[sflag:s8] =	ssyncset.done $0x0  }
0x10d: {  	s17 =	sadd.s32 $0x340, s16;
	[sflag:s8] =	ssyncadd.s32 $0xFFFFF000  }
0x10e: {  	[tilespmem:s0], [sflag:$0x1] =	stream.indirect.gather [spmem:s2], $0x20, s17, s22, $0xb8;
	[tilespmem:$0x193E0] =	vst v63  }
0x10f: {  	_ =	swait.ge [sflag:s29], $0x1000  }
0x110: {  	[sflag:s29] =	ssyncset.done $0x0  }
0x111: {  	s17 =	sadd.s32 $0x51C0, s16;
	[sflag:s29] =	ssyncadd.s32 $0xFFFFF000  }
0x112: {  	[spmem:s3] =	stream.indirect.scatter.add.bf16 [tilespmem:s5], [sflag:$0x6], $0x20, s17, s22, $0xb8;
	[tilespmem:$0x193E0] =	vst v63  }
0x113: {  	_ =	swait.ge [sflag:s9], $0x1000  }
0x114: {  	[sflag:s9] =	ssyncset.done $0x0  }
0x115: {  	s17 =	sadd.s32 $0x3C0, s16;
	[sflag:s9] =	ssyncadd.s32 $0xFFFFF000  }
0x116: {  	[tilespmem:s5], [sflag:$0x2] =	stream.indirect.gather [spmem:s2], $0x20, s17, s22, $0xb8;
	[tilespmem:$0x193E0] =	vst v63  }
0x117: {  	_ =	swait.ge [sflag:s10], $0x1000  }
0x118: {  	[sflag:s10] =	ssyncset.done $0x0  }
0x119: {  	s17 =	sadd.s32 $0x5240, s16;
	[sflag:s10] =	ssyncadd.s32 $0xFFFFF000  }
0x11a: {  	[spmem:s3] =	stream.indirect.scatter.add.bf16 [tilespmem:s30], [sflag:$0x7], $0x20, s17, s22, $0xb8;
	[tilespmem:$0x193E0] =	vst v63  }
0x11b: {  	_ =	swait.ge [sflag:s11], $0x1000  }
0x11c: {  	[sflag:s11] =	ssyncset.done $0x0  }
0x11d: {  	s17 =	sadd.s32 $0x440, s16;
	[sflag:s11] =	ssyncadd.s32 $0xFFFFF000  }
0x11e: {  	[tilespmem:s30], [sflag:$0x3] =	stream.indirect.gather [spmem:s2], $0x20, s17, s22, $0xb8;
	[tilespmem:$0x193E0] =	vst v63  }
0x11f: {  	_ =	swait.ge [sflag:s12], $0x1000  }
0x120: {  	[sflag:s12] =	ssyncset.done $0x0  }
.Ltmp1:
0x121: {  	s17 =	sadd.s32 $0x52C0, s16;
	[sflag:s12] =	ssyncadd.s32 $0xFFFFF000;
	(pc) =	sbr.rel @p1 .LBB2_4-.Ltmp1, $4  }
0x122: {  	[spmem:s3] =	stream.indirect.scatter.add.bf16 [tilespmem:s31], [sflag:$0x8], $0x20, s17, s22, $0xb8;
	[tilespmem:$0x193E0] =	vst v63  }
0x123: {  	_ =	swait.ge [sflag:s13], $0x1000  }
0x124: {  	[sflag:s13] =	ssyncset.done $0x0  }
0x125: {  	s16 =	sadd.s32 $0x4C0, s16;
	[sflag:s13] =	ssyncadd.s32 $0xFFFFF000  }
0x126: {  	[tilespmem:s31], [sflag:$0x4] =	stream.indirect.gather [spmem:s2], $0x20, s16, s22, $0xb8;
	[tilespmem:$0x193E0] =	vst v63  }
0x127: {  	_ =	swait.ge [sflag:s25], $0x1000  }
0x128: {  	[sflag:s25] =	ssyncset.done $0x0  }
0x129: {  	s14 =	simm.s32 $0x9F40;
	[sflag:s25] =	ssyncadd.s32 $0xFFFFF000  }
0x12a: {  	[spmem:s3] =	stream.indirect.scatter.add.bf16 [tilespmem:s0], [sflag:$0x5], $0x20, s14, s22, $0xb8;
	[tilespmem:$0x193E0] =	vst v63  }
0x12b: {  	_ =	swait.ge [sflag:s29], $0x1000  }
0x12c: {  	[sflag:s29] =	ssyncset.done $0x0  }
0x12d: {  	s17 =	simm.s32 $0x9FC0;
	[sflag:s29] =	ssyncadd.s32 $0xFFFFF000  }
0x12e: {  	[spmem:s3] =	stream.indirect.scatter.add.bf16 [tilespmem:s5], [sflag:$0x6], $0x20, s17, s22, $0xb8;
	[tilespmem:$0x193E0] =	vst v63  }
0x12f: {  	_ =	swait.ge [sflag:s10], $0x1000  }
0x130: {  	[sflag:s10] =	ssyncset.done $0x0  }
0x131: {  	s16 =	simm.s32 $0xA040;
	[sflag:s10] =	ssyncadd.s32 $0xFFFFF000  }
0x132: {  	[spmem:s3] =	stream.indirect.scatter.add.bf16 [tilespmem:s30], [sflag:$0x7], $0x20, s16, s22, $0xb8;
	[tilespmem:$0x193E0] =	vst v63  }
0x133: {  	_ =	swait.ge [sflag:s12], $0x1000  }
0x134: {  	[sflag:s12] =	ssyncset.done $0x0  }
0x135: {  	s17 =	simm.s32 $0xA0C0;
	[sflag:s12] =	ssyncadd.s32 $0xFFFFF000  }
0x136: {  	[spmem:s3] =	stream.indirect.scatter.add.bf16 [tilespmem:s31], [sflag:$0x8], $0x20, s17, s22, $0xb8;
	[tilespmem:$0x193E0] =	vst v63  }
0x137: {  	_ =	swait.ge [sflag:s8], $0x1000  }
0x138: {  	[sflag:s8] =	ssyncset.done $0x0  }
0x139: {  	[sflag:s8] =	ssyncadd.s32 $0xFFFFF000  }
0x13a: {  	_ =	swait.ge [sflag:s9], $0x1000  }
0x13b: {  	[sflag:s9] =	ssyncset.done $0x0  }
0x13c: {  	[sflag:s9] =	ssyncadd.s32 $0xFFFFF000  }
0x13d: {  	_ =	swait.ge [sflag:s11], $0x1000  }
0x13e: {  	[sflag:s11] =	ssyncset.done $0x0  }
0x13f: {  	[sflag:s11] =	ssyncadd.s32 $0xFFFFF000  }
0x140: {  	_ =	swait.ge [sflag:s13], $0x1000  }
0x141: {  	[sflag:s13] =	ssyncset.done $0x0  }
0x142: {  	[sflag:s13] =	ssyncadd.s32 $0xFFFFF000  }
0x143: {  	s16 =	stileid.u32;
	[bflag:$0x0] =	sbarrier.arrive $0xFFFF  }
0x144: {  	s14 =	sshll.u32 s16, $0x6;
	s16 =	rddreg [dreg:$0x8]  }
0x145: {  	s14 =	sor.u32 $0x1C0A, s14;
	s17 =	rddreg [dreg:$0xc]  }
0x146: {  	[hbm:s16], [sflag:s14] =	dma.local [spmem:s17], $0xA00  }
0x147: {  	_ =	swait.ge [sflag:s26], $0xA00  }
0x148: {  	s15 =	sadd.s32 $0x1, s15;
	s17 =	rddreg [dreg:$0xb]  }
0x149: {  	p1 =	sne.s32 s15, s17  }
.Ltmp2:
0x14a: {  	_ = 	snop;
	(pc) =	sbr.rel @p1 .LBB2_1-.Ltmp2, $3  }
0x14b: {  	_ =	sdelay $0x1  }
0x14c: {  	[sflag:s26] =	ssyncset.done $0x0  }
0x14d: {  	[sflag:s26] =	ssyncadd.s32 $0xFFFFF600  }
0x14e: {  	_ =	sfence.sel $0x180000  }
0x14f: {  	[bflag:$0x0] =	sbarrier.arrive $0xFFFF  }
0x150: {  	_ =	strace $0x9000004A  }
0x151: {  	[bflag:$0x2] =	sbarrier.arrive $0xFFFF  }
0x152: {  	s0 =	rddreg [dreg:$0x4]  }
0x153: {  	s0 =	sadd.s32 @!p0 $0x100000, s0  }
0x154: {  	[sflag:s0] =	ssyncadd.tile.s32 @!p0 $0x1;
	_ =	shalt  }
.Lfunc_end2:
_tile_overlayer_lowered:
.L_overlay_start_2:
0x155: {  	(tag) =	ssettag $0x2  }
0x156: {  	s0 =	rddreg [dreg:$0x0];
	s2 =	stileid.u32  }
0x157: {  	s1 =	rddreg [dreg:$0x1];
	p0 =	sne.s32 s2, $0x0  }
0x158: {  	s3 =	rddreg [dreg:$0x2];
	[bflag:$0x3] =	sbarrier.arrive $0xFFFF;
	s2 =	simm.s32 @!p0 $0x1C0A  }
0x159: {  	[timem:s3], [sflag:s2] =	dma.local @!p0 [hbm:s0], s1  }
0x15a: {  	s0 =	simm.s32 @!p0 $0xA  }
0x15b: {  	_ =	swait.ge @!p0 [sflag:s0], s1  }
0x15c: {  	s1 =	ssub.s32 @!p0 $0x0, s1;
	[sflag:s0] =	ssyncset.done @!p0 $0x0  }
0x15d: {  	[sflag:s0] =	ssyncadd.s32 @!p0 s1  }
0x15e: {  	[bflag:$0x3] =	sbarrier.arrive $0xFFFF  }
0x15f: {  	_ =	shalt  }

// kernel: kernel.7.cloned.1.call-start
scs
__scs_entry_jumppad:
0x0: {  	(pc) =	sbr.rel $0x88, $3  }
0x1: {  	(tag) =	ssettag $0x0;
	lr =	simm.s32 $0x1  }
0x2: {  	[smem:$0x3F9B] =	sst lr;
	_ =	strace $0xD0000000  }
0x3: {  	_ = 	snop  }
0x4: {  	_ = 	snop  }
0x5: {  	_ = 	snop  }
0x6: {  	_ = 	snop  }
0x7: {  	_ = 	snop  }
__scs_overlays_trampoline_lowered:
0x8: {  	[smem:$0x3FAA] =	sst s0  }
0x9: {  	[smem:$0x3FAB] =	sst s1  }
0xa: {  	[smem:$0x3FAC] =	sst s2  }
0xb: {  	[smem:$0x3FAD] =	sst s3  }
0xc: {  	[smem:$0x3FAE] =	sst s4  }
0xd: {  	[smem:$0x3FAF] =	sst s5  }
0xe: {  	[smem:$0x3FB0] =	sst s6  }
0xf: {  	[smem:$0x3FB1] =	sst s7  }
0x10: {  	[smem:$0x3FB2] =	sst s8  }
0x11: {  	[smem:$0x3FB3] =	sst s9;
	s0 =	simm.s32 @!p0 $0x0  }
0x12: {  	s1 =	sld [smem:$0x3F99];
	s0 =	simm.s32 @p0 $0x1  }
0x13: {  	[smem:$0x3FB4] =	sst s0;
	s0 =	simm.s32 @!p1 $0x0  }
0x14: {  	s2 =	sld [smem:$0x3F98];
	s0 =	simm.s32 @p1 $0x1  }
0x15: {  	[smem:$0x3FB5] =	sst s0;
	s0 =	simm.s32 @!p2 $0x0  }
0x16: {  	s3 =	sld [smem:$0x3FDB];
	s0 =	simm.s32 @p2 $0x1  }
0x17: {  	s4 =	simm.s32 $0x1BF5;
	[smem:$0x3FB7] =	sst s0  }
0x18: {  	s0 =	sld [smem:$0x3F9A];
	_ =	swait.ge [sflag:s4], $0x0  }
0x19: {  	s7 =	sld [smem:$0x3F9B]  }
0x1a: {  	s8 =	sadd.s32 $0xFFFFE003, lr  }
0x1b: {  	s9 =	sadd.s32 $0xFFFFFEF7, lr;
	s5 =	simm.s32 $0xFFFFFFFF;
	p2 =	slt.u32 s8, $0xFFFFF086  }
0x1c: {  	p1 =	slt.u32 s9, $0xF7A;
	s5 =	simm.s32 @!p2 $0x0  }
0x1d: {  	s5 =	simm.s32 @p1 $0x1;
	p0 =	seq.s32 s7, s2  }
0x1e: {  	s7 =	smul.u32 @!p0 $0xF7A, s2;
	p2 =	seq.s32 @!p0 s5, $0x0  }
0x1f: {  	s9 =	smul.u32 $0xF7A, s1;
	s8 =	simm.s32 @!p0 $0x1BF5;
	p2 =	por !p2, p0  }
0x20: {  	[sflag:s8] =	ssyncset.s32 @!p0 $0xFFFFF086;
	s6 =	sadd.s32 @!p0 s3, s7;
	s7 =	simm.s32 @!p0 $0x108  }
0x21: {  	s3 =	sadd.s32 s3, s9;
	s6 =	sadd.s32 @!p0 $0x88, s6;
	s7 =	simm.s32 @p2 $0x1082  }
0x22: {  	[simem:s7], [sflag:s8] =	dma.local @!p0 [hbm:s6], $0xF7A  }
0x23: {  	s9 =	sor.u32 $0xD0000000, s2;
	s6 =	simm.s32 $0x108;
	_ =	swait.ge @!p0 [sflag:s8], $0x0  }
0x24: {  	s3 =	sadd.s32 $0x88, s3;
	s6 =	simm.s32 @!p1 $0x1082;
	[sflag:s4] =	ssyncset.s32 $0xFFFFF086  }
0x25: {  	[simem:s6], [sflag:s4] =	dma.local [hbm:s3], $0xF7A  }
0x26: {  	[smem:$0x3F9B] =	sst s1;
	(tag) =	ssettag s2;
	_ =	strace s9  }
0x27: {  	s1 =	sld [smem:$0x3FAB]  }
0x28: {  	s2 =	sld [smem:$0x3FAC]  }
0x29: {  	s4 =	sld [smem:$0x3FAE]  }
0x2a: {  	p0 =	seq.s32 s5, $0x0;
	s5 =	sld [smem:$0x3FAF]  }
0x2b: {  	s6 =	sld [smem:$0x3FB0]  }
0x2c: {  	s7 =	sld [smem:$0x3FB1]  }
0x2d: {  	s3 =	simm.s32 $0x108;
	s8 =	sld [smem:$0x3FB2]  }
0x2e: {  	s3 =	simm.s32 @!p0 $0x1082;
	s9 =	sld [smem:$0x3FB3]  }
0x2f: {  	lr =	sadd.s32 s0, s3;
	s0 =	sld [smem:$0x3FAA]  }
0x30: {  	s3 =	sld [smem:$0x3FAD]  }
0x31: {  	[smem:$0x3FB6] =	sst s10  }
0x32: {  	s10 =	sld [smem:$0x3FB4];
	_ =	sdelay $0x3  }
0x33: {  	p0 =	seq.s32 s10, $0x1;
	s10 =	sld [smem:$0x3FB6];
	_ =	sdelay $0x3  }
0x34: {  	[smem:$0x3FB6] =	sst s10  }
0x35: {  	s10 =	sld [smem:$0x3FB5];
	_ =	sdelay $0x3  }
0x36: {  	p1 =	seq.s32 s10, $0x1;
	s10 =	sld [smem:$0x3FB6];
	_ =	sdelay $0x3  }
0x37: {  	[smem:$0x3FB6] =	sst s10  }
0x38: {  	s10 =	sld [smem:$0x3FB7]  }
0x39: {  	_ = 	snop;
	(pc) =	sbr.ind lr, $3  }
0x3a: {  	_ = 	snop  }
0x3b: {  	_ = 	snop  }
0x3c: {  	p2 =	seq.s32 s10, $0x1;
	s10 =	sld [smem:$0x3FB6]  }
0x3d: {  	_ =	shalt  }
0x3e: {  	_ =	shalt  }
0x3f: {  	_ =	shalt  }
0x40: {  	_ =	shalt  }
0x41: {  	_ =	shalt  }
0x42: {  	_ =	shalt  }
0x43: {  	_ =	shalt  }
0x44: {  	_ =	shalt  }
0x45: {  	_ =	shalt  }
0x46: {  	_ =	shalt  }
0x47: {  	_ =	shalt  }
0x48: {  	_ =	shalt  }
0x49: {  	_ =	shalt  }
0x4a: {  	_ =	shalt  }
0x4b: {  	_ =	shalt  }
0x4c: {  	_ =	shalt  }
0x4d: {  	_ =	shalt  }
0x4e: {  	_ =	shalt  }
0x4f: {  	_ =	shalt  }
0x50: {  	_ =	shalt  }
0x51: {  	_ =	shalt  }
0x52: {  	_ =	shalt  }
0x53: {  	_ =	shalt  }
0x54: {  	_ =	shalt  }
0x55: {  	_ =	shalt  }
0x56: {  	_ =	shalt  }
0x57: {  	_ =	shalt  }
0x58: {  	_ =	shalt  }
0x59: {  	_ =	shalt  }
0x5a: {  	_ =	shalt  }
0x5b: {  	_ =	shalt  }
0x5c: {  	_ =	shalt  }
0x5d: {  	_ =	shalt  }
0x5e: {  	_ =	shalt  }
0x5f: {  	_ =	shalt  }
0x60: {  	_ =	shalt  }
0x61: {  	_ =	shalt  }
0x62: {  	_ =	shalt  }
0x63: {  	_ =	shalt  }
0x64: {  	_ =	shalt  }
0x65: {  	_ =	shalt  }
0x66: {  	_ =	shalt  }
0x67: {  	_ =	shalt  }
0x68: {  	_ =	shalt  }
0x69: {  	_ =	shalt  }
0x6a: {  	_ =	shalt  }
0x6b: {  	_ =	shalt  }
0x6c: {  	_ =	shalt  }
0x6d: {  	_ =	shalt  }
0x6e: {  	_ =	shalt  }
0x6f: {  	_ =	shalt  }
0x70: {  	_ =	shalt  }
0x71: {  	_ =	shalt  }
0x72: {  	_ =	shalt  }
0x73: {  	_ =	shalt  }
0x74: {  	_ =	shalt  }
0x75: {  	_ =	shalt  }
0x76: {  	_ =	shalt  }
0x77: {  	_ =	shalt  }
0x78: {  	_ =	shalt  }
0x79: {  	_ =	shalt  }
0x7a: {  	_ =	shalt  }
0x7b: {  	_ =	shalt  }
0x7c: {  	_ =	shalt  }
0x7d: {  	_ =	shalt  }
0x7e: {  	_ =	shalt  }
0x7f: {  	_ =	shalt  }
0x80: {  	_ =	shalt  }
0x81: {  	_ =	shalt  }
0x82: {  	_ =	shalt  }
0x83: {  	_ =	shalt  }
0x84: {  	_ =	shalt  }
0x85: {  	_ =	shalt  }
0x86: {  	_ =	shalt  }
0x87: {  	_ =	shalt  }
.Lfunc_end0:
.L_simem_size_0:
called_computation_lowered:
.L_overlay_start_0:
0x88: {  	s2 =	sld [smem:$0x3FD9]  }
0x89: {  	s3 =	sld [smem:$0x3FFE];
	_ =	sdelay $0x1  }
0x8a: {  	s1 =	srdreg.scid  }
0x8b: {  	s0 =	sand.u32 $0x1, s1  }
0x8c: {  	s17 =	sshll.u32 s0, $0xA;
	s2 =	sadd.s32 s3, s2  }
0x8d: {  	s2 =	sadd.s32 s2, s17  }
0x8e: {  	[smem:$0x3FC2] =	sst s2  }
0x8f: {  	_ = 	snop  }
0x90: {  	s2 =	sld [smem:$0x3FD0];
	(tm) =	ssettm $0x1  }
0x91: {  	s18 =	sld [smem:$0x3FFB];
	_ =	sdelay $0x3  }
0x92: {  	_ =	strace s18  }
0x93: {  	s3 =	sld [smem:$0x3FFC];
	_ =	sdelay $0x3  }
0x94: {  	_ =	strace s3  }
0x95: {  	s3 =	sld [smem:$0x3FFD];
	_ =	sdelay $0x3  }
0x96: {  	_ =	strace s3  }
0x97: {  	_ =	strace $0x8FFFFFFF  }
0x98: {  	s19 =	sld [smem:$0x3FDB];
	_ =	sdelay $0x1  }
0x99: {  	s4 =	simm.s32 $_scs_section_size  }
0x9a: {  	s5 =	simm.s32 $_size__tile_overlayer_lowered;
	s6 =	simm.s32 $_tile_overlayer_lowered  }
0x9b: {  	s22 =	simm.s32 $0x1BFF;
	s21 =	sshll.u32 s6, $0x1;
	s3 =	sadd.s32 s4, s19  }
0x9c: {  	s7 =	simm.s32 $0x0;
	s20 =	sshll.u32 s5, $0x1;
	s5 =	sadd.s32 s21, s3  }
0x9d: {  	[timem:s7], [sflag:s22] =	dma.local [hbm:s5], s20  }
0x9e: {  	_ =	swait.ge [sflag:s22], s20  }
0x9f: {  	s4 =	ssub.s32 $0x0, s20;
	[sflag:s22] =	ssyncset.done $0x0  }
0xa0: {  	[sflag:s22] =	ssyncadd.s32 s4;
	_ =	sdelay $0x1  }
0xa1: {  	s23 =	simm.s32 $0x1B8B  }
0xa2: {  	_ =	swait.ge [sflag:s23], $0x1  }
0xa3: {  	[sflag:s23] =	ssyncset.done $0x0  }
0xa4: {  	s25 =	simm.s32 $0x1B8E;
	s24 =	sld [smem:$0x3FFE];
	[sflag:s23] =	ssyncadd.s32 $0xFFFFFFFF  }
0xa5: {  	s26 =	simm.s32 $execute0_lowered;
	[smem:$0x3FD2] =	sst s25  }
0xa6: {  	s5 =	sshll.u32 s26, $0x1;
	_ =	strace $0x80000046;
	[dreg:$0x1] =	wrdreg $0xFFFFFFFF  }
0xa7: {  	s28 =	simm.s32 $_size_execute0_lowered;
	s3 =	sadd.s32 s3, s5;
	[dreg:$0x0] =	wrdreg $0x0  }
0xa8: {  	s5 =	sshll.u32 s28, $0x1;
	[dreg:$0x2] =	wrdreg s3  }
0xa9: {  	[dreg:$0x3] =	wrdreg s5  }
0xaa: {  	[dreg:$0x4] =	wrdreg $0xC0  }
0xab: {  	_ =	task [dreg:s7], $0x5FFFF  }
0xac: {  	[dreg:$0x1] =	wrdreg $0xFFFFFFFF  }
0xad: {  	[dreg:$0x0] =	wrdreg $0x60  }
0xae: {  	[dreg:$0x2] =	wrdreg s2  }
0xaf: {  	[dreg:$0x3] =	wrdreg s24  }
0xb0: {  	[dreg:$0x4] =	wrdreg $0x11BD00  }
0xb1: {  	[dreg:$0x5] =	wrdreg $0x16BD00  }
0xb2: {  	[dreg:$0x6] =	wrdreg $0x9  }
0xb3: {  	_ =	task.clear_ibuf [dreg:s7], $0x7FFFF;
	_ =	strace $0x90000046  }
0xb4: {  	s29 =	simm.s32 $0x9;
	_ =	strace $0x80000048  }
0xb5: {  	_ =	swait.ge [sflag:s29], $0x1  }
0xb6: {  	[sflag:s29] =	ssyncadd.s32 $0xFFFFFFFF  }
0xb7: {  	_ =	strace $0x90000048  }
0xb8: {  	_ =	sfence  }
0xb9: {  	s30 =	sld [smem:$0x0];
	_ =	sdelay $0x2  }
0xba: {  	s31 =	sshll.u32 s1, $0xD;
	s1 =	sshrl.u32 s1, $0x2  }
0xbb: {  	s3 =	sand.u32 $0x4000, s31;
	s1 =	sadd.s32 s1, s30  }
0xbc: {  	s0 =	sor.u32 s3, s0;
	s1 =	sshll.u32 s1, $0x11  }
0xbd: {  	s0 =	sor.u32 s1, s0  }
0xbe: {  	s0 =	sadd.s32 $0x8F2B, s0  }
0xbf: {  	[sflag:s0] =	ssyncadd.remote.s32 $0x1  }
0xc0: {  	_ =	sfence.sel $0xFFFF  }
0xc1: {  	[dreg:$0x0] =	wrdreg $0xFFFFFFFF;
	(pc) =	sbr.abs _section_cstart, $3  }
0xc2: {  	[dreg:$0x1] =	wrdreg $0xFFFFFFFF  }
0xc3: {  	_ =	task.clear_ibuf [dreg:s7], $0x2FFFF;
	_ =	strace $0x9FFFFFFF  }
0xc4: {  	(tm) =	ssettm $0x7FFFFFFF  }
0xc5: {  	_ =	shalt  }
tec
execute0_lowered:
.L_overlay_start_1:
0x0: {  	(tag) =	ssettag $0x1  }
0x1: {  	s1 =	rddreg [dreg:$0x0]  }
0x2: {  	s0 =	rddreg [dreg:$0x1]  }
0x3: {  	s2 =	rddreg [dreg:$0x2];
	s10 =	stileid.u32  }
0x4: {  	s3 =	rddreg [dreg:$0x3];
	s8 =	smul.u32 $0x500, s10  }
0x5: {  	s5 =	simm.s32 $0x0;
	s4 =	srdreg.scid;
	s16 =	smul.u32 $0xA0, s10  }
0x6: {  	[smem:$0x7FF] =	sst s5;
	s13 =	smul.u32 $0x280, s10  }
0x7: {  	s4 =	sand.u32 $0x1, s4;
	s6 =	sadd.s32 $0xB000, s0;
	s15 =	smul.u32 $0x14000, s10  }
0x8: {  	s7 =	sadd.s32 $0x1000, s0;
	_ =	strace $0x80000047;
	s11 =	smul.u32 $0xA000, s4  }
0x9: {  	s9 =	ssub.s32 $0x2, s4;
	s14 =	smul.u32 $0x2800, s4;
	p0 =	sne.s32 s4, $0x0  }
0xa: {  	s12 =	sshrl.u32 s9, $0x1;
	s5 =	sadd.s32 s11, s0;
	s0 =	sadd.s32 s8, s0  }
0xb: {  	s23 =	sadd.s32 s13, s14;
	[dreg:$0x13] =	wrdreg s0;
	s0 =	ssub.s32 s9, s12  }
0xc: {  	v49 =	vlaneseq.u32;
	s19 =	sadd.s32 $0x30, s16;
	s31 =	sadd.s32 $0xC0, s23;
	[dreg:$0x14] =	wrdreg s0  }
0xd: {  	s17 =	sor.u32 $0x10, s16;
	v3 =	vor.u32 s19, v49;
	s19 =	sadd.s32 $0x210, s23;
	[smem:$0x7F3] =	sst s31  }
0xe: {  	s18 =	sadd.s32 $0x20, s16;
	s8 =	sor.u32 $0x20, s23;
	[dreg:$0x16] =	wrdreg s19  }
0xf: {  	s9 =	sshrl.u32 s15, $0x2;
	s31 =	sadd.s32 $0xD0, s23;
	v12 =	vor.u32 s8, v49;
	s8 =	rddreg [dreg:$0x13]  }
0x10: {  	s21 =	sadd.s32 s9, s2;
	s19 =	sadd.s32 $0x220, s23;
	[smem:$0x7F4] =	sst s31  }
0x11: {  	s4 =	sadd.s32 s9, s3;
	s9 =	sor.u32 $0x10, s23;
	[dreg:$0x17] =	wrdreg s19  }
0x12: {  	s11 =	smul.u32 $0xA000, s10;
	v1 =	vor.u32 s17, v49;
	s17 =	sadd.s32 $0x200, s23;
	v11 =	vor.u32 s9, v49;
	s9 =	rddreg [dreg:$0x14]  }
0x13: {  	s5 =	sadd.s32 $0x1A000, s5;
	v42 =	vor.u32 s17, v49;
	s26 =	sadd.s32 $0x1000, s21;
	s17 =	rddreg [dreg:$0x16]  }
0x14: {  	s12 =	sshrl.u32 s11, $0x4;
	s13 =	sadd.s32 $0x2000, s21;
	[dreg:$0x5] =	wrdreg s26  }
0x15: {  	s24 =	sadd.s32 $0x40, s16;
	s14 =	sadd.s32 s12, s5;
	[dreg:$0x6] =	wrdreg s13  }
0x16: {  	s25 =	sadd.s32 $0x50, s16;
	s15 =	sadd.s32 $0x3000, s21;
	[dreg:$0x7] =	wrdreg s14  }
0x17: {  	s20 =	sadd.s32 $0x60, s16;
	s0 =	sadd.s32 $0x4000, s21;
	[dreg:$0x8] =	wrdreg s15  }
0x18: {  	s22 =	sshrl.u32 s11, $0x1;
	s31 =	sadd.s32 $0xE0, s23;
	[dreg:$0x9] =	wrdreg s0  }
0x19: {  	s29 =	sadd.s32 $0x70, s16;
	v6 =	vor.u32 s20, v49;
	s20 =	sadd.s32 s22, s2;
	[smem:$0x7F5] =	sst s31  }
0x1a: {  	s5 =	sadd.s32 $0x90, s16;
	s31 =	sadd.s32 $0xF0, s23;
	[dreg:$0xa] =	wrdreg s20  }
0x1b: {  	v0 =	vor.u32 s16, v49;
	s0 =	sadd.s32 $0x80, s16;
	s16 =	sadd.s32 $0x1D0, s23;
	[smem:$0x7F6] =	sst s31  }
0x1c: {  	v9 =	vor.u32 s5, v49;
	s5 =	sadd.s32 $0x270, s23;
	[dreg:$0x1b] =	wrdreg s16  }
0x1d: {  	s21 =	sor.u32 $0x60, s23;
	s20 =	sadd.s32 $0x50000, s3;
	[dreg:$0x18] =	wrdreg s5  }
0x1e: {  	v16 =	vor.u32 s21, v49;
	s21 =	sadd.s32 $0x1000, s4;
	[dreg:$0xe] =	wrdreg s20  }
0x1f: {  	[dreg:$0xf] =	wrdreg s21  }
0x20: {  	s5 =	sadd.s32 $0x15000, s8;
	s8 =	sld [smem:$0x7F3]  }
0x21: {  	p1 =	sne.s32 s10, $0x0;
	s31 =	sadd.s32 $0x100, s23;
	s10 =	sld [smem:$0x7F5]  }
0x22: {  	s16 =	sadd.s32 $0x1E0, s23;
	[smem:$0x7F7] =	sst s31  }
0x23: {  	[dreg:$0x15] =	wrdreg s16  }
0x24: {  	[dreg:$0xb] =	wrdreg s5  }
0x25: {  	s11 =	sor.u32 $0x50, s23;
	s5 =	smax.u32 s9, $0x1;
	s9 =	sld [smem:$0x7F4]  }
0x26: {  	v5 =	vor.u32 s25, v49;
	s25 =	sadd.s32 $0x250, s23;
	v15 =	vor.u32 s11, v49;
	s11 =	sld [smem:$0x7F6]  }
0x27: {  	v47 =	vor.u32 s25, v49;
	s31 =	sadd.s32 $0x110, s23;
	s25 =	rddreg [dreg:$0x18]  }
0x28: {  	[smem:$0x7F8] =	sst s31  }
0x29: {  	s12 =	sor.u32 $0x40, s23;
	[dreg:$0xc] =	wrdreg s5  }
0x2a: {  	v14 =	vor.u32 s12, v49;
	s31 =	sadd.s32 $0x120, s23;
	s12 =	sld [smem:$0x7F7]  }
0x2b: {  	s5 =	sadd.s32 $0x4000, s4;
	[smem:$0x7F9] =	sst s31  }
0x2c: {  	s13 =	sor.u32 $0x30, s23;
	[dreg:$0x12] =	wrdreg s5  }
0x2d: {  	v13 =	vor.u32 s13, v49;
	s31 =	sadd.s32 $0x130, s23;
	s13 =	sld [smem:$0x7F8]  }
0x2e: {  	s14 =	sor.u32 $0x70, s23;
	[smem:$0x7FA] =	sst s31  }
0x2f: {  	v17 =	vor.u32 s14, v49;
	s31 =	sadd.s32 $0x140, s23;
	s14 =	sld [smem:$0x7F9]  }
0x30: {  	s15 =	sadd.s32 $0x80, s23;
	[smem:$0x7FB] =	sst s31  }
0x31: {  	v18 =	vor.u32 s15, v49;
	s31 =	sadd.s32 $0x150, s23;
	s15 =	sld [smem:$0x7FA]  }
0x32: {  	[dreg:$0x1f] =	wrdreg s31  }
0x33: {  	s31 =	sadd.s32 $0x160, s23;
	s21 =	sld [smem:$0x7FB]  }
0x34: {  	s26 =	sadd.s32 $0xA0, s23;
	[smem:$0x7FC] =	sst s31  }
0x35: {  	v20 =	vor.u32 s26, v49;
	s26 =	rddreg [dreg:$0x1f]  }
0x36: {  	s31 =	sadd.s32 $0x170, s23;
	v28 =	vor.u32 s14, v49;
	s14 =	rddreg [dreg:$0x1b]  }
0x37: {  	[smem:$0x7FD] =	sst s31  }
0x38: {  	s5 =	sld [smem:$0x7FC]  }
0x39: {  	v7 =	vor.u32 s29, v49;
	s29 =	simm.s32 $0xA;
	s31 =	sadd.s32 $0x180, s23;
	v29 =	vor.u32 s15, v49;
	s15 =	rddreg [dreg:$0x15]  }
0x3a: {  	s30 =	sadd.s32 $0x90, s23;
	s28 =	sadd.s32 $0xB0, s23;
	[dreg:$0x1c] =	wrdreg s31  }
0x3b: {  	v2 =	vor.u32 s18, v49;
	v4 =	vor.u32 s24, v49;
	s18 =	sadd.s32 $0x230, s23;
	s24 =	sadd.s32 $0x240, s23;
	v22 =	vor.u32 s8, v49;
	s8 =	sld [smem:$0x7FD]  }
0x3c: {  	v21 =	vor.u32 s28, v49;
	s28 =	simm.s32 $0x1;
	s31 =	sadd.s32 $0x190, s23;
	v30 =	vor.u32 s21, v49;
	s21 =	rddreg [dreg:$0x17]  }
0x3d: {  	v19 =	vor.u32 s30, v49;
	s30 =	simm.s32 $0xA3C0;
	s19 =	sadd.s32 $0x260, s23;
	[dreg:$0x1d] =	wrdreg s31  }
0x3e: {  	s20 =	simm.s32 $0x140;
	v23 =	vor.u32 s9, v49;
	s31 =	sadd.s32 $0x1A0, s23;
	s9 =	rddreg [dreg:$0x1c]  }
0x3f: {  	s16 =	sadd.s32 $0x1F0, s23;
	v31 =	vor.u32 s26, v49;
	s26 =	simm.s32 $0xC3C0;
	[dreg:$0x1e] =	wrdreg s31  }
0x40: {  	v24 =	vor.u32 s10, v49;
	v39 =	vor.u32 s14, v49;
	s14 =	simm.s32 $0x7;
	s31 =	sadd.s32 $0x1B0, s23;
	s10 =	rddreg [dreg:$0x1d]  }
0x41: {  	v40 =	vor.u32 s15, v49;
	s15 =	simm.s32 $0x0;
	v32 =	vor.u32 s5, v49;
	s5 =	simm.s32 $0xD3C0;
	[dreg:$0x19] =	wrdreg s31  }
0x42: {  	v25 =	vor.u32 s11, v49;
	v34 =	vor.u32 s9, v49;
	s9 =	simm.s32 $0x3;
	s31 =	sadd.s32 $0x1C0, s23;
	s11 =	rddreg [dreg:$0x1e]  }
0x43: {  	v10 =	vor.u32 s23, v49;
	s23 =	sadd.s32 s22, s3;
	s22 =	sadd.s32 $0x2000, s4;
	[dreg:$0x1a] =	wrdreg s31  }
0x44: {  	v33 =	vor.u32 s8, v49;
	v35 =	vor.u32 s10, v49;
	s8 =	simm.s32 $0xE3C0;
	s10 =	simm.s32 $0x4;
	[dreg:$0x10] =	wrdreg s22  }
.Ltmp0:
0x45: {  	v50 =	vimm.bf16 $0.0e+00;
	v8 =	vor.u32 s0, v49;
	v26 =	vor.u32 s12, v49;
	s0 =	sshrl.u32 s23, $0x3;
	s12 =	rddreg [dreg:$0x19];
	(pc) =	sbr.rel .LBB2_1-.Ltmp0, $4  }
0x46: {  	v51 =	vimm.f32 $0.0e+00;
	v45 =	vor.u32 s18, v49;
	v46 =	vor.u32 s24, v49;
	s23 =	sadd.s32 $0x3000, s4;
	s22 =	smov.u32 s4;
	[dreg:$0xd] =	wrdreg s0  }
0x47: {  	v43 =	vor.u32 s17, v49;
	v48 =	vor.u32 s19, v49;
	v41 =	vor.u32 s16, v49;
	s4 =	simm.s32 $0xB3C0;
	s31 =	simm.s32 $0x2;
	[dreg:$0x11] =	wrdreg s23  }
0x48: {  	v27 =	vor.u32 s13, v49;
	v44 =	vor.u32 s21, v49;
	v36 =	vor.u32 s11, v49;
	s11 =	simm.s32 $0x5;
	s23 =	simm.s32 $0x80;
	s13 =	rddreg [dreg:$0x1a]  }
0x49: {  	v37 =	vor.u32 s12, v49;
	s0 =	simm.s32 $0x9;
	s12 =	simm.s32 $0x6;
	v38 =	vor.u32 s13, v49;
	v49 =	vor.u32 s25, v49;
	s13 =	simm.s32 $0x8  }
.LBB2_8:
0x4a: {  	_ =	swait.ge [sflag:s11], $0x1000  }
0x4b: {  	[sflag:s11] =	ssyncset.done $0x0  }
0x4c: {  	[sflag:s11] =	ssyncadd.s32 $0xFFFFF000  }
0x4d: {  	_ =	swait.ge [sflag:s12], $0x1000  }
0x4e: {  	[sflag:s12] =	ssyncset.done $0x0  }
0x4f: {  	[sflag:s12] =	ssyncadd.s32 $0xFFFFF000  }
0x50: {  	_ =	swait.ge [sflag:s14], $0x1000  }
0x51: {  	[sflag:s14] =	ssyncset.done $0x0  }
0x52: {  	[sflag:s14] =	ssyncadd.s32 $0xFFFFF000  }
0x53: {  	_ =	swait.ge [sflag:s13], $0x1000  }
0x54: {  	[sflag:s13] =	ssyncset.done $0x0  }
0x55: {  	[sflag:s13] =	ssyncadd.s32 $0xFFFFF000  }
0x56: {  	s17 =	stileid.u32;
	[bflag:$0x0] =	sbarrier.arrive $0xFFFF  }
0x57: {  	s17 =	sshll.u32 s17, $0x6;
	s18 =	rddreg [dreg:$0x7]  }
0x58: {  	s17 =	sor.u32 $0x1C0A, s17;
	s19 =	rddreg [dreg:$0xd]  }
0x59: {  	[hbm:s18], [sflag:s17] =	dma.local [spmem:s19], $0xA00  }
0x5a: {  	_ =	swait.ge [sflag:s29], $0xA00  }
0x5b: {  	[sflag:s29] =	ssyncset.done $0x0  }
0x5c: {  	s17 =	simm.s32 @!p0 $0x0;
	s18 =	rddreg [dreg:$0xb];
	[sflag:s29] =	ssyncadd.s32 $0xFFFFF600  }
0x5d: {  	[hbm4b:s18+s17] =	stream.linear.scatter @!p0 [tilespmem:s16], [sflag:$0xA], $0x2800, $0x38;
	[tilespmem:$0x1BBF0] =	vst v63  }
0x5e: {  	s16 =	simm.s32 @!p0 $0xA  }
0x5f: {  	_ =	swait.ge @!p0 [sflag:s16], $0x2800  }
0x60: {  	s15 =	sadd.s32 $0x1, s15;
	s25 =	rddreg [dreg:$0xc]  }
0x61: {  	p2 =	sne.s32 s15, s25  }
.Ltmp1:
0x62: {  	_ = 	snop;
	(pc) =	sbr.rel @!p2 .LBB2_9-.Ltmp1, $3  }
0x63: {  	_ =	sdelay $0x1  }
0x64: {  	[sflag:s16] =	ssyncset.done @!p0 $0x0  }
0x65: {  	s20 =	simm.s32 $0x140;
	[sflag:s16] =	ssyncadd.s32 @!p0 $0xFFFFD800  }
.LBB2_1:
0x66: {  	[tilespmem:$0x0] =	vst v0  }
0x67: {  	[tilespmem:$0xA0] =	vst v0  }
0x68: {  	[tilespmem:$0x10] =	vst v1  }
0x69: {  	[tilespmem:$0xB0] =	vst v1  }
0x6a: {  	[tilespmem:$0x20] =	vst v2  }
0x6b: {  	[tilespmem:$0xC0] =	vst v2  }
0x6c: {  	[tilespmem:$0x30] =	vst v3  }
0x6d: {  	[tilespmem:$0xD0] =	vst v3  }
0x6e: {  	[tilespmem:$0x40] =	vst v4  }
0x6f: {  	[tilespmem:$0xE0] =	vst v4  }
0x70: {  	[tilespmem:$0x50] =	vst v5  }
0x71: {  	[tilespmem:$0xF0] =	vst v5  }
0x72: {  	[tilespmem:$0x60] =	vst v6  }
0x73: {  	[tilespmem:$0x100] =	vst v6  }
0x74: {  	[tilespmem:$0x70] =	vst v7  }
0x75: {  	[tilespmem:$0x110] =	vst v7  }
0x76: {  	[tilespmem:$0x80] =	vst v8  }
0x77: {  	[tilespmem:$0x120] =	vst v8  }
0x78: {  	[tilespmem:$0x90] =	vst v9  }
0x79: {  	[tilespmem:$0x130] =	vst v9;
	s16 =	simm.s32 $0x0  }
0x7a: {  	[tilespmem:s20], [sflag:$0x9] =	stream.indirect.gather [hbm4b:s6+s23], $0x80, s16, s23, $0xb8;
	[tilespmem:$0x1BBF0] =	vst v63  }
0x7b: {  	s19 =	simm.s32 $0x20;
	s17 =	simm.s32 $0x4140  }
0x7c: {  	[tilespmem:s17], [sflag:$0x9] =	stream.indirect.gather [hbm4b:s6+s19], $0x80, s23, s19, $0xb8;
	[tilespmem:$0x1BBF0] =	vst v63  }
0x7d: {  	s21 =	simm.s32 $0xA0;
	s18 =	simm.s32 $0x5140  }
0x7e: {  	[tilespmem:s18], [sflag:$0x9] =	stream.indirect.gather [hbm4b:s7+s23], $0x80, s21, s23, $0xb8;
	[tilespmem:$0x1BBF0] =	vst v63  }
0x7f: {  	s24 =	simm.s32 $0x120;
	s25 =	simm.s32 $0x9140  }
0x80: {  	[tilespmem:s25], [sflag:$0x9] =	stream.indirect.gather [hbm4b:s7+s19], $0x80, s24, s19, $0xb8;
	[tilespmem:$0x1BBF0] =	vst v63  }
0x81: {  	[tilespmem:$0xA140] =	vst v10  }
0x82: {  	[tilespmem:$0xA150] =	vst v11  }
0x83: {  	[tilespmem:$0xA160] =	vst v12  }
0x84: {  	[tilespmem:$0xA170] =	vst v13  }
0x85: {  	[tilespmem:$0xA180] =	vst v14  }
0x86: {  	[tilespmem:$0xA190] =	vst v15  }
0x87: {  	[tilespmem:$0xA1A0] =	vst v16  }
0x88: {  	[tilespmem:$0xA1B0] =	vst v17  }
0x89: {  	[tilespmem:$0xA1C0] =	vst v18  }
0x8a: {  	[tilespmem:$0xA1D0] =	vst v19  }
0x8b: {  	[tilespmem:$0xA1E0] =	vst v20  }
0x8c: {  	[tilespmem:$0xA1F0] =	vst v21  }
0x8d: {  	[tilespmem:$0xA200] =	vst v22  }
0x8e: {  	[tilespmem:$0xA210] =	vst v23  }
0x8f: {  	[tilespmem:$0xA220] =	vst v24  }
0x90: {  	[tilespmem:$0xA230] =	vst v25  }
0x91: {  	[tilespmem:$0xA240] =	vst v26  }
0x92: {  	[tilespmem:$0xA250] =	vst v27  }
0x93: {  	[tilespmem:$0xA260] =	vst v28  }
0x94: {  	[tilespmem:$0xA270] =	vst v29  }
0x95: {  	[tilespmem:$0xA280] =	vst v30  }
0x96: {  	[tilespmem:$0xA290] =	vst v31  }
0x97: {  	[tilespmem:$0xA2A0] =	vst v32  }
0x98: {  	[tilespmem:$0xA2B0] =	vst v33  }
0x99: {  	[tilespmem:$0xA2C0] =	vst v34  }
0x9a: {  	[tilespmem:$0xA2D0] =	vst v35  }
0x9b: {  	[tilespmem:$0xA2E0] =	vst v36  }
0x9c: {  	[tilespmem:$0xA2F0] =	vst v37  }
0x9d: {  	[tilespmem:$0xA300] =	vst v38  }
0x9e: {  	[tilespmem:$0xA310] =	vst v39  }
0x9f: {  	[tilespmem:$0xA320] =	vst v40  }
0xa0: {  	[tilespmem:$0xA330] =	vst v41  }
0xa1: {  	[tilespmem:$0xA340] =	vst v42  }
0xa2: {  	[tilespmem:$0xA350] =	vst v43  }
0xa3: {  	[tilespmem:$0xA360] =	vst v44  }
0xa4: {  	[tilespmem:$0xA370] =	vst v45  }
0xa5: {  	[tilespmem:$0xA380] =	vst v46  }
0xa6: {  	[tilespmem:$0xA390] =	vst v47  }
0xa7: {  	[tilespmem:$0xA3A0] =	vst v48  }
0xa8: {  	s19 =	simm.s32 $0xA140;
	[tilespmem:$0xA3B0] =	vst v49  }
0xa9: {  	[tilespmem:s4], [sflag:$0x1] =	stream.indirect.gather [hbm4b:s1+s23], $0x20, s19, s23, $0xb8;
	[tilespmem:$0x1BBF0] =	vst v63  }
0xaa: {  	s21 =	simm.s32 $0xA1C0  }
0xab: {  	[tilespmem:s26], [sflag:$0x2] =	stream.indirect.gather [hbm4b:s1+s23], $0x20, s21, s23, $0xb8;
	[tilespmem:$0x1BBF0] =	vst v63  }
0xac: {  	_ =	swait.ge [sflag:s28], $0x1000  }
0xad: {  	[sflag:s28] =	ssyncset.done $0x0  }
0xae: {  	s24 =	rddreg [dreg:$0xa];
	[sflag:s28] =	ssyncadd.s32 $0xFFFFF000  }
0xaf: {  	[spmem:s24] =	stream.linear.scatter [tilespmem:s4], [sflag:$0xA], $0x1000, $0x38;
	[tilespmem:$0x1BBF0] =	vst v63  }
0xb0: {  	_ =	swait.ge [sflag:s29], $0x1000  }
0xb1: {  	[sflag:s29] =	ssyncset.done $0x0  }
0xb2: {  	s25 =	simm.s32 $0xA240;
	[sflag:s29] =	ssyncadd.s32 $0xFFFFF000  }
0xb3: {  	[tilespmem:s4], [sflag:$0x1] =	stream.indirect.gather [hbm4b:s1+s23], $0x20, s25, s23, $0xb8;
	[tilespmem:$0x1BBF0] =	vst v63  }
0xb4: {  	_ =	swait.ge [sflag:s31], $0x1000  }
0xb5: {  	[sflag:s31] =	ssyncset.done $0x0  }
0xb6: {  	s17 =	rddreg [dreg:$0x5];
	[sflag:s31] =	ssyncadd.s32 $0xFFFFF000  }
0xb7: {  	[spmem:s17] =	stream.linear.scatter [tilespmem:s26], [sflag:$0xA], $0x1000, $0x38;
	[tilespmem:$0x1BBF0] =	vst v63  }
0xb8: {  	_ =	swait.ge [sflag:s29], $0x1000  }
0xb9: {  	[sflag:s29] =	ssyncset.done $0x0  }
0xba: {  	s18 =	simm.s32 $0xA2C0;
	[sflag:s29] =	ssyncadd.s32 $0xFFFFF000  }
0xbb: {  	[tilespmem:s26], [sflag:$0x2] =	stream.indirect.gather [hbm4b:s1+s23], $0x20, s18, s23, $0xb8;
	[tilespmem:$0x1BBF0] =	vst v63  }
0xbc: {  	_ =	swait.ge [sflag:s28], $0x1000  }
0xbd: {  	[sflag:s28] =	ssyncset.done $0x0  }
0xbe: {  	s19 =	rddreg [dreg:$0x6];
	[sflag:s28] =	ssyncadd.s32 $0xFFFFF000  }
0xbf: {  	[spmem:s19] =	stream.linear.scatter [tilespmem:s4], [sflag:$0xA], $0x1000, $0x38;
	[tilespmem:$0x1BBF0] =	vst v63  }
0xc0: {  	_ =	swait.ge [sflag:s29], $0x1000  }
0xc1: {  	[sflag:s29] =	ssyncset.done $0x0  }
0xc2: {  	s21 =	simm.s32 $0xA340;
	[sflag:s29] =	ssyncadd.s32 $0xFFFFF000  }
0xc3: {  	[tilespmem:s4], [sflag:$0x1] =	stream.indirect.gather [hbm4b:s1+s23], $0x20, s21, s23, $0xb8;
	[tilespmem:$0x1BBF0] =	vst v63  }
0xc4: {  	_ =	swait.ge [sflag:s31], $0x1000  }
0xc5: {  	[sflag:s31] =	ssyncset.done $0x0  }
0xc6: {  	s24 =	rddreg [dreg:$0x8];
	[sflag:s31] =	ssyncadd.s32 $0xFFFFF000  }
0xc7: {  	[spmem:s24] =	stream.linear.scatter [tilespmem:s26], [sflag:$0xA], $0x1000, $0x38;
	[tilespmem:$0x1BBF0] =	vst v63  }
0xc8: {  	_ =	swait.ge [sflag:s29], $0x1000  }
0xc9: {  	[sflag:s29] =	ssyncset.done $0x0  }
0xca: {  	[sflag:s29] =	ssyncadd.s32 $0xFFFFF000  }
0xcb: {  	_ =	swait.ge [sflag:s28], $0x1000  }
0xcc: {  	[sflag:s28] =	ssyncset.done $0x0  }
0xcd: {  	s25 =	rddreg [dreg:$0x9];
	[sflag:s28] =	ssyncadd.s32 $0xFFFFF000  }
0xce: {  	[spmem:s25] =	stream.linear.scatter [tilespmem:s4], [sflag:$0xA], $0x1000, $0x38;
	[tilespmem:$0x1BBF0] =	vst v63  }
0xcf: {  	_ =	swait.ge [sflag:s29], $0x1000  }
0xd0: {  	[sflag:s29] =	ssyncset.done $0x0  }
0xd1: {  	s16 =	simm.s32 $0x80;
	s17 =	simm.s32 $0x0;
	[sflag:s29] =	ssyncadd.s32 $0xFFFFF000  }
.LBB2_2:
0xd2: {  	p2 =	sne.s32 s16, $0x3F80;
	[tilespmem:s17+$0xA3C0] =	vst v50;
	s18 =	smov.u32 s16;
	s16 =	sadd.s32 $0x80, s16  }
.Ltmp2:
0xd3: {  	[tilespmem:s17+$0xA3D0] =	vst v50;
	(pc) =	sbr.rel @p2 .LBB2_2-.Ltmp2, $2  }
0xd4: {  	_ =	sdelay $0x2  }
0xd5: {  	s17 =	sshra.s32 s18, $0x2  }
0xd6: {  	[tilespmem:s17+$0xA3C0] =	vst v50  }
0xd7: {  	[tilespmem:s17+$0xA3D0] =	vst v50  }
0xd8: {  	[spmem:s22] =	stream.linear.scatter [tilespmem:s30], [sflag:$0xA], $0x1000, $0x38;
	[tilespmem:$0x1BBF0] =	vst v63  }
0xd9: {  	_ =	swait.ge [sflag:s29], $0x1000  }
0xda: {  	[sflag:s29] =	ssyncset.done $0x0  }
0xdb: {  	s16 =	rddreg [dreg:$0xf];
	[sflag:s29] =	ssyncadd.s32 $0xFFFFF000  }
0xdc: {  	[spmem:s16] =	stream.linear.scatter [tilespmem:s30], [sflag:$0xA], $0x1000, $0x38;
	[tilespmem:$0x1BBF0] =	vst v63  }
0xdd: {  	_ =	swait.ge [sflag:s29], $0x1000  }
0xde: {  	[sflag:s29] =	ssyncset.done $0x0  }
0xdf: {  	s21 =	rddreg [dreg:$0x10];
	[sflag:s29] =	ssyncadd.s32 $0xFFFFF000  }
0xe0: {  	[spmem:s21] =	stream.linear.scatter [tilespmem:s30], [sflag:$0xA], $0x1000, $0x38;
	[tilespmem:$0x1BBF0] =	vst v63  }
0xe1: {  	_ =	swait.ge [sflag:s29], $0x1000  }
0xe2: {  	[sflag:s29] =	ssyncset.done $0x0  }
0xe3: {  	s24 =	rddreg [dreg:$0x11];
	[sflag:s29] =	ssyncadd.s32 $0xFFFFF000  }
0xe4: {  	[spmem:s24] =	stream.linear.scatter [tilespmem:s30], [sflag:$0xA], $0x1000, $0x38;
	[tilespmem:$0x1BBF0] =	vst v63  }
0xe5: {  	_ =	swait.ge [sflag:s29], $0x1000  }
0xe6: {  	[sflag:s29] =	ssyncset.done $0x0  }
0xe7: {  	s25 =	rddreg [dreg:$0x12];
	[sflag:s29] =	ssyncadd.s32 $0xFFFFF000  }
0xe8: {  	[spmem:s25] =	stream.linear.scatter [tilespmem:s30], [sflag:$0xA], $0x1000, $0x38;
	[tilespmem:$0x1BBF0] =	vst v63  }
0xe9: {  	_ =	swait.ge [sflag:s29], $0x1000  }
0xea: {  	[sflag:s29] =	ssyncset.done $0x0  }
0xeb: {  	s16 =	simm.s32 @!p1 $0xA3C0;
	s17 =	rddreg [dreg:$0xe];
	[sflag:s29] =	ssyncadd.s32 $0xFFFFF000  }
0xec: {  	[spmem:s17] =	stream.linear.scatter @!p1 [tilespmem:s16], [sflag:$0xA], $0x200, $0x38;
	[tilespmem:$0x1BBF0] =	vst v63  }
0xed: {  	s16 =	simm.s32 @!p1 $0xA  }
0xee: {  	_ =	swait.ge @!p1 [sflag:s16], $0x200  }
0xef: {  	[sflag:s16] =	ssyncset.done @!p1 $0x0  }
0xf0: {  	s17 =	simm.s32 $0x0;
	[sflag:s16] =	ssyncadd.s32 @!p1 $0xFFFFFE00;
	s16 =	simm.s32 $0x40  }
.LBB2_4:
0xf1: {  	p2 =	sne.s32 s16, $0xA000;
	[tilespmem:s17+$0xF3C0] =	vst v51;
	s17 =	smov.u32 s16;
	s16 =	sadd.s32 $0x40, s16  }
.Ltmp3:
0xf2: {  	(pc) =	sbr.rel @p2 .LBB2_4-.Ltmp3, $2  }
0xf3: {  	_ =	sdelay $0x2  }
0xf4: {  	s17 =	sshra.s32 s17, $0x2  }
0xf5: {  	[tilespmem:s17+$0xF3C0] =	vst v51  }
0xf6: {  	_ =	swait.ge [sflag:s0], $0x4000  }
0xf7: {  	[sflag:s0] =	ssyncset.done $0x0  }
0xf8: {  	[sflag:s0] =	ssyncadd.s32 $0xFFFFC000  }
0xf9: {  	_ =	swait.ge [sflag:s0], $0x1000  }
0xfa: {  	[sflag:s0] =	ssyncset.done $0x0  }
0xfb: {  	[sflag:s0] =	ssyncadd.s32 $0xFFFFF000  }
0xfc: {  	_ =	swait.ge [sflag:s0], $0x4000  }
0xfd: {  	[sflag:s0] =	ssyncset.done $0x0  }
0xfe: {  	[sflag:s0] =	ssyncadd.s32 $0xFFFFC000  }
0xff: {  	_ =	swait.ge [sflag:s0], $0x1000  }
0x100: {  	[sflag:s0] =	ssyncset.done $0x0  }
0x101: {  	[sflag:s0] =	ssyncadd.s32 $0xFFFFF000  }
0x102: {  	[bflag:$0x0] =	sbarrier.arrive $0xFFFF  }
0x103: {  	[tilespmem:s4], [sflag:$0x1] =	stream.indirect.gather [spmem:s2], $0x20, s20, s23, $0xb8;
	[tilespmem:$0x1BBF0] =	vst v63  }
0x104: {  	s16 =	simm.s32 $0x1C0  }
0x105: {  	[tilespmem:s26], [sflag:$0x2] =	stream.indirect.gather [spmem:s2], $0x20, s16, s23, $0xb8;
	[tilespmem:$0x1BBF0] =	vst v63  }
0x106: {  	s24 =	simm.s32 $0x240  }
0x107: {  	[tilespmem:s5], [sflag:$0x3] =	stream.indirect.gather [spmem:s2], $0x20, s24, s23, $0xb8;
	[tilespmem:$0x1BBF0] =	vst v63  }
0x108: {  	s25 =	simm.s32 $0x2C0;
	s17 =	simm.s32 $0x0  }
0x109: {  	[tilespmem:s8], [sflag:$0x4] =	stream.indirect.gather [spmem:s2], $0x20, s25, s23, $0xb8;
	[tilespmem:$0x1BBF0] =	vst v63  }
.LBB2_6:
0x10a: {  	_ =	swait.ge [sflag:s28], $0x1000  }
0x10b: {  	s18 =	sshra.s32 s17, $0x2;
	[sflag:s28] =	ssyncset.done $0x0  }
0x10c: {  	s19 =	sshra.s32 @!p0 s17, $0x2;
	s16 =	sadd.s32 $0x5140, s18;
	[sflag:s28] =	ssyncadd.s32 $0xFFFFF000  }
0x10d: {  	[spmem:s3] =	stream.indirect.scatter.add.bf16 [tilespmem:s4], [sflag:$0x5], $0x20, s16, s23, $0xb8;
	[tilespmem:$0x1BBF0] =	vst v63  }
0x10e: {  	v52 =	vld @!p0 [tilespmem:s19+$0x5140];
	_ =	sdelay $0x6  }
0x10f: {  	v53 =	vimm.f32 @!p0 $1.000000000e+00;
	s16 =	simm.s32 @!p0 $0xF3C0  }
0x110: {  	[tilespmem:v52+s16+$0x0] =	vst.idx.add.f32.msk @!p0 $0xffff, v53  }
0x111: {  	v52 =	vld @!p0 [tilespmem:s19+$0x5150];
	_ =	sdelay $0x7  }
0x112: {  	[tilespmem:v52+s16+$0x0] =	vst.idx.add.f32.msk @!p0 $0xffff, v53  }
0x113: {  	v52 =	vld @!p0 [tilespmem:s19+$0x5160];
	_ =	sdelay $0x7  }
0x114: {  	[tilespmem:v52+s16+$0x0] =	vst.idx.add.f32.msk @!p0 $0xffff, v53  }
0x115: {  	v52 =	vld @!p0 [tilespmem:s19+$0x5170];
	_ =	sdelay $0x7  }
0x116: {  	[tilespmem:v52+s16+$0x0] =	vst.idx.add.f32.msk @!p0 $0xffff, v53  }
0x117: {  	v52 =	vld @!p0 [tilespmem:s19+$0x5180];
	_ =	sdelay $0x7  }
0x118: {  	[tilespmem:v52+s16+$0x0] =	vst.idx.add.f32.msk @!p0 $0xffff, v53  }
0x119: {  	v52 =	vld @!p0 [tilespmem:s19+$0x5190];
	_ =	sdelay $0x7  }
0x11a: {  	[tilespmem:v52+s16+$0x0] =	vst.idx.add.f32.msk @!p0 $0xffff, v53  }
0x11b: {  	v52 =	vld @!p0 [tilespmem:s19+$0x51A0];
	_ =	sdelay $0x7  }
0x11c: {  	[tilespmem:v52+s16+$0x0] =	vst.idx.add.f32.msk @!p0 $0xffff, v53  }
0x11d: {  	v52 =	vld @!p0 [tilespmem:s19+$0x51B0];
	_ =	sdelay $0x6  }
0x11e: {  	p2 =	seq.s32 s17, $0x13800  }
0x11f: {  	s20 =	simm.s32 @!p2 $0x5;
	[tilespmem:v52+s16+$0x0] =	vst.idx.add.f32.msk @!p0 $0xffff, v53  }
0x120: {  	_ =	swait.ge @!p2 [sflag:s20], $0x1000  }
0x121: {  	[sflag:s20] =	ssyncset.done @!p2 $0x0  }
0x122: {  	[sflag:s20] =	ssyncadd.s32 @!p2 $0xFFFFF000;
	s20 =	sshra.s32 @!p2 s17, $0x2  }
0x123: {  	s21 =	simm.s32 @!p2 $0x80;
	s25 =	simm.s32 @!p2 $0xB3C0;
	s24 =	sadd.s32 @!p2 $0x340, s20  }
0x124: {  	[tilespmem:s25], [sflag:$0x1] =	stream.indirect.gather @!p2 [spmem:s2], $0x20, s24, s21, $0xb8;
	[tilespmem:$0x1BBF0] =	vst v63  }
0x125: {  	_ =	swait.ge [sflag:s31], $0x1000  }
0x126: {  	[sflag:s31] =	ssyncset.done $0x0  }
0x127: {  	s25 =	sadd.s32 $0x51C0, s18;
	[sflag:s31] =	ssyncadd.s32 $0xFFFFF000  }
0x128: {  	[spmem:s3] =	stream.indirect.scatter.add.bf16 [tilespmem:s26], [sflag:$0x6], $0x20, s25, s23, $0xb8;
	[tilespmem:$0x1BBF0] =	vst v63  }
0x129: {  	v52 =	vld @!p0 [tilespmem:s18+$0x51C0];
	_ =	sdelay $0x7  }
0x12a: {  	[tilespmem:v52+s16+$0x0] =	vst.idx.add.f32.msk @!p0 $0xffff, v53  }
0x12b: {  	v52 =	vld @!p0 [tilespmem:s19+$0x51D0];
	_ =	sdelay $0x7  }
0x12c: {  	[tilespmem:v52+s16+$0x0] =	vst.idx.add.f32.msk @!p0 $0xffff, v53  }
0x12d: {  	v52 =	vld @!p0 [tilespmem:s19+$0x51E0];
	_ =	sdelay $0x7  }
0x12e: {  	[tilespmem:v52+s16+$0x0] =	vst.idx.add.f32.msk @!p0 $0xffff, v53  }
0x12f: {  	v52 =	vld @!p0 [tilespmem:s19+$0x51F0];
	_ =	sdelay $0x7  }
0x130: {  	[tilespmem:v52+s16+$0x0] =	vst.idx.add.f32.msk @!p0 $0xffff, v53  }
0x131: {  	v52 =	vld @!p0 [tilespmem:s19+$0x5200];
	_ =	sdelay $0x7  }
0x132: {  	[tilespmem:v52+s16+$0x0] =	vst.idx.add.f32.msk @!p0 $0xffff, v53  }
0x133: {  	v52 =	vld @!p0 [tilespmem:s19+$0x5210];
	_ =	sdelay $0x7  }
0x134: {  	[tilespmem:v52+s16+$0x0] =	vst.idx.add.f32.msk @!p0 $0xffff, v53  }
0x135: {  	v52 =	vld @!p0 [tilespmem:s19+$0x5220];
	_ =	sdelay $0x7  }
0x136: {  	[tilespmem:v52+s16+$0x0] =	vst.idx.add.f32.msk @!p0 $0xffff, v53  }
0x137: {  	v52 =	vld @!p0 [tilespmem:s19+$0x5230];
	_ =	sdelay $0x7  }
0x138: {  	s24 =	simm.s32 @!p2 $0x6;
	[tilespmem:v52+s16+$0x0] =	vst.idx.add.f32.msk @!p0 $0xffff, v53  }
0x139: {  	_ =	swait.ge @!p2 [sflag:s24], $0x1000  }
0x13a: {  	[sflag:s24] =	ssyncset.done @!p2 $0x0  }
0x13b: {  	s25 =	simm.s32 @!p2 $0xC3C0;
	[sflag:s24] =	ssyncadd.s32 @!p2 $0xFFFFF000;
	s24 =	sadd.s32 @!p2 $0x3C0, s20  }
0x13c: {  	[tilespmem:s25], [sflag:$0x2] =	stream.indirect.gather @!p2 [spmem:s2], $0x20, s24, s21, $0xb8;
	[tilespmem:$0x1BBF0] =	vst v63  }
0x13d: {  	_ =	swait.ge [sflag:s9], $0x1000  }
0x13e: {  	[sflag:s9] =	ssyncset.done $0x0  }
0x13f: {  	s25 =	sadd.s32 $0x5240, s18;
	[sflag:s9] =	ssyncadd.s32 $0xFFFFF000  }
0x140: {  	[spmem:s3] =	stream.indirect.scatter.add.bf16 [tilespmem:s5], [sflag:$0x7], $0x20, s25, s23, $0xb8;
	[tilespmem:$0x1BBF0] =	vst v63  }
0x141: {  	v52 =	vld @!p0 [tilespmem:s18+$0x5240];
	_ =	sdelay $0x7  }
0x142: {  	[tilespmem:v52+s16+$0x0] =	vst.idx.add.f32.msk @!p0 $0xffff, v53  }
0x143: {  	v52 =	vld @!p0 [tilespmem:s19+$0x5250];
	_ =	sdelay $0x7  }
0x144: {  	[tilespmem:v52+s16+$0x0] =	vst.idx.add.f32.msk @!p0 $0xffff, v53  }
0x145: {  	v52 =	vld @!p0 [tilespmem:s19+$0x5260];
	_ =	sdelay $0x7  }
0x146: {  	[tilespmem:v52+s16+$0x0] =	vst.idx.add.f32.msk @!p0 $0xffff, v53  }
0x147: {  	v52 =	vld @!p0 [tilespmem:s19+$0x5270];
	_ =	sdelay $0x7  }
0x148: {  	[tilespmem:v52+s16+$0x0] =	vst.idx.add.f32.msk @!p0 $0xffff, v53  }
0x149: {  	v52 =	vld @!p0 [tilespmem:s19+$0x5280];
	_ =	sdelay $0x7  }
0x14a: {  	[tilespmem:v52+s16+$0x0] =	vst.idx.add.f32.msk @!p0 $0xffff, v53  }
0x14b: {  	v52 =	vld @!p0 [tilespmem:s19+$0x5290];
	_ =	sdelay $0x7  }
0x14c: {  	[tilespmem:v52+s16+$0x0] =	vst.idx.add.f32.msk @!p0 $0xffff, v53  }
0x14d: {  	v52 =	vld @!p0 [tilespmem:s19+$0x52A0];
	_ =	sdelay $0x7  }
0x14e: {  	[tilespmem:v52+s16+$0x0] =	vst.idx.add.f32.msk @!p0 $0xffff, v53  }
0x14f: {  	v52 =	vld @!p0 [tilespmem:s19+$0x52B0];
	_ =	sdelay $0x7  }
0x150: {  	s24 =	simm.s32 @!p2 $0x7;
	[tilespmem:v52+s16+$0x0] =	vst.idx.add.f32.msk @!p0 $0xffff, v53  }
0x151: {  	_ =	swait.ge @!p2 [sflag:s24], $0x1000  }
0x152: {  	[sflag:s24] =	ssyncset.done @!p2 $0x0  }
0x153: {  	s20 =	sadd.s32 @!p2 $0x440, s20;
	[sflag:s24] =	ssyncadd.s32 @!p2 $0xFFFFF000;
	s24 =	simm.s32 @!p2 $0xD3C0  }
0x154: {  	[tilespmem:s24], [sflag:$0x3] =	stream.indirect.gather @!p2 [spmem:s2], $0x20, s20, s21, $0xb8;
	[tilespmem:$0x1BBF0] =	vst v63  }
0x155: {  	_ =	swait.ge [sflag:s10], $0x1000  }
0x156: {  	[sflag:s10] =	ssyncset.done $0x0  }
0x157: {  	s25 =	sadd.s32 $0x52C0, s18;
	[sflag:s10] =	ssyncadd.s32 $0xFFFFF000  }
0x158: {  	[spmem:s3] =	stream.indirect.scatter.add.bf16 [tilespmem:s8], [sflag:$0x8], $0x20, s25, s23, $0xb8;
	[tilespmem:$0x1BBF0] =	vst v63  }
0x159: {  	v52 =	vld @!p0 [tilespmem:s18+$0x52C0];
	_ =	sdelay $0x7  }
0x15a: {  	[tilespmem:v52+s16+$0x0] =	vst.idx.add.f32.msk @!p0 $0xffff, v53  }
0x15b: {  	v52 =	vld @!p0 [tilespmem:s19+$0x52D0];
	_ =	sdelay $0x7  }
0x15c: {  	[tilespmem:v52+s16+$0x0] =	vst.idx.add.f32.msk @!p0 $0xffff, v53  }
0x15d: {  	v52 =	vld @!p0 [tilespmem:s19+$0x52E0];
	_ =	sdelay $0x7  }
0x15e: {  	[tilespmem:v52+s16+$0x0] =	vst.idx.add.f32.msk @!p0 $0xffff, v53  }
0x15f: {  	v52 =	vld @!p0 [tilespmem:s19+$0x52F0];
	_ =	sdelay $0x7  }
0x160: {  	[tilespmem:v52+s16+$0x0] =	vst.idx.add.f32.msk @!p0 $0xffff, v53  }
0x161: {  	v52 =	vld @!p0 [tilespmem:s19+$0x5300];
	_ =	sdelay $0x7  }
0x162: {  	[tilespmem:v52+s16+$0x0] =	vst.idx.add.f32.msk @!p0 $0xffff, v53  }
0x163: {  	v52 =	vld @!p0 [tilespmem:s19+$0x5310];
	_ =	sdelay $0x7  }
0x164: {  	[tilespmem:v52+s16+$0x0] =	vst.idx.add.f32.msk @!p0 $0xffff, v53  }
0x165: {  	v52 =	vld @!p0 [tilespmem:s19+$0x5320];
	_ =	sdelay $0x7  }
0x166: {  	[tilespmem:v52+s16+$0x0] =	vst.idx.add.f32.msk @!p0 $0xffff, v53  }
0x167: {  	v52 =	vld @!p0 [tilespmem:s19+$0x5330];
	_ =	sdelay $0x3  }
.Ltmp4:
0x168: {  	_ = 	snop;
	(pc) =	sbr.rel @p2 .LBB2_8-.Ltmp4, $2  }
0x169: {  	_ =	sdelay $0x2  }
0x16a: {  	[tilespmem:v52+s16+$0x0] =	vst.idx.add.f32.msk @!p0 $0xffff, v53  }
.Ltmp5:
0x16b: {  	(pc) =	sbr.rel .LBB2_6-.Ltmp5, $4  }
0x16c: {  	_ =	swait.ge [sflag:s13], $0x1000  }
0x16d: {  	[sflag:s13] =	ssyncset.done $0x0  }
0x16e: {  	s16 =	sadd.s32 $0x4C0, s18;
	s17 =	sadd.s32 $0x800, s17;
	[sflag:s13] =	ssyncadd.s32 $0xFFFFF000  }
0x16f: {  	[tilespmem:s8], [sflag:$0x4] =	stream.indirect.gather [spmem:s2], $0x20, s16, s23, $0xb8;
	[tilespmem:$0x1BBF0] =	vst v63  }
.LBB2_9:
0x170: {  	_ =	sfence.sel $0x180000  }
0x171: {  	[bflag:$0x0] =	sbarrier.arrive $0xFFFF  }
0x172: {  	_ =	strace $0x90000047  }
0x173: {  	[bflag:$0x2] =	sbarrier.arrive $0xFFFF  }
0x174: {  	s0 =	rddreg [dreg:$0x4]  }
0x175: {  	s0 =	sadd.s32 @!p1 $0x100000, s0  }
0x176: {  	[sflag:s0] =	ssyncadd.tile.s32 @!p1 $0x1;
	_ =	shalt  }
.Lfunc_end2:
_tile_overlayer_lowered:
.L_overlay_start_2:
0x177: {  	(tag) =	ssettag $0x2  }
0x178: {  	s0 =	rddreg [dreg:$0x0];
	s2 =	stileid.u32  }
0x179: {  	s1 =	rddreg [dreg:$0x1];
	p0 =	sne.s32 s2, $0x0  }
0x17a: {  	s3 =	rddreg [dreg:$0x2];
	[bflag:$0x3] =	sbarrier.arrive $0xFFFF;
	s2 =	simm.s32 @!p0 $0x1C0A  }
0x17b: {  	[timem:s3], [sflag:s2] =	dma.local @!p0 [hbm:s0], s1  }
0x17c: {  	s0 =	simm.s32 @!p0 $0xA  }
0x17d: {  	_ =	swait.ge @!p0 [sflag:s0], s1  }
0x17e: {  	s1 =	ssub.s32 @!p0 $0x0, s1;
	[sflag:s0] =	ssyncset.done @!p0 $0x0  }
0x17f: {  	[sflag:s0] =	ssyncadd.s32 @!p0 s1  }
0x180: {  	[bflag:$0x3] =	sbarrier.arrive $0xFFFF  }
0x181: {  	_ =	shalt  }

</sc_bundles>
